<compile_context>
chip_gen: v7x
topology: tpu7x:2x2x1
jax: 0.10.2.dev20260603
libtpu: 0.0.44.dev20260713+nightly
codegen_flags: <defaults>
</compile_context>

<pallas_src>
import jax
import jax.numpy as jnp
from jax import lax
from jax.experimental import pallas as pl
from jax.experimental.pallas import tpu as pltpu
from jax.experimental.pallas import tpu_sc as plsc

NC = 2
NS = 16
NW = NC * NS
LANES = 16
ROWW = 16
BLK = 128
K = 5
CH = K * BLK
NSLOT = 3


def _body(ref_h, query_h, eref_h, equery_h, hvec_h, out_h,
          idx_r, idx_q, idxh_r, idxh_q, rows_r, rows_q, out_v, hv_v,
          sem0, sem1, sem2, semi, semo0, semo1):
  n_chunks = out_h.shape[0] // CH
  gsems = (sem0, sem1, sem2)

  wid = lax.axis_index("s") * NC + lax.axis_index("c")
  base_cnt = n_chunks // NW
  rem = n_chunks % NW
  count = base_cnt + jnp.where(wid < rem, 1, 0)
  start = wid * base_cnt + jnp.minimum(wid, rem)

  pltpu.sync_copy(hvec_h, hv_v)
  hx = hv_v[0]
  hy = hv_v[1]
  hz = hv_v[2]

  iota = lax.broadcasted_iota(jnp.int32, (LANES,), 0)

  def stage_idx(slot, c):
    pltpu.async_copy(eref_h.at[pl.ds(c * CH, CH)], idx_r.at[slot], semi)
    pltpu.async_copy(equery_h.at[pl.ds(c * CH, CH)], idx_q.at[slot], semi)

  def drain_idx(slot):
    pltpu.make_async_copy(eref_h.at[pl.ds(0, CH)], idx_r.at[slot], semi).wait()
    pltpu.make_async_copy(equery_h.at[pl.ds(0, CH)], idx_q.at[slot], semi).wait()

  def transform_idx(slot):
    @plsc.parallel_loop(0, CH // LANES, 1, unroll=8)
    def _(g):
      sl = pl.ds(g * LANES, LANES)
      idxh_r[slot, sl] = lax.shift_right_logical(idx_r[slot, sl], 2)
      idxh_q[slot, sl] = lax.shift_right_logical(idx_q[slot, sl], 2)

  def fire(slot, sem):
    for k in range(K):
      pltpu.async_copy(ref_h.at[idxh_r.at[slot, pl.ds(k * BLK, BLK)]],
                       rows_r.at[slot, pl.ds(k * BLK, BLK)], sem)
      pltpu.async_copy(query_h.at[idxh_q.at[slot, pl.ds(k * BLK, BLK)]],
                       rows_q.at[slot, pl.ds(k * BLK, BLK)], sem)

  def drain(slot, sem):
    pltpu.make_async_copy(ref_h.at[pl.ds(0, CH)], rows_r.at[slot], sem).wait()
    pltpu.make_async_copy(query_h.at[pl.ds(0, CH)], rows_q.at[slot], sem).wait()

  def drain_out(slot, sem):
    pltpu.make_async_copy(out_v.at[slot], out_h.at[pl.ds(0, CH)], sem).wait()

  def ready(slot):
    drain_idx(slot)
    transform_idx(slot)
    fire(slot, gsems[slot])

  pltpu.sync_copy(eref_h.at[pl.ds(start * CH, CH)], idx_r.at[0])
  pltpu.sync_copy(equery_h.at[pl.ds(start * CH, CH)], idx_q.at[0])
  pltpu.sync_copy(eref_h.at[pl.ds((start + 1) * CH, CH)], idx_r.at[1])
  pltpu.sync_copy(equery_h.at[pl.ds((start + 1) * CH, CH)], idx_q.at[1])
  transform_idx(0)
  fire(0, sem0)
  transform_idx(1)
  fire(1, sem1)
  stage_idx(2, start + 2)

  def chunk_body(j, carry):
    p = lax.rem(j, NSLOT)
    po = lax.rem(j, 2)
    pn2 = lax.rem(j + 2, NSLOT)

    for s in range(NSLOT):
      @pl.when(jnp.logical_and(j + 2 < count, pn2 == s))
      def _():
        ready(s)

    for s in range(NSLOT):
      @pl.when(p == s)
      def _():
        drain(s, gsems[s])

    @pl.when(jnp.logical_and(j >= 2, po == 0))
    def _():
      drain_out(0, semo0)

    @pl.when(jnp.logical_and(j >= 2, po == 1))
    def _():
      drain_out(1, semo1)

    rr = rows_r.at[p]
    rq = rows_q.at[p]
    ov = out_v.at[po]

    @plsc.parallel_loop(0, CH // LANES, 1, unroll=4)
    def _(g):
      sl = pl.ds(g * LANES, LANES)
      pos = g * LANES + iota
      cbr = lax.shift_left(idx_r[p, sl] & 3, 2)
      cbq = lax.shift_left(idx_q[p, sl] & 3, 2)
      r1 = plsc.load_gather(rr, [pos, cbr + 1]) - plsc.load_gather(rq, [pos, cbq + 1])
      r2 = plsc.load_gather(rr, [pos, cbr + 2]) - plsc.load_gather(rq, [pos, cbq + 2])
      r3 = plsc.load_gather(rr, [pos, cbr + 3]) - plsc.load_gather(rq, [pos, cbq + 3])
      o1 = (r1 >= hx).astype(jnp.int32) + (r1 > -hx).astype(jnp.int32)
      o2 = (r2 >= hy).astype(jnp.int32) + (r2 > -hy).astype(jnp.int32)
      o3 = (r3 >= hz).astype(jnp.int32) + (r3 > -hz).astype(jnp.int32)
      ov[sl] = (o3 * 3 + o2) * 3 + o1

    @pl.when(j + 3 < count)
    def _():
      stage_idx(p, start + j + 3)

    @pl.when(po == 0)
    def _():
      pltpu.async_copy(out_v.at[0], out_h.at[pl.ds((start + j) * CH, CH)], semo0)

    @pl.when(po == 1)
    def _():
      pltpu.async_copy(out_v.at[1], out_h.at[pl.ds((start + j) * CH, CH)], semo1)

    return carry

  lax.fori_loop(0, count, chunk_body, 0)
  drain_out(0, semo0)
  drain_out(1, semo1)


def kernel(ref, query, e_ref, e_query, half_voxel_size):
  e = e_ref.shape[0]
  assert e % CH == 0, e
  assert (e // CH) // NW >= 3, e
  n, w = ref.shape
  assert w == 4 and ref.shape == query.shape and n % 4 == 0
  ref16 = ref.reshape(n // 4, ROWW)
  query16 = query.reshape(n // 4, ROWW)
  hvec = jnp.broadcast_to(half_voxel_size.astype(jnp.float32).reshape(3, 1),
                          (3, LANES))

  mesh = plsc.VectorSubcoreMesh(core_axis_name="c", subcore_axis_name="s")
  run = pl.kernel(
      _body,
      out_type=jax.ShapeDtypeStruct((e,), jnp.int32),
      mesh=mesh,
      scratch_types=[
          pltpu.VMEM((NSLOT, CH), jnp.int32),
          pltpu.VMEM((NSLOT, CH), jnp.int32),
          pltpu.VMEM((NSLOT, CH), jnp.int32),
          pltpu.VMEM((NSLOT, CH), jnp.int32),
          pltpu.VMEM((NSLOT, CH, ROWW), jnp.float32),
          pltpu.VMEM((NSLOT, CH, ROWW), jnp.float32),
          pltpu.VMEM((2, CH), jnp.int32),
          pltpu.VMEM((3, LANES), jnp.float32),
          pltpu.SemaphoreType.DMA,
          pltpu.SemaphoreType.DMA,
          pltpu.SemaphoreType.DMA,
          pltpu.SemaphoreType.DMA,
          pltpu.SemaphoreType.DMA,
          pltpu.SemaphoreType.DMA,
      ],
      compiler_params=pltpu.CompilerParams(
          needs_layout_passes=False, use_tc_tiling_on_sc=False),
  )
  return run(ref16, query16, e_ref, e_query, hvec)

# --- scband reference (transcript-rebuilt; emitter-appended) ---
"""Pipeline reference for scband-grid3x3-assigner-67997922230570 (READ-ONLY COPY).

The authoritative reference and input builder live on the scoring server;
editing this copy changes nothing except your own understanding.
"""

import jax, jax.numpy as jnp
import numpy as np

N_REF = 50000
N_QUERY = 50000
E = 1600000


def setup_inputs(seed: int = 0) -> dict:
    key = jax.random.key(seed)
    k1, k2, k3, k4 = jax.random.split(key, 4)
    ref = jax.random.normal(k1, (N_REF, 4), dtype=jnp.float32)
    query = jax.random.normal(k2, (N_QUERY, 4), dtype=jnp.float32)
    e_ref = jax.random.randint(k3, (E,), 0, N_REF, dtype=jnp.int32)
    e_query = jax.random.randint(k4, (E,), 0, N_QUERY, dtype=jnp.int32)
    # buffer: half_voxel_size = VOXEL_SIZE / 2 = [0.1,0.1,0.1]/2
    half_voxel_size = jnp.asarray([0.05, 0.05, 0.05], dtype=jnp.float32)
    return {"ref": ref, "query": query, "e_ref": e_ref, "e_query": e_query, "half_voxel_size": half_voxel_size}


def reference(ref, query, e_ref, e_query, half_voxel_size):
    # relative = ref['bxyz'][e_ref] - query['bxyz'][e_query]
    relative = jnp.take(ref, e_ref, axis=0) - jnp.take(query, e_query, axis=0)
    relative = relative[:, 1:4]
    kernel_index = jnp.zeros((relative.shape[0],), dtype=jnp.int32)
    for i in [2, 1, 0]:
        r = relative[:, i]
        is_zero = (r < half_voxel_size[i]) & (r > -half_voxel_size[i])
        sign = jnp.sign(r)
        sign = jnp.where(is_zero, 0.0, sign)
        offset = sign + 1.0
        kernel_index = kernel_index * 3 + offset.astype(jnp.int32)
    return kernel_index

if __name__ == "__main__":
    import jax
    _d = setup_inputs()
    print(jax.jit(kernel)(*tuple(_d.values())))

</pallas_src>

<mosaic_0001>
#map = affine_map<(d0, d1) -> (0, 0)>
#map1 = affine_map<(d0, d1) -> (0)>
module attributes {stable_mosaic.version = 14 : i64} {
  func.func @_body(%arg0: i32, %arg1: i32, %arg2: memref<12500x16xf32, #tpu.memory_space<hbm>>, %arg3: memref<12500x16xf32, #tpu.memory_space<hbm>>, %arg4: memref<1600000xi32, #tpu.memory_space<hbm>>, %arg5: memref<1600000xi32, #tpu.memory_space<hbm>>, %arg6: memref<3x16xf32, #tpu.memory_space<hbm>>, %arg7: memref<1600000xi32, #tpu.memory_space<hbm>>, %arg8: memref<3x640xi32, #tpu.memory_space<vmem>>, %arg9: memref<3x640xi32, #tpu.memory_space<vmem>>, %arg10: memref<3x640xi32, #tpu.memory_space<vmem>>, %arg11: memref<3x640xi32, #tpu.memory_space<vmem>>, %arg12: memref<3x640x16xf32, #tpu.memory_space<vmem>>, %arg13: memref<3x640x16xf32, #tpu.memory_space<vmem>>, %arg14: memref<2x640xi32, #tpu.memory_space<vmem>>, %arg15: memref<3x16xf32, #tpu.memory_space<vmem>>, %arg16: memref<!tpu.dma_semaphore, #tpu.memory_space<semaphore_mem>>, %arg17: memref<!tpu.dma_semaphore, #tpu.memory_space<semaphore_mem>>, %arg18: memref<!tpu.dma_semaphore, #tpu.memory_space<semaphore_mem>>, %arg19: memref<!tpu.dma_semaphore, #tpu.memory_space<semaphore_mem>>, %arg20: memref<!tpu.dma_semaphore, #tpu.memory_space<semaphore_mem>>, %arg21: memref<!tpu.dma_semaphore, #tpu.memory_space<semaphore_mem>>) attributes {dimension_semantics = [#tpu.dimension_semantics<core_parallel>, #tpu.dimension_semantics<subcore_parallel>], iteration_bounds = array<i64: 2, 16>, scalar_prefetch = 0 : i64, scratch_operands = 14 : i64, tpu.core_type = #tpu.core_type<sc_vector_subcore>, window_params = [{transform_indices = #map}, {transform_indices = #map}, {transform_indices = #map1}, {transform_indices = #map1}, {transform_indices = #map}, {transform_indices = #map1}]} {
    %mul3A = arith.constant 2 : i32
    %mul3A_0 = arith.muli %arg1, %mul3A : i32
    %add3A = arith.addi %mul3A_0, %arg0 : i32
    %lt3A = arith.constant 4 : i32
    %lt3A_1 = arith.cmpi slt, %add3A, %lt3A : i32
    %jit3A = arith.constant 1 : i32
    %jit3A_2 = arith.constant 0 : i32
    %select_n3A = arith.select %lt3A_1, %jit3A, %jit3A_2 : i32
    %add3A_3 = arith.constant 78 : i32
    %add3A_4 = arith.addi %add3A_3, %select_n3A : i32
    %mul3A_5 = arith.constant 78 : i32
    %mul3A_6 = arith.muli %add3A, %mul3A_5 : i32
    %min3A = arith.constant 4 : i32
    %min3A_7 = arith.minsi %add3A, %min3A : i32
    %add3A_8 = arith.addi %mul3A_6, %min3A_7 : i32
    "tpu.region"() ({
      %run_scoped3A_333 = tpu.sem_alloc : memref<!tpu.dma_semaphore, #tpu.memory_space<semaphore_mem>>
      tpu.enqueue_dma source(%arg6 : memref<3x16xf32, #tpu.memory_space<hbm>>) target(%arg15 : memref<3x16xf32, #tpu.memory_space<vmem>>) target_semaphore(%run_scoped3A_333 : memref<!tpu.dma_semaphore, #tpu.memory_space<semaphore_mem>>)
      tpu.wait_dma2 semaphore(%run_scoped3A_333 : memref<!tpu.dma_semaphore, #tpu.memory_space<semaphore_mem>>) src(%arg6 : memref<3x16xf32, #tpu.memory_space<hbm>>) dst(%arg15 : memref<3x16xf32, #tpu.memory_space<vmem>>)
      tpu.yield
    }) : () -> ()
    %get3A = arith.constant 0 : i32
    %get3A_9 = arith.index_cast %get3A : i32 to index
    %get3A_10 = arith.constant 0 : index
    %get3A_11 = tpu.vector_load %arg15[%get3A_9, %get3A_10] {strides = array<i32>} : memref<3x16xf32, #tpu.memory_space<vmem>>, vector<16xf32>,
    %get3A_12 = arith.constant 1 : i32
    %get3A_13 = arith.index_cast %get3A_12 : i32 to index
    %get3A_14 = arith.constant 0 : index
    %get3A_15 = tpu.vector_load %arg15[%get3A_13, %get3A_14] {strides = array<i32>} : memref<3x16xf32, #tpu.memory_space<vmem>>, vector<16xf32>,
    %get3A_16 = arith.constant 2 : i32
    %get3A_17 = arith.index_cast %get3A_16 : i32 to index
    %get3A_18 = arith.constant 0 : index
    %get3A_19 = tpu.vector_load %arg15[%get3A_17, %get3A_18] {strides = array<i32>} : memref<3x16xf32, #tpu.memory_space<vmem>>, vector<16xf32>,
    %iota3A = tpu.iota {dimensions = array<i32: 0>} : vector<16xi32>
    %mul3A_20 = arith.constant 640 : i32
    %mul3A_21 = arith.muli %add3A_8, %mul3A_20 : i32
    %run_scoped3A = arith.constant 0 : i32
    "tpu.region"() ({
      %run_scoped3A_333 = tpu.sem_alloc : memref<!tpu.dma_semaphore, #tpu.memory_space<semaphore_mem>>
      %dma_start3A_334 = arith.constant 0 : i32
      %dma_start3A_335 = tpu.memref_slice %arg8[%run_scoped3A, %dma_start3A_334] : memref<3x640xi32, #tpu.memory_space<vmem>> -> memref<1x640xi32, #tpu.memory_space<vmem>>
      %dma_start3A_336 = tpu.memref_squeeze %dma_start3A_335 : memref<1x640xi32, #tpu.memory_space<vmem>> -> memref<640xi32, #tpu.memory_space<vmem>>
      %dma_start3A_337 = tpu.memref_slice %arg4[%mul3A_21] : memref<1600000xi32, #tpu.memory_space<hbm>> -> memref<640xi32, #tpu.memory_space<hbm>>
      %dma_start3A_338 = arith.constant 0 : i32
      %dma_start3A_339 = tpu.memref_slice %arg8[%run_scoped3A, %dma_start3A_338] : memref<3x640xi32, #tpu.memory_space<vmem>> -> memref<1x640xi32, #tpu.memory_space<vmem>>
      %dma_start3A_340 = tpu.memref_squeeze %dma_start3A_339 : memref<1x640xi32, #tpu.memory_space<vmem>> -> memref<640xi32, #tpu.memory_space<vmem>>
      %dma_start3A_341 = tpu.memref_slice %arg4[%mul3A_21] : memref<1600000xi32, #tpu.memory_space<hbm>> -> memref<640xi32, #tpu.memory_space<hbm>>
      tpu.enqueue_dma source(%dma_start3A_341 : memref<640xi32, #tpu.memory_space<hbm>>) target(%dma_start3A_340 : memref<640xi32, #tpu.memory_space<vmem>>) target_semaphore(%run_scoped3A_333 : memref<!tpu.dma_semaphore, #tpu.memory_space<semaphore_mem>>)
      %dma_wait3A_342 = arith.constant 0 : i32
      %dma_wait3A_343 = tpu.memref_slice %arg8[%run_scoped3A, %dma_wait3A_342] : memref<3x640xi32, #tpu.memory_space<vmem>> -> memref<1x640xi32, #tpu.memory_space<vmem>>
      %dma_wait3A_344 = tpu.memref_squeeze %dma_wait3A_343 : memref<1x640xi32, #tpu.memory_space<vmem>> -> memref<640xi32, #tpu.memory_space<vmem>>
      %dma_wait3A_345 = tpu.memref_slice %arg4[%mul3A_21] : memref<1600000xi32, #tpu.memory_space<hbm>> -> memref<640xi32, #tpu.memory_space<hbm>>
      %dma_wait3A_346 = arith.constant 0 : i32
      %dma_wait3A_347 = tpu.memref_slice %arg8[%run_scoped3A, %dma_wait3A_346] : memref<3x640xi32, #tpu.memory_space<vmem>> -> memref<1x640xi32, #tpu.memory_space<vmem>>
      %dma_wait3A_348 = tpu.memref_squeeze %dma_wait3A_347 : memref<1x640xi32, #tpu.memory_space<vmem>> -> memref<640xi32, #tpu.memory_space<vmem>>
      %dma_wait3A_349 = tpu.memref_slice %arg4[%mul3A_21] : memref<1600000xi32, #tpu.memory_space<hbm>> -> memref<640xi32, #tpu.memory_space<hbm>>
      tpu.wait_dma2 semaphore(%run_scoped3A_333 : memref<!tpu.dma_semaphore, #tpu.memory_space<semaphore_mem>>) src(%dma_wait3A_349 : memref<640xi32, #tpu.memory_space<hbm>>) dst(%dma_wait3A_348 : memref<640xi32, #tpu.memory_space<vmem>>)
      tpu.yield
    }) : () -> ()
    %mul3A_22 = arith.constant 640 : i32
    %mul3A_23 = arith.muli %add3A_8, %mul3A_22 : i32
    %run_scoped3A_24 = arith.constant 0 : i32
    "tpu.region"() ({
      %run_scoped3A_333 = tpu.sem_alloc : memref<!tpu.dma_semaphore, #tpu.memory_space<semaphore_mem>>
      %dma_start3A_334 = arith.constant 0 : i32
      %dma_start3A_335 = tpu.memref_slice %arg9[%run_scoped3A_24, %dma_start3A_334] : memref<3x640xi32, #tpu.memory_space<vmem>> -> memref<1x640xi32, #tpu.memory_space<vmem>>
      %dma_start3A_336 = tpu.memref_squeeze %dma_start3A_335 : memref<1x640xi32, #tpu.memory_space<vmem>> -> memref<640xi32, #tpu.memory_space<vmem>>
      %dma_start3A_337 = tpu.memref_slice %arg5[%mul3A_23] : memref<1600000xi32, #tpu.memory_space<hbm>> -> memref<640xi32, #tpu.memory_space<hbm>>
      %dma_start3A_338 = arith.constant 0 : i32
      %dma_start3A_339 = tpu.memref_slice %arg9[%run_scoped3A_24, %dma_start3A_338] : memref<3x640xi32, #tpu.memory_space<vmem>> -> memref<1x640xi32, #tpu.memory_space<vmem>>
      %dma_start3A_340 = tpu.memref_squeeze %dma_start3A_339 : memref<1x640xi32, #tpu.memory_space<vmem>> -> memref<640xi32, #tpu.memory_space<vmem>>
      %dma_start3A_341 = tpu.memref_slice %arg5[%mul3A_23] : memref<1600000xi32, #tpu.memory_space<hbm>> -> memref<640xi32, #tpu.memory_space<hbm>>
      tpu.enqueue_dma source(%dma_start3A_341 : memref<640xi32, #tpu.memory_space<hbm>>) target(%dma_start3A_340 : memref<640xi32, #tpu.memory_space<vmem>>) target_semaphore(%run_scoped3A_333 : memref<!tpu.dma_semaphore, #tpu.memory_space<semaphore_mem>>)
      %dma_wait3A_342 = arith.constant 0 : i32
      %dma_wait3A_343 = tpu.memref_slice %arg9[%run_scoped3A_24, %dma_wait3A_342] : memref<3x640xi32, #tpu.memory_space<vmem>> -> memref<1x640xi32, #tpu.memory_space<vmem>>
      %dma_wait3A_344 = tpu.memref_squeeze %dma_wait3A_343 : memref<1x640xi32, #tpu.memory_space<vmem>> -> memref<640xi32, #tpu.memory_space<vmem>>
      %dma_wait3A_345 = tpu.memref_slice %arg5[%mul3A_23] : memref<1600000xi32, #tpu.memory_space<hbm>> -> memref<640xi32, #tpu.memory_space<hbm>>
      %dma_wait3A_346 = arith.constant 0 : i32
      %dma_wait3A_347 = tpu.memref_slice %arg9[%run_scoped3A_24, %dma_wait3A_346] : memref<3x640xi32, #tpu.memory_space<vmem>> -> memref<1x640xi32, #tpu.memory_space<vmem>>
      %dma_wait3A_348 = tpu.memref_squeeze %dma_wait3A_347 : memref<1x640xi32, #tpu.memory_space<vmem>> -> memref<640xi32, #tpu.memory_space<vmem>>
      %dma_wait3A_349 = tpu.memref_slice %arg5[%mul3A_23] : memref<1600000xi32, #tpu.memory_space<hbm>> -> memref<640xi32, #tpu.memory_space<hbm>>
      tpu.wait_dma2 semaphore(%run_scoped3A_333 : memref<!tpu.dma_semaphore, #tpu.memory_space<semaphore_mem>>) src(%dma_wait3A_349 : memref<640xi32, #tpu.memory_space<hbm>>) dst(%dma_wait3A_348 : memref<640xi32, #tpu.memory_space<vmem>>)
      tpu.yield
    }) : () -> ()
    %add3A_25 = arith.constant 1 : i32
    %add3A_26 = arith.addi %add3A_8, %add3A_25 : i32
    %mul3A_27 = arith.constant 640 : i32
    %mul3A_28 = arith.muli %add3A_26, %mul3A_27 : i32
    %run_scoped3A_29 = arith.constant 1 : i32
    "tpu.region"() ({
      %run_scoped3A_333 = tpu.sem_alloc : memref<!tpu.dma_semaphore, #tpu.memory_space<semaphore_mem>>
      %dma_start3A_334 = arith.constant 0 : i32
      %dma_start3A_335 = tpu.memref_slice %arg8[%run_scoped3A_29, %dma_start3A_334] : memref<3x640xi32, #tpu.memory_space<vmem>> -> memref<1x640xi32, #tpu.memory_space<vmem>>
      %dma_start3A_336 = tpu.memref_squeeze %dma_start3A_335 : memref<1x640xi32, #tpu.memory_space<vmem>> -> memref<640xi32, #tpu.memory_space<vmem>>
      %dma_start3A_337 = tpu.memref_slice %arg4[%mul3A_28] : memref<1600000xi32, #tpu.memory_space<hbm>> -> memref<640xi32, #tpu.memory_space<hbm>>
      %dma_start3A_338 = arith.constant 0 : i32
      %dma_start3A_339 = tpu.memref_slice %arg8[%run_scoped3A_29, %dma_start3A_338] : memref<3x640xi32, #tpu.memory_space<vmem>> -> memref<1x640xi32, #tpu.memory_space<vmem>>
      %dma_start3A_340 = tpu.memref_squeeze %dma_start3A_339 : memref<1x640xi32, #tpu.memory_space<vmem>> -> memref<640xi32, #tpu.memory_space<vmem>>
      %dma_start3A_341 = tpu.memref_slice %arg4[%mul3A_28] : memref<1600000xi32, #tpu.memory_space<hbm>> -> memref<640xi32, #tpu.memory_space<hbm>>
      tpu.enqueue_dma source(%dma_start3A_341 : memref<640xi32, #tpu.memory_space<hbm>>) target(%dma_start3A_340 : memref<640xi32, #tpu.memory_space<vmem>>) target_semaphore(%run_scoped3A_333 : memref<!tpu.dma_semaphore, #tpu.memory_space<semaphore_mem>>)
      %dma_wait3A_342 = arith.constant 0 : i32
      %dma_wait3A_343 = tpu.memref_slice %arg8[%run_scoped3A_29, %dma_wait3A_342] : memref<3x640xi32, #tpu.memory_space<vmem>> -> memref<1x640xi32, #tpu.memory_space<vmem>>
      %dma_wait3A_344 = tpu.memref_squeeze %dma_wait3A_343 : memref<1x640xi32, #tpu.memory_space<vmem>> -> memref<640xi32, #tpu.memory_space<vmem>>
      %dma_wait3A_345 = tpu.memref_slice %arg4[%mul3A_28] : memref<1600000xi32, #tpu.memory_space<hbm>> -> memref<640xi32, #tpu.memory_space<hbm>>
      %dma_wait3A_346 = arith.constant 0 : i32
      %dma_wait3A_347 = tpu.memref_slice %arg8[%run_scoped3A_29, %dma_wait3A_346] : memref<3x640xi32, #tpu.memory_space<vmem>> -> memref<1x640xi32, #tpu.memory_space<vmem>>
      %dma_wait3A_348 = tpu.memref_squeeze %dma_wait3A_347 : memref<1x640xi32, #tpu.memory_space<vmem>> -> memref<640xi32, #tpu.memory_space<vmem>>
      %dma_wait3A_349 = tpu.memref_slice %arg4[%mul3A_28] : memref<1600000xi32, #tpu.memory_space<hbm>> -> memref<640xi32, #tpu.memory_space<hbm>>
      tpu.wait_dma2 semaphore(%run_scoped3A_333 : memref<!tpu.dma_semaphore, #tpu.memory_space<semaphore_mem>>) src(%dma_wait3A_349 : memref<640xi32, #tpu.memory_space<hbm>>) dst(%dma_wait3A_348 : memref<640xi32, #tpu.memory_space<vmem>>)
      tpu.yield
    }) : () -> ()
    %add3A_30 = arith.constant 1 : i32
    %add3A_31 = arith.addi %add3A_8, %add3A_30 : i32
    %mul3A_32 = arith.constant 640 : i32
    %mul3A_33 = arith.muli %add3A_31, %mul3A_32 : i32
    %run_scoped3A_34 = arith.constant 1 : i32
    "tpu.region"() ({
      %run_scoped3A_333 = tpu.sem_alloc : memref<!tpu.dma_semaphore, #tpu.memory_space<semaphore_mem>>
      %dma_start3A_334 = arith.constant 0 : i32
      %dma_start3A_335 = tpu.memref_slice %arg9[%run_scoped3A_34, %dma_start3A_334] : memref<3x640xi32, #tpu.memory_space<vmem>> -> memref<1x640xi32, #tpu.memory_space<vmem>>
      %dma_start3A_336 = tpu.memref_squeeze %dma_start3A_335 : memref<1x640xi32, #tpu.memory_space<vmem>> -> memref<640xi32, #tpu.memory_space<vmem>>
      %dma_start3A_337 = tpu.memref_slice %arg5[%mul3A_33] : memref<1600000xi32, #tpu.memory_space<hbm>> -> memref<640xi32, #tpu.memory_space<hbm>>
      %dma_start3A_338 = arith.constant 0 : i32
      %dma_start3A_339 = tpu.memref_slice %arg9[%run_scoped3A_34, %dma_start3A_338] : memref<3x640xi32, #tpu.memory_space<vmem>> -> memref<1x640xi32, #tpu.memory_space<vmem>>
      %dma_start3A_340 = tpu.memref_squeeze %dma_start3A_339 : memref<1x640xi32, #tpu.memory_space<vmem>> -> memref<640xi32, #tpu.memory_space<vmem>>
      %dma_start3A_341 = tpu.memref_slice %arg5[%mul3A_33] : memref<1600000xi32, #tpu.memory_space<hbm>> -> memref<640xi32, #tpu.memory_space<hbm>>
      tpu.enqueue_dma source(%dma_start3A_341 : memref<640xi32, #tpu.memory_space<hbm>>) target(%dma_start3A_340 : memref<640xi32, #tpu.memory_space<vmem>>) target_semaphore(%run_scoped3A_333 : memref<!tpu.dma_semaphore, #tpu.memory_space<semaphore_mem>>)
      %dma_wait3A_342 = arith.constant 0 : i32
      %dma_wait3A_343 = tpu.memref_slice %arg9[%run_scoped3A_34, %dma_wait3A_342] : memref<3x640xi32, #tpu.memory_space<vmem>> -> memref<1x640xi32, #tpu.memory_space<vmem>>
      %dma_wait3A_344 = tpu.memref_squeeze %dma_wait3A_343 : memref<1x640xi32, #tpu.memory_space<vmem>> -> memref<640xi32, #tpu.memory_space<vmem>>
      %dma_wait3A_345 = tpu.memref_slice %arg5[%mul3A_33] : memref<1600000xi32, #tpu.memory_space<hbm>> -> memref<640xi32, #tpu.memory_space<hbm>>
      %dma_wait3A_346 = arith.constant 0 : i32
      %dma_wait3A_347 = tpu.memref_slice %arg9[%run_scoped3A_34, %dma_wait3A_346] : memref<3x640xi32, #tpu.memory_space<vmem>> -> memref<1x640xi32, #tpu.memory_space<vmem>>
      %dma_wait3A_348 = tpu.memref_squeeze %dma_wait3A_347 : memref<1x640xi32, #tpu.memory_space<vmem>> -> memref<640xi32, #tpu.memory_space<vmem>>
      %dma_wait3A_349 = tpu.memref_slice %arg5[%mul3A_33] : memref<1600000xi32, #tpu.memory_space<hbm>> -> memref<640xi32, #tpu.memory_space<hbm>>
      tpu.wait_dma2 semaphore(%run_scoped3A_333 : memref<!tpu.dma_semaphore, #tpu.memory_space<semaphore_mem>>) src(%dma_wait3A_349 : memref<640xi32, #tpu.memory_space<hbm>>) dst(%dma_wait3A_348 : memref<640xi32, #tpu.memory_space<vmem>>)
      tpu.yield
    }) : () -> ()
    %parallel_loop3A = arith.constant 0 : i32
    %parallel_loop3A_35 = arith.constant 40 : i32
    %parallel_loop3A_36 = arith.constant 1 : i32
    scf.for %parallel_loop3A_333 = %parallel_loop3A to %parallel_loop3A_35 step %parallel_loop3A_36  : i32 {
      %parallel_loop3A_334 = arith.constant 16 : i32
      %parallel_loop3A_335 = arith.muli %parallel_loop3A_333, %parallel_loop3A_334 : i32
      %parallel_loop3A_336 = arith.constant 0 : i32
      %parallel_loop3A_337 = arith.index_cast %parallel_loop3A_336 : i32 to index
      %parallel_loop3A_338 = arith.index_cast %parallel_loop3A_335 : i32 to index
      %parallel_loop3A_339 = tpu.vector_load %arg8[%parallel_loop3A_337, %parallel_loop3A_338] {strides = array<i32>} : memref<3x640xi32, #tpu.memory_space<vmem>>, vector<16xi32>,
      %parallel_loop3A_340 = arith.constant 2 : i32
      %parallel_loop3A_341 = vector.broadcast %parallel_loop3A_340 : i32 to vector<16xi32>
      %parallel_loop3A_342 = arith.shrui %parallel_loop3A_339, %parallel_loop3A_341 : vector<16xi32>
      %parallel_loop3A_343 = arith.constant 0 : i32
      %parallel_loop3A_344 = arith.index_cast %parallel_loop3A_343 : i32 to index
      %parallel_loop3A_345 = arith.index_cast %parallel_loop3A_335 : i32 to index
      %parallel_loop3A_346 = tpu.vector_load %arg10[%parallel_loop3A_344, %parallel_loop3A_345] {strides = array<i32>} : memref<3x640xi32, #tpu.memory_space<vmem>>, vector<16xi32>,
      tpu.vector_store %arg10[%parallel_loop3A_344, %parallel_loop3A_345], %parallel_loop3A_342 {strides = array<i32>} : memref<3x640xi32, #tpu.memory_space<vmem>>, vector<16xi32>,
      %parallel_loop3A_347 = arith.constant 0 : i32
      %parallel_loop3A_348 = arith.index_cast %parallel_loop3A_347 : i32 to index
      %parallel_loop3A_349 = arith.index_cast %parallel_loop3A_335 : i32 to index
      %parallel_loop3A_350 = tpu.vector_load %arg9[%parallel_loop3A_348, %parallel_loop3A_349] {strides = array<i32>} : memref<3x640xi32, #tpu.memory_space<vmem>>, vector<16xi32>,
      %parallel_loop3A_351 = arith.constant 2 : i32
      %parallel_loop3A_352 = vector.broadcast %parallel_loop3A_351 : i32 to vector<16xi32>
      %parallel_loop3A_353 = arith.shrui %parallel_loop3A_350, %parallel_loop3A_352 : vector<16xi32>
      %parallel_loop3A_354 = arith.constant 0 : i32
      %parallel_loop3A_355 = arith.index_cast %parallel_loop3A_354 : i32 to index
      %parallel_loop3A_356 = arith.index_cast %parallel_loop3A_335 : i32 to index
      %parallel_loop3A_357 = tpu.vector_load %arg11[%parallel_loop3A_355, %parallel_loop3A_356] {strides = array<i32>} : memref<3x640xi32, #tpu.memory_space<vmem>>, vector<16xi32>,
      tpu.vector_store %arg11[%parallel_loop3A_355, %parallel_loop3A_356], %parallel_loop3A_353 {strides = array<i32>} : memref<3x640xi32, #tpu.memory_space<vmem>>, vector<16xi32>,
    } {sc.loop_unroll_factor = 8 : i64, sc.parallel_access}
    %dma_start3A = arith.constant 0 : i32
    %dma_start3A_37 = arith.constant 0 : i32
    %dma_start3A_38 = arith.constant 0 : i32
    %dma_start3A_39 = arith.constant 0 : i32
    %dma_start3A_40 = tpu.memref_slice %arg12[%dma_start3A_37, %dma_start3A_38, %dma_start3A_39] : memref<3x640x16xf32, #tpu.memory_space<vmem>> -> memref<1x128x16xf32, #tpu.memory_space<vmem>>
    %dma_start3A_41 = tpu.memref_squeeze %dma_start3A_40 : memref<1x128x16xf32, #tpu.memory_space<vmem>> -> memref<128x16xf32, #tpu.memory_space<vmem>>
    %dma_start3A_42 = arith.constant 0 : i32
    %dma_start3A_43 = tpu.memref_slice %arg10[%dma_start3A, %dma_start3A_42] : memref<3x640xi32, #tpu.memory_space<vmem>> -> memref<1x128xi32, #tpu.memory_space<vmem>>
    %dma_start3A_44 = tpu.memref_squeeze %dma_start3A_43 : memref<1x128xi32, #tpu.memory_space<vmem>> -> memref<128xi32, #tpu.memory_space<vmem>>
    %dma_start3A_45 = arith.constant 0 : i32
    %dma_start3A_46 = arith.constant 0 : i32
    %dma_start3A_47 = tpu.memref_slice %arg2[%dma_start3A_45, %dma_start3A_46] : memref<12500x16xf32, #tpu.memory_space<hbm>> -> memref<12500x16xf32, #tpu.memory_space<hbm>>
    tpu.enqueue_indirect_dma source(%dma_start3A_47 : memref<12500x16xf32, #tpu.memory_space<hbm>>) target(%dma_start3A_41 : memref<128x16xf32, #tpu.memory_space<vmem>>) offsets(%dma_start3A_44 : memref<128xi32, #tpu.memory_space<vmem>>) semaphore(%arg16 : memref<!tpu.dma_semaphore, #tpu.memory_space<semaphore_mem>>)
    %dma_start3A_48 = arith.constant 0 : i32
    %dma_start3A_49 = arith.constant 0 : i32
    %dma_start3A_50 = arith.constant 0 : i32
    %dma_start3A_51 = arith.constant 0 : i32
    %dma_start3A_52 = tpu.memref_slice %arg13[%dma_start3A_49, %dma_start3A_50, %dma_start3A_51] : memref<3x640x16xf32, #tpu.memory_space<vmem>> -> memref<1x128x16xf32, #tpu.memory_space<vmem>>
    %dma_start3A_53 = tpu.memref_squeeze %dma_start3A_52 : memref<1x128x16xf32, #tpu.memory_space<vmem>> -> memref<128x16xf32, #tpu.memory_space<vmem>>
    %dma_start3A_54 = arith.constant 0 : i32
    %dma_start3A_55 = tpu.memref_slice %arg11[%dma_start3A_48, %dma_start3A_54] : memref<3x640xi32, #tpu.memory_space<vmem>> -> memref<1x128xi32, #tpu.memory_space<vmem>>
    %dma_start3A_56 = tpu.memref_squeeze %dma_start3A_55 : memref<1x128xi32, #tpu.memory_space<vmem>> -> memref<128xi32, #tpu.memory_space<vmem>>
    %dma_start3A_57 = arith.constant 0 : i32
    %dma_start3A_58 = arith.constant 0 : i32
    %dma_start3A_59 = tpu.memref_slice %arg3[%dma_start3A_57, %dma_start3A_58] : memref<12500x16xf32, #tpu.memory_space<hbm>> -> memref<12500x16xf32, #tpu.memory_space<hbm>>
    tpu.enqueue_indirect_dma source(%dma_start3A_59 : memref<12500x16xf32, #tpu.memory_space<hbm>>) target(%dma_start3A_53 : memref<128x16xf32, #tpu.memory_space<vmem>>) offsets(%dma_start3A_56 : memref<128xi32, #tpu.memory_space<vmem>>) semaphore(%arg16 : memref<!tpu.dma_semaphore, #tpu.memory_space<semaphore_mem>>)
    %dma_start3A_60 = arith.constant 0 : i32
    %dma_start3A_61 = arith.constant 0 : i32
    %dma_start3A_62 = arith.constant 128 : i32
    %dma_start3A_63 = arith.constant 0 : i32
    %dma_start3A_64 = tpu.memref_slice %arg12[%dma_start3A_61, %dma_start3A_62, %dma_start3A_63] : memref<3x640x16xf32, #tpu.memory_space<vmem>> -> memref<1x128x16xf32, #tpu.memory_space<vmem>>
    %dma_start3A_65 = tpu.memref_squeeze %dma_start3A_64 : memref<1x128x16xf32, #tpu.memory_space<vmem>> -> memref<128x16xf32, #tpu.memory_space<vmem>>
    %dma_start3A_66 = arith.constant 128 : i32
    %dma_start3A_67 = tpu.memref_slice %arg10[%dma_start3A_60, %dma_start3A_66] : memref<3x640xi32, #tpu.memory_space<vmem>> -> memref<1x128xi32, #tpu.memory_space<vmem>>
    %dma_start3A_68 = tpu.memref_squeeze %dma_start3A_67 : memref<1x128xi32, #tpu.memory_space<vmem>> -> memref<128xi32, #tpu.memory_space<vmem>>
    %dma_start3A_69 = arith.constant 0 : i32
    %dma_start3A_70 = arith.constant 0 : i32
    %dma_start3A_71 = tpu.memref_slice %arg2[%dma_start3A_69, %dma_start3A_70] : memref<12500x16xf32, #tpu.memory_space<hbm>> -> memref<12500x16xf32, #tpu.memory_space<hbm>>
    tpu.enqueue_indirect_dma source(%dma_start3A_71 : memref<12500x16xf32, #tpu.memory_space<hbm>>) target(%dma_start3A_65 : memref<128x16xf32, #tpu.memory_space<vmem>>) offsets(%dma_start3A_68 : memref<128xi32, #tpu.memory_space<vmem>>) semaphore(%arg16 : memref<!tpu.dma_semaphore, #tpu.memory_space<semaphore_mem>>)
    %dma_start3A_72 = arith.constant 0 : i32
    %dma_start3A_73 = arith.constant 0 : i32
    %dma_start3A_74 = arith.constant 128 : i32
    %dma_start3A_75 = arith.constant 0 : i32
    %dma_start3A_76 = tpu.memref_slice %arg13[%dma_start3A_73, %dma_start3A_74, %dma_start3A_75] : memref<3x640x16xf32, #tpu.memory_space<vmem>> -> memref<1x128x16xf32, #tpu.memory_space<vmem>>
    %dma_start3A_77 = tpu.memref_squeeze %dma_start3A_76 : memref<1x128x16xf32, #tpu.memory_space<vmem>> -> memref<128x16xf32, #tpu.memory_space<vmem>>
    %dma_start3A_78 = arith.constant 128 : i32
    %dma_start3A_79 = tpu.memref_slice %arg11[%dma_start3A_72, %dma_start3A_78] : memref<3x640xi32, #tpu.memory_space<vmem>> -> memref<1x128xi32, #tpu.memory_space<vmem>>
    %dma_start3A_80 = tpu.memref_squeeze %dma_start3A_79 : memref<1x128xi32, #tpu.memory_space<vmem>> -> memref<128xi32, #tpu.memory_space<vmem>>
    %dma_start3A_81 = arith.constant 0 : i32
    %dma_start3A_82 = arith.constant 0 : i32
    %dma_start3A_83 = tpu.memref_slice %arg3[%dma_start3A_81, %dma_start3A_82] : memref<12500x16xf32, #tpu.memory_space<hbm>> -> memref<12500x16xf32, #tpu.memory_space<hbm>>
    tpu.enqueue_indirect_dma source(%dma_start3A_83 : memref<12500x16xf32, #tpu.memory_space<hbm>>) target(%dma_start3A_77 : memref<128x16xf32, #tpu.memory_space<vmem>>) offsets(%dma_start3A_80 : memref<128xi32, #tpu.memory_space<vmem>>) semaphore(%arg16 : memref<!tpu.dma_semaphore, #tpu.memory_space<semaphore_mem>>)
    %dma_start3A_84 = arith.constant 0 : i32
    %dma_start3A_85 = arith.constant 0 : i32
    %dma_start3A_86 = arith.constant 256 : i32
    %dma_start3A_87 = arith.constant 0 : i32
    %dma_start3A_88 = tpu.memref_slice %arg12[%dma_start3A_85, %dma_start3A_86, %dma_start3A_87] : memref<3x640x16xf32, #tpu.memory_space<vmem>> -> memref<1x128x16xf32, #tpu.memory_space<vmem>>
    %dma_start3A_89 = tpu.memref_squeeze %dma_start3A_88 : memref<1x128x16xf32, #tpu.memory_space<vmem>> -> memref<128x16xf32, #tpu.memory_space<vmem>>
    %dma_start3A_90 = arith.constant 256 : i32
    %dma_start3A_91 = tpu.memref_slice %arg10[%dma_start3A_84, %dma_start3A_90] : memref<3x640xi32, #tpu.memory_space<vmem>> -> memref<1x128xi32, #tpu.memory_space<vmem>>
    %dma_start3A_92 = tpu.memref_squeeze %dma_start3A_91 : memref<1x128xi32, #tpu.memory_space<vmem>> -> memref<128xi32, #tpu.memory_space<vmem>>
    %dma_start3A_93 = arith.constant 0 : i32
    %dma_start3A_94 = arith.constant 0 : i32
    %dma_start3A_95 = tpu.memref_slice %arg2[%dma_start3A_93, %dma_start3A_94] : memref<12500x16xf32, #tpu.memory_space<hbm>> -> memref<12500x16xf32, #tpu.memory_space<hbm>>
    tpu.enqueue_indirect_dma source(%dma_start3A_95 : memref<12500x16xf32, #tpu.memory_space<hbm>>) target(%dma_start3A_89 : memref<128x16xf32, #tpu.memory_space<vmem>>) offsets(%dma_start3A_92 : memref<128xi32, #tpu.memory_space<vmem>>) semaphore(%arg16 : memref<!tpu.dma_semaphore, #tpu.memory_space<semaphore_mem>>)
    %dma_start3A_96 = arith.constant 0 : i32
    %dma_start3A_97 = arith.constant 0 : i32
    %dma_start3A_98 = arith.constant 256 : i32
    %dma_start3A_99 = arith.constant 0 : i32
    %dma_start3A_100 = tpu.memref_slice %arg13[%dma_start3A_97, %dma_start3A_98, %dma_start3A_99] : memref<3x640x16xf32, #tpu.memory_space<vmem>> -> memref<1x128x16xf32, #tpu.memory_space<vmem>>
    %dma_start3A_101 = tpu.memref_squeeze %dma_start3A_100 : memref<1x128x16xf32, #tpu.memory_space<vmem>> -> memref<128x16xf32, #tpu.memory_space<vmem>>
    %dma_start3A_102 = arith.constant 256 : i32
    %dma_start3A_103 = tpu.memref_slice %arg11[%dma_start3A_96, %dma_start3A_102] : memref<3x640xi32, #tpu.memory_space<vmem>> -> memref<1x128xi32, #tpu.memory_space<vmem>>
    %dma_start3A_104 = tpu.memref_squeeze %dma_start3A_103 : memref<1x128xi32, #tpu.memory_space<vmem>> -> memref<128xi32, #tpu.memory_space<vmem>>
    %dma_start3A_105 = arith.constant 0 : i32
    %dma_start3A_106 = arith.constant 0 : i32
    %dma_start3A_107 = tpu.memref_slice %arg3[%dma_start3A_105, %dma_start3A_106] : memref<12500x16xf32, #tpu.memory_space<hbm>> -> memref<12500x16xf32, #tpu.memory_space<hbm>>
    tpu.enqueue_indirect_dma source(%dma_start3A_107 : memref<12500x16xf32, #tpu.memory_space<hbm>>) target(%dma_start3A_101 : memref<128x16xf32, #tpu.memory_space<vmem>>) offsets(%dma_start3A_104 : memref<128xi32, #tpu.memory_space<vmem>>) semaphore(%arg16 : memref<!tpu.dma_semaphore, #tpu.memory_space<semaphore_mem>>)
    %dma_start3A_108 = arith.constant 0 : i32
    %dma_start3A_109 = arith.constant 0 : i32
    %dma_start3A_110 = arith.constant 384 : i32
    %dma_start3A_111 = arith.constant 0 : i32
    %dma_start3A_112 = tpu.memref_slice %arg12[%dma_start3A_109, %dma_start3A_110, %dma_start3A_111] : memref<3x640x16xf32, #tpu.memory_space<vmem>> -> memref<1x128x16xf32, #tpu.memory_space<vmem>>
    %dma_start3A_113 = tpu.memref_squeeze %dma_start3A_112 : memref<1x128x16xf32, #tpu.memory_space<vmem>> -> memref<128x16xf32, #tpu.memory_space<vmem>>
    %dma_start3A_114 = arith.constant 384 : i32
    %dma_start3A_115 = tpu.memref_slice %arg10[%dma_start3A_108, %dma_start3A_114] : memref<3x640xi32, #tpu.memory_space<vmem>> -> memref<1x128xi32, #tpu.memory_space<vmem>>
    %dma_start3A_116 = tpu.memref_squeeze %dma_start3A_115 : memref<1x128xi32, #tpu.memory_space<vmem>> -> memref<128xi32, #tpu.memory_space<vmem>>
    %dma_start3A_117 = arith.constant 0 : i32
    %dma_start3A_118 = arith.constant 0 : i32
    %dma_start3A_119 = tpu.memref_slice %arg2[%dma_start3A_117, %dma_start3A_118] : memref<12500x16xf32, #tpu.memory_space<hbm>> -> memref<12500x16xf32, #tpu.memory_space<hbm>>
    tpu.enqueue_indirect_dma source(%dma_start3A_119 : memref<12500x16xf32, #tpu.memory_space<hbm>>) target(%dma_start3A_113 : memref<128x16xf32, #tpu.memory_space<vmem>>) offsets(%dma_start3A_116 : memref<128xi32, #tpu.memory_space<vmem>>) semaphore(%arg16 : memref<!tpu.dma_semaphore, #tpu.memory_space<semaphore_mem>>)
    %dma_start3A_120 = arith.constant 0 : i32
    %dma_start3A_121 = arith.constant 0 : i32
    %dma_start3A_122 = arith.constant 384 : i32
    %dma_start3A_123 = arith.constant 0 : i32
    %dma_start3A_124 = tpu.memref_slice %arg13[%dma_start3A_121, %dma_start3A_122, %dma_start3A_123] : memref<3x640x16xf32, #tpu.memory_space<vmem>> -> memref<1x128x16xf32, #tpu.memory_space<vmem>>
    %dma_start3A_125 = tpu.memref_squeeze %dma_start3A_124 : memref<1x128x16xf32, #tpu.memory_space<vmem>> -> memref<128x16xf32, #tpu.memory_space<vmem>>
    %dma_start3A_126 = arith.constant 384 : i32
    %dma_start3A_127 = tpu.memref_slice %arg11[%dma_start3A_120, %dma_start3A_126] : memref<3x640xi32, #tpu.memory_space<vmem>> -> memref<1x128xi32, #tpu.memory_space<vmem>>
    %dma_start3A_128 = tpu.memref_squeeze %dma_start3A_127 : memref<1x128xi32, #tpu.memory_space<vmem>> -> memref<128xi32, #tpu.memory_space<vmem>>
    %dma_start3A_129 = arith.constant 0 : i32
    %dma_start3A_130 = arith.constant 0 : i32
    %dma_start3A_131 = tpu.memref_slice %arg3[%dma_start3A_129, %dma_start3A_130] : memref<12500x16xf32, #tpu.memory_space<hbm>> -> memref<12500x16xf32, #tpu.memory_space<hbm>>
    tpu.enqueue_indirect_dma source(%dma_start3A_131 : memref<12500x16xf32, #tpu.memory_space<hbm>>) target(%dma_start3A_125 : memref<128x16xf32, #tpu.memory_space<vmem>>) offsets(%dma_start3A_128 : memref<128xi32, #tpu.memory_space<vmem>>) semaphore(%arg16 : memref<!tpu.dma_semaphore, #tpu.memory_space<semaphore_mem>>)
    %dma_start3A_132 = arith.constant 0 : i32
    %dma_start3A_133 = arith.constant 0 : i32
    %dma_start3A_134 = arith.constant 512 : i32
    %dma_start3A_135 = arith.constant 0 : i32
    %dma_start3A_136 = tpu.memref_slice %arg12[%dma_start3A_133, %dma_start3A_134, %dma_start3A_135] : memref<3x640x16xf32, #tpu.memory_space<vmem>> -> memref<1x128x16xf32, #tpu.memory_space<vmem>>
    %dma_start3A_137 = tpu.memref_squeeze %dma_start3A_136 : memref<1x128x16xf32, #tpu.memory_space<vmem>> -> memref<128x16xf32, #tpu.memory_space<vmem>>
    %dma_start3A_138 = arith.constant 512 : i32
    %dma_start3A_139 = tpu.memref_slice %arg10[%dma_start3A_132, %dma_start3A_138] : memref<3x640xi32, #tpu.memory_space<vmem>> -> memref<1x128xi32, #tpu.memory_space<vmem>>
    %dma_start3A_140 = tpu.memref_squeeze %dma_start3A_139 : memref<1x128xi32, #tpu.memory_space<vmem>> -> memref<128xi32, #tpu.memory_space<vmem>>
    %dma_start3A_141 = arith.constant 0 : i32
    %dma_start3A_142 = arith.constant 0 : i32
    %dma_start3A_143 = tpu.memref_slice %arg2[%dma_start3A_141, %dma_start3A_142] : memref<12500x16xf32, #tpu.memory_space<hbm>> -> memref<12500x16xf32, #tpu.memory_space<hbm>>
    tpu.enqueue_indirect_dma source(%dma_start3A_143 : memref<12500x16xf32, #tpu.memory_space<hbm>>) target(%dma_start3A_137 : memref<128x16xf32, #tpu.memory_space<vmem>>) offsets(%dma_start3A_140 : memref<128xi32, #tpu.memory_space<vmem>>) semaphore(%arg16 : memref<!tpu.dma_semaphore, #tpu.memory_space<semaphore_mem>>)
    %dma_start3A_144 = arith.constant 0 : i32
    %dma_start3A_145 = arith.constant 0 : i32
    %dma_start3A_146 = arith.constant 512 : i32
    %dma_start3A_147 = arith.constant 0 : i32
    %dma_start3A_148 = tpu.memref_slice %arg13[%dma_start3A_145, %dma_start3A_146, %dma_start3A_147] : memref<3x640x16xf32, #tpu.memory_space<vmem>> -> memref<1x128x16xf32, #tpu.memory_space<vmem>>
    %dma_start3A_149 = tpu.memref_squeeze %dma_start3A_148 : memref<1x128x16xf32, #tpu.memory_space<vmem>> -> memref<128x16xf32, #tpu.memory_space<vmem>>
    %dma_start3A_150 = arith.constant 512 : i32
    %dma_start3A_151 = tpu.memref_slice %arg11[%dma_start3A_144, %dma_start3A_150] : memref<3x640xi32, #tpu.memory_space<vmem>> -> memref<1x128xi32, #tpu.memory_space<vmem>>
    %dma_start3A_152 = tpu.memref_squeeze %dma_start3A_151 : memref<1x128xi32, #tpu.memory_space<vmem>> -> memref<128xi32, #tpu.memory_space<vmem>>
    %dma_start3A_153 = arith.constant 0 : i32
    %dma_start3A_154 = arith.constant 0 : i32
    %dma_start3A_155 = tpu.memref_slice %arg3[%dma_start3A_153, %dma_start3A_154] : memref<12500x16xf32, #tpu.memory_space<hbm>> -> memref<12500x16xf32, #tpu.memory_space<hbm>>
    tpu.enqueue_indirect_dma source(%dma_start3A_155 : memref<12500x16xf32, #tpu.memory_space<hbm>>) target(%dma_start3A_149 : memref<128x16xf32, #tpu.memory_space<vmem>>) offsets(%dma_start3A_152 : memref<128xi32, #tpu.memory_space<vmem>>) semaphore(%arg16 : memref<!tpu.dma_semaphore, #tpu.memory_space<semaphore_mem>>)
    %parallel_loop3A_156 = arith.constant 0 : i32
    %parallel_loop3A_157 = arith.constant 40 : i32
    %parallel_loop3A_158 = arith.constant 1 : i32
    scf.for %parallel_loop3A_333 = %parallel_loop3A_156 to %parallel_loop3A_157 step %parallel_loop3A_158  : i32 {
      %parallel_loop3A_334 = arith.constant 16 : i32
      %parallel_loop3A_335 = arith.muli %parallel_loop3A_333, %parallel_loop3A_334 : i32
      %parallel_loop3A_336 = arith.constant 1 : i32
      %parallel_loop3A_337 = arith.index_cast %parallel_loop3A_336 : i32 to index
      %parallel_loop3A_338 = arith.index_cast %parallel_loop3A_335 : i32 to index
      %parallel_loop3A_339 = tpu.vector_load %arg8[%parallel_loop3A_337, %parallel_loop3A_338] {strides = array<i32>} : memref<3x640xi32, #tpu.memory_space<vmem>>, vector<16xi32>,
      %parallel_loop3A_340 = arith.constant 2 : i32
      %parallel_loop3A_341 = vector.broadcast %parallel_loop3A_340 : i32 to vector<16xi32>
      %parallel_loop3A_342 = arith.shrui %parallel_loop3A_339, %parallel_loop3A_341 : vector<16xi32>
      %parallel_loop3A_343 = arith.constant 1 : i32
      %parallel_loop3A_344 = arith.index_cast %parallel_loop3A_343 : i32 to index
      %parallel_loop3A_345 = arith.index_cast %parallel_loop3A_335 : i32 to index
      %parallel_loop3A_346 = tpu.vector_load %arg10[%parallel_loop3A_344, %parallel_loop3A_345] {strides = array<i32>} : memref<3x640xi32, #tpu.memory_space<vmem>>, vector<16xi32>,
      tpu.vector_store %arg10[%parallel_loop3A_344, %parallel_loop3A_345], %parallel_loop3A_342 {strides = array<i32>} : memref<3x640xi32, #tpu.memory_space<vmem>>, vector<16xi32>,
      %parallel_loop3A_347 = arith.constant 1 : i32
      %parallel_loop3A_348 = arith.index_cast %parallel_loop3A_347 : i32 to index
      %parallel_loop3A_349 = arith.index_cast %parallel_loop3A_335 : i32 to index
      %parallel_loop3A_350 = tpu.vector_load %arg9[%parallel_loop3A_348, %parallel_loop3A_349] {strides = array<i32>} : memref<3x640xi32, #tpu.memory_space<vmem>>, vector<16xi32>,
      %parallel_loop3A_351 = arith.constant 2 : i32
      %parallel_loop3A_352 = vector.broadcast %parallel_loop3A_351 : i32 to vector<16xi32>
      %parallel_loop3A_353 = arith.shrui %parallel_loop3A_350, %parallel_loop3A_352 : vector<16xi32>
      %parallel_loop3A_354 = arith.constant 1 : i32
      %parallel_loop3A_355 = arith.index_cast %parallel_loop3A_354 : i32 to index
      %parallel_loop3A_356 = arith.index_cast %parallel_loop3A_335 : i32 to index
      %parallel_loop3A_357 = tpu.vector_load %arg11[%parallel_loop3A_355, %parallel_loop3A_356] {strides = array<i32>} : memref<3x640xi32, #tpu.memory_space<vmem>>, vector<16xi32>,
      tpu.vector_store %arg11[%parallel_loop3A_355, %parallel_loop3A_356], %parallel_loop3A_353 {strides = array<i32>} : memref<3x640xi32, #tpu.memory_space<vmem>>, vector<16xi32>,
    } {sc.loop_unroll_factor = 8 : i64, sc.parallel_access}
    %dma_start3A_159 = arith.constant 1 : i32
    %dma_start3A_160 = arith.constant 1 : i32
    %dma_start3A_161 = arith.constant 0 : i32
    %dma_start3A_162 = arith.constant 0 : i32
    %dma_start3A_163 = tpu.memref_slice %arg12[%dma_start3A_160, %dma_start3A_161, %dma_start3A_162] : memref<3x640x16xf32, #tpu.memory_space<vmem>> -> memref<1x128x16xf32, #tpu.memory_space<vmem>>
    %dma_start3A_164 = tpu.memref_squeeze %dma_start3A_163 : memref<1x128x16xf32, #tpu.memory_space<vmem>> -> memref<128x16xf32, #tpu.memory_space<vmem>>
    %dma_start3A_165 = arith.constant 0 : i32
    %dma_start3A_166 = tpu.memref_slice %arg10[%dma_start3A_159, %dma_start3A_165] : memref<3x640xi32, #tpu.memory_space<vmem>> -> memref<1x128xi32, #tpu.memory_space<vmem>>
    %dma_start3A_167 = tpu.memref_squeeze %dma_start3A_166 : memref<1x128xi32, #tpu.memory_space<vmem>> -> memref<128xi32, #tpu.memory_space<vmem>>
    %dma_start3A_168 = arith.constant 0 : i32
    %dma_start3A_169 = arith.constant 0 : i32
    %dma_start3A_170 = tpu.memref_slice %arg2[%dma_start3A_168, %dma_start3A_169] : memref<12500x16xf32, #tpu.memory_space<hbm>> -> memref<12500x16xf32, #tpu.memory_space<hbm>>
    tpu.enqueue_indirect_dma source(%dma_start3A_170 : memref<12500x16xf32, #tpu.memory_space<hbm>>) target(%dma_start3A_164 : memref<128x16xf32, #tpu.memory_space<vmem>>) offsets(%dma_start3A_167 : memref<128xi32, #tpu.memory_space<vmem>>) semaphore(%arg17 : memref<!tpu.dma_semaphore, #tpu.memory_space<semaphore_mem>>)
    %dma_start3A_171 = arith.constant 1 : i32
    %dma_start3A_172 = arith.constant 1 : i32
    %dma_start3A_173 = arith.constant 0 : i32
    %dma_start3A_174 = arith.constant 0 : i32
    %dma_start3A_175 = tpu.memref_slice %arg13[%dma_start3A_172, %dma_start3A_173, %dma_start3A_174] : memref<3x640x16xf32, #tpu.memory_space<vmem>> -> memref<1x128x16xf32, #tpu.memory_space<vmem>>
    %dma_start3A_176 = tpu.memref_squeeze %dma_start3A_175 : memref<1x128x16xf32, #tpu.memory_space<vmem>> -> memref<128x16xf32, #tpu.memory_space<vmem>>
    %dma_start3A_177 = arith.constant 0 : i32
    %dma_start3A_178 = tpu.memref_slice %arg11[%dma_start3A_171, %dma_start3A_177] : memref<3x640xi32, #tpu.memory_space<vmem>> -> memref<1x128xi32, #tpu.memory_space<vmem>>
    %dma_start3A_179 = tpu.memref_squeeze %dma_start3A_178 : memref<1x128xi32, #tpu.memory_space<vmem>> -> memref<128xi32, #tpu.memory_space<vmem>>
    %dma_start3A_180 = arith.constant 0 : i32
    %dma_start3A_181 = arith.constant 0 : i32
    %dma_start3A_182 = tpu.memref_slice %arg3[%dma_start3A_180, %dma_start3A_181] : memref<12500x16xf32, #tpu.memory_space<hbm>> -> memref<12500x16xf32, #tpu.memory_space<hbm>>
    tpu.enqueue_indirect_dma source(%dma_start3A_182 : memref<12500x16xf32, #tpu.memory_space<hbm>>) target(%dma_start3A_176 : memref<128x16xf32, #tpu.memory_space<vmem>>) offsets(%dma_start3A_179 : memref<128xi32, #tpu.memory_space<vmem>>) semaphore(%arg17 : memref<!tpu.dma_semaphore, #tpu.memory_space<semaphore_mem>>)
    %dma_start3A_183 = arith.constant 1 : i32
    %dma_start3A_184 = arith.constant 1 : i32
    %dma_start3A_185 = arith.constant 128 : i32
    %dma_start3A_186 = arith.constant 0 : i32
    %dma_start3A_187 = tpu.memref_slice %arg12[%dma_start3A_184, %dma_start3A_185, %dma_start3A_186] : memref<3x640x16xf32, #tpu.memory_space<vmem>> -> memref<1x128x16xf32, #tpu.memory_space<vmem>>
    %dma_start3A_188 = tpu.memref_squeeze %dma_start3A_187 : memref<1x128x16xf32, #tpu.memory_space<vmem>> -> memref<128x16xf32, #tpu.memory_space<vmem>>
    %dma_start3A_189 = arith.constant 128 : i32
    %dma_start3A_190 = tpu.memref_slice %arg10[%dma_start3A_183, %dma_start3A_189] : memref<3x640xi32, #tpu.memory_space<vmem>> -> memref<1x128xi32, #tpu.memory_space<vmem>>
    %dma_start3A_191 = tpu.memref_squeeze %dma_start3A_190 : memref<1x128xi32, #tpu.memory_space<vmem>> -> memref<128xi32, #tpu.memory_space<vmem>>
    %dma_start3A_192 = arith.constant 0 : i32
    %dma_start3A_193 = arith.constant 0 : i32
    %dma_start3A_194 = tpu.memref_slice %arg2[%dma_start3A_192, %dma_start3A_193] : memref<12500x16xf32, #tpu.memory_space<hbm>> -> memref<12500x16xf32, #tpu.memory_space<hbm>>
    tpu.enqueue_indirect_dma source(%dma_start3A_194 : memref<12500x16xf32, #tpu.memory_space<hbm>>) target(%dma_start3A_188 : memref<128x16xf32, #tpu.memory_space<vmem>>) offsets(%dma_start3A_191 : memref<128xi32, #tpu.memory_space<vmem>>) semaphore(%arg17 : memref<!tpu.dma_semaphore, #tpu.memory_space<semaphore_mem>>)
    %dma_start3A_195 = arith.constant 1 : i32
    %dma_start3A_196 = arith.constant 1 : i32
    %dma_start3A_197 = arith.constant 128 : i32
    %dma_start3A_198 = arith.constant 0 : i32
    %dma_start3A_199 = tpu.memref_slice %arg13[%dma_start3A_196, %dma_start3A_197, %dma_start3A_198] : memref<3x640x16xf32, #tpu.memory_space<vmem>> -> memref<1x128x16xf32, #tpu.memory_space<vmem>>
    %dma_start3A_200 = tpu.memref_squeeze %dma_start3A_199 : memref<1x128x16xf32, #tpu.memory_space<vmem>> -> memref<128x16xf32, #tpu.memory_space<vmem>>
    %dma_start3A_201 = arith.constant 128 : i32
    %dma_start3A_202 = tpu.memref_slice %arg11[%dma_start3A_195, %dma_start3A_201] : memref<3x640xi32, #tpu.memory_space<vmem>> -> memref<1x128xi32, #tpu.memory_space<vmem>>
    %dma_start3A_203 = tpu.memref_squeeze %dma_start3A_202 : memref<1x128xi32, #tpu.memory_space<vmem>> -> memref<128xi32, #tpu.memory_space<vmem>>
    %dma_start3A_204 = arith.constant 0 : i32
    %dma_start3A_205 = arith.constant 0 : i32
    %dma_start3A_206 = tpu.memref_slice %arg3[%dma_start3A_204, %dma_start3A_205] : memref<12500x16xf32, #tpu.memory_space<hbm>> -> memref<12500x16xf32, #tpu.memory_space<hbm>>
    tpu.enqueue_indirect_dma source(%dma_start3A_206 : memref<12500x16xf32, #tpu.memory_space<hbm>>) target(%dma_start3A_200 : memref<128x16xf32, #tpu.memory_space<vmem>>) offsets(%dma_start3A_203 : memref<128xi32, #tpu.memory_space<vmem>>) semaphore(%arg17 : memref<!tpu.dma_semaphore, #tpu.memory_space<semaphore_mem>>)
    %dma_start3A_207 = arith.constant 1 : i32
    %dma_start3A_208 = arith.constant 1 : i32
    %dma_start3A_209 = arith.constant 256 : i32
    %dma_start3A_210 = arith.constant 0 : i32
    %dma_start3A_211 = tpu.memref_slice %arg12[%dma_start3A_208, %dma_start3A_209, %dma_start3A_210] : memref<3x640x16xf32, #tpu.memory_space<vmem>> -> memref<1x128x16xf32, #tpu.memory_space<vmem>>
    %dma_start3A_212 = tpu.memref_squeeze %dma_start3A_211 : memref<1x128x16xf32, #tpu.memory_space<vmem>> -> memref<128x16xf32, #tpu.memory_space<vmem>>
    %dma_start3A_213 = arith.constant 256 : i32
    %dma_start3A_214 = tpu.memref_slice %arg10[%dma_start3A_207, %dma_start3A_213] : memref<3x640xi32, #tpu.memory_space<vmem>> -> memref<1x128xi32, #tpu.memory_space<vmem>>
    %dma_start3A_215 = tpu.memref_squeeze %dma_start3A_214 : memref<1x128xi32, #tpu.memory_space<vmem>> -> memref<128xi32, #tpu.memory_space<vmem>>
    %dma_start3A_216 = arith.constant 0 : i32
    %dma_start3A_217 = arith.constant 0 : i32
    %dma_start3A_218 = tpu.memref_slice %arg2[%dma_start3A_216, %dma_start3A_217] : memref<12500x16xf32, #tpu.memory_space<hbm>> -> memref<12500x16xf32, #tpu.memory_space<hbm>>
    tpu.enqueue_indirect_dma source(%dma_start3A_218 : memref<12500x16xf32, #tpu.memory_space<hbm>>) target(%dma_start3A_212 : memref<128x16xf32, #tpu.memory_space<vmem>>) offsets(%dma_start3A_215 : memref<128xi32, #tpu.memory_space<vmem>>) semaphore(%arg17 : memref<!tpu.dma_semaphore, #tpu.memory_space<semaphore_mem>>)
    %dma_start3A_219 = arith.constant 1 : i32
    %dma_start3A_220 = arith.constant 1 : i32
    %dma_start3A_221 = arith.constant 256 : i32
    %dma_start3A_222 = arith.constant 0 : i32
    %dma_start3A_223 = tpu.memref_slice %arg13[%dma_start3A_220, %dma_start3A_221, %dma_start3A_222] : memref<3x640x16xf32, #tpu.memory_space<vmem>> -> memref<1x128x16xf32, #tpu.memory_space<vmem>>
    %dma_start3A_224 = tpu.memref_squeeze %dma_start3A_223 : memref<1x128x16xf32, #tpu.memory_space<vmem>> -> memref<128x16xf32, #tpu.memory_space<vmem>>
    %dma_start3A_225 = arith.constant 256 : i32
    %dma_start3A_226 = tpu.memref_slice %arg11[%dma_start3A_219, %dma_start3A_225] : memref<3x640xi32, #tpu.memory_space<vmem>> -> memref<1x128xi32, #tpu.memory_space<vmem>>
    %dma_start3A_227 = tpu.memref_squeeze %dma_start3A_226 : memref<1x128xi32, #tpu.memory_space<vmem>> -> memref<128xi32, #tpu.memory_space<vmem>>
    %dma_start3A_228 = arith.constant 0 : i32
    %dma_start3A_229 = arith.constant 0 : i32
    %dma_start3A_230 = tpu.memref_slice %arg3[%dma_start3A_228, %dma_start3A_229] : memref<12500x16xf32, #tpu.memory_space<hbm>> -> memref<12500x16xf32, #tpu.memory_space<hbm>>
    tpu.enqueue_indirect_dma source(%dma_start3A_230 : memref<12500x16xf32, #tpu.memory_space<hbm>>) target(%dma_start3A_224 : memref<128x16xf32, #tpu.memory_space<vmem>>) offsets(%dma_start3A_227 : memref<128xi32, #tpu.memory_space<vmem>>) semaphore(%arg17 : memref<!tpu.dma_semaphore, #tpu.memory_space<semaphore_mem>>)
    %dma_start3A_231 = arith.constant 1 : i32
    %dma_start3A_232 = arith.constant 1 : i32
    %dma_start3A_233 = arith.constant 384 : i32
    %dma_start3A_234 = arith.constant 0 : i32
    %dma_start3A_235 = tpu.memref_slice %arg12[%dma_start3A_232, %dma_start3A_233, %dma_start3A_234] : memref<3x640x16xf32, #tpu.memory_space<vmem>> -> memref<1x128x16xf32, #tpu.memory_space<vmem>>
    %dma_start3A_236 = tpu.memref_squeeze %dma_start3A_235 : memref<1x128x16xf32, #tpu.memory_space<vmem>> -> memref<128x16xf32, #tpu.memory_space<vmem>>
    %dma_start3A_237 = arith.constant 384 : i32
    %dma_start3A_238 = tpu.memref_slice %arg10[%dma_start3A_231, %dma_start3A_237] : memref<3x640xi32, #tpu.memory_space<vmem>> -> memref<1x128xi32, #tpu.memory_space<vmem>>
    %dma_start3A_239 = tpu.memref_squeeze %dma_start3A_238 : memref<1x128xi32, #tpu.memory_space<vmem>> -> memref<128xi32, #tpu.memory_space<vmem>>
    %dma_start3A_240 = arith.constant 0 : i32
    %dma_start3A_241 = arith.constant 0 : i32
    %dma_start3A_242 = tpu.memref_slice %arg2[%dma_start3A_240, %dma_start3A_241] : memref<12500x16xf32, #tpu.memory_space<hbm>> -> memref<12500x16xf32, #tpu.memory_space<hbm>>
    tpu.enqueue_indirect_dma source(%dma_start3A_242 : memref<12500x16xf32, #tpu.memory_space<hbm>>) target(%dma_start3A_236 : memref<128x16xf32, #tpu.memory_space<vmem>>) offsets(%dma_start3A_239 : memref<128xi32, #tpu.memory_space<vmem>>) semaphore(%arg17 : memref<!tpu.dma_semaphore, #tpu.memory_space<semaphore_mem>>)
    %dma_start3A_243 = arith.constant 1 : i32
    %dma_start3A_244 = arith.constant 1 : i32
    %dma_start3A_245 = arith.constant 384 : i32
    %dma_start3A_246 = arith.constant 0 : i32
    %dma_start3A_247 = tpu.memref_slice %arg13[%dma_start3A_244, %dma_start3A_245, %dma_start3A_246] : memref<3x640x16xf32, #tpu.memory_space<vmem>> -> memref<1x128x16xf32, #tpu.memory_space<vmem>>
    %dma_start3A_248 = tpu.memref_squeeze %dma_start3A_247 : memref<1x128x16xf32, #tpu.memory_space<vmem>> -> memref<128x16xf32, #tpu.memory_space<vmem>>
    %dma_start3A_249 = arith.constant 384 : i32
    %dma_start3A_250 = tpu.memref_slice %arg11[%dma_start3A_243, %dma_start3A_249] : memref<3x640xi32, #tpu.memory_space<vmem>> -> memref<1x128xi32, #tpu.memory_space<vmem>>
    %dma_start3A_251 = tpu.memref_squeeze %dma_start3A_250 : memref<1x128xi32, #tpu.memory_space<vmem>> -> memref<128xi32, #tpu.memory_space<vmem>>
    %dma_start3A_252 = arith.constant 0 : i32
    %dma_start3A_253 = arith.constant 0 : i32
    %dma_start3A_254 = tpu.memref_slice %arg3[%dma_start3A_252, %dma_start3A_253] : memref<12500x16xf32, #tpu.memory_space<hbm>> -> memref<12500x16xf32, #tpu.memory_space<hbm>>
    tpu.enqueue_indirect_dma source(%dma_start3A_254 : memref<12500x16xf32, #tpu.memory_space<hbm>>) target(%dma_start3A_248 : memref<128x16xf32, #tpu.memory_space<vmem>>) offsets(%dma_start3A_251 : memref<128xi32, #tpu.memory_space<vmem>>) semaphore(%arg17 : memref<!tpu.dma_semaphore, #tpu.memory_space<semaphore_mem>>)
    %dma_start3A_255 = arith.constant 1 : i32
    %dma_start3A_256 = arith.constant 1 : i32
    %dma_start3A_257 = arith.constant 512 : i32
    %dma_start3A_258 = arith.constant 0 : i32
    %dma_start3A_259 = tpu.memref_slice %arg12[%dma_start3A_256, %dma_start3A_257, %dma_start3A_258] : memref<3x640x16xf32, #tpu.memory_space<vmem>> -> memref<1x128x16xf32, #tpu.memory_space<vmem>>
    %dma_start3A_260 = tpu.memref_squeeze %dma_start3A_259 : memref<1x128x16xf32, #tpu.memory_space<vmem>> -> memref<128x16xf32, #tpu.memory_space<vmem>>
    %dma_start3A_261 = arith.constant 512 : i32
    %dma_start3A_262 = tpu.memref_slice %arg10[%dma_start3A_255, %dma_start3A_261] : memref<3x640xi32, #tpu.memory_space<vmem>> -> memref<1x128xi32, #tpu.memory_space<vmem>>
    %dma_start3A_263 = tpu.memref_squeeze %dma_start3A_262 : memref<1x128xi32, #tpu.memory_space<vmem>> -> memref<128xi32, #tpu.memory_space<vmem>>
    %dma_start3A_264 = arith.constant 0 : i32
    %dma_start3A_265 = arith.constant 0 : i32
    %dma_start3A_266 = tpu.memref_slice %arg2[%dma_start3A_264, %dma_start3A_265] : memref<12500x16xf32, #tpu.memory_space<hbm>> -> memref<12500x16xf32, #tpu.memory_space<hbm>>
    tpu.enqueue_indirect_dma source(%dma_start3A_266 : memref<12500x16xf32, #tpu.memory_space<hbm>>) target(%dma_start3A_260 : memref<128x16xf32, #tpu.memory_space<vmem>>) offsets(%dma_start3A_263 : memref<128xi32, #tpu.memory_space<vmem>>) semaphore(%arg17 : memref<!tpu.dma_semaphore, #tpu.memory_space<semaphore_mem>>)
    %dma_start3A_267 = arith.constant 1 : i32
    %dma_start3A_268 = arith.constant 1 : i32
    %dma_start3A_269 = arith.constant 512 : i32
    %dma_start3A_270 = arith.constant 0 : i32
    %dma_start3A_271 = tpu.memref_slice %arg13[%dma_start3A_268, %dma_start3A_269, %dma_start3A_270] : memref<3x640x16xf32, #tpu.memory_space<vmem>> -> memref<1x128x16xf32, #tpu.memory_space<vmem>>
    %dma_start3A_272 = tpu.memref_squeeze %dma_start3A_271 : memref<1x128x16xf32, #tpu.memory_space<vmem>> -> memref<128x16xf32, #tpu.memory_space<vmem>>
    %dma_start3A_273 = arith.constant 512 : i32
    %dma_start3A_274 = tpu.memref_slice %arg11[%dma_start3A_267, %dma_start3A_273] : memref<3x640xi32, #tpu.memory_space<vmem>> -> memref<1x128xi32, #tpu.memory_space<vmem>>
    %dma_start3A_275 = tpu.memref_squeeze %dma_start3A_274 : memref<1x128xi32, #tpu.memory_space<vmem>> -> memref<128xi32, #tpu.memory_space<vmem>>
    %dma_start3A_276 = arith.constant 0 : i32
    %dma_start3A_277 = arith.constant 0 : i32
    %dma_start3A_278 = tpu.memref_slice %arg3[%dma_start3A_276, %dma_start3A_277] : memref<12500x16xf32, #tpu.memory_space<hbm>> -> memref<12500x16xf32, #tpu.memory_space<hbm>>
    tpu.enqueue_indirect_dma source(%dma_start3A_278 : memref<12500x16xf32, #tpu.memory_space<hbm>>) target(%dma_start3A_272 : memref<128x16xf32, #tpu.memory_space<vmem>>) offsets(%dma_start3A_275 : memref<128xi32, #tpu.memory_space<vmem>>) semaphore(%arg17 : memref<!tpu.dma_semaphore, #tpu.memory_space<semaphore_mem>>)
    %add3A_279 = arith.constant 2 : i32
    %add3A_280 = arith.addi %add3A_8, %add3A_279 : i32
    %mul3A_281 = arith.constant 640 : i32
    %mul3A_282 = arith.muli %add3A_280, %mul3A_281 : i32
    %dma_start3A_283 = arith.constant 2 : i32
    %dma_start3A_284 = arith.constant 0 : i32
    %dma_start3A_285 = tpu.memref_slice %arg8[%dma_start3A_283, %dma_start3A_284] : memref<3x640xi32, #tpu.memory_space<vmem>> -> memref<1x640xi32, #tpu.memory_space<vmem>>
    %dma_start3A_286 = tpu.memref_squeeze %dma_start3A_285 : memref<1x640xi32, #tpu.memory_space<vmem>> -> memref<640xi32, #tpu.memory_space<vmem>>
    %dma_start3A_287 = tpu.memref_slice %arg4[%mul3A_282] : memref<1600000xi32, #tpu.memory_space<hbm>> -> memref<640xi32, #tpu.memory_space<hbm>>
    %dma_start3A_288 = arith.constant 0 : i32
    %dma_start3A_289 = tpu.memref_slice %arg8[%dma_start3A_283, %dma_start3A_288] : memref<3x640xi32, #tpu.memory_space<vmem>> -> memref<1x640xi32, #tpu.memory_space<vmem>>
    %dma_start3A_290 = tpu.memref_squeeze %dma_start3A_289 : memref<1x640xi32, #tpu.memory_space<vmem>> -> memref<640xi32, #tpu.memory_space<vmem>>
    %dma_start3A_291 = tpu.memref_slice %arg4[%mul3A_282] : memref<1600000xi32, #tpu.memory_space<hbm>> -> memref<640xi32, #tpu.memory_space<hbm>>
    tpu.enqueue_dma source(%dma_start3A_291 : memref<640xi32, #tpu.memory_space<hbm>>) target(%dma_start3A_290 : memref<640xi32, #tpu.memory_space<vmem>>) target_semaphore(%arg19 : memref<!tpu.dma_semaphore, #tpu.memory_space<semaphore_mem>>)
    %mul3A_292 = arith.constant 640 : i32
    %mul3A_293 = arith.muli %add3A_280, %mul3A_292 : i32
    %dma_start3A_294 = arith.constant 2 : i32
    %dma_start3A_295 = arith.constant 0 : i32
    %dma_start3A_296 = tpu.memref_slice %arg9[%dma_start3A_294, %dma_start3A_295] : memref<3x640xi32, #tpu.memory_space<vmem>> -> memref<1x640xi32, #tpu.memory_space<vmem>>
    %dma_start3A_297 = tpu.memref_squeeze %dma_start3A_296 : memref<1x640xi32, #tpu.memory_space<vmem>> -> memref<640xi32, #tpu.memory_space<vmem>>
    %dma_start3A_298 = tpu.memref_slice %arg5[%mul3A_293] : memref<1600000xi32, #tpu.memory_space<hbm>> -> memref<640xi32, #tpu.memory_space<hbm>>
    %dma_start3A_299 = arith.constant 0 : i32
    %dma_start3A_300 = tpu.memref_slice %arg9[%dma_start3A_294, %dma_start3A_299] : memref<3x640xi32, #tpu.memory_space<vmem>> -> memref<1x640xi32, #tpu.memory_space<vmem>>
    %dma_start3A_301 = tpu.memref_squeeze %dma_start3A_300 : memref<1x640xi32, #tpu.memory_space<vmem>> -> memref<640xi32, #tpu.memory_space<vmem>>
    %dma_start3A_302 = tpu.memref_slice %arg5[%mul3A_293] : memref<1600000xi32, #tpu.memory_space<hbm>> -> memref<640xi32, #tpu.memory_space<hbm>>
    tpu.enqueue_dma source(%dma_start3A_302 : memref<640xi32, #tpu.memory_space<hbm>>) target(%dma_start3A_301 : memref<640xi32, #tpu.memory_space<vmem>>) target_semaphore(%arg19 : memref<!tpu.dma_semaphore, #tpu.memory_space<semaphore_mem>>)
    %while3A = arith.constant 0 : i32
    %while3A_303 = arith.constant 0 : i32
    %while3A_304 = arith.subi %add3A_4, %while3A_303 : i32
    %while3A_305 = arith.addi %while3A_303, %while3A_304 : i32
    %while3A_306 = arith.constant 1 : i32
    %while3A_307 = arith.divsi %while3A_304, %while3A_306 : i32
    %while3A_308 = arith.muli %while3A_307, %while3A_306 : i32
    %while3A_309 = arith.addi %while3A_303, %while3A_308 : i32
    %while3A_310 = arith.constant 1 : i32
    scf.for %while3A_333 = %while3A_303 to %while3A_309 step %while3A_310  : i32 {
      %rem3A = arith.constant 3 : i32
      %rem3A_334 = arith.remsi %while3A_333, %rem3A : i32
      %rem3A_335 = arith.constant 2 : i32
      %rem3A_336 = arith.remsi %while3A_333, %rem3A_335 : i32
      %add3A_337 = arith.constant 2 : i32
      %add3A_338 = arith.addi %while3A_333, %add3A_337 : i32
      %rem3A_339 = arith.constant 3 : i32
      %rem3A_340 = arith.remsi %add3A_338, %rem3A_339 : i32
      %add3A_341 = arith.constant 2 : i32
      %add3A_342 = arith.addi %while3A_333, %add3A_341 : i32
      %lt3A_343 = arith.cmpi slt, %add3A_342, %add3A_4 : i32
      %eq3A = arith.constant 0 : i32
      %eq3A_344 = arith.cmpi eq, %rem3A_340, %eq3A : i32
      %and3A = arith.andi %lt3A_343, %eq3A_344 : i1
      %convert_element_type3A = arith.extui %and3A : i1 to i32
      %cond3A = arith.constant 0 : i32
      %cond3A_345 = arith.cmpi ne, %convert_element_type3A, %cond3A : i32
      scf.if %cond3A_345 {
        %dma_wait3A_413 = arith.constant 0 : i32
        %dma_wait3A_414 = arith.constant 0 : i32
        %dma_wait3A_415 = tpu.memref_slice %arg8[%dma_wait3A_413, %dma_wait3A_414] : memref<3x640xi32, #tpu.memory_space<vmem>> -> memref<1x640xi32, #tpu.memory_space<vmem>>
        %dma_wait3A_416 = tpu.memref_squeeze %dma_wait3A_415 : memref<1x640xi32, #tpu.memory_space<vmem>> -> memref<640xi32, #tpu.memory_space<vmem>>
        %dma_wait3A_417 = arith.constant 0 : i32
        %dma_wait3A_418 = tpu.memref_slice %arg4[%dma_wait3A_417] : memref<1600000xi32, #tpu.memory_space<hbm>> -> memref<640xi32, #tpu.memory_space<hbm>>
        %dma_wait3A_419 = arith.constant 0 : i32
        %dma_wait3A_420 = tpu.memref_slice %arg8[%dma_wait3A_413, %dma_wait3A_419] : memref<3x640xi32, #tpu.memory_space<vmem>> -> memref<1x640xi32, #tpu.memory_space<vmem>>
        %dma_wait3A_421 = tpu.memref_squeeze %dma_wait3A_420 : memref<1x640xi32, #tpu.memory_space<vmem>> -> memref<640xi32, #tpu.memory_space<vmem>>
        %dma_wait3A_422 = arith.constant 0 : i32
        %dma_wait3A_423 = tpu.memref_slice %arg4[%dma_wait3A_422] : memref<1600000xi32, #tpu.memory_space<hbm>> -> memref<640xi32, #tpu.memory_space<hbm>>
        tpu.wait_dma2 semaphore(%arg19 : memref<!tpu.dma_semaphore, #tpu.memory_space<semaphore_mem>>) src(%dma_wait3A_423 : memref<640xi32, #tpu.memory_space<hbm>>) dst(%dma_wait3A_421 : memref<640xi32, #tpu.memory_space<vmem>>)
        %dma_wait3A_424 = arith.constant 0 : i32
        %dma_wait3A_425 = arith.constant 0 : i32
        %dma_wait3A_426 = tpu.memref_slice %arg9[%dma_wait3A_424, %dma_wait3A_425] : memref<3x640xi32, #tpu.memory_space<vmem>> -> memref<1x640xi32, #tpu.memory_space<vmem>>
        %dma_wait3A_427 = tpu.memref_squeeze %dma_wait3A_426 : memref<1x640xi32, #tpu.memory_space<vmem>> -> memref<640xi32, #tpu.memory_space<vmem>>
        %dma_wait3A_428 = arith.constant 0 : i32
        %dma_wait3A_429 = tpu.memref_slice %arg5[%dma_wait3A_428] : memref<1600000xi32, #tpu.memory_space<hbm>> -> memref<640xi32, #tpu.memory_space<hbm>>
        %dma_wait3A_430 = arith.constant 0 : i32
        %dma_wait3A_431 = tpu.memref_slice %arg9[%dma_wait3A_424, %dma_wait3A_430] : memref<3x640xi32, #tpu.memory_space<vmem>> -> memref<1x640xi32, #tpu.memory_space<vmem>>
        %dma_wait3A_432 = tpu.memref_squeeze %dma_wait3A_431 : memref<1x640xi32, #tpu.memory_space<vmem>> -> memref<640xi32, #tpu.memory_space<vmem>>
        %dma_wait3A_433 = arith.constant 0 : i32
        %dma_wait3A_434 = tpu.memref_slice %arg5[%dma_wait3A_433] : memref<1600000xi32, #tpu.memory_space<hbm>> -> memref<640xi32, #tpu.memory_space<hbm>>
        tpu.wait_dma2 semaphore(%arg19 : memref<!tpu.dma_semaphore, #tpu.memory_space<semaphore_mem>>) src(%dma_wait3A_434 : memref<640xi32, #tpu.memory_space<hbm>>) dst(%dma_wait3A_432 : memref<640xi32, #tpu.memory_space<vmem>>)
        %parallel_loop3A_435 = arith.constant 0 : i32
        %parallel_loop3A_436 = arith.constant 40 : i32
        %parallel_loop3A_437 = arith.constant 1 : i32
        scf.for %parallel_loop3A_558 = %parallel_loop3A_435 to %parallel_loop3A_436 step %parallel_loop3A_437  : i32 {
          %parallel_loop3A_559 = arith.constant 16 : i32
          %parallel_loop3A_560 = arith.muli %parallel_loop3A_558, %parallel_loop3A_559 : i32
          %parallel_loop3A_561 = arith.constant 0 : i32
          %parallel_loop3A_562 = arith.index_cast %parallel_loop3A_561 : i32 to index
          %parallel_loop3A_563 = arith.index_cast %parallel_loop3A_560 : i32 to index
          %parallel_loop3A_564 = tpu.vector_load %arg8[%parallel_loop3A_562, %parallel_loop3A_563] {strides = array<i32>} : memref<3x640xi32, #tpu.memory_space<vmem>>, vector<16xi32>,
          %parallel_loop3A_565 = arith.constant 2 : i32
          %parallel_loop3A_566 = vector.broadcast %parallel_loop3A_565 : i32 to vector<16xi32>
          %parallel_loop3A_567 = arith.shrui %parallel_loop3A_564, %parallel_loop3A_566 : vector<16xi32>
          %parallel_loop3A_568 = arith.constant 0 : i32
          %parallel_loop3A_569 = arith.index_cast %parallel_loop3A_568 : i32 to index
          %parallel_loop3A_570 = arith.index_cast %parallel_loop3A_560 : i32 to index
          %parallel_loop3A_571 = tpu.vector_load %arg10[%parallel_loop3A_569, %parallel_loop3A_570] {strides = array<i32>} : memref<3x640xi32, #tpu.memory_space<vmem>>, vector<16xi32>,
          tpu.vector_store %arg10[%parallel_loop3A_569, %parallel_loop3A_570], %parallel_loop3A_567 {strides = array<i32>} : memref<3x640xi32, #tpu.memory_space<vmem>>, vector<16xi32>,
          %parallel_loop3A_572 = arith.constant 0 : i32
          %parallel_loop3A_573 = arith.index_cast %parallel_loop3A_572 : i32 to index
          %parallel_loop3A_574 = arith.index_cast %parallel_loop3A_560 : i32 to index
          %parallel_loop3A_575 = tpu.vector_load %arg9[%parallel_loop3A_573, %parallel_loop3A_574] {strides = array<i32>} : memref<3x640xi32, #tpu.memory_space<vmem>>, vector<16xi32>,
          %parallel_loop3A_576 = arith.constant 2 : i32
          %parallel_loop3A_577 = vector.broadcast %parallel_loop3A_576 : i32 to vector<16xi32>
          %parallel_loop3A_578 = arith.shrui %parallel_loop3A_575, %parallel_loop3A_577 : vector<16xi32>
          %parallel_loop3A_579 = arith.constant 0 : i32
          %parallel_loop3A_580 = arith.index_cast %parallel_loop3A_579 : i32 to index
          %parallel_loop3A_581 = arith.index_cast %parallel_loop3A_560 : i32 to index
          %parallel_loop3A_582 = tpu.vector_load %arg11[%parallel_loop3A_580, %parallel_loop3A_581] {strides = array<i32>} : memref<3x640xi32, #tpu.memory_space<vmem>>, vector<16xi32>,
          tpu.vector_store %arg11[%parallel_loop3A_580, %parallel_loop3A_581], %parallel_loop3A_578 {strides = array<i32>} : memref<3x640xi32, #tpu.memory_space<vmem>>, vector<16xi32>,
        } {sc.loop_unroll_factor = 8 : i64, sc.parallel_access}
        %dma_start3A_438 = arith.constant 0 : i32
        %dma_start3A_439 = arith.constant 0 : i32
        %dma_start3A_440 = arith.constant 0 : i32
        %dma_start3A_441 = arith.constant 0 : i32
        %dma_start3A_442 = tpu.memref_slice %arg12[%dma_start3A_439, %dma_start3A_440, %dma_start3A_441] : memref<3x640x16xf32, #tpu.memory_space<vmem>> -> memref<1x128x16xf32, #tpu.memory_space<vmem>>
        %dma_start3A_443 = tpu.memref_squeeze %dma_start3A_442 : memref<1x128x16xf32, #tpu.memory_space<vmem>> -> memref<128x16xf32, #tpu.memory_space<vmem>>
        %dma_start3A_444 = arith.constant 0 : i32
        %dma_start3A_445 = tpu.memref_slice %arg10[%dma_start3A_438, %dma_start3A_444] : memref<3x640xi32, #tpu.memory_space<vmem>> -> memref<1x128xi32, #tpu.memory_space<vmem>>
        %dma_start3A_446 = tpu.memref_squeeze %dma_start3A_445 : memref<1x128xi32, #tpu.memory_space<vmem>> -> memref<128xi32, #tpu.memory_space<vmem>>
        %dma_start3A_447 = arith.constant 0 : i32
        %dma_start3A_448 = arith.constant 0 : i32
        %dma_start3A_449 = tpu.memref_slice %arg2[%dma_start3A_447, %dma_start3A_448] : memref<12500x16xf32, #tpu.memory_space<hbm>> -> memref<12500x16xf32, #tpu.memory_space<hbm>>
        tpu.enqueue_indirect_dma source(%dma_start3A_449 : memref<12500x16xf32, #tpu.memory_space<hbm>>) target(%dma_start3A_443 : memref<128x16xf32, #tpu.memory_space<vmem>>) offsets(%dma_start3A_446 : memref<128xi32, #tpu.memory_space<vmem>>) semaphore(%arg16 : memref<!tpu.dma_semaphore, #tpu.memory_space<semaphore_mem>>)
        %dma_start3A_450 = arith.constant 0 : i32
        %dma_start3A_451 = arith.constant 0 : i32
        %dma_start3A_452 = arith.constant 0 : i32
        %dma_start3A_453 = arith.constant 0 : i32
        %dma_start3A_454 = tpu.memref_slice %arg13[%dma_start3A_451, %dma_start3A_452, %dma_start3A_453] : memref<3x640x16xf32, #tpu.memory_space<vmem>> -> memref<1x128x16xf32, #tpu.memory_space<vmem>>
        %dma_start3A_455 = tpu.memref_squeeze %dma_start3A_454 : memref<1x128x16xf32, #tpu.memory_space<vmem>> -> memref<128x16xf32, #tpu.memory_space<vmem>>
        %dma_start3A_456 = arith.constant 0 : i32
        %dma_start3A_457 = tpu.memref_slice %arg11[%dma_start3A_450, %dma_start3A_456] : memref<3x640xi32, #tpu.memory_space<vmem>> -> memref<1x128xi32, #tpu.memory_space<vmem>>
        %dma_start3A_458 = tpu.memref_squeeze %dma_start3A_457 : memref<1x128xi32, #tpu.memory_space<vmem>> -> memref<128xi32, #tpu.memory_space<vmem>>
        %dma_start3A_459 = arith.constant 0 : i32
        %dma_start3A_460 = arith.constant 0 : i32
        %dma_start3A_461 = tpu.memref_slice %arg3[%dma_start3A_459, %dma_start3A_460] : memref<12500x16xf32, #tpu.memory_space<hbm>> -> memref<12500x16xf32, #tpu.memory_space<hbm>>
        tpu.enqueue_indirect_dma source(%dma_start3A_461 : memref<12500x16xf32, #tpu.memory_space<hbm>>) target(%dma_start3A_455 : memref<128x16xf32, #tpu.memory_space<vmem>>) offsets(%dma_start3A_458 : memref<128xi32, #tpu.memory_space<vmem>>) semaphore(%arg16 : memref<!tpu.dma_semaphore, #tpu.memory_space<semaphore_mem>>)
        %dma_start3A_462 = arith.constant 0 : i32
        %dma_start3A_463 = arith.constant 0 : i32
        %dma_start3A_464 = arith.constant 128 : i32
        %dma_start3A_465 = arith.constant 0 : i32
        %dma_start3A_466 = tpu.memref_slice %arg12[%dma_start3A_463, %dma_start3A_464, %dma_start3A_465] : memref<3x640x16xf32, #tpu.memory_space<vmem>> -> memref<1x128x16xf32, #tpu.memory_space<vmem>>
        %dma_start3A_467 = tpu.memref_squeeze %dma_start3A_466 : memref<1x128x16xf32, #tpu.memory_space<vmem>> -> memref<128x16xf32, #tpu.memory_space<vmem>>
        %dma_start3A_468 = arith.constant 128 : i32
        %dma_start3A_469 = tpu.memref_slice %arg10[%dma_start3A_462, %dma_start3A_468] : memref<3x640xi32, #tpu.memory_space<vmem>> -> memref<1x128xi32, #tpu.memory_space<vmem>>
        %dma_start3A_470 = tpu.memref_squeeze %dma_start3A_469 : memref<1x128xi32, #tpu.memory_space<vmem>> -> memref<128xi32, #tpu.memory_space<vmem>>
        %dma_start3A_471 = arith.constant 0 : i32
        %dma_start3A_472 = arith.constant 0 : i32
        %dma_start3A_473 = tpu.memref_slice %arg2[%dma_start3A_471, %dma_start3A_472] : memref<12500x16xf32, #tpu.memory_space<hbm>> -> memref<12500x16xf32, #tpu.memory_space<hbm>>
        tpu.enqueue_indirect_dma source(%dma_start3A_473 : memref<12500x16xf32, #tpu.memory_space<hbm>>) target(%dma_start3A_467 : memref<128x16xf32, #tpu.memory_space<vmem>>) offsets(%dma_start3A_470 : memref<128xi32, #tpu.memory_space<vmem>>) semaphore(%arg16 : memref<!tpu.dma_semaphore, #tpu.memory_space<semaphore_mem>>)
        %dma_start3A_474 = arith.constant 0 : i32
        %dma_start3A_475 = arith.constant 0 : i32
        %dma_start3A_476 = arith.constant 128 : i32
        %dma_start3A_477 = arith.constant 0 : i32
        %dma_start3A_478 = tpu.memref_slice %arg13[%dma_start3A_475, %dma_start3A_476, %dma_start3A_477] : memref<3x640x16xf32, #tpu.memory_space<vmem>> -> memref<1x128x16xf32, #tpu.memory_space<vmem>>
        %dma_start3A_479 = tpu.memref_squeeze %dma_start3A_478 : memref<1x128x16xf32, #tpu.memory_space<vmem>> -> memref<128x16xf32, #tpu.memory_space<vmem>>
        %dma_start3A_480 = arith.constant 128 : i32
        %dma_start3A_481 = tpu.memref_slice %arg11[%dma_start3A_474, %dma_start3A_480] : memref<3x640xi32, #tpu.memory_space<vmem>> -> memref<1x128xi32, #tpu.memory_space<vmem>>
        %dma_start3A_482 = tpu.memref_squeeze %dma_start3A_481 : memref<1x128xi32, #tpu.memory_space<vmem>> -> memref<128xi32, #tpu.memory_space<vmem>>
        %dma_start3A_483 = arith.constant 0 : i32
        %dma_start3A_484 = arith.constant 0 : i32
        %dma_start3A_485 = tpu.memref_slice %arg3[%dma_start3A_483, %dma_start3A_484] : memref<12500x16xf32, #tpu.memory_space<hbm>> -> memref<12500x16xf32, #tpu.memory_space<hbm>>
        tpu.enqueue_indirect_dma source(%dma_start3A_485 : memref<12500x16xf32, #tpu.memory_space<hbm>>) target(%dma_start3A_479 : memref<128x16xf32, #tpu.memory_space<vmem>>) offsets(%dma_start3A_482 : memref<128xi32, #tpu.memory_space<vmem>>) semaphore(%arg16 : memref<!tpu.dma_semaphore, #tpu.memory_space<semaphore_mem>>)
        %dma_start3A_486 = arith.constant 0 : i32
        %dma_start3A_487 = arith.constant 0 : i32
        %dma_start3A_488 = arith.constant 256 : i32
        %dma_start3A_489 = arith.constant 0 : i32
        %dma_start3A_490 = tpu.memref_slice %arg12[%dma_start3A_487, %dma_start3A_488, %dma_start3A_489] : memref<3x640x16xf32, #tpu.memory_space<vmem>> -> memref<1x128x16xf32, #tpu.memory_space<vmem>>
        %dma_start3A_491 = tpu.memref_squeeze %dma_start3A_490 : memref<1x128x16xf32, #tpu.memory_space<vmem>> -> memref<128x16xf32, #tpu.memory_space<vmem>>
        %dma_start3A_492 = arith.constant 256 : i32
        %dma_start3A_493 = tpu.memref_slice %arg10[%dma_start3A_486, %dma_start3A_492] : memref<3x640xi32, #tpu.memory_space<vmem>> -> memref<1x128xi32, #tpu.memory_space<vmem>>
        %dma_start3A_494 = tpu.memref_squeeze %dma_start3A_493 : memref<1x128xi32, #tpu.memory_space<vmem>> -> memref<128xi32, #tpu.memory_space<vmem>>
        %dma_start3A_495 = arith.constant 0 : i32
        %dma_start3A_496 = arith.constant 0 : i32
        %dma_start3A_497 = tpu.memref_slice %arg2[%dma_start3A_495, %dma_start3A_496] : memref<12500x16xf32, #tpu.memory_space<hbm>> -> memref<12500x16xf32, #tpu.memory_space<hbm>>
        tpu.enqueue_indirect_dma source(%dma_start3A_497 : memref<12500x16xf32, #tpu.memory_space<hbm>>) target(%dma_start3A_491 : memref<128x16xf32, #tpu.memory_space<vmem>>) offsets(%dma_start3A_494 : memref<128xi32, #tpu.memory_space<vmem>>) semaphore(%arg16 : memref<!tpu.dma_semaphore, #tpu.memory_space<semaphore_mem>>)
        %dma_start3A_498 = arith.constant 0 : i32
        %dma_start3A_499 = arith.constant 0 : i32
        %dma_start3A_500 = arith.constant 256 : i32
        %dma_start3A_501 = arith.constant 0 : i32
        %dma_start3A_502 = tpu.memref_slice %arg13[%dma_start3A_499, %dma_start3A_500, %dma_start3A_501] : memref<3x640x16xf32, #tpu.memory_space<vmem>> -> memref<1x128x16xf32, #tpu.memory_space<vmem>>
        %dma_start3A_503 = tpu.memref_squeeze %dma_start3A_502 : memref<1x128x16xf32, #tpu.memory_space<vmem>> -> memref<128x16xf32, #tpu.memory_space<vmem>>
        %dma_start3A_504 = arith.constant 256 : i32
        %dma_start3A_505 = tpu.memref_slice %arg11[%dma_start3A_498, %dma_start3A_504] : memref<3x640xi32, #tpu.memory_space<vmem>> -> memref<1x128xi32, #tpu.memory_space<vmem>>
        %dma_start3A_506 = tpu.memref_squeeze %dma_start3A_505 : memref<1x128xi32, #tpu.memory_space<vmem>> -> memref<128xi32, #tpu.memory_space<vmem>>
        %dma_start3A_507 = arith.constant 0 : i32
        %dma_start3A_508 = arith.constant 0 : i32
        %dma_start3A_509 = tpu.memref_slice %arg3[%dma_start3A_507, %dma_start3A_508] : memref<12500x16xf32, #tpu.memory_space<hbm>> -> memref<12500x16xf32, #tpu.memory_space<hbm>>
        tpu.enqueue_indirect_dma source(%dma_start3A_509 : memref<12500x16xf32, #tpu.memory_space<hbm>>) target(%dma_start3A_503 : memref<128x16xf32, #tpu.memory_space<vmem>>) offsets(%dma_start3A_506 : memref<128xi32, #tpu.memory_space<vmem>>) semaphore(%arg16 : memref<!tpu.dma_semaphore, #tpu.memory_space<semaphore_mem>>)
        %dma_start3A_510 = arith.constant 0 : i32
        %dma_start3A_511 = arith.constant 0 : i32
        %dma_start3A_512 = arith.constant 384 : i32
        %dma_start3A_513 = arith.constant 0 : i32
        %dma_start3A_514 = tpu.memref_slice %arg12[%dma_start3A_511, %dma_start3A_512, %dma_start3A_513] : memref<3x640x16xf32, #tpu.memory_space<vmem>> -> memref<1x128x16xf32, #tpu.memory_space<vmem>>
        %dma_start3A_515 = tpu.memref_squeeze %dma_start3A_514 : memref<1x128x16xf32, #tpu.memory_space<vmem>> -> memref<128x16xf32, #tpu.memory_space<vmem>>
        %dma_start3A_516 = arith.constant 384 : i32
        %dma_start3A_517 = tpu.memref_slice %arg10[%dma_start3A_510, %dma_start3A_516] : memref<3x640xi32, #tpu.memory_space<vmem>> -> memref<1x128xi32, #tpu.memory_space<vmem>>
        %dma_start3A_518 = tpu.memref_squeeze %dma_start3A_517 : memref<1x128xi32, #tpu.memory_space<vmem>> -> memref<128xi32, #tpu.memory_space<vmem>>
        %dma_start3A_519 = arith.constant 0 : i32
        %dma_start3A_520 = arith.constant 0 : i32
        %dma_start3A_521 = tpu.memref_slice %arg2[%dma_start3A_519, %dma_start3A_520] : memref<12500x16xf32, #tpu.memory_space<hbm>> -> memref<12500x16xf32, #tpu.memory_space<hbm>>
        tpu.enqueue_indirect_dma source(%dma_start3A_521 : memref<12500x16xf32, #tpu.memory_space<hbm>>) target(%dma_start3A_515 : memref<128x16xf32, #tpu.memory_space<vmem>>) offsets(%dma_start3A_518 : memref<128xi32, #tpu.memory_space<vmem>>) semaphore(%arg16 : memref<!tpu.dma_semaphore, #tpu.memory_space<semaphore_mem>>)
        %dma_start3A_522 = arith.constant 0 : i32
        %dma_start3A_523 = arith.constant 0 : i32
        %dma_start3A_524 = arith.constant 384 : i32
        %dma_start3A_525 = arith.constant 0 : i32
        %dma_start3A_526 = tpu.memref_slice %arg13[%dma_start3A_523, %dma_start3A_524, %dma_start3A_525] : memref<3x640x16xf32, #tpu.memory_space<vmem>> -> memref<1x128x16xf32, #tpu.memory_space<vmem>>
        %dma_start3A_527 = tpu.memref_squeeze %dma_start3A_526 : memref<1x128x16xf32, #tpu.memory_space<vmem>> -> memref<128x16xf32, #tpu.memory_space<vmem>>
        %dma_start3A_528 = arith.constant 384 : i32
        %dma_start3A_529 = tpu.memref_slice %arg11[%dma_start3A_522, %dma_start3A_528] : memref<3x640xi32, #tpu.memory_space<vmem>> -> memref<1x128xi32, #tpu.memory_space<vmem>>
        %dma_start3A_530 = tpu.memref_squeeze %dma_start3A_529 : memref<1x128xi32, #tpu.memory_space<vmem>> -> memref<128xi32, #tpu.memory_space<vmem>>
        %dma_start3A_531 = arith.constant 0 : i32
        %dma_start3A_532 = arith.constant 0 : i32
        %dma_start3A_533 = tpu.memref_slice %arg3[%dma_start3A_531, %dma_start3A_532] : memref<12500x16xf32, #tpu.memory_space<hbm>> -> memref<12500x16xf32, #tpu.memory_space<hbm>>
        tpu.enqueue_indirect_dma source(%dma_start3A_533 : memref<12500x16xf32, #tpu.memory_space<hbm>>) target(%dma_start3A_527 : memref<128x16xf32, #tpu.memory_space<vmem>>) offsets(%dma_start3A_530 : memref<128xi32, #tpu.memory_space<vmem>>) semaphore(%arg16 : memref<!tpu.dma_semaphore, #tpu.memory_space<semaphore_mem>>)
        %dma_start3A_534 = arith.constant 0 : i32
        %dma_start3A_535 = arith.constant 0 : i32
        %dma_start3A_536 = arith.constant 512 : i32
        %dma_start3A_537 = arith.constant 0 : i32
        %dma_start3A_538 = tpu.memref_slice %arg12[%dma_start3A_535, %dma_start3A_536, %dma_start3A_537] : memref<3x640x16xf32, #tpu.memory_space<vmem>> -> memref<1x128x16xf32, #tpu.memory_space<vmem>>
        %dma_start3A_539 = tpu.memref_squeeze %dma_start3A_538 : memref<1x128x16xf32, #tpu.memory_space<vmem>> -> memref<128x16xf32, #tpu.memory_space<vmem>>
        %dma_start3A_540 = arith.constant 512 : i32
        %dma_start3A_541 = tpu.memref_slice %arg10[%dma_start3A_534, %dma_start3A_540] : memref<3x640xi32, #tpu.memory_space<vmem>> -> memref<1x128xi32, #tpu.memory_space<vmem>>
        %dma_start3A_542 = tpu.memref_squeeze %dma_start3A_541 : memref<1x128xi32, #tpu.memory_space<vmem>> -> memref<128xi32, #tpu.memory_space<vmem>>
        %dma_start3A_543 = arith.constant 0 : i32
        %dma_start3A_544 = arith.constant 0 : i32
        %dma_start3A_545 = tpu.memref_slice %arg2[%dma_start3A_543, %dma_start3A_544] : memref<12500x16xf32, #tpu.memory_space<hbm>> -> memref<12500x16xf32, #tpu.memory_space<hbm>>
        tpu.enqueue_indirect_dma source(%dma_start3A_545 : memref<12500x16xf32, #tpu.memory_space<hbm>>) target(%dma_start3A_539 : memref<128x16xf32, #tpu.memory_space<vmem>>) offsets(%dma_start3A_542 : memref<128xi32, #tpu.memory_space<vmem>>) semaphore(%arg16 : memref<!tpu.dma_semaphore, #tpu.memory_space<semaphore_mem>>)
        %dma_start3A_546 = arith.constant 0 : i32
        %dma_start3A_547 = arith.constant 0 : i32
        %dma_start3A_548 = arith.constant 512 : i32
        %dma_start3A_549 = arith.constant 0 : i32
        %dma_start3A_550 = tpu.memref_slice %arg13[%dma_start3A_547, %dma_start3A_548, %dma_start3A_549] : memref<3x640x16xf32, #tpu.memory_space<vmem>> -> memref<1x128x16xf32, #tpu.memory_space<vmem>>
        %dma_start3A_551 = tpu.memref_squeeze %dma_start3A_550 : memref<1x128x16xf32, #tpu.memory_space<vmem>> -> memref<128x16xf32, #tpu.memory_space<vmem>>
        %dma_start3A_552 = arith.constant 512 : i32
        %dma_start3A_553 = tpu.memref_slice %arg11[%dma_start3A_546, %dma_start3A_552] : memref<3x640xi32, #tpu.memory_space<vmem>> -> memref<1x128xi32, #tpu.memory_space<vmem>>
        %dma_start3A_554 = tpu.memref_squeeze %dma_start3A_553 : memref<1x128xi32, #tpu.memory_space<vmem>> -> memref<128xi32, #tpu.memory_space<vmem>>
        %dma_start3A_555 = arith.constant 0 : i32
        %dma_start3A_556 = arith.constant 0 : i32
        %dma_start3A_557 = tpu.memref_slice %arg3[%dma_start3A_555, %dma_start3A_556] : memref<12500x16xf32, #tpu.memory_space<hbm>> -> memref<12500x16xf32, #tpu.memory_space<hbm>>
        tpu.enqueue_indirect_dma source(%dma_start3A_557 : memref<12500x16xf32, #tpu.memory_space<hbm>>) target(%dma_start3A_551 : memref<128x16xf32, #tpu.memory_space<vmem>>) offsets(%dma_start3A_554 : memref<128xi32, #tpu.memory_space<vmem>>) semaphore(%arg16 : memref<!tpu.dma_semaphore, #tpu.memory_space<semaphore_mem>>)
      } else {
      }
      %add3A_346 = arith.constant 2 : i32
      %add3A_347 = arith.addi %while3A_333, %add3A_346 : i32
      %lt3A_348 = arith.cmpi slt, %add3A_347, %add3A_4 : i32
      %eq3A_349 = arith.constant 1 : i32
      %eq3A_350 = arith.cmpi eq, %rem3A_340, %eq3A_349 : i32
      %and3A_351 = arith.andi %lt3A_348, %eq3A_350 : i1
      %convert_element_type3A_352 = arith.extui %and3A_351 : i1 to i32
      %cond3A_353 = arith.constant 0 : i32
      %cond3A_354 = arith.cmpi ne, %convert_element_type3A_352, %cond3A_353 : i32
      scf.if %cond3A_354 {
        %dma_wait3A_413 = arith.constant 1 : i32
        %dma_wait3A_414 = arith.constant 0 : i32
        %dma_wait3A_415 = tpu.memref_slice %arg8[%dma_wait3A_413, %dma_wait3A_414] : memref<3x640xi32, #tpu.memory_space<vmem>> -> memref<1x640xi32, #tpu.memory_space<vmem>>
        %dma_wait3A_416 = tpu.memref_squeeze %dma_wait3A_415 : memref<1x640xi32, #tpu.memory_space<vmem>> -> memref<640xi32, #tpu.memory_space<vmem>>
        %dma_wait3A_417 = arith.constant 0 : i32
        %dma_wait3A_418 = tpu.memref_slice %arg4[%dma_wait3A_417] : memref<1600000xi32, #tpu.memory_space<hbm>> -> memref<640xi32, #tpu.memory_space<hbm>>
        %dma_wait3A_419 = arith.constant 0 : i32
        %dma_wait3A_420 = tpu.memref_slice %arg8[%dma_wait3A_413, %dma_wait3A_419] : memref<3x640xi32, #tpu.memory_space<vmem>> -> memref<1x640xi32, #tpu.memory_space<vmem>>
        %dma_wait3A_421 = tpu.memref_squeeze %dma_wait3A_420 : memref<1x640xi32, #tpu.memory_space<vmem>> -> memref<640xi32, #tpu.memory_space<vmem>>
        %dma_wait3A_422 = arith.constant 0 : i32
        %dma_wait3A_423 = tpu.memref_slice %arg4[%dma_wait3A_422] : memref<1600000xi32, #tpu.memory_space<hbm>> -> memref<640xi32, #tpu.memory_space<hbm>>
        tpu.wait_dma2 semaphore(%arg19 : memref<!tpu.dma_semaphore, #tpu.memory_space<semaphore_mem>>) src(%dma_wait3A_423 : memref<640xi32, #tpu.memory_space<hbm>>) dst(%dma_wait3A_421 : memref<640xi32, #tpu.memory_space<vmem>>)
        %dma_wait3A_424 = arith.constant 1 : i32
        %dma_wait3A_425 = arith.constant 0 : i32
        %dma_wait3A_426 = tpu.memref_slice %arg9[%dma_wait3A_424, %dma_wait3A_425] : memref<3x640xi32, #tpu.memory_space<vmem>> -> memref<1x640xi32, #tpu.memory_space<vmem>>
        %dma_wait3A_427 = tpu.memref_squeeze %dma_wait3A_426 : memref<1x640xi32, #tpu.memory_space<vmem>> -> memref<640xi32, #tpu.memory_space<vmem>>
        %dma_wait3A_428 = arith.constant 0 : i32
        %dma_wait3A_429 = tpu.memref_slice %arg5[%dma_wait3A_428] : memref<1600000xi32, #tpu.memory_space<hbm>> -> memref<640xi32, #tpu.memory_space<hbm>>
        %dma_wait3A_430 = arith.constant 0 : i32
        %dma_wait3A_431 = tpu.memref_slice %arg9[%dma_wait3A_424, %dma_wait3A_430] : memref<3x640xi32, #tpu.memory_space<vmem>> -> memref<1x640xi32, #tpu.memory_space<vmem>>
        %dma_wait3A_432 = tpu.memref_squeeze %dma_wait3A_431 : memref<1x640xi32, #tpu.memory_space<vmem>> -> memref<640xi32, #tpu.memory_space<vmem>>
        %dma_wait3A_433 = arith.constant 0 : i32
        %dma_wait3A_434 = tpu.memref_slice %arg5[%dma_wait3A_433] : memref<1600000xi32, #tpu.memory_space<hbm>> -> memref<640xi32, #tpu.memory_space<hbm>>
        tpu.wait_dma2 semaphore(%arg19 : memref<!tpu.dma_semaphore, #tpu.memory_space<semaphore_mem>>) src(%dma_wait3A_434 : memref<640xi32, #tpu.memory_space<hbm>>) dst(%dma_wait3A_432 : memref<640xi32, #tpu.memory_space<vmem>>)
        %parallel_loop3A_435 = arith.constant 0 : i32
        %parallel_loop3A_436 = arith.constant 40 : i32
        %parallel_loop3A_437 = arith.constant 1 : i32
        scf.for %parallel_loop3A_558 = %parallel_loop3A_435 to %parallel_loop3A_436 step %parallel_loop3A_437  : i32 {
          %parallel_loop3A_559 = arith.constant 16 : i32
          %parallel_loop3A_560 = arith.muli %parallel_loop3A_558, %parallel_loop3A_559 : i32
          %parallel_loop3A_561 = arith.constant 1 : i32
          %parallel_loop3A_562 = arith.index_cast %parallel_loop3A_561 : i32 to index
          %parallel_loop3A_563 = arith.index_cast %parallel_loop3A_560 : i32 to index
          %parallel_loop3A_564 = tpu.vector_load %arg8[%parallel_loop3A_562, %parallel_loop3A_563] {strides = array<i32>} : memref<3x640xi32, #tpu.memory_space<vmem>>, vector<16xi32>,
          %parallel_loop3A_565 = arith.constant 2 : i32
          %parallel_loop3A_566 = vector.broadcast %parallel_loop3A_565 : i32 to vector<16xi32>
          %parallel_loop3A_567 = arith.shrui %parallel_loop3A_564, %parallel_loop3A_566 : vector<16xi32>
          %parallel_loop3A_568 = arith.constant 1 : i32
          %parallel_loop3A_569 = arith.index_cast %parallel_loop3A_568 : i32 to index
          %parallel_loop3A_570 = arith.index_cast %parallel_loop3A_560 : i32 to index
          %parallel_loop3A_571 = tpu.vector_load %arg10[%parallel_loop3A_569, %parallel_loop3A_570] {strides = array<i32>} : memref<3x640xi32, #tpu.memory_space<vmem>>, vector<16xi32>,
          tpu.vector_store %arg10[%parallel_loop3A_569, %parallel_loop3A_570], %parallel_loop3A_567 {strides = array<i32>} : memref<3x640xi32, #tpu.memory_space<vmem>>, vector<16xi32>,
          %parallel_loop3A_572 = arith.constant 1 : i32
          %parallel_loop3A_573 = arith.index_cast %parallel_loop3A_572 : i32 to index
          %parallel_loop3A_574 = arith.index_cast %parallel_loop3A_560 : i32 to index
          %parallel_loop3A_575 = tpu.vector_load %arg9[%parallel_loop3A_573, %parallel_loop3A_574] {strides = array<i32>} : memref<3x640xi32, #tpu.memory_space<vmem>>, vector<16xi32>,
          %parallel_loop3A_576 = arith.constant 2 : i32
          %parallel_loop3A_577 = vector.broadcast %parallel_loop3A_576 : i32 to vector<16xi32>
          %parallel_loop3A_578 = arith.shrui %parallel_loop3A_575, %parallel_loop3A_577 : vector<16xi32>
          %parallel_loop3A_579 = arith.constant 1 : i32
          %parallel_loop3A_580 = arith.index_cast %parallel_loop3A_579 : i32 to index
          %parallel_loop3A_581 = arith.index_cast %parallel_loop3A_560 : i32 to index
          %parallel_loop3A_582 = tpu.vector_load %arg11[%parallel_loop3A_580, %parallel_loop3A_581] {strides = array<i32>} : memref<3x640xi32, #tpu.memory_space<vmem>>, vector<16xi32>,
          tpu.vector_store %arg11[%parallel_loop3A_580, %parallel_loop3A_581], %parallel_loop3A_578 {strides = array<i32>} : memref<3x640xi32, #tpu.memory_space<vmem>>, vector<16xi32>,
        } {sc.loop_unroll_factor = 8 : i64, sc.parallel_access}
        %dma_start3A_438 = arith.constant 1 : i32
        %dma_start3A_439 = arith.constant 1 : i32
        %dma_start3A_440 = arith.constant 0 : i32
        %dma_start3A_441 = arith.constant 0 : i32
        %dma_start3A_442 = tpu.memref_slice %arg12[%dma_start3A_439, %dma_start3A_440, %dma_start3A_441] : memref<3x640x16xf32, #tpu.memory_space<vmem>> -> memref<1x128x16xf32, #tpu.memory_space<vmem>>
        %dma_start3A_443 = tpu.memref_squeeze %dma_start3A_442 : memref<1x128x16xf32, #tpu.memory_space<vmem>> -> memref<128x16xf32, #tpu.memory_space<vmem>>
        %dma_start3A_444 = arith.constant 0 : i32
        %dma_start3A_445 = tpu.memref_slice %arg10[%dma_start3A_438, %dma_start3A_444] : memref<3x640xi32, #tpu.memory_space<vmem>> -> memref<1x128xi32, #tpu.memory_space<vmem>>
        %dma_start3A_446 = tpu.memref_squeeze %dma_start3A_445 : memref<1x128xi32, #tpu.memory_space<vmem>> -> memref<128xi32, #tpu.memory_space<vmem>>
        %dma_start3A_447 = arith.constant 0 : i32
        %dma_start3A_448 = arith.constant 0 : i32
        %dma_start3A_449 = tpu.memref_slice %arg2[%dma_start3A_447, %dma_start3A_448] : memref<12500x16xf32, #tpu.memory_space<hbm>> -> memref<12500x16xf32, #tpu.memory_space<hbm>>
        tpu.enqueue_indirect_dma source(%dma_start3A_449 : memref<12500x16xf32, #tpu.memory_space<hbm>>) target(%dma_start3A_443 : memref<128x16xf32, #tpu.memory_space<vmem>>) offsets(%dma_start3A_446 : memref<128xi32, #tpu.memory_space<vmem>>) semaphore(%arg17 : memref<!tpu.dma_semaphore, #tpu.memory_space<semaphore_mem>>)
        %dma_start3A_450 = arith.constant 1 : i32
        %dma_start3A_451 = arith.constant 1 : i32
        %dma_start3A_452 = arith.constant 0 : i32
        %dma_start3A_453 = arith.constant 0 : i32
        %dma_start3A_454 = tpu.memref_slice %arg13[%dma_start3A_451, %dma_start3A_452, %dma_start3A_453] : memref<3x640x16xf32, #tpu.memory_space<vmem>> -> memref<1x128x16xf32, #tpu.memory_space<vmem>>
        %dma_start3A_455 = tpu.memref_squeeze %dma_start3A_454 : memref<1x128x16xf32, #tpu.memory_space<vmem>> -> memref<128x16xf32, #tpu.memory_space<vmem>>
        %dma_start3A_456 = arith.constant 0 : i32
        %dma_start3A_457 = tpu.memref_slice %arg11[%dma_start3A_450, %dma_start3A_456] : memref<3x640xi32, #tpu.memory_space<vmem>> -> memref<1x128xi32, #tpu.memory_space<vmem>>
        %dma_start3A_458 = tpu.memref_squeeze %dma_start3A_457 : memref<1x128xi32, #tpu.memory_space<vmem>> -> memref<128xi32, #tpu.memory_space<vmem>>
        %dma_start3A_459 = arith.constant 0 : i32
        %dma_start3A_460 = arith.constant 0 : i32
        %dma_start3A_461 = tpu.memref_slice %arg3[%dma_start3A_459, %dma_start3A_460] : memref<12500x16xf32, #tpu.memory_space<hbm>> -> memref<12500x16xf32, #tpu.memory_space<hbm>>
        tpu.enqueue_indirect_dma source(%dma_start3A_461 : memref<12500x16xf32, #tpu.memory_space<hbm>>) target(%dma_start3A_455 : memref<128x16xf32, #tpu.memory_space<vmem>>) offsets(%dma_start3A_458 : memref<128xi32, #tpu.memory_space<vmem>>) semaphore(%arg17 : memref<!tpu.dma_semaphore, #tpu.memory_space<semaphore_mem>>)
        %dma_start3A_462 = arith.constant 1 : i32
        %dma_start3A_463 = arith.constant 1 : i32
        %dma_start3A_464 = arith.constant 128 : i32
        %dma_start3A_465 = arith.constant 0 : i32
        %dma_start3A_466 = tpu.memref_slice %arg12[%dma_start3A_463, %dma_start3A_464, %dma_start3A_465] : memref<3x640x16xf32, #tpu.memory_space<vmem>> -> memref<1x128x16xf32, #tpu.memory_space<vmem>>
        %dma_start3A_467 = tpu.memref_squeeze %dma_start3A_466 : memref<1x128x16xf32, #tpu.memory_space<vmem>> -> memref<128x16xf32, #tpu.memory_space<vmem>>
        %dma_start3A_468 = arith.constant 128 : i32
        %dma_start3A_469 = tpu.memref_slice %arg10[%dma_start3A_462, %dma_start3A_468] : memref<3x640xi32, #tpu.memory_space<vmem>> -> memref<1x128xi32, #tpu.memory_space<vmem>>
        %dma_start3A_470 = tpu.memref_squeeze %dma_start3A_469 : memref<1x128xi32, #tpu.memory_space<vmem>> -> memref<128xi32, #tpu.memory_space<vmem>>
        %dma_start3A_471 = arith.constant 0 : i32
        %dma_start3A_472 = arith.constant 0 : i32
        %dma_start3A_473 = tpu.memref_slice %arg2[%dma_start3A_471, %dma_start3A_472] : memref<12500x16xf32, #tpu.memory_space<hbm>> -> memref<12500x16xf32, #tpu.memory_space<hbm>>
        tpu.enqueue_indirect_dma source(%dma_start3A_473 : memref<12500x16xf32, #tpu.memory_space<hbm>>) target(%dma_start3A_467 : memref<128x16xf32, #tpu.memory_space<vmem>>) offsets(%dma_start3A_470 : memref<128xi32, #tpu.memory_space<vmem>>) semaphore(%arg17 : memref<!tpu.dma_semaphore, #tpu.memory_space<semaphore_mem>>)
        %dma_start3A_474 = arith.constant 1 : i32
        %dma_start3A_475 = arith.constant 1 : i32
        %dma_start3A_476 = arith.constant 128 : i32
        %dma_start3A_477 = arith.constant 0 : i32
        %dma_start3A_478 = tpu.memref_slice %arg13[%dma_start3A_475, %dma_start3A_476, %dma_start3A_477] : memref<3x640x16xf32, #tpu.memory_space<vmem>> -> memref<1x128x16xf32, #tpu.memory_space<vmem>>
        %dma_start3A_479 = tpu.memref_squeeze %dma_start3A_478 : memref<1x128x16xf32, #tpu.memory_space<vmem>> -> memref<128x16xf32, #tpu.memory_space<vmem>>
        %dma_start3A_480 = arith.constant 128 : i32
        %dma_start3A_481 = tpu.memref_slice %arg11[%dma_start3A_474, %dma_start3A_480] : memref<3x640xi32, #tpu.memory_space<vmem>> -> memref<1x128xi32, #tpu.memory_space<vmem>>
        %dma_start3A_482 = tpu.memref_squeeze %dma_start3A_481 : memref<1x128xi32, #tpu.memory_space<vmem>> -> memref<128xi32, #tpu.memory_space<vmem>>
        %dma_start3A_483 = arith.constant 0 : i32
        %dma_start3A_484 = arith.constant 0 : i32
        %dma_start3A_485 = tpu.memref_slice %arg3[%dma_start3A_483, %dma_start3A_484] : memref<12500x16xf32, #tpu.memory_space<hbm>> -> memref<12500x16xf32, #tpu.memory_space<hbm>>
        tpu.enqueue_indirect_dma source(%dma_start3A_485 : memref<12500x16xf32, #tpu.memory_space<hbm>>) target(%dma_start3A_479 : memref<128x16xf32, #tpu.memory_space<vmem>>) offsets(%dma_start3A_482 : memref<128xi32, #tpu.memory_space<vmem>>) semaphore(%arg17 : memref<!tpu.dma_semaphore, #tpu.memory_space<semaphore_mem>>)
        %dma_start3A_486 = arith.constant 1 : i32
        %dma_start3A_487 = arith.constant 1 : i32
        %dma_start3A_488 = arith.constant 256 : i32
        %dma_start3A_489 = arith.constant 0 : i32
        %dma_start3A_490 = tpu.memref_slice %arg12[%dma_start3A_487, %dma_start3A_488, %dma_start3A_489] : memref<3x640x16xf32, #tpu.memory_space<vmem>> -> memref<1x128x16xf32, #tpu.memory_space<vmem>>
        %dma_start3A_491 = tpu.memref_squeeze %dma_start3A_490 : memref<1x128x16xf32, #tpu.memory_space<vmem>> -> memref<128x16xf32, #tpu.memory_space<vmem>>
        %dma_start3A_492 = arith.constant 256 : i32
        %dma_start3A_493 = tpu.memref_slice %arg10[%dma_start3A_486, %dma_start3A_492] : memref<3x640xi32, #tpu.memory_space<vmem>> -> memref<1x128xi32, #tpu.memory_space<vmem>>
        %dma_start3A_494 = tpu.memref_squeeze %dma_start3A_493 : memref<1x128xi32, #tpu.memory_space<vmem>> -> memref<128xi32, #tpu.memory_space<vmem>>
        %dma_start3A_495 = arith.constant 0 : i32
        %dma_start3A_496 = arith.constant 0 : i32
        %dma_start3A_497 = tpu.memref_slice %arg2[%dma_start3A_495, %dma_start3A_496] : memref<12500x16xf32, #tpu.memory_space<hbm>> -> memref<12500x16xf32, #tpu.memory_space<hbm>>
        tpu.enqueue_indirect_dma source(%dma_start3A_497 : memref<12500x16xf32, #tpu.memory_space<hbm>>) target(%dma_start3A_491 : memref<128x16xf32, #tpu.memory_space<vmem>>) offsets(%dma_start3A_494 : memref<128xi32, #tpu.memory_space<vmem>>) semaphore(%arg17 : memref<!tpu.dma_semaphore, #tpu.memory_space<semaphore_mem>>)
        %dma_start3A_498 = arith.constant 1 : i32
        %dma_start3A_499 = arith.constant 1 : i32
        %dma_start3A_500 = arith.constant 256 : i32
        %dma_start3A_501 = arith.constant 0 : i32
        %dma_start3A_502 = tpu.memref_slice %arg13[%dma_start3A_499, %dma_start3A_500, %dma_start3A_501] : memref<3x640x16xf32, #tpu.memory_space<vmem>> -> memref<1x128x16xf32, #tpu.memory_space<vmem>>
        %dma_start3A_503 = tpu.memref_squeeze %dma_start3A_502 : memref<1x128x16xf32, #tpu.memory_space<vmem>> -> memref<128x16xf32, #tpu.memory_space<vmem>>
        %dma_start3A_504 = arith.constant 256 : i32
        %dma_start3A_505 = tpu.memref_slice %arg11[%dma_start3A_498, %dma_start3A_504] : memref<3x640xi32, #tpu.memory_space<vmem>> -> memref<1x128xi32, #tpu.memory_space<vmem>>
        %dma_start3A_506 = tpu.memref_squeeze %dma_start3A_505 : memref<1x128xi32, #tpu.memory_space<vmem>> -> memref<128xi32, #tpu.memory_space<vmem>>
        %dma_start3A_507 = arith.constant 0 : i32
        %dma_start3A_508 = arith.constant 0 : i32
        %dma_start3A_509 = tpu.memref_slice %arg3[%dma_start3A_507, %dma_start3A_508] : memref<12500x16xf32, #tpu.memory_space<hbm>> -> memref<12500x16xf32, #tpu.memory_space<hbm>>
        tpu.enqueue_indirect_dma source(%dma_start3A_509 : memref<12500x16xf32, #tpu.memory_space<hbm>>) target(%dma_start3A_503 : memref<128x16xf32, #tpu.memory_space<vmem>>) offsets(%dma_start3A_506 : memref<128xi32, #tpu.memory_space<vmem>>) semaphore(%arg17 : memref<!tpu.dma_semaphore, #tpu.memory_space<semaphore_mem>>)
        %dma_start3A_510 = arith.constant 1 : i32
        %dma_start3A_511 = arith.constant 1 : i32
        %dma_start3A_512 = arith.constant 384 : i32
        %dma_start3A_513 = arith.constant 0 : i32
        %dma_start3A_514 = tpu.memref_slice %arg12[%dma_start3A_511, %dma_start3A_512, %dma_start3A_513] : memref<3x640x16xf32, #tpu.memory_space<vmem>> -> memref<1x128x16xf32, #tpu.memory_space<vmem>>
        %dma_start3A_515 = tpu.memref_squeeze %dma_start3A_514 : memref<1x128x16xf32, #tpu.memory_space<vmem>> -> memref<128x16xf32, #tpu.memory_space<vmem>>
        %dma_start3A_516 = arith.constant 384 : i32
        %dma_start3A_517 = tpu.memref_slice %arg10[%dma_start3A_510, %dma_start3A_516] : memref<3x640xi32, #tpu.memory_space<vmem>> -> memref<1x128xi32, #tpu.memory_space<vmem>>
        %dma_start3A_518 = tpu.memref_squeeze %dma_start3A_517 : memref<1x128xi32, #tpu.memory_space<vmem>> -> memref<128xi32, #tpu.memory_space<vmem>>
        %dma_start3A_519 = arith.constant 0 : i32
        %dma_start3A_520 = arith.constant 0 : i32
        %dma_start3A_521 = tpu.memref_slice %arg2[%dma_start3A_519, %dma_start3A_520] : memref<12500x16xf32, #tpu.memory_space<hbm>> -> memref<12500x16xf32, #tpu.memory_space<hbm>>
        tpu.enqueue_indirect_dma source(%dma_start3A_521 : memref<12500x16xf32, #tpu.memory_space<hbm>>) target(%dma_start3A_515 : memref<128x16xf32, #tpu.memory_space<vmem>>) offsets(%dma_start3A_518 : memref<128xi32, #tpu.memory_space<vmem>>) semaphore(%arg17 : memref<!tpu.dma_semaphore, #tpu.memory_space<semaphore_mem>>)
        %dma_start3A_522 = arith.constant 1 : i32
        %dma_start3A_523 = arith.constant 1 : i32
        %dma_start3A_524 = arith.constant 384 : i32
        %dma_start3A_525 = arith.constant 0 : i32
        %dma_start3A_526 = tpu.memref_slice %arg13[%dma_start3A_523, %dma_start3A_524, %dma_start3A_525] : memref<3x640x16xf32, #tpu.memory_space<vmem>> -> memref<1x128x16xf32, #tpu.memory_space<vmem>>
        %dma_start3A_527 = tpu.memref_squeeze %dma_start3A_526 : memref<1x128x16xf32, #tpu.memory_space<vmem>> -> memref<128x16xf32, #tpu.memory_space<vmem>>
        %dma_start3A_528 = arith.constant 384 : i32
        %dma_start3A_529 = tpu.memref_slice %arg11[%dma_start3A_522, %dma_start3A_528] : memref<3x640xi32, #tpu.memory_space<vmem>> -> memref<1x128xi32, #tpu.memory_space<vmem>>
        %dma_start3A_530 = tpu.memref_squeeze %dma_start3A_529 : memref<1x128xi32, #tpu.memory_space<vmem>> -> memref<128xi32, #tpu.memory_space<vmem>>
        %dma_start3A_531 = arith.constant 0 : i32
        %dma_start3A_532 = arith.constant 0 : i32
        %dma_start3A_533 = tpu.memref_slice %arg3[%dma_start3A_531, %dma_start3A_532] : memref<12500x16xf32, #tpu.memory_space<hbm>> -> memref<12500x16xf32, #tpu.memory_space<hbm>>
        tpu.enqueue_indirect_dma source(%dma_start3A_533 : memref<12500x16xf32, #tpu.memory_space<hbm>>) target(%dma_start3A_527 : memref<128x16xf32, #tpu.memory_space<vmem>>) offsets(%dma_start3A_530 : memref<128xi32, #tpu.memory_space<vmem>>) semaphore(%arg17 : memref<!tpu.dma_semaphore, #tpu.memory_space<semaphore_mem>>)
        %dma_start3A_534 = arith.constant 1 : i32
        %dma_start3A_535 = arith.constant 1 : i32
        %dma_start3A_536 = arith.constant 512 : i32
        %dma_start3A_537 = arith.constant 0 : i32
        %dma_start3A_538 = tpu.memref_slice %arg12[%dma_start3A_535, %dma_start3A_536, %dma_start3A_537] : memref<3x640x16xf32, #tpu.memory_space<vmem>> -> memref<1x128x16xf32, #tpu.memory_space<vmem>>
        %dma_start3A_539 = tpu.memref_squeeze %dma_start3A_538 : memref<1x128x16xf32, #tpu.memory_space<vmem>> -> memref<128x16xf32, #tpu.memory_space<vmem>>
        %dma_start3A_540 = arith.constant 512 : i32
        %dma_start3A_541 = tpu.memref_slice %arg10[%dma_start3A_534, %dma_start3A_540] : memref<3x640xi32, #tpu.memory_space<vmem>> -> memref<1x128xi32, #tpu.memory_space<vmem>>
        %dma_start3A_542 = tpu.memref_squeeze %dma_start3A_541 : memref<1x128xi32, #tpu.memory_space<vmem>> -> memref<128xi32, #tpu.memory_space<vmem>>
        %dma_start3A_543 = arith.constant 0 : i32
        %dma_start3A_544 = arith.constant 0 : i32
        %dma_start3A_545 = tpu.memref_slice %arg2[%dma_start3A_543, %dma_start3A_544] : memref<12500x16xf32, #tpu.memory_space<hbm>> -> memref<12500x16xf32, #tpu.memory_space<hbm>>
        tpu.enqueue_indirect_dma source(%dma_start3A_545 : memref<12500x16xf32, #tpu.memory_space<hbm>>) target(%dma_start3A_539 : memref<128x16xf32, #tpu.memory_space<vmem>>) offsets(%dma_start3A_542 : memref<128xi32, #tpu.memory_space<vmem>>) semaphore(%arg17 : memref<!tpu.dma_semaphore, #tpu.memory_space<semaphore_mem>>)
        %dma_start3A_546 = arith.constant 1 : i32
        %dma_start3A_547 = arith.constant 1 : i32
        %dma_start3A_548 = arith.constant 512 : i32
        %dma_start3A_549 = arith.constant 0 : i32
        %dma_start3A_550 = tpu.memref_slice %arg13[%dma_start3A_547, %dma_start3A_548, %dma_start3A_549] : memref<3x640x16xf32, #tpu.memory_space<vmem>> -> memref<1x128x16xf32, #tpu.memory_space<vmem>>
        %dma_start3A_551 = tpu.memref_squeeze %dma_start3A_550 : memref<1x128x16xf32, #tpu.memory_space<vmem>> -> memref<128x16xf32, #tpu.memory_space<vmem>>
        %dma_start3A_552 = arith.constant 512 : i32
        %dma_start3A_553 = tpu.memref_slice %arg11[%dma_start3A_546, %dma_start3A_552] : memref<3x640xi32, #tpu.memory_space<vmem>> -> memref<1x128xi32, #tpu.memory_space<vmem>>
        %dma_start3A_554 = tpu.memref_squeeze %dma_start3A_553 : memref<1x128xi32, #tpu.memory_space<vmem>> -> memref<128xi32, #tpu.memory_space<vmem>>
        %dma_start3A_555 = arith.constant 0 : i32
        %dma_start3A_556 = arith.constant 0 : i32
        %dma_start3A_557 = tpu.memref_slice %arg3[%dma_start3A_555, %dma_start3A_556] : memref<12500x16xf32, #tpu.memory_space<hbm>> -> memref<12500x16xf32, #tpu.memory_space<hbm>>
        tpu.enqueue_indirect_dma source(%dma_start3A_557 : memref<12500x16xf32, #tpu.memory_space<hbm>>) target(%dma_start3A_551 : memref<128x16xf32, #tpu.memory_space<vmem>>) offsets(%dma_start3A_554 : memref<128xi32, #tpu.memory_space<vmem>>) semaphore(%arg17 : memref<!tpu.dma_semaphore, #tpu.memory_space<semaphore_mem>>)
      } else {
      }
      %add3A_355 = arith.constant 2 : i32
      %add3A_356 = arith.addi %while3A_333, %add3A_355 : i32
      %lt3A_357 = arith.cmpi slt, %add3A_356, %add3A_4 : i32
      %eq3A_358 = arith.constant 2 : i32
      %eq3A_359 = arith.cmpi eq, %rem3A_340, %eq3A_358 : i32
      %and3A_360 = arith.andi %lt3A_357, %eq3A_359 : i1
      %convert_element_type3A_361 = arith.extui %and3A_360 : i1 to i32
      %cond3A_362 = arith.constant 0 : i32
      %cond3A_363 = arith.cmpi ne, %convert_element_type3A_361, %cond3A_362 : i32
      scf.if %cond3A_363 {
        %dma_wait3A_413 = arith.constant 2 : i32
        %dma_wait3A_414 = arith.constant 0 : i32
        %dma_wait3A_415 = tpu.memref_slice %arg8[%dma_wait3A_413, %dma_wait3A_414] : memref<3x640xi32, #tpu.memory_space<vmem>> -> memref<1x640xi32, #tpu.memory_space<vmem>>
        %dma_wait3A_416 = tpu.memref_squeeze %dma_wait3A_415 : memref<1x640xi32, #tpu.memory_space<vmem>> -> memref<640xi32, #tpu.memory_space<vmem>>
        %dma_wait3A_417 = arith.constant 0 : i32
        %dma_wait3A_418 = tpu.memref_slice %arg4[%dma_wait3A_417] : memref<1600000xi32, #tpu.memory_space<hbm>> -> memref<640xi32, #tpu.memory_space<hbm>>
        %dma_wait3A_419 = arith.constant 0 : i32
        %dma_wait3A_420 = tpu.memref_slice %arg8[%dma_wait3A_413, %dma_wait3A_419] : memref<3x640xi32, #tpu.memory_space<vmem>> -> memref<1x640xi32, #tpu.memory_space<vmem>>
        %dma_wait3A_421 = tpu.memref_squeeze %dma_wait3A_420 : memref<1x640xi32, #tpu.memory_space<vmem>> -> memref<640xi32, #tpu.memory_space<vmem>>
        %dma_wait3A_422 = arith.constant 0 : i32
        %dma_wait3A_423 = tpu.memref_slice %arg4[%dma_wait3A_422] : memref<1600000xi32, #tpu.memory_space<hbm>> -> memref<640xi32, #tpu.memory_space<hbm>>
        tpu.wait_dma2 semaphore(%arg19 : memref<!tpu.dma_semaphore, #tpu.memory_space<semaphore_mem>>) src(%dma_wait3A_423 : memref<640xi32, #tpu.memory_space<hbm>>) dst(%dma_wait3A_421 : memref<640xi32, #tpu.memory_space<vmem>>)
        %dma_wait3A_424 = arith.constant 2 : i32
        %dma_wait3A_425 = arith.constant 0 : i32
        %dma_wait3A_426 = tpu.memref_slice %arg9[%dma_wait3A_424, %dma_wait3A_425] : memref<3x640xi32, #tpu.memory_space<vmem>> -> memref<1x640xi32, #tpu.memory_space<vmem>>
        %dma_wait3A_427 = tpu.memref_squeeze %dma_wait3A_426 : memref<1x640xi32, #tpu.memory_space<vmem>> -> memref<640xi32, #tpu.memory_space<vmem>>
        %dma_wait3A_428 = arith.constant 0 : i32
        %dma_wait3A_429 = tpu.memref_slice %arg5[%dma_wait3A_428] : memref<1600000xi32, #tpu.memory_space<hbm>> -> memref<640xi32, #tpu.memory_space<hbm>>
        %dma_wait3A_430 = arith.constant 0 : i32
        %dma_wait3A_431 = tpu.memref_slice %arg9[%dma_wait3A_424, %dma_wait3A_430] : memref<3x640xi32, #tpu.memory_space<vmem>> -> memref<1x640xi32, #tpu.memory_space<vmem>>
        %dma_wait3A_432 = tpu.memref_squeeze %dma_wait3A_431 : memref<1x640xi32, #tpu.memory_space<vmem>> -> memref<640xi32, #tpu.memory_space<vmem>>
        %dma_wait3A_433 = arith.constant 0 : i32
        %dma_wait3A_434 = tpu.memref_slice %arg5[%dma_wait3A_433] : memref<1600000xi32, #tpu.memory_space<hbm>> -> memref<640xi32, #tpu.memory_space<hbm>>
        tpu.wait_dma2 semaphore(%arg19 : memref<!tpu.dma_semaphore, #tpu.memory_space<semaphore_mem>>) src(%dma_wait3A_434 : memref<640xi32, #tpu.memory_space<hbm>>) dst(%dma_wait3A_432 : memref<640xi32, #tpu.memory_space<vmem>>)
        %parallel_loop3A_435 = arith.constant 0 : i32
        %parallel_loop3A_436 = arith.constant 40 : i32
        %parallel_loop3A_437 = arith.constant 1 : i32
        scf.for %parallel_loop3A_558 = %parallel_loop3A_435 to %parallel_loop3A_436 step %parallel_loop3A_437  : i32 {
          %parallel_loop3A_559 = arith.constant 16 : i32
          %parallel_loop3A_560 = arith.muli %parallel_loop3A_558, %parallel_loop3A_559 : i32
          %parallel_loop3A_561 = arith.constant 2 : i32
          %parallel_loop3A_562 = arith.index_cast %parallel_loop3A_561 : i32 to index
          %parallel_loop3A_563 = arith.index_cast %parallel_loop3A_560 : i32 to index
          %parallel_loop3A_564 = tpu.vector_load %arg8[%parallel_loop3A_562, %parallel_loop3A_563] {strides = array<i32>} : memref<3x640xi32, #tpu.memory_space<vmem>>, vector<16xi32>,
          %parallel_loop3A_565 = arith.constant 2 : i32
          %parallel_loop3A_566 = vector.broadcast %parallel_loop3A_565 : i32 to vector<16xi32>
          %parallel_loop3A_567 = arith.shrui %parallel_loop3A_564, %parallel_loop3A_566 : vector<16xi32>
          %parallel_loop3A_568 = arith.constant 2 : i32
          %parallel_loop3A_569 = arith.index_cast %parallel_loop3A_568 : i32 to index
          %parallel_loop3A_570 = arith.index_cast %parallel_loop3A_560 : i32 to index
          %parallel_loop3A_571 = tpu.vector_load %arg10[%parallel_loop3A_569, %parallel_loop3A_570] {strides = array<i32>} : memref<3x640xi32, #tpu.memory_space<vmem>>, vector<16xi32>,
          tpu.vector_store %arg10[%parallel_loop3A_569, %parallel_loop3A_570], %parallel_loop3A_567 {strides = array<i32>} : memref<3x640xi32, #tpu.memory_space<vmem>>, vector<16xi32>,
          %parallel_loop3A_572 = arith.constant 2 : i32
          %parallel_loop3A_573 = arith.index_cast %parallel_loop3A_572 : i32 to index
          %parallel_loop3A_574 = arith.index_cast %parallel_loop3A_560 : i32 to index
          %parallel_loop3A_575 = tpu.vector_load %arg9[%parallel_loop3A_573, %parallel_loop3A_574] {strides = array<i32>} : memref<3x640xi32, #tpu.memory_space<vmem>>, vector<16xi32>,
          %parallel_loop3A_576 = arith.constant 2 : i32
          %parallel_loop3A_577 = vector.broadcast %parallel_loop3A_576 : i32 to vector<16xi32>
          %parallel_loop3A_578 = arith.shrui %parallel_loop3A_575, %parallel_loop3A_577 : vector<16xi32>
          %parallel_loop3A_579 = arith.constant 2 : i32
          %parallel_loop3A_580 = arith.index_cast %parallel_loop3A_579 : i32 to index
          %parallel_loop3A_581 = arith.index_cast %parallel_loop3A_560 : i32 to index
          %parallel_loop3A_582 = tpu.vector_load %arg11[%parallel_loop3A_580, %parallel_loop3A_581] {strides = array<i32>} : memref<3x640xi32, #tpu.memory_space<vmem>>, vector<16xi32>,
          tpu.vector_store %arg11[%parallel_loop3A_580, %parallel_loop3A_581], %parallel_loop3A_578 {strides = array<i32>} : memref<3x640xi32, #tpu.memory_space<vmem>>, vector<16xi32>,
        } {sc.loop_unroll_factor = 8 : i64, sc.parallel_access}
        %dma_start3A_438 = arith.constant 2 : i32
        %dma_start3A_439 = arith.constant 2 : i32
        %dma_start3A_440 = arith.constant 0 : i32
        %dma_start3A_441 = arith.constant 0 : i32
        %dma_start3A_442 = tpu.memref_slice %arg12[%dma_start3A_439, %dma_start3A_440, %dma_start3A_441] : memref<3x640x16xf32, #tpu.memory_space<vmem>> -> memref<1x128x16xf32, #tpu.memory_space<vmem>>
        %dma_start3A_443 = tpu.memref_squeeze %dma_start3A_442 : memref<1x128x16xf32, #tpu.memory_space<vmem>> -> memref<128x16xf32, #tpu.memory_space<vmem>>
        %dma_start3A_444 = arith.constant 0 : i32
        %dma_start3A_445 = tpu.memref_slice %arg10[%dma_start3A_438, %dma_start3A_444] : memref<3x640xi32, #tpu.memory_space<vmem>> -> memref<1x128xi32, #tpu.memory_space<vmem>>
        %dma_start3A_446 = tpu.memref_squeeze %dma_start3A_445 : memref<1x128xi32, #tpu.memory_space<vmem>> -> memref<128xi32, #tpu.memory_space<vmem>>
        %dma_start3A_447 = arith.constant 0 : i32
        %dma_start3A_448 = arith.constant 0 : i32
        %dma_start3A_449 = tpu.memref_slice %arg2[%dma_start3A_447, %dma_start3A_448] : memref<12500x16xf32, #tpu.memory_space<hbm>> -> memref<12500x16xf32, #tpu.memory_space<hbm>>
        tpu.enqueue_indirect_dma source(%dma_start3A_449 : memref<12500x16xf32, #tpu.memory_space<hbm>>) target(%dma_start3A_443 : memref<128x16xf32, #tpu.memory_space<vmem>>) offsets(%dma_start3A_446 : memref<128xi32, #tpu.memory_space<vmem>>) semaphore(%arg18 : memref<!tpu.dma_semaphore, #tpu.memory_space<semaphore_mem>>)
        %dma_start3A_450 = arith.constant 2 : i32
        %dma_start3A_451 = arith.constant 2 : i32
        %dma_start3A_452 = arith.constant 0 : i32
        %dma_start3A_453 = arith.constant 0 : i32
        %dma_start3A_454 = tpu.memref_slice %arg13[%dma_start3A_451, %dma_start3A_452, %dma_start3A_453] : memref<3x640x16xf32, #tpu.memory_space<vmem>> -> memref<1x128x16xf32, #tpu.memory_space<vmem>>
        %dma_start3A_455 = tpu.memref_squeeze %dma_start3A_454 : memref<1x128x16xf32, #tpu.memory_space<vmem>> -> memref<128x16xf32, #tpu.memory_space<vmem>>
        %dma_start3A_456 = arith.constant 0 : i32
        %dma_start3A_457 = tpu.memref_slice %arg11[%dma_start3A_450, %dma_start3A_456] : memref<3x640xi32, #tpu.memory_space<vmem>> -> memref<1x128xi32, #tpu.memory_space<vmem>>
        %dma_start3A_458 = tpu.memref_squeeze %dma_start3A_457 : memref<1x128xi32, #tpu.memory_space<vmem>> -> memref<128xi32, #tpu.memory_space<vmem>>
        %dma_start3A_459 = arith.constant 0 : i32
        %dma_start3A_460 = arith.constant 0 : i32
        %dma_start3A_461 = tpu.memref_slice %arg3[%dma_start3A_459, %dma_start3A_460] : memref<12500x16xf32, #tpu.memory_space<hbm>> -> memref<12500x16xf32, #tpu.memory_space<hbm>>
        tpu.enqueue_indirect_dma source(%dma_start3A_461 : memref<12500x16xf32, #tpu.memory_space<hbm>>) target(%dma_start3A_455 : memref<128x16xf32, #tpu.memory_space<vmem>>) offsets(%dma_start3A_458 : memref<128xi32, #tpu.memory_space<vmem>>) semaphore(%arg18 : memref<!tpu.dma_semaphore, #tpu.memory_space<semaphore_mem>>)
        %dma_start3A_462 = arith.constant 2 : i32
        %dma_start3A_463 = arith.constant 2 : i32
        %dma_start3A_464 = arith.constant 128 : i32
        %dma_start3A_465 = arith.constant 0 : i32
        %dma_start3A_466 = tpu.memref_slice %arg12[%dma_start3A_463, %dma_start3A_464, %dma_start3A_465] : memref<3x640x16xf32, #tpu.memory_space<vmem>> -> memref<1x128x16xf32, #tpu.memory_space<vmem>>
        %dma_start3A_467 = tpu.memref_squeeze %dma_start3A_466 : memref<1x128x16xf32, #tpu.memory_space<vmem>> -> memref<128x16xf32, #tpu.memory_space<vmem>>
        %dma_start3A_468 = arith.constant 128 : i32
        %dma_start3A_469 = tpu.memref_slice %arg10[%dma_start3A_462, %dma_start3A_468] : memref<3x640xi32, #tpu.memory_space<vmem>> -> memref<1x128xi32, #tpu.memory_space<vmem>>
        %dma_start3A_470 = tpu.memref_squeeze %dma_start3A_469 : memref<1x128xi32, #tpu.memory_space<vmem>> -> memref<128xi32, #tpu.memory_space<vmem>>
        %dma_start3A_471 = arith.constant 0 : i32
        %dma_start3A_472 = arith.constant 0 : i32
        %dma_start3A_473 = tpu.memref_slice %arg2[%dma_start3A_471, %dma_start3A_472] : memref<12500x16xf32, #tpu.memory_space<hbm>> -> memref<12500x16xf32, #tpu.memory_space<hbm>>
        tpu.enqueue_indirect_dma source(%dma_start3A_473 : memref<12500x16xf32, #tpu.memory_space<hbm>>) target(%dma_start3A_467 : memref<128x16xf32, #tpu.memory_space<vmem>>) offsets(%dma_start3A_470 : memref<128xi32, #tpu.memory_space<vmem>>) semaphore(%arg18 : memref<!tpu.dma_semaphore, #tpu.memory_space<semaphore_mem>>)
        %dma_start3A_474 = arith.constant 2 : i32
        %dma_start3A_475 = arith.constant 2 : i32
        %dma_start3A_476 = arith.constant 128 : i32
        %dma_start3A_477 = arith.constant 0 : i32
        %dma_start3A_478 = tpu.memref_slice %arg13[%dma_start3A_475, %dma_start3A_476, %dma_start3A_477] : memref<3x640x16xf32, #tpu.memory_space<vmem>> -> memref<1x128x16xf32, #tpu.memory_space<vmem>>
        %dma_start3A_479 = tpu.memref_squeeze %dma_start3A_478 : memref<1x128x16xf32, #tpu.memory_space<vmem>> -> memref<128x16xf32, #tpu.memory_space<vmem>>
        %dma_start3A_480 = arith.constant 128 : i32
        %dma_start3A_481 = tpu.memref_slice %arg11[%dma_start3A_474, %dma_start3A_480] : memref<3x640xi32, #tpu.memory_space<vmem>> -> memref<1x128xi32, #tpu.memory_space<vmem>>
        %dma_start3A_482 = tpu.memref_squeeze %dma_start3A_481 : memref<1x128xi32, #tpu.memory_space<vmem>> -> memref<128xi32, #tpu.memory_space<vmem>>
        %dma_start3A_483 = arith.constant 0 : i32
        %dma_start3A_484 = arith.constant 0 : i32
        %dma_start3A_485 = tpu.memref_slice %arg3[%dma_start3A_483, %dma_start3A_484] : memref<12500x16xf32, #tpu.memory_space<hbm>> -> memref<12500x16xf32, #tpu.memory_space<hbm>>
        tpu.enqueue_indirect_dma source(%dma_start3A_485 : memref<12500x16xf32, #tpu.memory_space<hbm>>) target(%dma_start3A_479 : memref<128x16xf32, #tpu.memory_space<vmem>>) offsets(%dma_start3A_482 : memref<128xi32, #tpu.memory_space<vmem>>) semaphore(%arg18 : memref<!tpu.dma_semaphore, #tpu.memory_space<semaphore_mem>>)
        %dma_start3A_486 = arith.constant 2 : i32
        %dma_start3A_487 = arith.constant 2 : i32
        %dma_start3A_488 = arith.constant 256 : i32
        %dma_start3A_489 = arith.constant 0 : i32
        %dma_start3A_490 = tpu.memref_slice %arg12[%dma_start3A_487, %dma_start3A_488, %dma_start3A_489] : memref<3x640x16xf32, #tpu.memory_space<vmem>> -> memref<1x128x16xf32, #tpu.memory_space<vmem>>
        %dma_start3A_491 = tpu.memref_squeeze %dma_start3A_490 : memref<1x128x16xf32, #tpu.memory_space<vmem>> -> memref<128x16xf32, #tpu.memory_space<vmem>>
        %dma_start3A_492 = arith.constant 256 : i32
        %dma_start3A_493 = tpu.memref_slice %arg10[%dma_start3A_486, %dma_start3A_492] : memref<3x640xi32, #tpu.memory_space<vmem>> -> memref<1x128xi32, #tpu.memory_space<vmem>>
        %dma_start3A_494 = tpu.memref_squeeze %dma_start3A_493 : memref<1x128xi32, #tpu.memory_space<vmem>> -> memref<128xi32, #tpu.memory_space<vmem>>
        %dma_start3A_495 = arith.constant 0 : i32
        %dma_start3A_496 = arith.constant 0 : i32
        %dma_start3A_497 = tpu.memref_slice %arg2[%dma_start3A_495, %dma_start3A_496] : memref<12500x16xf32, #tpu.memory_space<hbm>> -> memref<12500x16xf32, #tpu.memory_space<hbm>>
        tpu.enqueue_indirect_dma source(%dma_start3A_497 : memref<12500x16xf32, #tpu.memory_space<hbm>>) target(%dma_start3A_491 : memref<128x16xf32, #tpu.memory_space<vmem>>) offsets(%dma_start3A_494 : memref<128xi32, #tpu.memory_space<vmem>>) semaphore(%arg18 : memref<!tpu.dma_semaphore, #tpu.memory_space<semaphore_mem>>)
        %dma_start3A_498 = arith.constant 2 : i32
        %dma_start3A_499 = arith.constant 2 : i32
        %dma_start3A_500 = arith.constant 256 : i32
        %dma_start3A_501 = arith.constant 0 : i32
        %dma_start3A_502 = tpu.memref_slice %arg13[%dma_start3A_499, %dma_start3A_500, %dma_start3A_501] : memref<3x640x16xf32, #tpu.memory_space<vmem>> -> memref<1x128x16xf32, #tpu.memory_space<vmem>>
        %dma_start3A_503 = tpu.memref_squeeze %dma_start3A_502 : memref<1x128x16xf32, #tpu.memory_space<vmem>> -> memref<128x16xf32, #tpu.memory_space<vmem>>
        %dma_start3A_504 = arith.constant 256 : i32
        %dma_start3A_505 = tpu.memref_slice %arg11[%dma_start3A_498, %dma_start3A_504] : memref<3x640xi32, #tpu.memory_space<vmem>> -> memref<1x128xi32, #tpu.memory_space<vmem>>
        %dma_start3A_506 = tpu.memref_squeeze %dma_start3A_505 : memref<1x128xi32, #tpu.memory_space<vmem>> -> memref<128xi32, #tpu.memory_space<vmem>>
        %dma_start3A_507 = arith.constant 0 : i32
        %dma_start3A_508 = arith.constant 0 : i32
        %dma_start3A_509 = tpu.memref_slice %arg3[%dma_start3A_507, %dma_start3A_508] : memref<12500x16xf32, #tpu.memory_space<hbm>> -> memref<12500x16xf32, #tpu.memory_space<hbm>>
        tpu.enqueue_indirect_dma source(%dma_start3A_509 : memref<12500x16xf32, #tpu.memory_space<hbm>>) target(%dma_start3A_503 : memref<128x16xf32, #tpu.memory_space<vmem>>) offsets(%dma_start3A_506 : memref<128xi32, #tpu.memory_space<vmem>>) semaphore(%arg18 : memref<!tpu.dma_semaphore, #tpu.memory_space<semaphore_mem>>)
        %dma_start3A_510 = arith.constant 2 : i32
        %dma_start3A_511 = arith.constant 2 : i32
        %dma_start3A_512 = arith.constant 384 : i32
        %dma_start3A_513 = arith.constant 0 : i32
        %dma_start3A_514 = tpu.memref_slice %arg12[%dma_start3A_511, %dma_start3A_512, %dma_start3A_513] : memref<3x640x16xf32, #tpu.memory_space<vmem>> -> memref<1x128x16xf32, #tpu.memory_space<vmem>>
        %dma_start3A_515 = tpu.memref_squeeze %dma_start3A_514 : memref<1x128x16xf32, #tpu.memory_space<vmem>> -> memref<128x16xf32, #tpu.memory_space<vmem>>
        %dma_start3A_516 = arith.constant 384 : i32
        %dma_start3A_517 = tpu.memref_slice %arg10[%dma_start3A_510, %dma_start3A_516] : memref<3x640xi32, #tpu.memory_space<vmem>> -> memref<1x128xi32, #tpu.memory_space<vmem>>
        %dma_start3A_518 = tpu.memref_squeeze %dma_start3A_517 : memref<1x128xi32, #tpu.memory_space<vmem>> -> memref<128xi32, #tpu.memory_space<vmem>>
        %dma_start3A_519 = arith.constant 0 : i32
        %dma_start3A_520 = arith.constant 0 : i32
        %dma_start3A_521 = tpu.memref_slice %arg2[%dma_start3A_519, %dma_start3A_520] : memref<12500x16xf32, #tpu.memory_space<hbm>> -> memref<12500x16xf32, #tpu.memory_space<hbm>>
        tpu.enqueue_indirect_dma source(%dma_start3A_521 : memref<12500x16xf32, #tpu.memory_space<hbm>>) target(%dma_start3A_515 : memref<128x16xf32, #tpu.memory_space<vmem>>) offsets(%dma_start3A_518 : memref<128xi32, #tpu.memory_space<vmem>>) semaphore(%arg18 : memref<!tpu.dma_semaphore, #tpu.memory_space<semaphore_mem>>)
        %dma_start3A_522 = arith.constant 2 : i32
        %dma_start3A_523 = arith.constant 2 : i32
        %dma_start3A_524 = arith.constant 384 : i32
        %dma_start3A_525 = arith.constant 0 : i32
        %dma_start3A_526 = tpu.memref_slice %arg13[%dma_start3A_523, %dma_start3A_524, %dma_start3A_525] : memref<3x640x16xf32, #tpu.memory_space<vmem>> -> memref<1x128x16xf32, #tpu.memory_space<vmem>>
        %dma_start3A_527 = tpu.memref_squeeze %dma_start3A_526 : memref<1x128x16xf32, #tpu.memory_space<vmem>> -> memref<128x16xf32, #tpu.memory_space<vmem>>
        %dma_start3A_528 = arith.constant 384 : i32
        %dma_start3A_529 = tpu.memref_slice %arg11[%dma_start3A_522, %dma_start3A_528] : memref<3x640xi32, #tpu.memory_space<vmem>> -> memref<1x128xi32, #tpu.memory_space<vmem>>
        %dma_start3A_530 = tpu.memref_squeeze %dma_start3A_529 : memref<1x128xi32, #tpu.memory_space<vmem>> -> memref<128xi32, #tpu.memory_space<vmem>>
        %dma_start3A_531 = arith.constant 0 : i32
        %dma_start3A_532 = arith.constant 0 : i32
        %dma_start3A_533 = tpu.memref_slice %arg3[%dma_start3A_531, %dma_start3A_532] : memref<12500x16xf32, #tpu.memory_space<hbm>> -> memref<12500x16xf32, #tpu.memory_space<hbm>>
        tpu.enqueue_indirect_dma source(%dma_start3A_533 : memref<12500x16xf32, #tpu.memory_space<hbm>>) target(%dma_start3A_527 : memref<128x16xf32, #tpu.memory_space<vmem>>) offsets(%dma_start3A_530 : memref<128xi32, #tpu.memory_space<vmem>>) semaphore(%arg18 : memref<!tpu.dma_semaphore, #tpu.memory_space<semaphore_mem>>)
        %dma_start3A_534 = arith.constant 2 : i32
        %dma_start3A_535 = arith.constant 2 : i32
        %dma_start3A_536 = arith.constant 512 : i32
        %dma_start3A_537 = arith.constant 0 : i32
        %dma_start3A_538 = tpu.memref_slice %arg12[%dma_start3A_535, %dma_start3A_536, %dma_start3A_537] : memref<3x640x16xf32, #tpu.memory_space<vmem>> -> memref<1x128x16xf32, #tpu.memory_space<vmem>>
        %dma_start3A_539 = tpu.memref_squeeze %dma_start3A_538 : memref<1x128x16xf32, #tpu.memory_space<vmem>> -> memref<128x16xf32, #tpu.memory_space<vmem>>
        %dma_start3A_540 = arith.constant 512 : i32
        %dma_start3A_541 = tpu.memref_slice %arg10[%dma_start3A_534, %dma_start3A_540] : memref<3x640xi32, #tpu.memory_space<vmem>> -> memref<1x128xi32, #tpu.memory_space<vmem>>
        %dma_start3A_542 = tpu.memref_squeeze %dma_start3A_541 : memref<1x128xi32, #tpu.memory_space<vmem>> -> memref<128xi32, #tpu.memory_space<vmem>>
        %dma_start3A_543 = arith.constant 0 : i32
        %dma_start3A_544 = arith.constant 0 : i32
        %dma_start3A_545 = tpu.memref_slice %arg2[%dma_start3A_543, %dma_start3A_544] : memref<12500x16xf32, #tpu.memory_space<hbm>> -> memref<12500x16xf32, #tpu.memory_space<hbm>>
        tpu.enqueue_indirect_dma source(%dma_start3A_545 : memref<12500x16xf32, #tpu.memory_space<hbm>>) target(%dma_start3A_539 : memref<128x16xf32, #tpu.memory_space<vmem>>) offsets(%dma_start3A_542 : memref<128xi32, #tpu.memory_space<vmem>>) semaphore(%arg18 : memref<!tpu.dma_semaphore, #tpu.memory_space<semaphore_mem>>)
        %dma_start3A_546 = arith.constant 2 : i32
        %dma_start3A_547 = arith.constant 2 : i32
        %dma_start3A_548 = arith.constant 512 : i32
        %dma_start3A_549 = arith.constant 0 : i32
        %dma_start3A_550 = tpu.memref_slice %arg13[%dma_start3A_547, %dma_start3A_548, %dma_start3A_549] : memref<3x640x16xf32, #tpu.memory_space<vmem>> -> memref<1x128x16xf32, #tpu.memory_space<vmem>>
        %dma_start3A_551 = tpu.memref_squeeze %dma_start3A_550 : memref<1x128x16xf32, #tpu.memory_space<vmem>> -> memref<128x16xf32, #tpu.memory_space<vmem>>
        %dma_start3A_552 = arith.constant 512 : i32
        %dma_start3A_553 = tpu.memref_slice %arg11[%dma_start3A_546, %dma_start3A_552] : memref<3x640xi32, #tpu.memory_space<vmem>> -> memref<1x128xi32, #tpu.memory_space<vmem>>
        %dma_start3A_554 = tpu.memref_squeeze %dma_start3A_553 : memref<1x128xi32, #tpu.memory_space<vmem>> -> memref<128xi32, #tpu.memory_space<vmem>>
        %dma_start3A_555 = arith.constant 0 : i32
        %dma_start3A_556 = arith.constant 0 : i32
        %dma_start3A_557 = tpu.memref_slice %arg3[%dma_start3A_555, %dma_start3A_556] : memref<12500x16xf32, #tpu.memory_space<hbm>> -> memref<12500x16xf32, #tpu.memory_space<hbm>>
        tpu.enqueue_indirect_dma source(%dma_start3A_557 : memref<12500x16xf32, #tpu.memory_space<hbm>>) target(%dma_start3A_551 : memref<128x16xf32, #tpu.memory_space<vmem>>) offsets(%dma_start3A_554 : memref<128xi32, #tpu.memory_space<vmem>>) semaphore(%arg18 : memref<!tpu.dma_semaphore, #tpu.memory_space<semaphore_mem>>)
      } else {
      }
      %eq3A_364 = arith.constant 0 : i32
      %eq3A_365 = arith.cmpi eq, %rem3A_334, %eq3A_364 : i32
      %convert_element_type3A_366 = arith.extui %eq3A_365 : i1 to i32
      %cond3A_367 = arith.constant 0 : i32
      %cond3A_368 = arith.cmpi ne, %convert_element_type3A_366, %cond3A_367 : i32
      scf.if %cond3A_368 {
        %dma_wait3A_413 = arith.constant 0 : i32
        %dma_wait3A_414 = arith.constant 0 : i32
        %dma_wait3A_415 = arith.constant 0 : i32
        %dma_wait3A_416 = tpu.memref_slice %arg12[%dma_wait3A_413, %dma_wait3A_414, %dma_wait3A_415] : memref<3x640x16xf32, #tpu.memory_space<vmem>> -> memref<1x640x16xf32, #tpu.memory_space<vmem>>
        %dma_wait3A_417 = tpu.memref_squeeze %dma_wait3A_416 : memref<1x640x16xf32, #tpu.memory_space<vmem>> -> memref<640x16xf32, #tpu.memory_space<vmem>>
        %dma_wait3A_418 = arith.constant 0 : i32
        %dma_wait3A_419 = arith.constant 0 : i32
        %dma_wait3A_420 = tpu.memref_slice %arg2[%dma_wait3A_418, %dma_wait3A_419] : memref<12500x16xf32, #tpu.memory_space<hbm>> -> memref<640x16xf32, #tpu.memory_space<hbm>>
        %dma_wait3A_421 = arith.constant 0 : i32
        %dma_wait3A_422 = arith.constant 0 : i32
        %dma_wait3A_423 = tpu.memref_slice %arg12[%dma_wait3A_413, %dma_wait3A_421, %dma_wait3A_422] : memref<3x640x16xf32, #tpu.memory_space<vmem>> -> memref<1x640x16xf32, #tpu.memory_space<vmem>>
        %dma_wait3A_424 = tpu.memref_squeeze %dma_wait3A_423 : memref<1x640x16xf32, #tpu.memory_space<vmem>> -> memref<640x16xf32, #tpu.memory_space<vmem>>
        %dma_wait3A_425 = arith.constant 0 : i32
        %dma_wait3A_426 = arith.constant 0 : i32
        %dma_wait3A_427 = tpu.memref_slice %arg2[%dma_wait3A_425, %dma_wait3A_426] : memref<12500x16xf32, #tpu.memory_space<hbm>> -> memref<640x16xf32, #tpu.memory_space<hbm>>
        tpu.wait_dma2 semaphore(%arg16 : memref<!tpu.dma_semaphore, #tpu.memory_space<semaphore_mem>>) src(%dma_wait3A_427 : memref<640x16xf32, #tpu.memory_space<hbm>>) dst(%dma_wait3A_424 : memref<640x16xf32, #tpu.memory_space<vmem>>)
        %dma_wait3A_428 = arith.constant 0 : i32
        %dma_wait3A_429 = arith.constant 0 : i32
        %dma_wait3A_430 = arith.constant 0 : i32
        %dma_wait3A_431 = tpu.memref_slice %arg13[%dma_wait3A_428, %dma_wait3A_429, %dma_wait3A_430] : memref<3x640x16xf32, #tpu.memory_space<vmem>> -> memref<1x640x16xf32, #tpu.memory_space<vmem>>
        %dma_wait3A_432 = tpu.memref_squeeze %dma_wait3A_431 : memref<1x640x16xf32, #tpu.memory_space<vmem>> -> memref<640x16xf32, #tpu.memory_space<vmem>>
        %dma_wait3A_433 = arith.constant 0 : i32
        %dma_wait3A_434 = arith.constant 0 : i32
        %dma_wait3A_435 = tpu.memref_slice %arg3[%dma_wait3A_433, %dma_wait3A_434] : memref<12500x16xf32, #tpu.memory_space<hbm>> -> memref<640x16xf32, #tpu.memory_space<hbm>>
        %dma_wait3A_436 = arith.constant 0 : i32
        %dma_wait3A_437 = arith.constant 0 : i32
        %dma_wait3A_438 = tpu.memref_slice %arg13[%dma_wait3A_428, %dma_wait3A_436, %dma_wait3A_437] : memref<3x640x16xf32, #tpu.memory_space<vmem>> -> memref<1x640x16xf32, #tpu.memory_space<vmem>>
        %dma_wait3A_439 = tpu.memref_squeeze %dma_wait3A_438 : memref<1x640x16xf32, #tpu.memory_space<vmem>> -> memref<640x16xf32, #tpu.memory_space<vmem>>
        %dma_wait3A_440 = arith.constant 0 : i32
        %dma_wait3A_441 = arith.constant 0 : i32
        %dma_wait3A_442 = tpu.memref_slice %arg3[%dma_wait3A_440, %dma_wait3A_441] : memref<12500x16xf32, #tpu.memory_space<hbm>> -> memref<640x16xf32, #tpu.memory_space<hbm>>
        tpu.wait_dma2 semaphore(%arg16 : memref<!tpu.dma_semaphore, #tpu.memory_space<semaphore_mem>>) src(%dma_wait3A_442 : memref<640x16xf32, #tpu.memory_space<hbm>>) dst(%dma_wait3A_439 : memref<640x16xf32, #tpu.memory_space<vmem>>)
      } else {
      }
      %eq3A_369 = arith.constant 1 : i32
      %eq3A_370 = arith.cmpi eq, %rem3A_334, %eq3A_369 : i32
      %convert_element_type3A_371 = arith.extui %eq3A_370 : i1 to i32
      %cond3A_372 = arith.constant 0 : i32
      %cond3A_373 = arith.cmpi ne, %convert_element_type3A_371, %cond3A_372 : i32
      scf.if %cond3A_373 {
        %dma_wait3A_413 = arith.constant 1 : i32
        %dma_wait3A_414 = arith.constant 0 : i32
        %dma_wait3A_415 = arith.constant 0 : i32
        %dma_wait3A_416 = tpu.memref_slice %arg12[%dma_wait3A_413, %dma_wait3A_414, %dma_wait3A_415] : memref<3x640x16xf32, #tpu.memory_space<vmem>> -> memref<1x640x16xf32, #tpu.memory_space<vmem>>
        %dma_wait3A_417 = tpu.memref_squeeze %dma_wait3A_416 : memref<1x640x16xf32, #tpu.memory_space<vmem>> -> memref<640x16xf32, #tpu.memory_space<vmem>>
        %dma_wait3A_418 = arith.constant 0 : i32
        %dma_wait3A_419 = arith.constant 0 : i32
        %dma_wait3A_420 = tpu.memref_slice %arg2[%dma_wait3A_418, %dma_wait3A_419] : memref<12500x16xf32, #tpu.memory_space<hbm>> -> memref<640x16xf32, #tpu.memory_space<hbm>>
        %dma_wait3A_421 = arith.constant 0 : i32
        %dma_wait3A_422 = arith.constant 0 : i32
        %dma_wait3A_423 = tpu.memref_slice %arg12[%dma_wait3A_413, %dma_wait3A_421, %dma_wait3A_422] : memref<3x640x16xf32, #tpu.memory_space<vmem>> -> memref<1x640x16xf32, #tpu.memory_space<vmem>>
        %dma_wait3A_424 = tpu.memref_squeeze %dma_wait3A_423 : memref<1x640x16xf32, #tpu.memory_space<vmem>> -> memref<640x16xf32, #tpu.memory_space<vmem>>
        %dma_wait3A_425 = arith.constant 0 : i32
        %dma_wait3A_426 = arith.constant 0 : i32
        %dma_wait3A_427 = tpu.memref_slice %arg2[%dma_wait3A_425, %dma_wait3A_426] : memref<12500x16xf32, #tpu.memory_space<hbm>> -> memref<640x16xf32, #tpu.memory_space<hbm>>
        tpu.wait_dma2 semaphore(%arg17 : memref<!tpu.dma_semaphore, #tpu.memory_space<semaphore_mem>>) src(%dma_wait3A_427 : memref<640x16xf32, #tpu.memory_space<hbm>>) dst(%dma_wait3A_424 : memref<640x16xf32, #tpu.memory_space<vmem>>)
        %dma_wait3A_428 = arith.constant 1 : i32
        %dma_wait3A_429 = arith.constant 0 : i32
        %dma_wait3A_430 = arith.constant 0 : i32
        %dma_wait3A_431 = tpu.memref_slice %arg13[%dma_wait3A_428, %dma_wait3A_429, %dma_wait3A_430] : memref<3x640x16xf32, #tpu.memory_space<vmem>> -> memref<1x640x16xf32, #tpu.memory_space<vmem>>
        %dma_wait3A_432 = tpu.memref_squeeze %dma_wait3A_431 : memref<1x640x16xf32, #tpu.memory_space<vmem>> -> memref<640x16xf32, #tpu.memory_space<vmem>>
        %dma_wait3A_433 = arith.constant 0 : i32
        %dma_wait3A_434 = arith.constant 0 : i32
        %dma_wait3A_435 = tpu.memref_slice %arg3[%dma_wait3A_433, %dma_wait3A_434] : memref<12500x16xf32, #tpu.memory_space<hbm>> -> memref<640x16xf32, #tpu.memory_space<hbm>>
        %dma_wait3A_436 = arith.constant 0 : i32
        %dma_wait3A_437 = arith.constant 0 : i32
        %dma_wait3A_438 = tpu.memref_slice %arg13[%dma_wait3A_428, %dma_wait3A_436, %dma_wait3A_437] : memref<3x640x16xf32, #tpu.memory_space<vmem>> -> memref<1x640x16xf32, #tpu.memory_space<vmem>>
        %dma_wait3A_439 = tpu.memref_squeeze %dma_wait3A_438 : memref<1x640x16xf32, #tpu.memory_space<vmem>> -> memref<640x16xf32, #tpu.memory_space<vmem>>
        %dma_wait3A_440 = arith.constant 0 : i32
        %dma_wait3A_441 = arith.constant 0 : i32
        %dma_wait3A_442 = tpu.memref_slice %arg3[%dma_wait3A_440, %dma_wait3A_441] : memref<12500x16xf32, #tpu.memory_space<hbm>> -> memref<640x16xf32, #tpu.memory_space<hbm>>
        tpu.wait_dma2 semaphore(%arg17 : memref<!tpu.dma_semaphore, #tpu.memory_space<semaphore_mem>>) src(%dma_wait3A_442 : memref<640x16xf32, #tpu.memory_space<hbm>>) dst(%dma_wait3A_439 : memref<640x16xf32, #tpu.memory_space<vmem>>)
      } else {
      }
      %eq3A_374 = arith.constant 2 : i32
      %eq3A_375 = arith.cmpi eq, %rem3A_334, %eq3A_374 : i32
      %convert_element_type3A_376 = arith.extui %eq3A_375 : i1 to i32
      %cond3A_377 = arith.constant 0 : i32
      %cond3A_378 = arith.cmpi ne, %convert_element_type3A_376, %cond3A_377 : i32
      scf.if %cond3A_378 {
        %dma_wait3A_413 = arith.constant 2 : i32
        %dma_wait3A_414 = arith.constant 0 : i32
        %dma_wait3A_415 = arith.constant 0 : i32
        %dma_wait3A_416 = tpu.memref_slice %arg12[%dma_wait3A_413, %dma_wait3A_414, %dma_wait3A_415] : memref<3x640x16xf32, #tpu.memory_space<vmem>> -> memref<1x640x16xf32, #tpu.memory_space<vmem>>
        %dma_wait3A_417 = tpu.memref_squeeze %dma_wait3A_416 : memref<1x640x16xf32, #tpu.memory_space<vmem>> -> memref<640x16xf32, #tpu.memory_space<vmem>>
        %dma_wait3A_418 = arith.constant 0 : i32
        %dma_wait3A_419 = arith.constant 0 : i32
        %dma_wait3A_420 = tpu.memref_slice %arg2[%dma_wait3A_418, %dma_wait3A_419] : memref<12500x16xf32, #tpu.memory_space<hbm>> -> memref<640x16xf32, #tpu.memory_space<hbm>>
        %dma_wait3A_421 = arith.constant 0 : i32
        %dma_wait3A_422 = arith.constant 0 : i32
        %dma_wait3A_423 = tpu.memref_slice %arg12[%dma_wait3A_413, %dma_wait3A_421, %dma_wait3A_422] : memref<3x640x16xf32, #tpu.memory_space<vmem>> -> memref<1x640x16xf32, #tpu.memory_space<vmem>>
        %dma_wait3A_424 = tpu.memref_squeeze %dma_wait3A_423 : memref<1x640x16xf32, #tpu.memory_space<vmem>> -> memref<640x16xf32, #tpu.memory_space<vmem>>
        %dma_wait3A_425 = arith.constant 0 : i32
        %dma_wait3A_426 = arith.constant 0 : i32
        %dma_wait3A_427 = tpu.memref_slice %arg2[%dma_wait3A_425, %dma_wait3A_426] : memref<12500x16xf32, #tpu.memory_space<hbm>> -> memref<640x16xf32, #tpu.memory_space<hbm>>
        tpu.wait_dma2 semaphore(%arg18 : memref<!tpu.dma_semaphore, #tpu.memory_space<semaphore_mem>>) src(%dma_wait3A_427 : memref<640x16xf32, #tpu.memory_space<hbm>>) dst(%dma_wait3A_424 : memref<640x16xf32, #tpu.memory_space<vmem>>)
        %dma_wait3A_428 = arith.constant 2 : i32
        %dma_wait3A_429 = arith.constant 0 : i32
        %dma_wait3A_430 = arith.constant 0 : i32
        %dma_wait3A_431 = tpu.memref_slice %arg13[%dma_wait3A_428, %dma_wait3A_429, %dma_wait3A_430] : memref<3x640x16xf32, #tpu.memory_space<vmem>> -> memref<1x640x16xf32, #tpu.memory_space<vmem>>
        %dma_wait3A_432 = tpu.memref_squeeze %dma_wait3A_431 : memref<1x640x16xf32, #tpu.memory_space<vmem>> -> memref<640x16xf32, #tpu.memory_space<vmem>>
        %dma_wait3A_433 = arith.constant 0 : i32
        %dma_wait3A_434 = arith.constant 0 : i32
        %dma_wait3A_435 = tpu.memref_slice %arg3[%dma_wait3A_433, %dma_wait3A_434] : memref<12500x16xf32, #tpu.memory_space<hbm>> -> memref<640x16xf32, #tpu.memory_space<hbm>>
        %dma_wait3A_436 = arith.constant 0 : i32
        %dma_wait3A_437 = arith.constant 0 : i32
        %dma_wait3A_438 = tpu.memref_slice %arg13[%dma_wait3A_428, %dma_wait3A_436, %dma_wait3A_437] : memref<3x640x16xf32, #tpu.memory_space<vmem>> -> memref<1x640x16xf32, #tpu.memory_space<vmem>>
        %dma_wait3A_439 = tpu.memref_squeeze %dma_wait3A_438 : memref<1x640x16xf32, #tpu.memory_space<vmem>> -> memref<640x16xf32, #tpu.memory_space<vmem>>
        %dma_wait3A_440 = arith.constant 0 : i32
        %dma_wait3A_441 = arith.constant 0 : i32
        %dma_wait3A_442 = tpu.memref_slice %arg3[%dma_wait3A_440, %dma_wait3A_441] : memref<12500x16xf32, #tpu.memory_space<hbm>> -> memref<640x16xf32, #tpu.memory_space<hbm>>
        tpu.wait_dma2 semaphore(%arg18 : memref<!tpu.dma_semaphore, #tpu.memory_space<semaphore_mem>>) src(%dma_wait3A_442 : memref<640x16xf32, #tpu.memory_space<hbm>>) dst(%dma_wait3A_439 : memref<640x16xf32, #tpu.memory_space<vmem>>)
      } else {
      }
      %ge3A = arith.constant 2 : i32
      %ge3A_379 = arith.cmpi sge, %while3A_333, %ge3A : i32
      %eq3A_380 = arith.constant 0 : i32
      %eq3A_381 = arith.cmpi eq, %rem3A_336, %eq3A_380 : i32
      %and3A_382 = arith.andi %ge3A_379, %eq3A_381 : i1
      %convert_element_type3A_383 = arith.extui %and3A_382 : i1 to i32
      %cond3A_384 = arith.constant 0 : i32
      %cond3A_385 = arith.cmpi ne, %convert_element_type3A_383, %cond3A_384 : i32
      scf.if %cond3A_385 {
        %dma_wait3A_413 = arith.constant 0 : i32
        %dma_wait3A_414 = arith.constant 0 : i32
        %dma_wait3A_415 = tpu.memref_slice %arg14[%dma_wait3A_413, %dma_wait3A_414] : memref<2x640xi32, #tpu.memory_space<vmem>> -> memref<1x640xi32, #tpu.memory_space<vmem>>
        %dma_wait3A_416 = tpu.memref_squeeze %dma_wait3A_415 : memref<1x640xi32, #tpu.memory_space<vmem>> -> memref<640xi32, #tpu.memory_space<vmem>>
        %dma_wait3A_417 = arith.constant 0 : i32
        %dma_wait3A_418 = tpu.memref_slice %arg7[%dma_wait3A_417] : memref<1600000xi32, #tpu.memory_space<hbm>> -> memref<640xi32, #tpu.memory_space<hbm>>
        %dma_wait3A_419 = arith.constant 0 : i32
        %dma_wait3A_420 = tpu.memref_slice %arg7[%dma_wait3A_419] : memref<1600000xi32, #tpu.memory_space<hbm>> -> memref<640xi32, #tpu.memory_space<hbm>>
        %dma_wait3A_421 = arith.constant 0 : i32
        %dma_wait3A_422 = tpu.memref_slice %arg14[%dma_wait3A_413, %dma_wait3A_421] : memref<2x640xi32, #tpu.memory_space<vmem>> -> memref<1x640xi32, #tpu.memory_space<vmem>>
        %dma_wait3A_423 = tpu.memref_squeeze %dma_wait3A_422 : memref<1x640xi32, #tpu.memory_space<vmem>> -> memref<640xi32, #tpu.memory_space<vmem>>
        tpu.wait_dma2 semaphore(%arg20 : memref<!tpu.dma_semaphore, #tpu.memory_space<semaphore_mem>>) src(%dma_wait3A_423 : memref<640xi32, #tpu.memory_space<vmem>>) dst(%dma_wait3A_420 : memref<640xi32, #tpu.memory_space<hbm>>)
      } else {
      }
      %ge3A_386 = arith.constant 2 : i32
      %ge3A_387 = arith.cmpi sge, %while3A_333, %ge3A_386 : i32
      %eq3A_388 = arith.constant 1 : i32
      %eq3A_389 = arith.cmpi eq, %rem3A_336, %eq3A_388 : i32
      %and3A_390 = arith.andi %ge3A_387, %eq3A_389 : i1
      %convert_element_type3A_391 = arith.extui %and3A_390 : i1 to i32
      %cond3A_392 = arith.constant 0 : i32
      %cond3A_393 = arith.cmpi ne, %convert_element_type3A_391, %cond3A_392 : i32
      scf.if %cond3A_393 {
        %dma_wait3A_413 = arith.constant 1 : i32
        %dma_wait3A_414 = arith.constant 0 : i32
        %dma_wait3A_415 = tpu.memref_slice %arg14[%dma_wait3A_413, %dma_wait3A_414] : memref<2x640xi32, #tpu.memory_space<vmem>> -> memref<1x640xi32, #tpu.memory_space<vmem>>
        %dma_wait3A_416 = tpu.memref_squeeze %dma_wait3A_415 : memref<1x640xi32, #tpu.memory_space<vmem>> -> memref<640xi32, #tpu.memory_space<vmem>>
        %dma_wait3A_417 = arith.constant 0 : i32
        %dma_wait3A_418 = tpu.memref_slice %arg7[%dma_wait3A_417] : memref<1600000xi32, #tpu.memory_space<hbm>> -> memref<640xi32, #tpu.memory_space<hbm>>
        %dma_wait3A_419 = arith.constant 0 : i32
        %dma_wait3A_420 = tpu.memref_slice %arg7[%dma_wait3A_419] : memref<1600000xi32, #tpu.memory_space<hbm>> -> memref<640xi32, #tpu.memory_space<hbm>>
        %dma_wait3A_421 = arith.constant 0 : i32
        %dma_wait3A_422 = tpu.memref_slice %arg14[%dma_wait3A_413, %dma_wait3A_421] : memref<2x640xi32, #tpu.memory_space<vmem>> -> memref<1x640xi32, #tpu.memory_space<vmem>>
        %dma_wait3A_423 = tpu.memref_squeeze %dma_wait3A_422 : memref<1x640xi32, #tpu.memory_space<vmem>> -> memref<640xi32, #tpu.memory_space<vmem>>
        tpu.wait_dma2 semaphore(%arg21 : memref<!tpu.dma_semaphore, #tpu.memory_space<semaphore_mem>>) src(%dma_wait3A_423 : memref<640xi32, #tpu.memory_space<vmem>>) dst(%dma_wait3A_420 : memref<640xi32, #tpu.memory_space<hbm>>)
      } else {
      }
      %parallel_loop3A_394 = arith.constant 0 : i32
      %parallel_loop3A_395 = arith.constant 40 : i32
      %parallel_loop3A_396 = arith.constant 1 : i32
      scf.for %parallel_loop3A_413 = %parallel_loop3A_394 to %parallel_loop3A_395 step %parallel_loop3A_396  : i32 {
        %parallel_loop3A_414 = arith.constant 16 : i32
        %parallel_loop3A_415 = arith.muli %parallel_loop3A_413, %parallel_loop3A_414 : i32
        %parallel_loop3A_416 = arith.constant 16 : i32
        %parallel_loop3A_417 = arith.muli %parallel_loop3A_413, %parallel_loop3A_416 : i32
        %parallel_loop3A_418 = vector.broadcast %parallel_loop3A_417 : i32 to vector<16xi32>
        %parallel_loop3A_419 = arith.addi %parallel_loop3A_418, %iota3A : vector<16xi32>
        %parallel_loop3A_420 = arith.index_cast %rem3A_334 : i32 to index
        %parallel_loop3A_421 = arith.index_cast %parallel_loop3A_415 : i32 to index
        %parallel_loop3A_422 = tpu.vector_load %arg8[%parallel_loop3A_420, %parallel_loop3A_421] {strides = array<i32>} : memref<3x640xi32, #tpu.memory_space<vmem>>, vector<16xi32>,
        %parallel_loop3A_423 = arith.constant 3 : i32
        %parallel_loop3A_424 = vector.broadcast %parallel_loop3A_423 : i32 to vector<16xi32>
        %parallel_loop3A_425 = arith.andi %parallel_loop3A_422, %parallel_loop3A_424 : vector<16xi32>
        %parallel_loop3A_426 = arith.constant 2 : i32
        %parallel_loop3A_427 = vector.broadcast %parallel_loop3A_426 : i32 to vector<16xi32>
        %parallel_loop3A_428 = arith.shli %parallel_loop3A_425, %parallel_loop3A_427 : vector<16xi32>
        %parallel_loop3A_429 = arith.index_cast %rem3A_334 : i32 to index
        %parallel_loop3A_430 = arith.index_cast %parallel_loop3A_415 : i32 to index
        %parallel_loop3A_431 = tpu.vector_load %arg9[%parallel_loop3A_429, %parallel_loop3A_430] {strides = array<i32>} : memref<3x640xi32, #tpu.memory_space<vmem>>, vector<16xi32>,
        %parallel_loop3A_432 = arith.constant 3 : i32
        %parallel_loop3A_433 = vector.broadcast %parallel_loop3A_432 : i32 to vector<16xi32>
        %parallel_loop3A_434 = arith.andi %parallel_loop3A_431, %parallel_loop3A_433 : vector<16xi32>
        %parallel_loop3A_435 = arith.constant 2 : i32
        %parallel_loop3A_436 = vector.broadcast %parallel_loop3A_435 : i32 to vector<16xi32>
        %parallel_loop3A_437 = arith.shli %parallel_loop3A_434, %parallel_loop3A_436 : vector<16xi32>
        %parallel_loop3A_438 = arith.constant 1 : i32
        %parallel_loop3A_439 = vector.broadcast %parallel_loop3A_438 : i32 to vector<16xi32>
        %parallel_loop3A_440 = arith.addi %parallel_loop3A_428, %parallel_loop3A_439 : vector<16xi32>
        %parallel_loop3A_441 = arith.constant 0 : i32
        %parallel_loop3A_442 = arith.constant 0 : i32
        %parallel_loop3A_443 = tpu.memref_slice %arg12[%rem3A_334, %parallel_loop3A_441, %parallel_loop3A_442] : memref<3x640x16xf32, #tpu.memory_space<vmem>> -> memref<1x640x16xf32, #tpu.memory_space<vmem>>
        %parallel_loop3A_444 = tpu.memref_squeeze %parallel_loop3A_443 : memref<1x640x16xf32, #tpu.memory_space<vmem>> -> memref<640x16xf32, #tpu.memory_space<vmem>>
        %parallel_loop3A_445 = tpu.vector_load_idx %parallel_loop3A_444[%parallel_loop3A_419, %parallel_loop3A_440] : memref<640x16xf32, #tpu.memory_space<vmem>>[vector<16xi32>, vector<16xi32>], vector<16xf32>,
        %parallel_loop3A_446 = arith.constant 1 : i32
        %parallel_loop3A_447 = vector.broadcast %parallel_loop3A_446 : i32 to vector<16xi32>
        %parallel_loop3A_448 = arith.addi %parallel_loop3A_437, %parallel_loop3A_447 : vector<16xi32>
        %parallel_loop3A_449 = arith.constant 0 : i32
        %parallel_loop3A_450 = arith.constant 0 : i32
        %parallel_loop3A_451 = tpu.memref_slice %arg13[%rem3A_334, %parallel_loop3A_449, %parallel_loop3A_450] : memref<3x640x16xf32, #tpu.memory_space<vmem>> -> memref<1x640x16xf32, #tpu.memory_space<vmem>>
        %parallel_loop3A_452 = tpu.memref_squeeze %parallel_loop3A_451 : memref<1x640x16xf32, #tpu.memory_space<vmem>> -> memref<640x16xf32, #tpu.memory_space<vmem>>
        %parallel_loop3A_453 = tpu.vector_load_idx %parallel_loop3A_452[%parallel_loop3A_419, %parallel_loop3A_448] : memref<640x16xf32, #tpu.memory_space<vmem>>[vector<16xi32>, vector<16xi32>], vector<16xf32>,
        %parallel_loop3A_454 = arith.subf %parallel_loop3A_445, %parallel_loop3A_453 : vector<16xf32>
        %parallel_loop3A_455 = arith.constant 2 : i32
        %parallel_loop3A_456 = vector.broadcast %parallel_loop3A_455 : i32 to vector<16xi32>
        %parallel_loop3A_457 = arith.addi %parallel_loop3A_428, %parallel_loop3A_456 : vector<16xi32>
        %parallel_loop3A_458 = arith.constant 0 : i32
        %parallel_loop3A_459 = arith.constant 0 : i32
        %parallel_loop3A_460 = tpu.memref_slice %arg12[%rem3A_334, %parallel_loop3A_458, %parallel_loop3A_459] : memref<3x640x16xf32, #tpu.memory_space<vmem>> -> memref<1x640x16xf32, #tpu.memory_space<vmem>>
        %parallel_loop3A_461 = tpu.memref_squeeze %parallel_loop3A_460 : memref<1x640x16xf32, #tpu.memory_space<vmem>> -> memref<640x16xf32, #tpu.memory_space<vmem>>
        %parallel_loop3A_462 = tpu.vector_load_idx %parallel_loop3A_461[%parallel_loop3A_419, %parallel_loop3A_457] : memref<640x16xf32, #tpu.memory_space<vmem>>[vector<16xi32>, vector<16xi32>], vector<16xf32>,
        %parallel_loop3A_463 = arith.constant 2 : i32
        %parallel_loop3A_464 = vector.broadcast %parallel_loop3A_463 : i32 to vector<16xi32>
        %parallel_loop3A_465 = arith.addi %parallel_loop3A_437, %parallel_loop3A_464 : vector<16xi32>
        %parallel_loop3A_466 = arith.constant 0 : i32
        %parallel_loop3A_467 = arith.constant 0 : i32
        %parallel_loop3A_468 = tpu.memref_slice %arg13[%rem3A_334, %parallel_loop3A_466, %parallel_loop3A_467] : memref<3x640x16xf32, #tpu.memory_space<vmem>> -> memref<1x640x16xf32, #tpu.memory_space<vmem>>
        %parallel_loop3A_469 = tpu.memref_squeeze %parallel_loop3A_468 : memref<1x640x16xf32, #tpu.memory_space<vmem>> -> memref<640x16xf32, #tpu.memory_space<vmem>>
        %parallel_loop3A_470 = tpu.vector_load_idx %parallel_loop3A_469[%parallel_loop3A_419, %parallel_loop3A_465] : memref<640x16xf32, #tpu.memory_space<vmem>>[vector<16xi32>, vector<16xi32>], vector<16xf32>,
        %parallel_loop3A_471 = arith.subf %parallel_loop3A_462, %parallel_loop3A_470 : vector<16xf32>
        %parallel_loop3A_472 = arith.constant 3 : i32
        %parallel_loop3A_473 = vector.broadcast %parallel_loop3A_472 : i32 to vector<16xi32>
        %parallel_loop3A_474 = arith.addi %parallel_loop3A_428, %parallel_loop3A_473 : vector<16xi32>
        %parallel_loop3A_475 = arith.constant 0 : i32
        %parallel_loop3A_476 = arith.constant 0 : i32
        %parallel_loop3A_477 = tpu.memref_slice %arg12[%rem3A_334, %parallel_loop3A_475, %parallel_loop3A_476] : memref<3x640x16xf32, #tpu.memory_space<vmem>> -> memref<1x640x16xf32, #tpu.memory_space<vmem>>
        %parallel_loop3A_478 = tpu.memref_squeeze %parallel_loop3A_477 : memref<1x640x16xf32, #tpu.memory_space<vmem>> -> memref<640x16xf32, #tpu.memory_space<vmem>>
        %parallel_loop3A_479 = tpu.vector_load_idx %parallel_loop3A_478[%parallel_loop3A_419, %parallel_loop3A_474] : memref<640x16xf32, #tpu.memory_space<vmem>>[vector<16xi32>, vector<16xi32>], vector<16xf32>,
        %parallel_loop3A_480 = arith.constant 3 : i32
        %parallel_loop3A_481 = vector.broadcast %parallel_loop3A_480 : i32 to vector<16xi32>
        %parallel_loop3A_482 = arith.addi %parallel_loop3A_437, %parallel_loop3A_481 : vector<16xi32>
        %parallel_loop3A_483 = arith.constant 0 : i32
        %parallel_loop3A_484 = arith.constant 0 : i32
        %parallel_loop3A_485 = tpu.memref_slice %arg13[%rem3A_334, %parallel_loop3A_483, %parallel_loop3A_484] : memref<3x640x16xf32, #tpu.memory_space<vmem>> -> memref<1x640x16xf32, #tpu.memory_space<vmem>>
        %parallel_loop3A_486 = tpu.memref_squeeze %parallel_loop3A_485 : memref<1x640x16xf32, #tpu.memory_space<vmem>> -> memref<640x16xf32, #tpu.memory_space<vmem>>
        %parallel_loop3A_487 = tpu.vector_load_idx %parallel_loop3A_486[%parallel_loop3A_419, %parallel_loop3A_482] : memref<640x16xf32, #tpu.memory_space<vmem>>[vector<16xi32>, vector<16xi32>], vector<16xf32>,
        %parallel_loop3A_488 = arith.subf %parallel_loop3A_479, %parallel_loop3A_487 : vector<16xf32>
        %parallel_loop3A_489 = arith.cmpf oge, %parallel_loop3A_454, %get3A_11 : vector<16xf32>
        %parallel_loop3A_490 = arith.extui %parallel_loop3A_489 : vector<16xi1> to vector<16xi32>
        %parallel_loop3A_491 = arith.constant 0.000000e+00 : f32
        %parallel_loop3A_492 = vector.broadcast %parallel_loop3A_491 : f32 to vector<16xf32>
        %parallel_loop3A_493 = arith.subf %parallel_loop3A_492, %get3A_11 : vector<16xf32>
        %parallel_loop3A_494 = arith.cmpf ogt, %parallel_loop3A_454, %parallel_loop3A_493 : vector<16xf32>
        %parallel_loop3A_495 = arith.extui %parallel_loop3A_494 : vector<16xi1> to vector<16xi32>
        %parallel_loop3A_496 = arith.addi %parallel_loop3A_490, %parallel_loop3A_495 : vector<16xi32>
        %parallel_loop3A_497 = arith.cmpf oge, %parallel_loop3A_471, %get3A_15 : vector<16xf32>
        %parallel_loop3A_498 = arith.extui %parallel_loop3A_497 : vector<16xi1> to vector<16xi32>
        %parallel_loop3A_499 = arith.constant 0.000000e+00 : f32
        %parallel_loop3A_500 = vector.broadcast %parallel_loop3A_499 : f32 to vector<16xf32>
        %parallel_loop3A_501 = arith.subf %parallel_loop3A_500, %get3A_15 : vector<16xf32>
        %parallel_loop3A_502 = arith.cmpf ogt, %parallel_loop3A_471, %parallel_loop3A_501 : vector<16xf32>
        %parallel_loop3A_503 = arith.extui %parallel_loop3A_502 : vector<16xi1> to vector<16xi32>
        %parallel_loop3A_504 = arith.addi %parallel_loop3A_498, %parallel_loop3A_503 : vector<16xi32>
        %parallel_loop3A_505 = arith.cmpf oge, %parallel_loop3A_488, %get3A_19 : vector<16xf32>
        %parallel_loop3A_506 = arith.extui %parallel_loop3A_505 : vector<16xi1> to vector<16xi32>
        %parallel_loop3A_507 = arith.constant 0.000000e+00 : f32
        %parallel_loop3A_508 = vector.broadcast %parallel_loop3A_507 : f32 to vector<16xf32>
        %parallel_loop3A_509 = arith.subf %parallel_loop3A_508, %get3A_19 : vector<16xf32>
        %parallel_loop3A_510 = arith.cmpf ogt, %parallel_loop3A_488, %parallel_loop3A_509 : vector<16xf32>
        %parallel_loop3A_511 = arith.extui %parallel_loop3A_510 : vector<16xi1> to vector<16xi32>
        %parallel_loop3A_512 = arith.addi %parallel_loop3A_506, %parallel_loop3A_511 : vector<16xi32>
        %parallel_loop3A_513 = arith.constant 3 : i32
        %parallel_loop3A_514 = vector.broadcast %parallel_loop3A_513 : i32 to vector<16xi32>
        %parallel_loop3A_515 = arith.muli %parallel_loop3A_512, %parallel_loop3A_514 : vector<16xi32>
        %parallel_loop3A_516 = arith.addi %parallel_loop3A_515, %parallel_loop3A_504 : vector<16xi32>
        %parallel_loop3A_517 = arith.constant 3 : i32
        %parallel_loop3A_518 = vector.broadcast %parallel_loop3A_517 : i32 to vector<16xi32>
        %parallel_loop3A_519 = arith.muli %parallel_loop3A_516, %parallel_loop3A_518 : vector<16xi32>
        %parallel_loop3A_520 = arith.addi %parallel_loop3A_519, %parallel_loop3A_496 : vector<16xi32>
        %parallel_loop3A_521 = arith.constant 0 : i32
        %parallel_loop3A_522 = tpu.memref_slice %arg14[%rem3A_336, %parallel_loop3A_521] : memref<2x640xi32, #tpu.memory_space<vmem>> -> memref<1x640xi32, #tpu.memory_space<vmem>>
        %parallel_loop3A_523 = tpu.memref_squeeze %parallel_loop3A_522 : memref<1x640xi32, #tpu.memory_space<vmem>> -> memref<640xi32, #tpu.memory_space<vmem>>
        %parallel_loop3A_524 = arith.index_cast %parallel_loop3A_415 : i32 to index
        %parallel_loop3A_525 = tpu.vector_load %parallel_loop3A_523[%parallel_loop3A_524] {strides = array<i32>} : memref<640xi32, #tpu.memory_space<vmem>>, vector<16xi32>,
        tpu.vector_store %parallel_loop3A_523[%parallel_loop3A_524], %parallel_loop3A_520 {strides = array<i32>} : memref<640xi32, #tpu.memory_space<vmem>>, vector<16xi32>,
      } {sc.loop_unroll_factor = 4 : i64, sc.parallel_access}
      %add3A_397 = arith.constant 3 : i32
      %add3A_398 = arith.addi %while3A_333, %add3A_397 : i32
      %lt3A_399 = arith.cmpi slt, %add3A_398, %add3A_4 : i32
      %convert_element_type3A_400 = arith.extui %lt3A_399 : i1 to i32
      %cond3A_401 = arith.constant 0 : i32
      %cond3A_402 = arith.cmpi ne, %convert_element_type3A_400, %cond3A_401 : i32
      scf.if %cond3A_402 {
        %add3A_413 = arith.addi %add3A_8, %while3A_333 : i32
        %add3A_414 = arith.constant 3 : i32
        %add3A_415 = arith.addi %add3A_413, %add3A_414 : i32
        %mul3A_416 = arith.constant 640 : i32
        %mul3A_417 = arith.muli %add3A_415, %mul3A_416 : i32
        %dma_start3A_418 = arith.constant 0 : i32
        %dma_start3A_419 = tpu.memref_slice %arg8[%rem3A_334, %dma_start3A_418] : memref<3x640xi32, #tpu.memory_space<vmem>> -> memref<1x640xi32, #tpu.memory_space<vmem>>
        %dma_start3A_420 = tpu.memref_squeeze %dma_start3A_419 : memref<1x640xi32, #tpu.memory_space<vmem>> -> memref<640xi32, #tpu.memory_space<vmem>>
        %dma_start3A_421 = tpu.memref_slice %arg4[%mul3A_417] : memref<1600000xi32, #tpu.memory_space<hbm>> -> memref<640xi32, #tpu.memory_space<hbm>>
        %dma_start3A_422 = arith.constant 0 : i32
        %dma_start3A_423 = tpu.memref_slice %arg8[%rem3A_334, %dma_start3A_422] : memref<3x640xi32, #tpu.memory_space<vmem>> -> memref<1x640xi32, #tpu.memory_space<vmem>>
        %dma_start3A_424 = tpu.memref_squeeze %dma_start3A_423 : memref<1x640xi32, #tpu.memory_space<vmem>> -> memref<640xi32, #tpu.memory_space<vmem>>
        %dma_start3A_425 = tpu.memref_slice %arg4[%mul3A_417] : memref<1600000xi32, #tpu.memory_space<hbm>> -> memref<640xi32, #tpu.memory_space<hbm>>
        tpu.enqueue_dma source(%dma_start3A_425 : memref<640xi32, #tpu.memory_space<hbm>>) target(%dma_start3A_424 : memref<640xi32, #tpu.memory_space<vmem>>) target_semaphore(%arg19 : memref<!tpu.dma_semaphore, #tpu.memory_space<semaphore_mem>>)
        %mul3A_426 = arith.constant 640 : i32
        %mul3A_427 = arith.muli %add3A_415, %mul3A_426 : i32
        %dma_start3A_428 = arith.constant 0 : i32
        %dma_start3A_429 = tpu.memref_slice %arg9[%rem3A_334, %dma_start3A_428] : memref<3x640xi32, #tpu.memory_space<vmem>> -> memref<1x640xi32, #tpu.memory_space<vmem>>
        %dma_start3A_430 = tpu.memref_squeeze %dma_start3A_429 : memref<1x640xi32, #tpu.memory_space<vmem>> -> memref<640xi32, #tpu.memory_space<vmem>>
        %dma_start3A_431 = tpu.memref_slice %arg5[%mul3A_427] : memref<1600000xi32, #tpu.memory_space<hbm>> -> memref<640xi32, #tpu.memory_space<hbm>>
        %dma_start3A_432 = arith.constant 0 : i32
        %dma_start3A_433 = tpu.memref_slice %arg9[%rem3A_334, %dma_start3A_432] : memref<3x640xi32, #tpu.memory_space<vmem>> -> memref<1x640xi32, #tpu.memory_space<vmem>>
        %dma_start3A_434 = tpu.memref_squeeze %dma_start3A_433 : memref<1x640xi32, #tpu.memory_space<vmem>> -> memref<640xi32, #tpu.memory_space<vmem>>
        %dma_start3A_435 = tpu.memref_slice %arg5[%mul3A_427] : memref<1600000xi32, #tpu.memory_space<hbm>> -> memref<640xi32, #tpu.memory_space<hbm>>
        tpu.enqueue_dma source(%dma_start3A_435 : memref<640xi32, #tpu.memory_space<hbm>>) target(%dma_start3A_434 : memref<640xi32, #tpu.memory_space<vmem>>) target_semaphore(%arg19 : memref<!tpu.dma_semaphore, #tpu.memory_space<semaphore_mem>>)
      } else {
      }
      %eq3A_403 = arith.constant 0 : i32
      %eq3A_404 = arith.cmpi eq, %rem3A_336, %eq3A_403 : i32
      %convert_element_type3A_405 = arith.extui %eq3A_404 : i1 to i32
      %cond3A_406 = arith.constant 0 : i32
      %cond3A_407 = arith.cmpi ne, %convert_element_type3A_405, %cond3A_406 : i32
      scf.if %cond3A_407 {
        %add3A_413 = arith.addi %add3A_8, %while3A_333 : i32
        %mul3A_414 = arith.constant 640 : i32
        %mul3A_415 = arith.muli %add3A_413, %mul3A_414 : i32
        %dma_start3A_416 = arith.constant 0 : i32
        %dma_start3A_417 = arith.constant 0 : i32
        %dma_start3A_418 = tpu.memref_slice %arg14[%dma_start3A_416, %dma_start3A_417] : memref<2x640xi32, #tpu.memory_space<vmem>> -> memref<1x640xi32, #tpu.memory_space<vmem>>
        %dma_start3A_419 = tpu.memref_squeeze %dma_start3A_418 : memref<1x640xi32, #tpu.memory_space<vmem>> -> memref<640xi32, #tpu.memory_space<vmem>>
        %dma_start3A_420 = tpu.memref_slice %arg7[%mul3A_415] : memref<1600000xi32, #tpu.memory_space<hbm>> -> memref<640xi32, #tpu.memory_space<hbm>>
        %dma_start3A_421 = tpu.memref_slice %arg7[%mul3A_415] : memref<1600000xi32, #tpu.memory_space<hbm>> -> memref<640xi32, #tpu.memory_space<hbm>>
        %dma_start3A_422 = arith.constant 0 : i32
        %dma_start3A_423 = tpu.memref_slice %arg14[%dma_start3A_416, %dma_start3A_422] : memref<2x640xi32, #tpu.memory_space<vmem>> -> memref<1x640xi32, #tpu.memory_space<vmem>>
        %dma_start3A_424 = tpu.memref_squeeze %dma_start3A_423 : memref<1x640xi32, #tpu.memory_space<vmem>> -> memref<640xi32, #tpu.memory_space<vmem>>
        tpu.enqueue_dma source(%dma_start3A_424 : memref<640xi32, #tpu.memory_space<vmem>>) target(%dma_start3A_421 : memref<640xi32, #tpu.memory_space<hbm>>) target_semaphore(%arg20 : memref<!tpu.dma_semaphore, #tpu.memory_space<semaphore_mem>>)
      } else {
      }
      %eq3A_408 = arith.constant 1 : i32
      %eq3A_409 = arith.cmpi eq, %rem3A_336, %eq3A_408 : i32
      %convert_element_type3A_410 = arith.extui %eq3A_409 : i1 to i32
      %cond3A_411 = arith.constant 0 : i32
      %cond3A_412 = arith.cmpi ne, %convert_element_type3A_410, %cond3A_411 : i32
      scf.if %cond3A_412 {
        %add3A_413 = arith.addi %add3A_8, %while3A_333 : i32
        %mul3A_414 = arith.constant 640 : i32
        %mul3A_415 = arith.muli %add3A_413, %mul3A_414 : i32
        %dma_start3A_416 = arith.constant 1 : i32
        %dma_start3A_417 = arith.constant 0 : i32
        %dma_start3A_418 = tpu.memref_slice %arg14[%dma_start3A_416, %dma_start3A_417] : memref<2x640xi32, #tpu.memory_space<vmem>> -> memref<1x640xi32, #tpu.memory_space<vmem>>
        %dma_start3A_419 = tpu.memref_squeeze %dma_start3A_418 : memref<1x640xi32, #tpu.memory_space<vmem>> -> memref<640xi32, #tpu.memory_space<vmem>>
        %dma_start3A_420 = tpu.memref_slice %arg7[%mul3A_415] : memref<1600000xi32, #tpu.memory_space<hbm>> -> memref<640xi32, #tpu.memory_space<hbm>>
        %dma_start3A_421 = tpu.memref_slice %arg7[%mul3A_415] : memref<1600000xi32, #tpu.memory_space<hbm>> -> memref<640xi32, #tpu.memory_space<hbm>>
        %dma_start3A_422 = arith.constant 0 : i32
        %dma_start3A_423 = tpu.memref_slice %arg14[%dma_start3A_416, %dma_start3A_422] : memref<2x640xi32, #tpu.memory_space<vmem>> -> memref<1x640xi32, #tpu.memory_space<vmem>>
        %dma_start3A_424 = tpu.memref_squeeze %dma_start3A_423 : memref<1x640xi32, #tpu.memory_space<vmem>> -> memref<640xi32, #tpu.memory_space<vmem>>
        tpu.enqueue_dma source(%dma_start3A_424 : memref<640xi32, #tpu.memory_space<vmem>>) target(%dma_start3A_421 : memref<640xi32, #tpu.memory_space<hbm>>) target_semaphore(%arg21 : memref<!tpu.dma_semaphore, #tpu.memory_space<semaphore_mem>>)
      } else {
      }
    }
    %while3A_311 = arith.constant 1 : i32
    scf.for %while3A_333 = %while3A_309 to %while3A_305 step %while3A_311  : i32 {
      %rem3A = arith.constant 3 : i32
      %rem3A_334 = arith.remsi %while3A_333, %rem3A : i32
      %rem3A_335 = arith.constant 2 : i32
      %rem3A_336 = arith.remsi %while3A_333, %rem3A_335 : i32
      %add3A_337 = arith.constant 2 : i32
      %add3A_338 = arith.addi %while3A_333, %add3A_337 : i32
      %rem3A_339 = arith.constant 3 : i32
      %rem3A_340 = arith.remsi %add3A_338, %rem3A_339 : i32
      %add3A_341 = arith.constant 2 : i32
      %add3A_342 = arith.addi %while3A_333, %add3A_341 : i32
      %lt3A_343 = arith.cmpi slt, %add3A_342, %add3A_4 : i32
      %eq3A = arith.constant 0 : i32
      %eq3A_344 = arith.cmpi eq, %rem3A_340, %eq3A : i32
      %and3A = arith.andi %lt3A_343, %eq3A_344 : i1
      %convert_element_type3A = arith.extui %and3A : i1 to i32
      %cond3A = arith.constant 0 : i32
      %cond3A_345 = arith.cmpi ne, %convert_element_type3A, %cond3A : i32
      scf.if %cond3A_345 {
        %dma_wait3A_413 = arith.constant 0 : i32
        %dma_wait3A_414 = arith.constant 0 : i32
        %dma_wait3A_415 = tpu.memref_slice %arg8[%dma_wait3A_413, %dma_wait3A_414] : memref<3x640xi32, #tpu.memory_space<vmem>> -> memref<1x640xi32, #tpu.memory_space<vmem>>
        %dma_wait3A_416 = tpu.memref_squeeze %dma_wait3A_415 : memref<1x640xi32, #tpu.memory_space<vmem>> -> memref<640xi32, #tpu.memory_space<vmem>>
        %dma_wait3A_417 = arith.constant 0 : i32
        %dma_wait3A_418 = tpu.memref_slice %arg4[%dma_wait3A_417] : memref<1600000xi32, #tpu.memory_space<hbm>> -> memref<640xi32, #tpu.memory_space<hbm>>
        %dma_wait3A_419 = arith.constant 0 : i32
        %dma_wait3A_420 = tpu.memref_slice %arg8[%dma_wait3A_413, %dma_wait3A_419] : memref<3x640xi32, #tpu.memory_space<vmem>> -> memref<1x640xi32, #tpu.memory_space<vmem>>
        %dma_wait3A_421 = tpu.memref_squeeze %dma_wait3A_420 : memref<1x640xi32, #tpu.memory_space<vmem>> -> memref<640xi32, #tpu.memory_space<vmem>>
        %dma_wait3A_422 = arith.constant 0 : i32
        %dma_wait3A_423 = tpu.memref_slice %arg4[%dma_wait3A_422] : memref<1600000xi32, #tpu.memory_space<hbm>> -> memref<640xi32, #tpu.memory_space<hbm>>
        tpu.wait_dma2 semaphore(%arg19 : memref<!tpu.dma_semaphore, #tpu.memory_space<semaphore_mem>>) src(%dma_wait3A_423 : memref<640xi32, #tpu.memory_space<hbm>>) dst(%dma_wait3A_421 : memref<640xi32, #tpu.memory_space<vmem>>)
        %dma_wait3A_424 = arith.constant 0 : i32
        %dma_wait3A_425 = arith.constant 0 : i32
        %dma_wait3A_426 = tpu.memref_slice %arg9[%dma_wait3A_424, %dma_wait3A_425] : memref<3x640xi32, #tpu.memory_space<vmem>> -> memref<1x640xi32, #tpu.memory_space<vmem>>
        %dma_wait3A_427 = tpu.memref_squeeze %dma_wait3A_426 : memref<1x640xi32, #tpu.memory_space<vmem>> -> memref<640xi32, #tpu.memory_space<vmem>>
        %dma_wait3A_428 = arith.constant 0 : i32
        %dma_wait3A_429 = tpu.memref_slice %arg5[%dma_wait3A_428] : memref<1600000xi32, #tpu.memory_space<hbm>> -> memref<640xi32, #tpu.memory_space<hbm>>
        %dma_wait3A_430 = arith.constant 0 : i32
        %dma_wait3A_431 = tpu.memref_slice %arg9[%dma_wait3A_424, %dma_wait3A_430] : memref<3x640xi32, #tpu.memory_space<vmem>> -> memref<1x640xi32, #tpu.memory_space<vmem>>
        %dma_wait3A_432 = tpu.memref_squeeze %dma_wait3A_431 : memref<1x640xi32, #tpu.memory_space<vmem>> -> memref<640xi32, #tpu.memory_space<vmem>>
        %dma_wait3A_433 = arith.constant 0 : i32
        %dma_wait3A_434 = tpu.memref_slice %arg5[%dma_wait3A_433] : memref<1600000xi32, #tpu.memory_space<hbm>> -> memref<640xi32, #tpu.memory_space<hbm>>
        tpu.wait_dma2 semaphore(%arg19 : memref<!tpu.dma_semaphore, #tpu.memory_space<semaphore_mem>>) src(%dma_wait3A_434 : memref<640xi32, #tpu.memory_space<hbm>>) dst(%dma_wait3A_432 : memref<640xi32, #tpu.memory_space<vmem>>)
        %parallel_loop3A_435 = arith.constant 0 : i32
        %parallel_loop3A_436 = arith.constant 40 : i32
        %parallel_loop3A_437 = arith.constant 1 : i32
        scf.for %parallel_loop3A_558 = %parallel_loop3A_435 to %parallel_loop3A_436 step %parallel_loop3A_437  : i32 {
          %parallel_loop3A_559 = arith.constant 16 : i32
          %parallel_loop3A_560 = arith.muli %parallel_loop3A_558, %parallel_loop3A_559 : i32
          %parallel_loop3A_561 = arith.constant 0 : i32
          %parallel_loop3A_562 = arith.index_cast %parallel_loop3A_561 : i32 to index
          %parallel_loop3A_563 = arith.index_cast %parallel_loop3A_560 : i32 to index
          %parallel_loop3A_564 = tpu.vector_load %arg8[%parallel_loop3A_562, %parallel_loop3A_563] {strides = array<i32>} : memref<3x640xi32, #tpu.memory_space<vmem>>, vector<16xi32>,
          %parallel_loop3A_565 = arith.constant 2 : i32
          %parallel_loop3A_566 = vector.broadcast %parallel_loop3A_565 : i32 to vector<16xi32>
          %parallel_loop3A_567 = arith.shrui %parallel_loop3A_564, %parallel_loop3A_566 : vector<16xi32>
          %parallel_loop3A_568 = arith.constant 0 : i32
          %parallel_loop3A_569 = arith.index_cast %parallel_loop3A_568 : i32 to index
          %parallel_loop3A_570 = arith.index_cast %parallel_loop3A_560 : i32 to index
          %parallel_loop3A_571 = tpu.vector_load %arg10[%parallel_loop3A_569, %parallel_loop3A_570] {strides = array<i32>} : memref<3x640xi32, #tpu.memory_space<vmem>>, vector<16xi32>,
          tpu.vector_store %arg10[%parallel_loop3A_569, %parallel_loop3A_570], %parallel_loop3A_567 {strides = array<i32>} : memref<3x640xi32, #tpu.memory_space<vmem>>, vector<16xi32>,
          %parallel_loop3A_572 = arith.constant 0 : i32
          %parallel_loop3A_573 = arith.index_cast %parallel_loop3A_572 : i32 to index
          %parallel_loop3A_574 = arith.index_cast %parallel_loop3A_560 : i32 to index
          %parallel_loop3A_575 = tpu.vector_load %arg9[%parallel_loop3A_573, %parallel_loop3A_574] {strides = array<i32>} : memref<3x640xi32, #tpu.memory_space<vmem>>, vector<16xi32>,
          %parallel_loop3A_576 = arith.constant 2 : i32
          %parallel_loop3A_577 = vector.broadcast %parallel_loop3A_576 : i32 to vector<16xi32>
          %parallel_loop3A_578 = arith.shrui %parallel_loop3A_575, %parallel_loop3A_577 : vector<16xi32>
          %parallel_loop3A_579 = arith.constant 0 : i32
          %parallel_loop3A_580 = arith.index_cast %parallel_loop3A_579 : i32 to index
          %parallel_loop3A_581 = arith.index_cast %parallel_loop3A_560 : i32 to index
          %parallel_loop3A_582 = tpu.vector_load %arg11[%parallel_loop3A_580, %parallel_loop3A_581] {strides = array<i32>} : memref<3x640xi32, #tpu.memory_space<vmem>>, vector<16xi32>,
          tpu.vector_store %arg11[%parallel_loop3A_580, %parallel_loop3A_581], %parallel_loop3A_578 {strides = array<i32>} : memref<3x640xi32, #tpu.memory_space<vmem>>, vector<16xi32>,
        } {sc.loop_unroll_factor = 8 : i64, sc.parallel_access}
        %dma_start3A_438 = arith.constant 0 : i32
        %dma_start3A_439 = arith.constant 0 : i32
        %dma_start3A_440 = arith.constant 0 : i32
        %dma_start3A_441 = arith.constant 0 : i32
        %dma_start3A_442 = tpu.memref_slice %arg12[%dma_start3A_439, %dma_start3A_440, %dma_start3A_441] : memref<3x640x16xf32, #tpu.memory_space<vmem>> -> memref<1x128x16xf32, #tpu.memory_space<vmem>>
        %dma_start3A_443 = tpu.memref_squeeze %dma_start3A_442 : memref<1x128x16xf32, #tpu.memory_space<vmem>> -> memref<128x16xf32, #tpu.memory_space<vmem>>
        %dma_start3A_444 = arith.constant 0 : i32
        %dma_start3A_445 = tpu.memref_slice %arg10[%dma_start3A_438, %dma_start3A_444] : memref<3x640xi32, #tpu.memory_space<vmem>> -> memref<1x128xi32, #tpu.memory_space<vmem>>
        %dma_start3A_446 = tpu.memref_squeeze %dma_start3A_445 : memref<1x128xi32, #tpu.memory_space<vmem>> -> memref<128xi32, #tpu.memory_space<vmem>>
        %dma_start3A_447 = arith.constant 0 : i32
        %dma_start3A_448 = arith.constant 0 : i32
        %dma_start3A_449 = tpu.memref_slice %arg2[%dma_start3A_447, %dma_start3A_448] : memref<12500x16xf32, #tpu.memory_space<hbm>> -> memref<12500x16xf32, #tpu.memory_space<hbm>>
        tpu.enqueue_indirect_dma source(%dma_start3A_449 : memref<12500x16xf32, #tpu.memory_space<hbm>>) target(%dma_start3A_443 : memref<128x16xf32, #tpu.memory_space<vmem>>) offsets(%dma_start3A_446 : memref<128xi32, #tpu.memory_space<vmem>>) semaphore(%arg16 : memref<!tpu.dma_semaphore, #tpu.memory_space<semaphore_mem>>)
        %dma_start3A_450 = arith.constant 0 : i32
        %dma_start3A_451 = arith.constant 0 : i32
        %dma_start3A_452 = arith.constant 0 : i32
        %dma_start3A_453 = arith.constant 0 : i32
        %dma_start3A_454 = tpu.memref_slice %arg13[%dma_start3A_451, %dma_start3A_452, %dma_start3A_453] : memref<3x640x16xf32, #tpu.memory_space<vmem>> -> memref<1x128x16xf32, #tpu.memory_space<vmem>>
        %dma_start3A_455 = tpu.memref_squeeze %dma_start3A_454 : memref<1x128x16xf32, #tpu.memory_space<vmem>> -> memref<128x16xf32, #tpu.memory_space<vmem>>
        %dma_start3A_456 = arith.constant 0 : i32
        %dma_start3A_457 = tpu.memref_slice %arg11[%dma_start3A_450, %dma_start3A_456] : memref<3x640xi32, #tpu.memory_space<vmem>> -> memref<1x128xi32, #tpu.memory_space<vmem>>
        %dma_start3A_458 = tpu.memref_squeeze %dma_start3A_457 : memref<1x128xi32, #tpu.memory_space<vmem>> -> memref<128xi32, #tpu.memory_space<vmem>>
        %dma_start3A_459 = arith.constant 0 : i32
        %dma_start3A_460 = arith.constant 0 : i32
        %dma_start3A_461 = tpu.memref_slice %arg3[%dma_start3A_459, %dma_start3A_460] : memref<12500x16xf32, #tpu.memory_space<hbm>> -> memref<12500x16xf32, #tpu.memory_space<hbm>>
        tpu.enqueue_indirect_dma source(%dma_start3A_461 : memref<12500x16xf32, #tpu.memory_space<hbm>>) target(%dma_start3A_455 : memref<128x16xf32, #tpu.memory_space<vmem>>) offsets(%dma_start3A_458 : memref<128xi32, #tpu.memory_space<vmem>>) semaphore(%arg16 : memref<!tpu.dma_semaphore, #tpu.memory_space<semaphore_mem>>)
        %dma_start3A_462 = arith.constant 0 : i32
        %dma_start3A_463 = arith.constant 0 : i32
        %dma_start3A_464 = arith.constant 128 : i32
        %dma_start3A_465 = arith.constant 0 : i32
        %dma_start3A_466 = tpu.memref_slice %arg12[%dma_start3A_463, %dma_start3A_464, %dma_start3A_465] : memref<3x640x16xf32, #tpu.memory_space<vmem>> -> memref<1x128x16xf32, #tpu.memory_space<vmem>>
        %dma_start3A_467 = tpu.memref_squeeze %dma_start3A_466 : memref<1x128x16xf32, #tpu.memory_space<vmem>> -> memref<128x16xf32, #tpu.memory_space<vmem>>
        %dma_start3A_468 = arith.constant 128 : i32
        %dma_start3A_469 = tpu.memref_slice %arg10[%dma_start3A_462, %dma_start3A_468] : memref<3x640xi32, #tpu.memory_space<vmem>> -> memref<1x128xi32, #tpu.memory_space<vmem>>
        %dma_start3A_470 = tpu.memref_squeeze %dma_start3A_469 : memref<1x128xi32, #tpu.memory_space<vmem>> -> memref<128xi32, #tpu.memory_space<vmem>>
        %dma_start3A_471 = arith.constant 0 : i32
        %dma_start3A_472 = arith.constant 0 : i32
        %dma_start3A_473 = tpu.memref_slice %arg2[%dma_start3A_471, %dma_start3A_472] : memref<12500x16xf32, #tpu.memory_space<hbm>> -> memref<12500x16xf32, #tpu.memory_space<hbm>>
        tpu.enqueue_indirect_dma source(%dma_start3A_473 : memref<12500x16xf32, #tpu.memory_space<hbm>>) target(%dma_start3A_467 : memref<128x16xf32, #tpu.memory_space<vmem>>) offsets(%dma_start3A_470 : memref<128xi32, #tpu.memory_space<vmem>>) semaphore(%arg16 : memref<!tpu.dma_semaphore, #tpu.memory_space<semaphore_mem>>)
        %dma_start3A_474 = arith.constant 0 : i32
        %dma_start3A_475 = arith.constant 0 : i32
        %dma_start3A_476 = arith.constant 128 : i32
        %dma_start3A_477 = arith.constant 0 : i32
        %dma_start3A_478 = tpu.memref_slice %arg13[%dma_start3A_475, %dma_start3A_476, %dma_start3A_477] : memref<3x640x16xf32, #tpu.memory_space<vmem>> -> memref<1x128x16xf32, #tpu.memory_space<vmem>>
        %dma_start3A_479 = tpu.memref_squeeze %dma_start3A_478 : memref<1x128x16xf32, #tpu.memory_space<vmem>> -> memref<128x16xf32, #tpu.memory_space<vmem>>
        %dma_start3A_480 = arith.constant 128 : i32
        %dma_start3A_481 = tpu.memref_slice %arg11[%dma_start3A_474, %dma_start3A_480] : memref<3x640xi32, #tpu.memory_space<vmem>> -> memref<1x128xi32, #tpu.memory_space<vmem>>
        %dma_start3A_482 = tpu.memref_squeeze %dma_start3A_481 : memref<1x128xi32, #tpu.memory_space<vmem>> -> memref<128xi32, #tpu.memory_space<vmem>>
        %dma_start3A_483 = arith.constant 0 : i32
        %dma_start3A_484 = arith.constant 0 : i32
        %dma_start3A_485 = tpu.memref_slice %arg3[%dma_start3A_483, %dma_start3A_484] : memref<12500x16xf32, #tpu.memory_space<hbm>> -> memref<12500x16xf32, #tpu.memory_space<hbm>>
        tpu.enqueue_indirect_dma source(%dma_start3A_485 : memref<12500x16xf32, #tpu.memory_space<hbm>>) target(%dma_start3A_479 : memref<128x16xf32, #tpu.memory_space<vmem>>) offsets(%dma_start3A_482 : memref<128xi32, #tpu.memory_space<vmem>>) semaphore(%arg16 : memref<!tpu.dma_semaphore, #tpu.memory_space<semaphore_mem>>)
        %dma_start3A_486 = arith.constant 0 : i32
        %dma_start3A_487 = arith.constant 0 : i32
        %dma_start3A_488 = arith.constant 256 : i32
        %dma_start3A_489 = arith.constant 0 : i32
        %dma_start3A_490 = tpu.memref_slice %arg12[%dma_start3A_487, %dma_start3A_488, %dma_start3A_489] : memref<3x640x16xf32, #tpu.memory_space<vmem>> -> memref<1x128x16xf32, #tpu.memory_space<vmem>>
        %dma_start3A_491 = tpu.memref_squeeze %dma_start3A_490 : memref<1x128x16xf32, #tpu.memory_space<vmem>> -> memref<128x16xf32, #tpu.memory_space<vmem>>
        %dma_start3A_492 = arith.constant 256 : i32
        %dma_start3A_493 = tpu.memref_slice %arg10[%dma_start3A_486, %dma_start3A_492] : memref<3x640xi32, #tpu.memory_space<vmem>> -> memref<1x128xi32, #tpu.memory_space<vmem>>
        %dma_start3A_494 = tpu.memref_squeeze %dma_start3A_493 : memref<1x128xi32, #tpu.memory_space<vmem>> -> memref<128xi32, #tpu.memory_space<vmem>>
        %dma_start3A_495 = arith.constant 0 : i32
        %dma_start3A_496 = arith.constant 0 : i32
        %dma_start3A_497 = tpu.memref_slice %arg2[%dma_start3A_495, %dma_start3A_496] : memref<12500x16xf32, #tpu.memory_space<hbm>> -> memref<12500x16xf32, #tpu.memory_space<hbm>>
        tpu.enqueue_indirect_dma source(%dma_start3A_497 : memref<12500x16xf32, #tpu.memory_space<hbm>>) target(%dma_start3A_491 : memref<128x16xf32, #tpu.memory_space<vmem>>) offsets(%dma_start3A_494 : memref<128xi32, #tpu.memory_space<vmem>>) semaphore(%arg16 : memref<!tpu.dma_semaphore, #tpu.memory_space<semaphore_mem>>)
        %dma_start3A_498 = arith.constant 0 : i32
        %dma_start3A_499 = arith.constant 0 : i32
        %dma_start3A_500 = arith.constant 256 : i32
        %dma_start3A_501 = arith.constant 0 : i32
        %dma_start3A_502 = tpu.memref_slice %arg13[%dma_start3A_499, %dma_start3A_500, %dma_start3A_501] : memref<3x640x16xf32, #tpu.memory_space<vmem>> -> memref<1x128x16xf32, #tpu.memory_space<vmem>>
        %dma_start3A_503 = tpu.memref_squeeze %dma_start3A_502 : memref<1x128x16xf32, #tpu.memory_space<vmem>> -> memref<128x16xf32, #tpu.memory_space<vmem>>
        %dma_start3A_504 = arith.constant 256 : i32
        %dma_start3A_505 = tpu.memref_slice %arg11[%dma_start3A_498, %dma_start3A_504] : memref<3x640xi32, #tpu.memory_space<vmem>> -> memref<1x128xi32, #tpu.memory_space<vmem>>
        %dma_start3A_506 = tpu.memref_squeeze %dma_start3A_505 : memref<1x128xi32, #tpu.memory_space<vmem>> -> memref<128xi32, #tpu.memory_space<vmem>>
        %dma_start3A_507 = arith.constant 0 : i32
        %dma_start3A_508 = arith.constant 0 : i32
        %dma_start3A_509 = tpu.memref_slice %arg3[%dma_start3A_507, %dma_start3A_508] : memref<12500x16xf32, #tpu.memory_space<hbm>> -> memref<12500x16xf32, #tpu.memory_space<hbm>>
        tpu.enqueue_indirect_dma source(%dma_start3A_509 : memref<12500x16xf32, #tpu.memory_space<hbm>>) target(%dma_start3A_503 : memref<128x16xf32, #tpu.memory_space<vmem>>) offsets(%dma_start3A_506 : memref<128xi32, #tpu.memory_space<vmem>>) semaphore(%arg16 : memref<!tpu.dma_semaphore, #tpu.memory_space<semaphore_mem>>)
        %dma_start3A_510 = arith.constant 0 : i32
        %dma_start3A_511 = arith.constant 0 : i32
        %dma_start3A_512 = arith.constant 384 : i32
        %dma_start3A_513 = arith.constant 0 : i32
        %dma_start3A_514 = tpu.memref_slice %arg12[%dma_start3A_511, %dma_start3A_512, %dma_start3A_513] : memref<3x640x16xf32, #tpu.memory_space<vmem>> -> memref<1x128x16xf32, #tpu.memory_space<vmem>>
        %dma_start3A_515 = tpu.memref_squeeze %dma_start3A_514 : memref<1x128x16xf32, #tpu.memory_space<vmem>> -> memref<128x16xf32, #tpu.memory_space<vmem>>
        %dma_start3A_516 = arith.constant 384 : i32
        %dma_start3A_517 = tpu.memref_slice %arg10[%dma_start3A_510, %dma_start3A_516] : memref<3x640xi32, #tpu.memory_space<vmem>> -> memref<1x128xi32, #tpu.memory_space<vmem>>
        %dma_start3A_518 = tpu.memref_squeeze %dma_start3A_517 : memref<1x128xi32, #tpu.memory_space<vmem>> -> memref<128xi32, #tpu.memory_space<vmem>>
        %dma_start3A_519 = arith.constant 0 : i32
        %dma_start3A_520 = arith.constant 0 : i32
        %dma_start3A_521 = tpu.memref_slice %arg2[%dma_start3A_519, %dma_start3A_520] : memref<12500x16xf32, #tpu.memory_space<hbm>> -> memref<12500x16xf32, #tpu.memory_space<hbm>>
        tpu.enqueue_indirect_dma source(%dma_start3A_521 : memref<12500x16xf32, #tpu.memory_space<hbm>>) target(%dma_start3A_515 : memref<128x16xf32, #tpu.memory_space<vmem>>) offsets(%dma_start3A_518 : memref<128xi32, #tpu.memory_space<vmem>>) semaphore(%arg16 : memref<!tpu.dma_semaphore, #tpu.memory_space<semaphore_mem>>)
        %dma_start3A_522 = arith.constant 0 : i32
        %dma_start3A_523 = arith.constant 0 : i32
        %dma_start3A_524 = arith.constant 384 : i32
        %dma_start3A_525 = arith.constant 0 : i32
        %dma_start3A_526 = tpu.memref_slice %arg13[%dma_start3A_523, %dma_start3A_524, %dma_start3A_525] : memref<3x640x16xf32, #tpu.memory_space<vmem>> -> memref<1x128x16xf32, #tpu.memory_space<vmem>>
        %dma_start3A_527 = tpu.memref_squeeze %dma_start3A_526 : memref<1x128x16xf32, #tpu.memory_space<vmem>> -> memref<128x16xf32, #tpu.memory_space<vmem>>
        %dma_start3A_528 = arith.constant 384 : i32
        %dma_start3A_529 = tpu.memref_slice %arg11[%dma_start3A_522, %dma_start3A_528] : memref<3x640xi32, #tpu.memory_space<vmem>> -> memref<1x128xi32, #tpu.memory_space<vmem>>
        %dma_start3A_530 = tpu.memref_squeeze %dma_start3A_529 : memref<1x128xi32, #tpu.memory_space<vmem>> -> memref<128xi32, #tpu.memory_space<vmem>>
        %dma_start3A_531 = arith.constant 0 : i32
        %dma_start3A_532 = arith.constant 0 : i32
        %dma_start3A_533 = tpu.memref_slice %arg3[%dma_start3A_531, %dma_start3A_532] : memref<12500x16xf32, #tpu.memory_space<hbm>> -> memref<12500x16xf32, #tpu.memory_space<hbm>>
        tpu.enqueue_indirect_dma source(%dma_start3A_533 : memref<12500x16xf32, #tpu.memory_space<hbm>>) target(%dma_start3A_527 : memref<128x16xf32, #tpu.memory_space<vmem>>) offsets(%dma_start3A_530 : memref<128xi32, #tpu.memory_space<vmem>>) semaphore(%arg16 : memref<!tpu.dma_semaphore, #tpu.memory_space<semaphore_mem>>)
        %dma_start3A_534 = arith.constant 0 : i32
        %dma_start3A_535 = arith.constant 0 : i32
        %dma_start3A_536 = arith.constant 512 : i32
        %dma_start3A_537 = arith.constant 0 : i32
        %dma_start3A_538 = tpu.memref_slice %arg12[%dma_start3A_535, %dma_start3A_536, %dma_start3A_537] : memref<3x640x16xf32, #tpu.memory_space<vmem>> -> memref<1x128x16xf32, #tpu.memory_space<vmem>>
        %dma_start3A_539 = tpu.memref_squeeze %dma_start3A_538 : memref<1x128x16xf32, #tpu.memory_space<vmem>> -> memref<128x16xf32, #tpu.memory_space<vmem>>
        %dma_start3A_540 = arith.constant 512 : i32
        %dma_start3A_541 = tpu.memref_slice %arg10[%dma_start3A_534, %dma_start3A_540] : memref<3x640xi32, #tpu.memory_space<vmem>> -> memref<1x128xi32, #tpu.memory_space<vmem>>
        %dma_start3A_542 = tpu.memref_squeeze %dma_start3A_541 : memref<1x128xi32, #tpu.memory_space<vmem>> -> memref<128xi32, #tpu.memory_space<vmem>>
        %dma_start3A_543 = arith.constant 0 : i32
        %dma_start3A_544 = arith.constant 0 : i32
        %dma_start3A_545 = tpu.memref_slice %arg2[%dma_start3A_543, %dma_start3A_544] : memref<12500x16xf32, #tpu.memory_space<hbm>> -> memref<12500x16xf32, #tpu.memory_space<hbm>>
        tpu.enqueue_indirect_dma source(%dma_start3A_545 : memref<12500x16xf32, #tpu.memory_space<hbm>>) target(%dma_start3A_539 : memref<128x16xf32, #tpu.memory_space<vmem>>) offsets(%dma_start3A_542 : memref<128xi32, #tpu.memory_space<vmem>>) semaphore(%arg16 : memref<!tpu.dma_semaphore, #tpu.memory_space<semaphore_mem>>)
        %dma_start3A_546 = arith.constant 0 : i32
        %dma_start3A_547 = arith.constant 0 : i32
        %dma_start3A_548 = arith.constant 512 : i32
        %dma_start3A_549 = arith.constant 0 : i32
        %dma_start3A_550 = tpu.memref_slice %arg13[%dma_start3A_547, %dma_start3A_548, %dma_start3A_549] : memref<3x640x16xf32, #tpu.memory_space<vmem>> -> memref<1x128x16xf32, #tpu.memory_space<vmem>>
        %dma_start3A_551 = tpu.memref_squeeze %dma_start3A_550 : memref<1x128x16xf32, #tpu.memory_space<vmem>> -> memref<128x16xf32, #tpu.memory_space<vmem>>
        %dma_start3A_552 = arith.constant 512 : i32
        %dma_start3A_553 = tpu.memref_slice %arg11[%dma_start3A_546, %dma_start3A_552] : memref<3x640xi32, #tpu.memory_space<vmem>> -> memref<1x128xi32, #tpu.memory_space<vmem>>
        %dma_start3A_554 = tpu.memref_squeeze %dma_start3A_553 : memref<1x128xi32, #tpu.memory_space<vmem>> -> memref<128xi32, #tpu.memory_space<vmem>>
        %dma_start3A_555 = arith.constant 0 : i32
        %dma_start3A_556 = arith.constant 0 : i32
        %dma_start3A_557 = tpu.memref_slice %arg3[%dma_start3A_555, %dma_start3A_556] : memref<12500x16xf32, #tpu.memory_space<hbm>> -> memref<12500x16xf32, #tpu.memory_space<hbm>>
        tpu.enqueue_indirect_dma source(%dma_start3A_557 : memref<12500x16xf32, #tpu.memory_space<hbm>>) target(%dma_start3A_551 : memref<128x16xf32, #tpu.memory_space<vmem>>) offsets(%dma_start3A_554 : memref<128xi32, #tpu.memory_space<vmem>>) semaphore(%arg16 : memref<!tpu.dma_semaphore, #tpu.memory_space<semaphore_mem>>)
      } else {
      }
      %add3A_346 = arith.constant 2 : i32
      %add3A_347 = arith.addi %while3A_333, %add3A_346 : i32
      %lt3A_348 = arith.cmpi slt, %add3A_347, %add3A_4 : i32
      %eq3A_349 = arith.constant 1 : i32
      %eq3A_350 = arith.cmpi eq, %rem3A_340, %eq3A_349 : i32
      %and3A_351 = arith.andi %lt3A_348, %eq3A_350 : i1
      %convert_element_type3A_352 = arith.extui %and3A_351 : i1 to i32
      %cond3A_353 = arith.constant 0 : i32
      %cond3A_354 = arith.cmpi ne, %convert_element_type3A_352, %cond3A_353 : i32
      scf.if %cond3A_354 {
        %dma_wait3A_413 = arith.constant 1 : i32
        %dma_wait3A_414 = arith.constant 0 : i32
        %dma_wait3A_415 = tpu.memref_slice %arg8[%dma_wait3A_413, %dma_wait3A_414] : memref<3x640xi32, #tpu.memory_space<vmem>> -> memref<1x640xi32, #tpu.memory_space<vmem>>
        %dma_wait3A_416 = tpu.memref_squeeze %dma_wait3A_415 : memref<1x640xi32, #tpu.memory_space<vmem>> -> memref<640xi32, #tpu.memory_space<vmem>>
        %dma_wait3A_417 = arith.constant 0 : i32
        %dma_wait3A_418 = tpu.memref_slice %arg4[%dma_wait3A_417] : memref<1600000xi32, #tpu.memory_space<hbm>> -> memref<640xi32, #tpu.memory_space<hbm>>
        %dma_wait3A_419 = arith.constant 0 : i32
        %dma_wait3A_420 = tpu.memref_slice %arg8[%dma_wait3A_413, %dma_wait3A_419] : memref<3x640xi32, #tpu.memory_space<vmem>> -> memref<1x640xi32, #tpu.memory_space<vmem>>
        %dma_wait3A_421 = tpu.memref_squeeze %dma_wait3A_420 : memref<1x640xi32, #tpu.memory_space<vmem>> -> memref<640xi32, #tpu.memory_space<vmem>>
        %dma_wait3A_422 = arith.constant 0 : i32
        %dma_wait3A_423 = tpu.memref_slice %arg4[%dma_wait3A_422] : memref<1600000xi32, #tpu.memory_space<hbm>> -> memref<640xi32, #tpu.memory_space<hbm>>
        tpu.wait_dma2 semaphore(%arg19 : memref<!tpu.dma_semaphore, #tpu.memory_space<semaphore_mem>>) src(%dma_wait3A_423 : memref<640xi32, #tpu.memory_space<hbm>>) dst(%dma_wait3A_421 : memref<640xi32, #tpu.memory_space<vmem>>)
        %dma_wait3A_424 = arith.constant 1 : i32
        %dma_wait3A_425 = arith.constant 0 : i32
        %dma_wait3A_426 = tpu.memref_slice %arg9[%dma_wait3A_424, %dma_wait3A_425] : memref<3x640xi32, #tpu.memory_space<vmem>> -> memref<1x640xi32, #tpu.memory_space<vmem>>
        %dma_wait3A_427 = tpu.memref_squeeze %dma_wait3A_426 : memref<1x640xi32, #tpu.memory_space<vmem>> -> memref<640xi32, #tpu.memory_space<vmem>>
        %dma_wait3A_428 = arith.constant 0 : i32
        %dma_wait3A_429 = tpu.memref_slice %arg5[%dma_wait3A_428] : memref<1600000xi32, #tpu.memory_space<hbm>> -> memref<640xi32, #tpu.memory_space<hbm>>
        %dma_wait3A_430 = arith.constant 0 : i32
        %dma_wait3A_431 = tpu.memref_slice %arg9[%dma_wait3A_424, %dma_wait3A_430] : memref<3x640xi32, #tpu.memory_space<vmem>> -> memref<1x640xi32, #tpu.memory_space<vmem>>
        %dma_wait3A_432 = tpu.memref_squeeze %dma_wait3A_431 : memref<1x640xi32, #tpu.memory_space<vmem>> -> memref<640xi32, #tpu.memory_space<vmem>>
        %dma_wait3A_433 = arith.constant 0 : i32
        %dma_wait3A_434 = tpu.memref_slice %arg5[%dma_wait3A_433] : memref<1600000xi32, #tpu.memory_space<hbm>> -> memref<640xi32, #tpu.memory_space<hbm>>
        tpu.wait_dma2 semaphore(%arg19 : memref<!tpu.dma_semaphore, #tpu.memory_space<semaphore_mem>>) src(%dma_wait3A_434 : memref<640xi32, #tpu.memory_space<hbm>>) dst(%dma_wait3A_432 : memref<640xi32, #tpu.memory_space<vmem>>)
        %parallel_loop3A_435 = arith.constant 0 : i32
        %parallel_loop3A_436 = arith.constant 40 : i32
        %parallel_loop3A_437 = arith.constant 1 : i32
        scf.for %parallel_loop3A_558 = %parallel_loop3A_435 to %parallel_loop3A_436 step %parallel_loop3A_437  : i32 {
          %parallel_loop3A_559 = arith.constant 16 : i32
          %parallel_loop3A_560 = arith.muli %parallel_loop3A_558, %parallel_loop3A_559 : i32
          %parallel_loop3A_561 = arith.constant 1 : i32
          %parallel_loop3A_562 = arith.index_cast %parallel_loop3A_561 : i32 to index
          %parallel_loop3A_563 = arith.index_cast %parallel_loop3A_560 : i32 to index
          %parallel_loop3A_564 = tpu.vector_load %arg8[%parallel_loop3A_562, %parallel_loop3A_563] {strides = array<i32>} : memref<3x640xi32, #tpu.memory_space<vmem>>, vector<16xi32>,
          %parallel_loop3A_565 = arith.constant 2 : i32
          %parallel_loop3A_566 = vector.broadcast %parallel_loop3A_565 : i32 to vector<16xi32>
          %parallel_loop3A_567 = arith.shrui %parallel_loop3A_564, %parallel_loop3A_566 : vector<16xi32>
          %parallel_loop3A_568 = arith.constant 1 : i32
          %parallel_loop3A_569 = arith.index_cast %parallel_loop3A_568 : i32 to index
          %parallel_loop3A_570 = arith.index_cast %parallel_loop3A_560 : i32 to index
          %parallel_loop3A_571 = tpu.vector_load %arg10[%parallel_loop3A_569, %parallel_loop3A_570] {strides = array<i32>} : memref<3x640xi32, #tpu.memory_space<vmem>>, vector<16xi32>,
          tpu.vector_store %arg10[%parallel_loop3A_569, %parallel_loop3A_570], %parallel_loop3A_567 {strides = array<i32>} : memref<3x640xi32, #tpu.memory_space<vmem>>, vector<16xi32>,
          %parallel_loop3A_572 = arith.constant 1 : i32
          %parallel_loop3A_573 = arith.index_cast %parallel_loop3A_572 : i32 to index
          %parallel_loop3A_574 = arith.index_cast %parallel_loop3A_560 : i32 to index
          %parallel_loop3A_575 = tpu.vector_load %arg9[%parallel_loop3A_573, %parallel_loop3A_574] {strides = array<i32>} : memref<3x640xi32, #tpu.memory_space<vmem>>, vector<16xi32>,
          %parallel_loop3A_576 = arith.constant 2 : i32
          %parallel_loop3A_577 = vector.broadcast %parallel_loop3A_576 : i32 to vector<16xi32>
          %parallel_loop3A_578 = arith.shrui %parallel_loop3A_575, %parallel_loop3A_577 : vector<16xi32>
          %parallel_loop3A_579 = arith.constant 1 : i32
          %parallel_loop3A_580 = arith.index_cast %parallel_loop3A_579 : i32 to index
          %parallel_loop3A_581 = arith.index_cast %parallel_loop3A_560 : i32 to index
          %parallel_loop3A_582 = tpu.vector_load %arg11[%parallel_loop3A_580, %parallel_loop3A_581] {strides = array<i32>} : memref<3x640xi32, #tpu.memory_space<vmem>>, vector<16xi32>,
          tpu.vector_store %arg11[%parallel_loop3A_580, %parallel_loop3A_581], %parallel_loop3A_578 {strides = array<i32>} : memref<3x640xi32, #tpu.memory_space<vmem>>, vector<16xi32>,
        } {sc.loop_unroll_factor = 8 : i64, sc.parallel_access}
        %dma_start3A_438 = arith.constant 1 : i32
        %dma_start3A_439 = arith.constant 1 : i32
        %dma_start3A_440 = arith.constant 0 : i32
        %dma_start3A_441 = arith.constant 0 : i32
        %dma_start3A_442 = tpu.memref_slice %arg12[%dma_start3A_439, %dma_start3A_440, %dma_start3A_441] : memref<3x640x16xf32, #tpu.memory_space<vmem>> -> memref<1x128x16xf32, #tpu.memory_space<vmem>>
        %dma_start3A_443 = tpu.memref_squeeze %dma_start3A_442 : memref<1x128x16xf32, #tpu.memory_space<vmem>> -> memref<128x16xf32, #tpu.memory_space<vmem>>
        %dma_start3A_444 = arith.constant 0 : i32
        %dma_start3A_445 = tpu.memref_slice %arg10[%dma_start3A_438, %dma_start3A_444] : memref<3x640xi32, #tpu.memory_space<vmem>> -> memref<1x128xi32, #tpu.memory_space<vmem>>
        %dma_start3A_446 = tpu.memref_squeeze %dma_start3A_445 : memref<1x128xi32, #tpu.memory_space<vmem>> -> memref<128xi32, #tpu.memory_space<vmem>>
        %dma_start3A_447 = arith.constant 0 : i32
        %dma_start3A_448 = arith.constant 0 : i32
        %dma_start3A_449 = tpu.memref_slice %arg2[%dma_start3A_447, %dma_start3A_448] : memref<12500x16xf32, #tpu.memory_space<hbm>> -> memref<12500x16xf32, #tpu.memory_space<hbm>>
        tpu.enqueue_indirect_dma source(%dma_start3A_449 : memref<12500x16xf32, #tpu.memory_space<hbm>>) target(%dma_start3A_443 : memref<128x16xf32, #tpu.memory_space<vmem>>) offsets(%dma_start3A_446 : memref<128xi32, #tpu.memory_space<vmem>>) semaphore(%arg17 : memref<!tpu.dma_semaphore, #tpu.memory_space<semaphore_mem>>)
        %dma_start3A_450 = arith.constant 1 : i32
        %dma_start3A_451 = arith.constant 1 : i32
        %dma_start3A_452 = arith.constant 0 : i32
        %dma_start3A_453 = arith.constant 0 : i32
        %dma_start3A_454 = tpu.memref_slice %arg13[%dma_start3A_451, %dma_start3A_452, %dma_start3A_453] : memref<3x640x16xf32, #tpu.memory_space<vmem>> -> memref<1x128x16xf32, #tpu.memory_space<vmem>>
        %dma_start3A_455 = tpu.memref_squeeze %dma_start3A_454 : memref<1x128x16xf32, #tpu.memory_space<vmem>> -> memref<128x16xf32, #tpu.memory_space<vmem>>
        %dma_start3A_456 = arith.constant 0 : i32
        %dma_start3A_457 = tpu.memref_slice %arg11[%dma_start3A_450, %dma_start3A_456] : memref<3x640xi32, #tpu.memory_space<vmem>> -> memref<1x128xi32, #tpu.memory_space<vmem>>
        %dma_start3A_458 = tpu.memref_squeeze %dma_start3A_457 : memref<1x128xi32, #tpu.memory_space<vmem>> -> memref<128xi32, #tpu.memory_space<vmem>>
        %dma_start3A_459 = arith.constant 0 : i32
        %dma_start3A_460 = arith.constant 0 : i32
        %dma_start3A_461 = tpu.memref_slice %arg3[%dma_start3A_459, %dma_start3A_460] : memref<12500x16xf32, #tpu.memory_space<hbm>> -> memref<12500x16xf32, #tpu.memory_space<hbm>>
        tpu.enqueue_indirect_dma source(%dma_start3A_461 : memref<12500x16xf32, #tpu.memory_space<hbm>>) target(%dma_start3A_455 : memref<128x16xf32, #tpu.memory_space<vmem>>) offsets(%dma_start3A_458 : memref<128xi32, #tpu.memory_space<vmem>>) semaphore(%arg17 : memref<!tpu.dma_semaphore, #tpu.memory_space<semaphore_mem>>)
        %dma_start3A_462 = arith.constant 1 : i32
        %dma_start3A_463 = arith.constant 1 : i32
        %dma_start3A_464 = arith.constant 128 : i32
        %dma_start3A_465 = arith.constant 0 : i32
        %dma_start3A_466 = tpu.memref_slice %arg12[%dma_start3A_463, %dma_start3A_464, %dma_start3A_465] : memref<3x640x16xf32, #tpu.memory_space<vmem>> -> memref<1x128x16xf32, #tpu.memory_space<vmem>>
        %dma_start3A_467 = tpu.memref_squeeze %dma_start3A_466 : memref<1x128x16xf32, #tpu.memory_space<vmem>> -> memref<128x16xf32, #tpu.memory_space<vmem>>
        %dma_start3A_468 = arith.constant 128 : i32
        %dma_start3A_469 = tpu.memref_slice %arg10[%dma_start3A_462, %dma_start3A_468] : memref<3x640xi32, #tpu.memory_space<vmem>> -> memref<1x128xi32, #tpu.memory_space<vmem>>
        %dma_start3A_470 = tpu.memref_squeeze %dma_start3A_469 : memref<1x128xi32, #tpu.memory_space<vmem>> -> memref<128xi32, #tpu.memory_space<vmem>>
        %dma_start3A_471 = arith.constant 0 : i32
        %dma_start3A_472 = arith.constant 0 : i32
        %dma_start3A_473 = tpu.memref_slice %arg2[%dma_start3A_471, %dma_start3A_472] : memref<12500x16xf32, #tpu.memory_space<hbm>> -> memref<12500x16xf32, #tpu.memory_space<hbm>>
        tpu.enqueue_indirect_dma source(%dma_start3A_473 : memref<12500x16xf32, #tpu.memory_space<hbm>>) target(%dma_start3A_467 : memref<128x16xf32, #tpu.memory_space<vmem>>) offsets(%dma_start3A_470 : memref<128xi32, #tpu.memory_space<vmem>>) semaphore(%arg17 : memref<!tpu.dma_semaphore, #tpu.memory_space<semaphore_mem>>)
        %dma_start3A_474 = arith.constant 1 : i32
        %dma_start3A_475 = arith.constant 1 : i32
        %dma_start3A_476 = arith.constant 128 : i32
        %dma_start3A_477 = arith.constant 0 : i32
        %dma_start3A_478 = tpu.memref_slice %arg13[%dma_start3A_475, %dma_start3A_476, %dma_start3A_477] : memref<3x640x16xf32, #tpu.memory_space<vmem>> -> memref<1x128x16xf32, #tpu.memory_space<vmem>>
        %dma_start3A_479 = tpu.memref_squeeze %dma_start3A_478 : memref<1x128x16xf32, #tpu.memory_space<vmem>> -> memref<128x16xf32, #tpu.memory_space<vmem>>
        %dma_start3A_480 = arith.constant 128 : i32
        %dma_start3A_481 = tpu.memref_slice %arg11[%dma_start3A_474, %dma_start3A_480] : memref<3x640xi32, #tpu.memory_space<vmem>> -> memref<1x128xi32, #tpu.memory_space<vmem>>
        %dma_start3A_482 = tpu.memref_squeeze %dma_start3A_481 : memref<1x128xi32, #tpu.memory_space<vmem>> -> memref<128xi32, #tpu.memory_space<vmem>>
        %dma_start3A_483 = arith.constant 0 : i32
        %dma_start3A_484 = arith.constant 0 : i32
        %dma_start3A_485 = tpu.memref_slice %arg3[%dma_start3A_483, %dma_start3A_484] : memref<12500x16xf32, #tpu.memory_space<hbm>> -> memref<12500x16xf32, #tpu.memory_space<hbm>>
        tpu.enqueue_indirect_dma source(%dma_start3A_485 : memref<12500x16xf32, #tpu.memory_space<hbm>>) target(%dma_start3A_479 : memref<128x16xf32, #tpu.memory_space<vmem>>) offsets(%dma_start3A_482 : memref<128xi32, #tpu.memory_space<vmem>>) semaphore(%arg17 : memref<!tpu.dma_semaphore, #tpu.memory_space<semaphore_mem>>)
        %dma_start3A_486 = arith.constant 1 : i32
        %dma_start3A_487 = arith.constant 1 : i32
        %dma_start3A_488 = arith.constant 256 : i32
        %dma_start3A_489 = arith.constant 0 : i32
        %dma_start3A_490 = tpu.memref_slice %arg12[%dma_start3A_487, %dma_start3A_488, %dma_start3A_489] : memref<3x640x16xf32, #tpu.memory_space<vmem>> -> memref<1x128x16xf32, #tpu.memory_space<vmem>>
        %dma_start3A_491 = tpu.memref_squeeze %dma_start3A_490 : memref<1x128x16xf32, #tpu.memory_space<vmem>> -> memref<128x16xf32, #tpu.memory_space<vmem>>
        %dma_start3A_492 = arith.constant 256 : i32
        %dma_start3A_493 = tpu.memref_slice %arg10[%dma_start3A_486, %dma_start3A_492] : memref<3x640xi32, #tpu.memory_space<vmem>> -> memref<1x128xi32, #tpu.memory_space<vmem>>
        %dma_start3A_494 = tpu.memref_squeeze %dma_start3A_493 : memref<1x128xi32, #tpu.memory_space<vmem>> -> memref<128xi32, #tpu.memory_space<vmem>>
        %dma_start3A_495 = arith.constant 0 : i32
        %dma_start3A_496 = arith.constant 0 : i32
        %dma_start3A_497 = tpu.memref_slice %arg2[%dma_start3A_495, %dma_start3A_496] : memref<12500x16xf32, #tpu.memory_space<hbm>> -> memref<12500x16xf32, #tpu.memory_space<hbm>>
        tpu.enqueue_indirect_dma source(%dma_start3A_497 : memref<12500x16xf32, #tpu.memory_space<hbm>>) target(%dma_start3A_491 : memref<128x16xf32, #tpu.memory_space<vmem>>) offsets(%dma_start3A_494 : memref<128xi32, #tpu.memory_space<vmem>>) semaphore(%arg17 : memref<!tpu.dma_semaphore, #tpu.memory_space<semaphore_mem>>)
        %dma_start3A_498 = arith.constant 1 : i32
        %dma_start3A_499 = arith.constant 1 : i32
        %dma_start3A_500 = arith.constant 256 : i32
        %dma_start3A_501 = arith.constant 0 : i32
        %dma_start3A_502 = tpu.memref_slice %arg13[%dma_start3A_499, %dma_start3A_500, %dma_start3A_501] : memref<3x640x16xf32, #tpu.memory_space<vmem>> -> memref<1x128x16xf32, #tpu.memory_space<vmem>>
        %dma_start3A_503 = tpu.memref_squeeze %dma_start3A_502 : memref<1x128x16xf32, #tpu.memory_space<vmem>> -> memref<128x16xf32, #tpu.memory_space<vmem>>
        %dma_start3A_504 = arith.constant 256 : i32
        %dma_start3A_505 = tpu.memref_slice %arg11[%dma_start3A_498, %dma_start3A_504] : memref<3x640xi32, #tpu.memory_space<vmem>> -> memref<1x128xi32, #tpu.memory_space<vmem>>
        %dma_start3A_506 = tpu.memref_squeeze %dma_start3A_505 : memref<1x128xi32, #tpu.memory_space<vmem>> -> memref<128xi32, #tpu.memory_space<vmem>>
        %dma_start3A_507 = arith.constant 0 : i32
        %dma_start3A_508 = arith.constant 0 : i32
        %dma_start3A_509 = tpu.memref_slice %arg3[%dma_start3A_507, %dma_start3A_508] : memref<12500x16xf32, #tpu.memory_space<hbm>> -> memref<12500x16xf32, #tpu.memory_space<hbm>>
        tpu.enqueue_indirect_dma source(%dma_start3A_509 : memref<12500x16xf32, #tpu.memory_space<hbm>>) target(%dma_start3A_503 : memref<128x16xf32, #tpu.memory_space<vmem>>) offsets(%dma_start3A_506 : memref<128xi32, #tpu.memory_space<vmem>>) semaphore(%arg17 : memref<!tpu.dma_semaphore, #tpu.memory_space<semaphore_mem>>)
        %dma_start3A_510 = arith.constant 1 : i32
        %dma_start3A_511 = arith.constant 1 : i32
        %dma_start3A_512 = arith.constant 384 : i32
        %dma_start3A_513 = arith.constant 0 : i32
        %dma_start3A_514 = tpu.memref_slice %arg12[%dma_start3A_511, %dma_start3A_512, %dma_start3A_513] : memref<3x640x16xf32, #tpu.memory_space<vmem>> -> memref<1x128x16xf32, #tpu.memory_space<vmem>>
        %dma_start3A_515 = tpu.memref_squeeze %dma_start3A_514 : memref<1x128x16xf32, #tpu.memory_space<vmem>> -> memref<128x16xf32, #tpu.memory_space<vmem>>
        %dma_start3A_516 = arith.constant 384 : i32
        %dma_start3A_517 = tpu.memref_slice %arg10[%dma_start3A_510, %dma_start3A_516] : memref<3x640xi32, #tpu.memory_space<vmem>> -> memref<1x128xi32, #tpu.memory_space<vmem>>
        %dma_start3A_518 = tpu.memref_squeeze %dma_start3A_517 : memref<1x128xi32, #tpu.memory_space<vmem>> -> memref<128xi32, #tpu.memory_space<vmem>>
        %dma_start3A_519 = arith.constant 0 : i32
        %dma_start3A_520 = arith.constant 0 : i32
        %dma_start3A_521 = tpu.memref_slice %arg2[%dma_start3A_519, %dma_start3A_520] : memref<12500x16xf32, #tpu.memory_space<hbm>> -> memref<12500x16xf32, #tpu.memory_space<hbm>>
        tpu.enqueue_indirect_dma source(%dma_start3A_521 : memref<12500x16xf32, #tpu.memory_space<hbm>>) target(%dma_start3A_515 : memref<128x16xf32, #tpu.memory_space<vmem>>) offsets(%dma_start3A_518 : memref<128xi32, #tpu.memory_space<vmem>>) semaphore(%arg17 : memref<!tpu.dma_semaphore, #tpu.memory_space<semaphore_mem>>)
        %dma_start3A_522 = arith.constant 1 : i32
        %dma_start3A_523 = arith.constant 1 : i32
        %dma_start3A_524 = arith.constant 384 : i32
        %dma_start3A_525 = arith.constant 0 : i32
        %dma_start3A_526 = tpu.memref_slice %arg13[%dma_start3A_523, %dma_start3A_524, %dma_start3A_525] : memref<3x640x16xf32, #tpu.memory_space<vmem>> -> memref<1x128x16xf32, #tpu.memory_space<vmem>>
        %dma_start3A_527 = tpu.memref_squeeze %dma_start3A_526 : memref<1x128x16xf32, #tpu.memory_space<vmem>> -> memref<128x16xf32, #tpu.memory_space<vmem>>
        %dma_start3A_528 = arith.constant 384 : i32
        %dma_start3A_529 = tpu.memref_slice %arg11[%dma_start3A_522, %dma_start3A_528] : memref<3x640xi32, #tpu.memory_space<vmem>> -> memref<1x128xi32, #tpu.memory_space<vmem>>
        %dma_start3A_530 = tpu.memref_squeeze %dma_start3A_529 : memref<1x128xi32, #tpu.memory_space<vmem>> -> memref<128xi32, #tpu.memory_space<vmem>>
        %dma_start3A_531 = arith.constant 0 : i32
        %dma_start3A_532 = arith.constant 0 : i32
        %dma_start3A_533 = tpu.memref_slice %arg3[%dma_start3A_531, %dma_start3A_532] : memref<12500x16xf32, #tpu.memory_space<hbm>> -> memref<12500x16xf32, #tpu.memory_space<hbm>>
        tpu.enqueue_indirect_dma source(%dma_start3A_533 : memref<12500x16xf32, #tpu.memory_space<hbm>>) target(%dma_start3A_527 : memref<128x16xf32, #tpu.memory_space<vmem>>) offsets(%dma_start3A_530 : memref<128xi32, #tpu.memory_space<vmem>>) semaphore(%arg17 : memref<!tpu.dma_semaphore, #tpu.memory_space<semaphore_mem>>)
        %dma_start3A_534 = arith.constant 1 : i32
        %dma_start3A_535 = arith.constant 1 : i32
        %dma_start3A_536 = arith.constant 512 : i32
        %dma_start3A_537 = arith.constant 0 : i32
        %dma_start3A_538 = tpu.memref_slice %arg12[%dma_start3A_535, %dma_start3A_536, %dma_start3A_537] : memref<3x640x16xf32, #tpu.memory_space<vmem>> -> memref<1x128x16xf32, #tpu.memory_space<vmem>>
        %dma_start3A_539 = tpu.memref_squeeze %dma_start3A_538 : memref<1x128x16xf32, #tpu.memory_space<vmem>> -> memref<128x16xf32, #tpu.memory_space<vmem>>
        %dma_start3A_540 = arith.constant 512 : i32
        %dma_start3A_541 = tpu.memref_slice %arg10[%dma_start3A_534, %dma_start3A_540] : memref<3x640xi32, #tpu.memory_space<vmem>> -> memref<1x128xi32, #tpu.memory_space<vmem>>
        %dma_start3A_542 = tpu.memref_squeeze %dma_start3A_541 : memref<1x128xi32, #tpu.memory_space<vmem>> -> memref<128xi32, #tpu.memory_space<vmem>>
        %dma_start3A_543 = arith.constant 0 : i32
        %dma_start3A_544 = arith.constant 0 : i32
        %dma_start3A_545 = tpu.memref_slice %arg2[%dma_start3A_543, %dma_start3A_544] : memref<12500x16xf32, #tpu.memory_space<hbm>> -> memref<12500x16xf32, #tpu.memory_space<hbm>>
        tpu.enqueue_indirect_dma source(%dma_start3A_545 : memref<12500x16xf32, #tpu.memory_space<hbm>>) target(%dma_start3A_539 : memref<128x16xf32, #tpu.memory_space<vmem>>) offsets(%dma_start3A_542 : memref<128xi32, #tpu.memory_space<vmem>>) semaphore(%arg17 : memref<!tpu.dma_semaphore, #tpu.memory_space<semaphore_mem>>)
        %dma_start3A_546 = arith.constant 1 : i32
        %dma_start3A_547 = arith.constant 1 : i32
        %dma_start3A_548 = arith.constant 512 : i32
        %dma_start3A_549 = arith.constant 0 : i32
        %dma_start3A_550 = tpu.memref_slice %arg13[%dma_start3A_547, %dma_start3A_548, %dma_start3A_549] : memref<3x640x16xf32, #tpu.memory_space<vmem>> -> memref<1x128x16xf32, #tpu.memory_space<vmem>>
        %dma_start3A_551 = tpu.memref_squeeze %dma_start3A_550 : memref<1x128x16xf32, #tpu.memory_space<vmem>> -> memref<128x16xf32, #tpu.memory_space<vmem>>
        %dma_start3A_552 = arith.constant 512 : i32
        %dma_start3A_553 = tpu.memref_slice %arg11[%dma_start3A_546, %dma_start3A_552] : memref<3x640xi32, #tpu.memory_space<vmem>> -> memref<1x128xi32, #tpu.memory_space<vmem>>
        %dma_start3A_554 = tpu.memref_squeeze %dma_start3A_553 : memref<1x128xi32, #tpu.memory_space<vmem>> -> memref<128xi32, #tpu.memory_space<vmem>>
        %dma_start3A_555 = arith.constant 0 : i32
        %dma_start3A_556 = arith.constant 0 : i32
        %dma_start3A_557 = tpu.memref_slice %arg3[%dma_start3A_555, %dma_start3A_556] : memref<12500x16xf32, #tpu.memory_space<hbm>> -> memref<12500x16xf32, #tpu.memory_space<hbm>>
        tpu.enqueue_indirect_dma source(%dma_start3A_557 : memref<12500x16xf32, #tpu.memory_space<hbm>>) target(%dma_start3A_551 : memref<128x16xf32, #tpu.memory_space<vmem>>) offsets(%dma_start3A_554 : memref<128xi32, #tpu.memory_space<vmem>>) semaphore(%arg17 : memref<!tpu.dma_semaphore, #tpu.memory_space<semaphore_mem>>)
      } else {
      }
      %add3A_355 = arith.constant 2 : i32
      %add3A_356 = arith.addi %while3A_333, %add3A_355 : i32
      %lt3A_357 = arith.cmpi slt, %add3A_356, %add3A_4 : i32
      %eq3A_358 = arith.constant 2 : i32
      %eq3A_359 = arith.cmpi eq, %rem3A_340, %eq3A_358 : i32
      %and3A_360 = arith.andi %lt3A_357, %eq3A_359 : i1
      %convert_element_type3A_361 = arith.extui %and3A_360 : i1 to i32
      %cond3A_362 = arith.constant 0 : i32
      %cond3A_363 = arith.cmpi ne, %convert_element_type3A_361, %cond3A_362 : i32
      scf.if %cond3A_363 {
        %dma_wait3A_413 = arith.constant 2 : i32
        %dma_wait3A_414 = arith.constant 0 : i32
        %dma_wait3A_415 = tpu.memref_slice %arg8[%dma_wait3A_413, %dma_wait3A_414] : memref<3x640xi32, #tpu.memory_space<vmem>> -> memref<1x640xi32, #tpu.memory_space<vmem>>
        %dma_wait3A_416 = tpu.memref_squeeze %dma_wait3A_415 : memref<1x640xi32, #tpu.memory_space<vmem>> -> memref<640xi32, #tpu.memory_space<vmem>>
        %dma_wait3A_417 = arith.constant 0 : i32
        %dma_wait3A_418 = tpu.memref_slice %arg4[%dma_wait3A_417] : memref<1600000xi32, #tpu.memory_space<hbm>> -> memref<640xi32, #tpu.memory_space<hbm>>
        %dma_wait3A_419 = arith.constant 0 : i32
        %dma_wait3A_420 = tpu.memref_slice %arg8[%dma_wait3A_413, %dma_wait3A_419] : memref<3x640xi32, #tpu.memory_space<vmem>> -> memref<1x640xi32, #tpu.memory_space<vmem>>
        %dma_wait3A_421 = tpu.memref_squeeze %dma_wait3A_420 : memref<1x640xi32, #tpu.memory_space<vmem>> -> memref<640xi32, #tpu.memory_space<vmem>>
        %dma_wait3A_422 = arith.constant 0 : i32
        %dma_wait3A_423 = tpu.memref_slice %arg4[%dma_wait3A_422] : memref<1600000xi32, #tpu.memory_space<hbm>> -> memref<640xi32, #tpu.memory_space<hbm>>
        tpu.wait_dma2 semaphore(%arg19 : memref<!tpu.dma_semaphore, #tpu.memory_space<semaphore_mem>>) src(%dma_wait3A_423 : memref<640xi32, #tpu.memory_space<hbm>>) dst(%dma_wait3A_421 : memref<640xi32, #tpu.memory_space<vmem>>)
        %dma_wait3A_424 = arith.constant 2 : i32
        %dma_wait3A_425 = arith.constant 0 : i32
        %dma_wait3A_426 = tpu.memref_slice %arg9[%dma_wait3A_424, %dma_wait3A_425] : memref<3x640xi32, #tpu.memory_space<vmem>> -> memref<1x640xi32, #tpu.memory_space<vmem>>
        %dma_wait3A_427 = tpu.memref_squeeze %dma_wait3A_426 : memref<1x640xi32, #tpu.memory_space<vmem>> -> memref<640xi32, #tpu.memory_space<vmem>>
        %dma_wait3A_428 = arith.constant 0 : i32
        %dma_wait3A_429 = tpu.memref_slice %arg5[%dma_wait3A_428] : memref<1600000xi32, #tpu.memory_space<hbm>> -> memref<640xi32, #tpu.memory_space<hbm>>
        %dma_wait3A_430 = arith.constant 0 : i32
        %dma_wait3A_431 = tpu.memref_slice %arg9[%dma_wait3A_424, %dma_wait3A_430] : memref<3x640xi32, #tpu.memory_space<vmem>> -> memref<1x640xi32, #tpu.memory_space<vmem>>
        %dma_wait3A_432 = tpu.memref_squeeze %dma_wait3A_431 : memref<1x640xi32, #tpu.memory_space<vmem>> -> memref<640xi32, #tpu.memory_space<vmem>>
        %dma_wait3A_433 = arith.constant 0 : i32
        %dma_wait3A_434 = tpu.memref_slice %arg5[%dma_wait3A_433] : memref<1600000xi32, #tpu.memory_space<hbm>> -> memref<640xi32, #tpu.memory_space<hbm>>
        tpu.wait_dma2 semaphore(%arg19 : memref<!tpu.dma_semaphore, #tpu.memory_space<semaphore_mem>>) src(%dma_wait3A_434 : memref<640xi32, #tpu.memory_space<hbm>>) dst(%dma_wait3A_432 : memref<640xi32, #tpu.memory_space<vmem>>)
        %parallel_loop3A_435 = arith.constant 0 : i32
        %parallel_loop3A_436 = arith.constant 40 : i32
        %parallel_loop3A_437 = arith.constant 1 : i32
        scf.for %parallel_loop3A_558 = %parallel_loop3A_435 to %parallel_loop3A_436 step %parallel_loop3A_437  : i32 {
          %parallel_loop3A_559 = arith.constant 16 : i32
          %parallel_loop3A_560 = arith.muli %parallel_loop3A_558, %parallel_loop3A_559 : i32
          %parallel_loop3A_561 = arith.constant 2 : i32
          %parallel_loop3A_562 = arith.index_cast %parallel_loop3A_561 : i32 to index
          %parallel_loop3A_563 = arith.index_cast %parallel_loop3A_560 : i32 to index
          %parallel_loop3A_564 = tpu.vector_load %arg8[%parallel_loop3A_562, %parallel_loop3A_563] {strides = array<i32>} : memref<3x640xi32, #tpu.memory_space<vmem>>, vector<16xi32>,
          %parallel_loop3A_565 = arith.constant 2 : i32
          %parallel_loop3A_566 = vector.broadcast %parallel_loop3A_565 : i32 to vector<16xi32>
          %parallel_loop3A_567 = arith.shrui %parallel_loop3A_564, %parallel_loop3A_566 : vector<16xi32>
          %parallel_loop3A_568 = arith.constant 2 : i32
          %parallel_loop3A_569 = arith.index_cast %parallel_loop3A_568 : i32 to index
          %parallel_loop3A_570 = arith.index_cast %parallel_loop3A_560 : i32 to index
          %parallel_loop3A_571 = tpu.vector_load %arg10[%parallel_loop3A_569, %parallel_loop3A_570] {strides = array<i32>} : memref<3x640xi32, #tpu.memory_space<vmem>>, vector<16xi32>,
          tpu.vector_store %arg10[%parallel_loop3A_569, %parallel_loop3A_570], %parallel_loop3A_567 {strides = array<i32>} : memref<3x640xi32, #tpu.memory_space<vmem>>, vector<16xi32>,
          %parallel_loop3A_572 = arith.constant 2 : i32
          %parallel_loop3A_573 = arith.index_cast %parallel_loop3A_572 : i32 to index
          %parallel_loop3A_574 = arith.index_cast %parallel_loop3A_560 : i32 to index
          %parallel_loop3A_575 = tpu.vector_load %arg9[%parallel_loop3A_573, %parallel_loop3A_574] {strides = array<i32>} : memref<3x640xi32, #tpu.memory_space<vmem>>, vector<16xi32>,
          %parallel_loop3A_576 = arith.constant 2 : i32
          %parallel_loop3A_577 = vector.broadcast %parallel_loop3A_576 : i32 to vector<16xi32>
          %parallel_loop3A_578 = arith.shrui %parallel_loop3A_575, %parallel_loop3A_577 : vector<16xi32>
          %parallel_loop3A_579 = arith.constant 2 : i32
          %parallel_loop3A_580 = arith.index_cast %parallel_loop3A_579 : i32 to index
          %parallel_loop3A_581 = arith.index_cast %parallel_loop3A_560 : i32 to index
          %parallel_loop3A_582 = tpu.vector_load %arg11[%parallel_loop3A_580, %parallel_loop3A_581] {strides = array<i32>} : memref<3x640xi32, #tpu.memory_space<vmem>>, vector<16xi32>,
          tpu.vector_store %arg11[%parallel_loop3A_580, %parallel_loop3A_581], %parallel_loop3A_578 {strides = array<i32>} : memref<3x640xi32, #tpu.memory_space<vmem>>, vector<16xi32>,
        } {sc.loop_unroll_factor = 8 : i64, sc.parallel_access}
        %dma_start3A_438 = arith.constant 2 : i32
        %dma_start3A_439 = arith.constant 2 : i32
        %dma_start3A_440 = arith.constant 0 : i32
        %dma_start3A_441 = arith.constant 0 : i32
        %dma_start3A_442 = tpu.memref_slice %arg12[%dma_start3A_439, %dma_start3A_440, %dma_start3A_441] : memref<3x640x16xf32, #tpu.memory_space<vmem>> -> memref<1x128x16xf32, #tpu.memory_space<vmem>>
        %dma_start3A_443 = tpu.memref_squeeze %dma_start3A_442 : memref<1x128x16xf32, #tpu.memory_space<vmem>> -> memref<128x16xf32, #tpu.memory_space<vmem>>
        %dma_start3A_444 = arith.constant 0 : i32
        %dma_start3A_445 = tpu.memref_slice %arg10[%dma_start3A_438, %dma_start3A_444] : memref<3x640xi32, #tpu.memory_space<vmem>> -> memref<1x128xi32, #tpu.memory_space<vmem>>
        %dma_start3A_446 = tpu.memref_squeeze %dma_start3A_445 : memref<1x128xi32, #tpu.memory_space<vmem>> -> memref<128xi32, #tpu.memory_space<vmem>>
        %dma_start3A_447 = arith.constant 0 : i32
        %dma_start3A_448 = arith.constant 0 : i32
        %dma_start3A_449 = tpu.memref_slice %arg2[%dma_start3A_447, %dma_start3A_448] : memref<12500x16xf32, #tpu.memory_space<hbm>> -> memref<12500x16xf32, #tpu.memory_space<hbm>>
        tpu.enqueue_indirect_dma source(%dma_start3A_449 : memref<12500x16xf32, #tpu.memory_space<hbm>>) target(%dma_start3A_443 : memref<128x16xf32, #tpu.memory_space<vmem>>) offsets(%dma_start3A_446 : memref<128xi32, #tpu.memory_space<vmem>>) semaphore(%arg18 : memref<!tpu.dma_semaphore, #tpu.memory_space<semaphore_mem>>)
        %dma_start3A_450 = arith.constant 2 : i32
        %dma_start3A_451 = arith.constant 2 : i32
        %dma_start3A_452 = arith.constant 0 : i32
        %dma_start3A_453 = arith.constant 0 : i32
        %dma_start3A_454 = tpu.memref_slice %arg13[%dma_start3A_451, %dma_start3A_452, %dma_start3A_453] : memref<3x640x16xf32, #tpu.memory_space<vmem>> -> memref<1x128x16xf32, #tpu.memory_space<vmem>>
        %dma_start3A_455 = tpu.memref_squeeze %dma_start3A_454 : memref<1x128x16xf32, #tpu.memory_space<vmem>> -> memref<128x16xf32, #tpu.memory_space<vmem>>
        %dma_start3A_456 = arith.constant 0 : i32
        %dma_start3A_457 = tpu.memref_slice %arg11[%dma_start3A_450, %dma_start3A_456] : memref<3x640xi32, #tpu.memory_space<vmem>> -> memref<1x128xi32, #tpu.memory_space<vmem>>
        %dma_start3A_458 = tpu.memref_squeeze %dma_start3A_457 : memref<1x128xi32, #tpu.memory_space<vmem>> -> memref<128xi32, #tpu.memory_space<vmem>>
        %dma_start3A_459 = arith.constant 0 : i32
        %dma_start3A_460 = arith.constant 0 : i32
        %dma_start3A_461 = tpu.memref_slice %arg3[%dma_start3A_459, %dma_start3A_460] : memref<12500x16xf32, #tpu.memory_space<hbm>> -> memref<12500x16xf32, #tpu.memory_space<hbm>>
        tpu.enqueue_indirect_dma source(%dma_start3A_461 : memref<12500x16xf32, #tpu.memory_space<hbm>>) target(%dma_start3A_455 : memref<128x16xf32, #tpu.memory_space<vmem>>) offsets(%dma_start3A_458 : memref<128xi32, #tpu.memory_space<vmem>>) semaphore(%arg18 : memref<!tpu.dma_semaphore, #tpu.memory_space<semaphore_mem>>)
        %dma_start3A_462 = arith.constant 2 : i32
        %dma_start3A_463 = arith.constant 2 : i32
        %dma_start3A_464 = arith.constant 128 : i32
        %dma_start3A_465 = arith.constant 0 : i32
        %dma_start3A_466 = tpu.memref_slice %arg12[%dma_start3A_463, %dma_start3A_464, %dma_start3A_465] : memref<3x640x16xf32, #tpu.memory_space<vmem>> -> memref<1x128x16xf32, #tpu.memory_space<vmem>>
        %dma_start3A_467 = tpu.memref_squeeze %dma_start3A_466 : memref<1x128x16xf32, #tpu.memory_space<vmem>> -> memref<128x16xf32, #tpu.memory_space<vmem>>
        %dma_start3A_468 = arith.constant 128 : i32
        %dma_start3A_469 = tpu.memref_slice %arg10[%dma_start3A_462, %dma_start3A_468] : memref<3x640xi32, #tpu.memory_space<vmem>> -> memref<1x128xi32, #tpu.memory_space<vmem>>
        %dma_start3A_470 = tpu.memref_squeeze %dma_start3A_469 : memref<1x128xi32, #tpu.memory_space<vmem>> -> memref<128xi32, #tpu.memory_space<vmem>>
        %dma_start3A_471 = arith.constant 0 : i32
        %dma_start3A_472 = arith.constant 0 : i32
        %dma_start3A_473 = tpu.memref_slice %arg2[%dma_start3A_471, %dma_start3A_472] : memref<12500x16xf32, #tpu.memory_space<hbm>> -> memref<12500x16xf32, #tpu.memory_space<hbm>>
        tpu.enqueue_indirect_dma source(%dma_start3A_473 : memref<12500x16xf32, #tpu.memory_space<hbm>>) target(%dma_start3A_467 : memref<128x16xf32, #tpu.memory_space<vmem>>) offsets(%dma_start3A_470 : memref<128xi32, #tpu.memory_space<vmem>>) semaphore(%arg18 : memref<!tpu.dma_semaphore, #tpu.memory_space<semaphore_mem>>)
        %dma_start3A_474 = arith.constant 2 : i32
        %dma_start3A_475 = arith.constant 2 : i32
        %dma_start3A_476 = arith.constant 128 : i32
        %dma_start3A_477 = arith.constant 0 : i32
        %dma_start3A_478 = tpu.memref_slice %arg13[%dma_start3A_475, %dma_start3A_476, %dma_start3A_477] : memref<3x640x16xf32, #tpu.memory_space<vmem>> -> memref<1x128x16xf32, #tpu.memory_space<vmem>>
        %dma_start3A_479 = tpu.memref_squeeze %dma_start3A_478 : memref<1x128x16xf32, #tpu.memory_space<vmem>> -> memref<128x16xf32, #tpu.memory_space<vmem>>
        %dma_start3A_480 = arith.constant 128 : i32
        %dma_start3A_481 = tpu.memref_slice %arg11[%dma_start3A_474, %dma_start3A_480] : memref<3x640xi32, #tpu.memory_space<vmem>> -> memref<1x128xi32, #tpu.memory_space<vmem>>
        %dma_start3A_482 = tpu.memref_squeeze %dma_start3A_481 : memref<1x128xi32, #tpu.memory_space<vmem>> -> memref<128xi32, #tpu.memory_space<vmem>>
        %dma_start3A_483 = arith.constant 0 : i32
        %dma_start3A_484 = arith.constant 0 : i32
        %dma_start3A_485 = tpu.memref_slice %arg3[%dma_start3A_483, %dma_start3A_484] : memref<12500x16xf32, #tpu.memory_space<hbm>> -> memref<12500x16xf32, #tpu.memory_space<hbm>>
        tpu.enqueue_indirect_dma source(%dma_start3A_485 : memref<12500x16xf32, #tpu.memory_space<hbm>>) target(%dma_start3A_479 : memref<128x16xf32, #tpu.memory_space<vmem>>) offsets(%dma_start3A_482 : memref<128xi32, #tpu.memory_space<vmem>>) semaphore(%arg18 : memref<!tpu.dma_semaphore, #tpu.memory_space<semaphore_mem>>)
        %dma_start3A_486 = arith.constant 2 : i32
        %dma_start3A_487 = arith.constant 2 : i32
        %dma_start3A_488 = arith.constant 256 : i32
        %dma_start3A_489 = arith.constant 0 : i32
        %dma_start3A_490 = tpu.memref_slice %arg12[%dma_start3A_487, %dma_start3A_488, %dma_start3A_489] : memref<3x640x16xf32, #tpu.memory_space<vmem>> -> memref<1x128x16xf32, #tpu.memory_space<vmem>>
        %dma_start3A_491 = tpu.memref_squeeze %dma_start3A_490 : memref<1x128x16xf32, #tpu.memory_space<vmem>> -> memref<128x16xf32, #tpu.memory_space<vmem>>
        %dma_start3A_492 = arith.constant 256 : i32
        %dma_start3A_493 = tpu.memref_slice %arg10[%dma_start3A_486, %dma_start3A_492] : memref<3x640xi32, #tpu.memory_space<vmem>> -> memref<1x128xi32, #tpu.memory_space<vmem>>
        %dma_start3A_494 = tpu.memref_squeeze %dma_start3A_493 : memref<1x128xi32, #tpu.memory_space<vmem>> -> memref<128xi32, #tpu.memory_space<vmem>>
        %dma_start3A_495 = arith.constant 0 : i32
        %dma_start3A_496 = arith.constant 0 : i32
        %dma_start3A_497 = tpu.memref_slice %arg2[%dma_start3A_495, %dma_start3A_496] : memref<12500x16xf32, #tpu.memory_space<hbm>> -> memref<12500x16xf32, #tpu.memory_space<hbm>>
        tpu.enqueue_indirect_dma source(%dma_start3A_497 : memref<12500x16xf32, #tpu.memory_space<hbm>>) target(%dma_start3A_491 : memref<128x16xf32, #tpu.memory_space<vmem>>) offsets(%dma_start3A_494 : memref<128xi32, #tpu.memory_space<vmem>>) semaphore(%arg18 : memref<!tpu.dma_semaphore, #tpu.memory_space<semaphore_mem>>)
        %dma_start3A_498 = arith.constant 2 : i32
        %dma_start3A_499 = arith.constant 2 : i32
        %dma_start3A_500 = arith.constant 256 : i32
        %dma_start3A_501 = arith.constant 0 : i32
        %dma_start3A_502 = tpu.memref_slice %arg13[%dma_start3A_499, %dma_start3A_500, %dma_start3A_501] : memref<3x640x16xf32, #tpu.memory_space<vmem>> -> memref<1x128x16xf32, #tpu.memory_space<vmem>>
        %dma_start3A_503 = tpu.memref_squeeze %dma_start3A_502 : memref<1x128x16xf32, #tpu.memory_space<vmem>> -> memref<128x16xf32, #tpu.memory_space<vmem>>
        %dma_start3A_504 = arith.constant 256 : i32
        %dma_start3A_505 = tpu.memref_slice %arg11[%dma_start3A_498, %dma_start3A_504] : memref<3x640xi32, #tpu.memory_space<vmem>> -> memref<1x128xi32, #tpu.memory_space<vmem>>
        %dma_start3A_506 = tpu.memref_squeeze %dma_start3A_505 : memref<1x128xi32, #tpu.memory_space<vmem>> -> memref<128xi32, #tpu.memory_space<vmem>>
        %dma_start3A_507 = arith.constant 0 : i32
        %dma_start3A_508 = arith.constant 0 : i32
        %dma_start3A_509 = tpu.memref_slice %arg3[%dma_start3A_507, %dma_start3A_508] : memref<12500x16xf32, #tpu.memory_space<hbm>> -> memref<12500x16xf32, #tpu.memory_space<hbm>>
        tpu.enqueue_indirect_dma source(%dma_start3A_509 : memref<12500x16xf32, #tpu.memory_space<hbm>>) target(%dma_start3A_503 : memref<128x16xf32, #tpu.memory_space<vmem>>) offsets(%dma_start3A_506 : memref<128xi32, #tpu.memory_space<vmem>>) semaphore(%arg18 : memref<!tpu.dma_semaphore, #tpu.memory_space<semaphore_mem>>)
        %dma_start3A_510 = arith.constant 2 : i32
        %dma_start3A_511 = arith.constant 2 : i32
        %dma_start3A_512 = arith.constant 384 : i32
        %dma_start3A_513 = arith.constant 0 : i32
        %dma_start3A_514 = tpu.memref_slice %arg12[%dma_start3A_511, %dma_start3A_512, %dma_start3A_513] : memref<3x640x16xf32, #tpu.memory_space<vmem>> -> memref<1x128x16xf32, #tpu.memory_space<vmem>>
        %dma_start3A_515 = tpu.memref_squeeze %dma_start3A_514 : memref<1x128x16xf32, #tpu.memory_space<vmem>> -> memref<128x16xf32, #tpu.memory_space<vmem>>
        %dma_start3A_516 = arith.constant 384 : i32
        %dma_start3A_517 = tpu.memref_slice %arg10[%dma_start3A_510, %dma_start3A_516] : memref<3x640xi32, #tpu.memory_space<vmem>> -> memref<1x128xi32, #tpu.memory_space<vmem>>
        %dma_start3A_518 = tpu.memref_squeeze %dma_start3A_517 : memref<1x128xi32, #tpu.memory_space<vmem>> -> memref<128xi32, #tpu.memory_space<vmem>>
        %dma_start3A_519 = arith.constant 0 : i32
        %dma_start3A_520 = arith.constant 0 : i32
        %dma_start3A_521 = tpu.memref_slice %arg2[%dma_start3A_519, %dma_start3A_520] : memref<12500x16xf32, #tpu.memory_space<hbm>> -> memref<12500x16xf32, #tpu.memory_space<hbm>>
        tpu.enqueue_indirect_dma source(%dma_start3A_521 : memref<12500x16xf32, #tpu.memory_space<hbm>>) target(%dma_start3A_515 : memref<128x16xf32, #tpu.memory_space<vmem>>) offsets(%dma_start3A_518 : memref<128xi32, #tpu.memory_space<vmem>>) semaphore(%arg18 : memref<!tpu.dma_semaphore, #tpu.memory_space<semaphore_mem>>)
        %dma_start3A_522 = arith.constant 2 : i32
        %dma_start3A_523 = arith.constant 2 : i32
        %dma_start3A_524 = arith.constant 384 : i32
        %dma_start3A_525 = arith.constant 0 : i32
        %dma_start3A_526 = tpu.memref_slice %arg13[%dma_start3A_523, %dma_start3A_524, %dma_start3A_525] : memref<3x640x16xf32, #tpu.memory_space<vmem>> -> memref<1x128x16xf32, #tpu.memory_space<vmem>>
        %dma_start3A_527 = tpu.memref_squeeze %dma_start3A_526 : memref<1x128x16xf32, #tpu.memory_space<vmem>> -> memref<128x16xf32, #tpu.memory_space<vmem>>
        %dma_start3A_528 = arith.constant 384 : i32
        %dma_start3A_529 = tpu.memref_slice %arg11[%dma_start3A_522, %dma_start3A_528] : memref<3x640xi32, #tpu.memory_space<vmem>> -> memref<1x128xi32, #tpu.memory_space<vmem>>
        %dma_start3A_530 = tpu.memref_squeeze %dma_start3A_529 : memref<1x128xi32, #tpu.memory_space<vmem>> -> memref<128xi32, #tpu.memory_space<vmem>>
        %dma_start3A_531 = arith.constant 0 : i32
        %dma_start3A_532 = arith.constant 0 : i32
        %dma_start3A_533 = tpu.memref_slice %arg3[%dma_start3A_531, %dma_start3A_532] : memref<12500x16xf32, #tpu.memory_space<hbm>> -> memref<12500x16xf32, #tpu.memory_space<hbm>>
        tpu.enqueue_indirect_dma source(%dma_start3A_533 : memref<12500x16xf32, #tpu.memory_space<hbm>>) target(%dma_start3A_527 : memref<128x16xf32, #tpu.memory_space<vmem>>) offsets(%dma_start3A_530 : memref<128xi32, #tpu.memory_space<vmem>>) semaphore(%arg18 : memref<!tpu.dma_semaphore, #tpu.memory_space<semaphore_mem>>)
        %dma_start3A_534 = arith.constant 2 : i32
        %dma_start3A_535 = arith.constant 2 : i32
        %dma_start3A_536 = arith.constant 512 : i32
        %dma_start3A_537 = arith.constant 0 : i32
        %dma_start3A_538 = tpu.memref_slice %arg12[%dma_start3A_535, %dma_start3A_536, %dma_start3A_537] : memref<3x640x16xf32, #tpu.memory_space<vmem>> -> memref<1x128x16xf32, #tpu.memory_space<vmem>>
        %dma_start3A_539 = tpu.memref_squeeze %dma_start3A_538 : memref<1x128x16xf32, #tpu.memory_space<vmem>> -> memref<128x16xf32, #tpu.memory_space<vmem>>
        %dma_start3A_540 = arith.constant 512 : i32
        %dma_start3A_541 = tpu.memref_slice %arg10[%dma_start3A_534, %dma_start3A_540] : memref<3x640xi32, #tpu.memory_space<vmem>> -> memref<1x128xi32, #tpu.memory_space<vmem>>
        %dma_start3A_542 = tpu.memref_squeeze %dma_start3A_541 : memref<1x128xi32, #tpu.memory_space<vmem>> -> memref<128xi32, #tpu.memory_space<vmem>>
        %dma_start3A_543 = arith.constant 0 : i32
        %dma_start3A_544 = arith.constant 0 : i32
        %dma_start3A_545 = tpu.memref_slice %arg2[%dma_start3A_543, %dma_start3A_544] : memref<12500x16xf32, #tpu.memory_space<hbm>> -> memref<12500x16xf32, #tpu.memory_space<hbm>>
        tpu.enqueue_indirect_dma source(%dma_start3A_545 : memref<12500x16xf32, #tpu.memory_space<hbm>>) target(%dma_start3A_539 : memref<128x16xf32, #tpu.memory_space<vmem>>) offsets(%dma_start3A_542 : memref<128xi32, #tpu.memory_space<vmem>>) semaphore(%arg18 : memref<!tpu.dma_semaphore, #tpu.memory_space<semaphore_mem>>)
        %dma_start3A_546 = arith.constant 2 : i32
        %dma_start3A_547 = arith.constant 2 : i32
        %dma_start3A_548 = arith.constant 512 : i32
        %dma_start3A_549 = arith.constant 0 : i32
        %dma_start3A_550 = tpu.memref_slice %arg13[%dma_start3A_547, %dma_start3A_548, %dma_start3A_549] : memref<3x640x16xf32, #tpu.memory_space<vmem>> -> memref<1x128x16xf32, #tpu.memory_space<vmem>>
        %dma_start3A_551 = tpu.memref_squeeze %dma_start3A_550 : memref<1x128x16xf32, #tpu.memory_space<vmem>> -> memref<128x16xf32, #tpu.memory_space<vmem>>
        %dma_start3A_552 = arith.constant 512 : i32
        %dma_start3A_553 = tpu.memref_slice %arg11[%dma_start3A_546, %dma_start3A_552] : memref<3x640xi32, #tpu.memory_space<vmem>> -> memref<1x128xi32, #tpu.memory_space<vmem>>
        %dma_start3A_554 = tpu.memref_squeeze %dma_start3A_553 : memref<1x128xi32, #tpu.memory_space<vmem>> -> memref<128xi32, #tpu.memory_space<vmem>>
        %dma_start3A_555 = arith.constant 0 : i32
        %dma_start3A_556 = arith.constant 0 : i32
        %dma_start3A_557 = tpu.memref_slice %arg3[%dma_start3A_555, %dma_start3A_556] : memref<12500x16xf32, #tpu.memory_space<hbm>> -> memref<12500x16xf32, #tpu.memory_space<hbm>>
        tpu.enqueue_indirect_dma source(%dma_start3A_557 : memref<12500x16xf32, #tpu.memory_space<hbm>>) target(%dma_start3A_551 : memref<128x16xf32, #tpu.memory_space<vmem>>) offsets(%dma_start3A_554 : memref<128xi32, #tpu.memory_space<vmem>>) semaphore(%arg18 : memref<!tpu.dma_semaphore, #tpu.memory_space<semaphore_mem>>)
      } else {
      }
      %eq3A_364 = arith.constant 0 : i32
      %eq3A_365 = arith.cmpi eq, %rem3A_334, %eq3A_364 : i32
      %convert_element_type3A_366 = arith.extui %eq3A_365 : i1 to i32
      %cond3A_367 = arith.constant 0 : i32
      %cond3A_368 = arith.cmpi ne, %convert_element_type3A_366, %cond3A_367 : i32
      scf.if %cond3A_368 {
        %dma_wait3A_413 = arith.constant 0 : i32
        %dma_wait3A_414 = arith.constant 0 : i32
        %dma_wait3A_415 = arith.constant 0 : i32
        %dma_wait3A_416 = tpu.memref_slice %arg12[%dma_wait3A_413, %dma_wait3A_414, %dma_wait3A_415] : memref<3x640x16xf32, #tpu.memory_space<vmem>> -> memref<1x640x16xf32, #tpu.memory_space<vmem>>
        %dma_wait3A_417 = tpu.memref_squeeze %dma_wait3A_416 : memref<1x640x16xf32, #tpu.memory_space<vmem>> -> memref<640x16xf32, #tpu.memory_space<vmem>>
        %dma_wait3A_418 = arith.constant 0 : i32
        %dma_wait3A_419 = arith.constant 0 : i32
        %dma_wait3A_420 = tpu.memref_slice %arg2[%dma_wait3A_418, %dma_wait3A_419] : memref<12500x16xf32, #tpu.memory_space<hbm>> -> memref<640x16xf32, #tpu.memory_space<hbm>>
        %dma_wait3A_421 = arith.constant 0 : i32
        %dma_wait3A_422 = arith.constant 0 : i32
        %dma_wait3A_423 = tpu.memref_slice %arg12[%dma_wait3A_413, %dma_wait3A_421, %dma_wait3A_422] : memref<3x640x16xf32, #tpu.memory_space<vmem>> -> memref<1x640x16xf32, #tpu.memory_space<vmem>>
        %dma_wait3A_424 = tpu.memref_squeeze %dma_wait3A_423 : memref<1x640x16xf32, #tpu.memory_space<vmem>> -> memref<640x16xf32, #tpu.memory_space<vmem>>
        %dma_wait3A_425 = arith.constant 0 : i32
        %dma_wait3A_426 = arith.constant 0 : i32
        %dma_wait3A_427 = tpu.memref_slice %arg2[%dma_wait3A_425, %dma_wait3A_426] : memref<12500x16xf32, #tpu.memory_space<hbm>> -> memref<640x16xf32, #tpu.memory_space<hbm>>
        tpu.wait_dma2 semaphore(%arg16 : memref<!tpu.dma_semaphore, #tpu.memory_space<semaphore_mem>>) src(%dma_wait3A_427 : memref<640x16xf32, #tpu.memory_space<hbm>>) dst(%dma_wait3A_424 : memref<640x16xf32, #tpu.memory_space<vmem>>)
        %dma_wait3A_428 = arith.constant 0 : i32
        %dma_wait3A_429 = arith.constant 0 : i32
        %dma_wait3A_430 = arith.constant 0 : i32
        %dma_wait3A_431 = tpu.memref_slice %arg13[%dma_wait3A_428, %dma_wait3A_429, %dma_wait3A_430] : memref<3x640x16xf32, #tpu.memory_space<vmem>> -> memref<1x640x16xf32, #tpu.memory_space<vmem>>
        %dma_wait3A_432 = tpu.memref_squeeze %dma_wait3A_431 : memref<1x640x16xf32, #tpu.memory_space<vmem>> -> memref<640x16xf32, #tpu.memory_space<vmem>>
        %dma_wait3A_433 = arith.constant 0 : i32
        %dma_wait3A_434 = arith.constant 0 : i32
        %dma_wait3A_435 = tpu.memref_slice %arg3[%dma_wait3A_433, %dma_wait3A_434] : memref<12500x16xf32, #tpu.memory_space<hbm>> -> memref<640x16xf32, #tpu.memory_space<hbm>>
        %dma_wait3A_436 = arith.constant 0 : i32
        %dma_wait3A_437 = arith.constant 0 : i32
        %dma_wait3A_438 = tpu.memref_slice %arg13[%dma_wait3A_428, %dma_wait3A_436, %dma_wait3A_437] : memref<3x640x16xf32, #tpu.memory_space<vmem>> -> memref<1x640x16xf32, #tpu.memory_space<vmem>>
        %dma_wait3A_439 = tpu.memref_squeeze %dma_wait3A_438 : memref<1x640x16xf32, #tpu.memory_space<vmem>> -> memref<640x16xf32, #tpu.memory_space<vmem>>
        %dma_wait3A_440 = arith.constant 0 : i32
        %dma_wait3A_441 = arith.constant 0 : i32
        %dma_wait3A_442 = tpu.memref_slice %arg3[%dma_wait3A_440, %dma_wait3A_441] : memref<12500x16xf32, #tpu.memory_space<hbm>> -> memref<640x16xf32, #tpu.memory_space<hbm>>
        tpu.wait_dma2 semaphore(%arg16 : memref<!tpu.dma_semaphore, #tpu.memory_space<semaphore_mem>>) src(%dma_wait3A_442 : memref<640x16xf32, #tpu.memory_space<hbm>>) dst(%dma_wait3A_439 : memref<640x16xf32, #tpu.memory_space<vmem>>)
      } else {
      }
      %eq3A_369 = arith.constant 1 : i32
      %eq3A_370 = arith.cmpi eq, %rem3A_334, %eq3A_369 : i32
      %convert_element_type3A_371 = arith.extui %eq3A_370 : i1 to i32
      %cond3A_372 = arith.constant 0 : i32
      %cond3A_373 = arith.cmpi ne, %convert_element_type3A_371, %cond3A_372 : i32
      scf.if %cond3A_373 {
        %dma_wait3A_413 = arith.constant 1 : i32
        %dma_wait3A_414 = arith.constant 0 : i32
        %dma_wait3A_415 = arith.constant 0 : i32
        %dma_wait3A_416 = tpu.memref_slice %arg12[%dma_wait3A_413, %dma_wait3A_414, %dma_wait3A_415] : memref<3x640x16xf32, #tpu.memory_space<vmem>> -> memref<1x640x16xf32, #tpu.memory_space<vmem>>
        %dma_wait3A_417 = tpu.memref_squeeze %dma_wait3A_416 : memref<1x640x16xf32, #tpu.memory_space<vmem>> -> memref<640x16xf32, #tpu.memory_space<vmem>>
        %dma_wait3A_418 = arith.constant 0 : i32
        %dma_wait3A_419 = arith.constant 0 : i32
        %dma_wait3A_420 = tpu.memref_slice %arg2[%dma_wait3A_418, %dma_wait3A_419] : memref<12500x16xf32, #tpu.memory_space<hbm>> -> memref<640x16xf32, #tpu.memory_space<hbm>>
        %dma_wait3A_421 = arith.constant 0 : i32
        %dma_wait3A_422 = arith.constant 0 : i32
        %dma_wait3A_423 = tpu.memref_slice %arg12[%dma_wait3A_413, %dma_wait3A_421, %dma_wait3A_422] : memref<3x640x16xf32, #tpu.memory_space<vmem>> -> memref<1x640x16xf32, #tpu.memory_space<vmem>>
        %dma_wait3A_424 = tpu.memref_squeeze %dma_wait3A_423 : memref<1x640x16xf32, #tpu.memory_space<vmem>> -> memref<640x16xf32, #tpu.memory_space<vmem>>
        %dma_wait3A_425 = arith.constant 0 : i32
        %dma_wait3A_426 = arith.constant 0 : i32
        %dma_wait3A_427 = tpu.memref_slice %arg2[%dma_wait3A_425, %dma_wait3A_426] : memref<12500x16xf32, #tpu.memory_space<hbm>> -> memref<640x16xf32, #tpu.memory_space<hbm>>
        tpu.wait_dma2 semaphore(%arg17 : memref<!tpu.dma_semaphore, #tpu.memory_space<semaphore_mem>>) src(%dma_wait3A_427 : memref<640x16xf32, #tpu.memory_space<hbm>>) dst(%dma_wait3A_424 : memref<640x16xf32, #tpu.memory_space<vmem>>)
        %dma_wait3A_428 = arith.constant 1 : i32
        %dma_wait3A_429 = arith.constant 0 : i32
        %dma_wait3A_430 = arith.constant 0 : i32
        %dma_wait3A_431 = tpu.memref_slice %arg13[%dma_wait3A_428, %dma_wait3A_429, %dma_wait3A_430] : memref<3x640x16xf32, #tpu.memory_space<vmem>> -> memref<1x640x16xf32, #tpu.memory_space<vmem>>
        %dma_wait3A_432 = tpu.memref_squeeze %dma_wait3A_431 : memref<1x640x16xf32, #tpu.memory_space<vmem>> -> memref<640x16xf32, #tpu.memory_space<vmem>>
        %dma_wait3A_433 = arith.constant 0 : i32
        %dma_wait3A_434 = arith.constant 0 : i32
        %dma_wait3A_435 = tpu.memref_slice %arg3[%dma_wait3A_433, %dma_wait3A_434] : memref<12500x16xf32, #tpu.memory_space<hbm>> -> memref<640x16xf32, #tpu.memory_space<hbm>>
        %dma_wait3A_436 = arith.constant 0 : i32
        %dma_wait3A_437 = arith.constant 0 : i32
        %dma_wait3A_438 = tpu.memref_slice %arg13[%dma_wait3A_428, %dma_wait3A_436, %dma_wait3A_437] : memref<3x640x16xf32, #tpu.memory_space<vmem>> -> memref<1x640x16xf32, #tpu.memory_space<vmem>>
        %dma_wait3A_439 = tpu.memref_squeeze %dma_wait3A_438 : memref<1x640x16xf32, #tpu.memory_space<vmem>> -> memref<640x16xf32, #tpu.memory_space<vmem>>
        %dma_wait3A_440 = arith.constant 0 : i32
        %dma_wait3A_441 = arith.constant 0 : i32
        %dma_wait3A_442 = tpu.memref_slice %arg3[%dma_wait3A_440, %dma_wait3A_441] : memref<12500x16xf32, #tpu.memory_space<hbm>> -> memref<640x16xf32, #tpu.memory_space<hbm>>
        tpu.wait_dma2 semaphore(%arg17 : memref<!tpu.dma_semaphore, #tpu.memory_space<semaphore_mem>>) src(%dma_wait3A_442 : memref<640x16xf32, #tpu.memory_space<hbm>>) dst(%dma_wait3A_439 : memref<640x16xf32, #tpu.memory_space<vmem>>)
      } else {
      }
      %eq3A_374 = arith.constant 2 : i32
      %eq3A_375 = arith.cmpi eq, %rem3A_334, %eq3A_374 : i32
      %convert_element_type3A_376 = arith.extui %eq3A_375 : i1 to i32
      %cond3A_377 = arith.constant 0 : i32
      %cond3A_378 = arith.cmpi ne, %convert_element_type3A_376, %cond3A_377 : i32
      scf.if %cond3A_378 {
        %dma_wait3A_413 = arith.constant 2 : i32
        %dma_wait3A_414 = arith.constant 0 : i32
        %dma_wait3A_415 = arith.constant 0 : i32
        %dma_wait3A_416 = tpu.memref_slice %arg12[%dma_wait3A_413, %dma_wait3A_414, %dma_wait3A_415] : memref<3x640x16xf32, #tpu.memory_space<vmem>> -> memref<1x640x16xf32, #tpu.memory_space<vmem>>
        %dma_wait3A_417 = tpu.memref_squeeze %dma_wait3A_416 : memref<1x640x16xf32, #tpu.memory_space<vmem>> -> memref<640x16xf32, #tpu.memory_space<vmem>>
        %dma_wait3A_418 = arith.constant 0 : i32
        %dma_wait3A_419 = arith.constant 0 : i32
        %dma_wait3A_420 = tpu.memref_slice %arg2[%dma_wait3A_418, %dma_wait3A_419] : memref<12500x16xf32, #tpu.memory_space<hbm>> -> memref<640x16xf32, #tpu.memory_space<hbm>>
        %dma_wait3A_421 = arith.constant 0 : i32
        %dma_wait3A_422 = arith.constant 0 : i32
        %dma_wait3A_423 = tpu.memref_slice %arg12[%dma_wait3A_413, %dma_wait3A_421, %dma_wait3A_422] : memref<3x640x16xf32, #tpu.memory_space<vmem>> -> memref<1x640x16xf32, #tpu.memory_space<vmem>>
        %dma_wait3A_424 = tpu.memref_squeeze %dma_wait3A_423 : memref<1x640x16xf32, #tpu.memory_space<vmem>> -> memref<640x16xf32, #tpu.memory_space<vmem>>
        %dma_wait3A_425 = arith.constant 0 : i32
        %dma_wait3A_426 = arith.constant 0 : i32
        %dma_wait3A_427 = tpu.memref_slice %arg2[%dma_wait3A_425, %dma_wait3A_426] : memref<12500x16xf32, #tpu.memory_space<hbm>> -> memref<640x16xf32, #tpu.memory_space<hbm>>
        tpu.wait_dma2 semaphore(%arg18 : memref<!tpu.dma_semaphore, #tpu.memory_space<semaphore_mem>>) src(%dma_wait3A_427 : memref<640x16xf32, #tpu.memory_space<hbm>>) dst(%dma_wait3A_424 : memref<640x16xf32, #tpu.memory_space<vmem>>)
        %dma_wait3A_428 = arith.constant 2 : i32
        %dma_wait3A_429 = arith.constant 0 : i32
        %dma_wait3A_430 = arith.constant 0 : i32
        %dma_wait3A_431 = tpu.memref_slice %arg13[%dma_wait3A_428, %dma_wait3A_429, %dma_wait3A_430] : memref<3x640x16xf32, #tpu.memory_space<vmem>> -> memref<1x640x16xf32, #tpu.memory_space<vmem>>
        %dma_wait3A_432 = tpu.memref_squeeze %dma_wait3A_431 : memref<1x640x16xf32, #tpu.memory_space<vmem>> -> memref<640x16xf32, #tpu.memory_space<vmem>>
        %dma_wait3A_433 = arith.constant 0 : i32
        %dma_wait3A_434 = arith.constant 0 : i32
        %dma_wait3A_435 = tpu.memref_slice %arg3[%dma_wait3A_433, %dma_wait3A_434] : memref<12500x16xf32, #tpu.memory_space<hbm>> -> memref<640x16xf32, #tpu.memory_space<hbm>>
        %dma_wait3A_436 = arith.constant 0 : i32
        %dma_wait3A_437 = arith.constant 0 : i32
        %dma_wait3A_438 = tpu.memref_slice %arg13[%dma_wait3A_428, %dma_wait3A_436, %dma_wait3A_437] : memref<3x640x16xf32, #tpu.memory_space<vmem>> -> memref<1x640x16xf32, #tpu.memory_space<vmem>>
        %dma_wait3A_439 = tpu.memref_squeeze %dma_wait3A_438 : memref<1x640x16xf32, #tpu.memory_space<vmem>> -> memref<640x16xf32, #tpu.memory_space<vmem>>
        %dma_wait3A_440 = arith.constant 0 : i32
        %dma_wait3A_441 = arith.constant 0 : i32
        %dma_wait3A_442 = tpu.memref_slice %arg3[%dma_wait3A_440, %dma_wait3A_441] : memref<12500x16xf32, #tpu.memory_space<hbm>> -> memref<640x16xf32, #tpu.memory_space<hbm>>
        tpu.wait_dma2 semaphore(%arg18 : memref<!tpu.dma_semaphore, #tpu.memory_space<semaphore_mem>>) src(%dma_wait3A_442 : memref<640x16xf32, #tpu.memory_space<hbm>>) dst(%dma_wait3A_439 : memref<640x16xf32, #tpu.memory_space<vmem>>)
      } else {
      }
      %ge3A = arith.constant 2 : i32
      %ge3A_379 = arith.cmpi sge, %while3A_333, %ge3A : i32
      %eq3A_380 = arith.constant 0 : i32
      %eq3A_381 = arith.cmpi eq, %rem3A_336, %eq3A_380 : i32
      %and3A_382 = arith.andi %ge3A_379, %eq3A_381 : i1
      %convert_element_type3A_383 = arith.extui %and3A_382 : i1 to i32
      %cond3A_384 = arith.constant 0 : i32
      %cond3A_385 = arith.cmpi ne, %convert_element_type3A_383, %cond3A_384 : i32
      scf.if %cond3A_385 {
        %dma_wait3A_413 = arith.constant 0 : i32
        %dma_wait3A_414 = arith.constant 0 : i32
        %dma_wait3A_415 = tpu.memref_slice %arg14[%dma_wait3A_413, %dma_wait3A_414] : memref<2x640xi32, #tpu.memory_space<vmem>> -> memref<1x640xi32, #tpu.memory_space<vmem>>
        %dma_wait3A_416 = tpu.memref_squeeze %dma_wait3A_415 : memref<1x640xi32, #tpu.memory_space<vmem>> -> memref<640xi32, #tpu.memory_space<vmem>>
        %dma_wait3A_417 = arith.constant 0 : i32
        %dma_wait3A_418 = tpu.memref_slice %arg7[%dma_wait3A_417] : memref<1600000xi32, #tpu.memory_space<hbm>> -> memref<640xi32, #tpu.memory_space<hbm>>
        %dma_wait3A_419 = arith.constant 0 : i32
        %dma_wait3A_420 = tpu.memref_slice %arg7[%dma_wait3A_419] : memref<1600000xi32, #tpu.memory_space<hbm>> -> memref<640xi32, #tpu.memory_space<hbm>>
        %dma_wait3A_421 = arith.constant 0 : i32
        %dma_wait3A_422 = tpu.memref_slice %arg14[%dma_wait3A_413, %dma_wait3A_421] : memref<2x640xi32, #tpu.memory_space<vmem>> -> memref<1x640xi32, #tpu.memory_space<vmem>>
        %dma_wait3A_423 = tpu.memref_squeeze %dma_wait3A_422 : memref<1x640xi32, #tpu.memory_space<vmem>> -> memref<640xi32, #tpu.memory_space<vmem>>
        tpu.wait_dma2 semaphore(%arg20 : memref<!tpu.dma_semaphore, #tpu.memory_space<semaphore_mem>>) src(%dma_wait3A_423 : memref<640xi32, #tpu.memory_space<vmem>>) dst(%dma_wait3A_420 : memref<640xi32, #tpu.memory_space<hbm>>)
      } else {
      }
      %ge3A_386 = arith.constant 2 : i32
      %ge3A_387 = arith.cmpi sge, %while3A_333, %ge3A_386 : i32
      %eq3A_388 = arith.constant 1 : i32
      %eq3A_389 = arith.cmpi eq, %rem3A_336, %eq3A_388 : i32
      %and3A_390 = arith.andi %ge3A_387, %eq3A_389 : i1
      %convert_element_type3A_391 = arith.extui %and3A_390 : i1 to i32
      %cond3A_392 = arith.constant 0 : i32
      %cond3A_393 = arith.cmpi ne, %convert_element_type3A_391, %cond3A_392 : i32
      scf.if %cond3A_393 {
        %dma_wait3A_413 = arith.constant 1 : i32
        %dma_wait3A_414 = arith.constant 0 : i32
        %dma_wait3A_415 = tpu.memref_slice %arg14[%dma_wait3A_413, %dma_wait3A_414] : memref<2x640xi32, #tpu.memory_space<vmem>> -> memref<1x640xi32, #tpu.memory_space<vmem>>
        %dma_wait3A_416 = tpu.memref_squeeze %dma_wait3A_415 : memref<1x640xi32, #tpu.memory_space<vmem>> -> memref<640xi32, #tpu.memory_space<vmem>>
        %dma_wait3A_417 = arith.constant 0 : i32
        %dma_wait3A_418 = tpu.memref_slice %arg7[%dma_wait3A_417] : memref<1600000xi32, #tpu.memory_space<hbm>> -> memref<640xi32, #tpu.memory_space<hbm>>
        %dma_wait3A_419 = arith.constant 0 : i32
        %dma_wait3A_420 = tpu.memref_slice %arg7[%dma_wait3A_419] : memref<1600000xi32, #tpu.memory_space<hbm>> -> memref<640xi32, #tpu.memory_space<hbm>>
        %dma_wait3A_421 = arith.constant 0 : i32
        %dma_wait3A_422 = tpu.memref_slice %arg14[%dma_wait3A_413, %dma_wait3A_421] : memref<2x640xi32, #tpu.memory_space<vmem>> -> memref<1x640xi32, #tpu.memory_space<vmem>>
        %dma_wait3A_423 = tpu.memref_squeeze %dma_wait3A_422 : memref<1x640xi32, #tpu.memory_space<vmem>> -> memref<640xi32, #tpu.memory_space<vmem>>
        tpu.wait_dma2 semaphore(%arg21 : memref<!tpu.dma_semaphore, #tpu.memory_space<semaphore_mem>>) src(%dma_wait3A_423 : memref<640xi32, #tpu.memory_space<vmem>>) dst(%dma_wait3A_420 : memref<640xi32, #tpu.memory_space<hbm>>)
      } else {
      }
      %parallel_loop3A_394 = arith.constant 0 : i32
      %parallel_loop3A_395 = arith.constant 40 : i32
      %parallel_loop3A_396 = arith.constant 1 : i32
      scf.for %parallel_loop3A_413 = %parallel_loop3A_394 to %parallel_loop3A_395 step %parallel_loop3A_396  : i32 {
        %parallel_loop3A_414 = arith.constant 16 : i32
        %parallel_loop3A_415 = arith.muli %parallel_loop3A_413, %parallel_loop3A_414 : i32
        %parallel_loop3A_416 = arith.constant 16 : i32
        %parallel_loop3A_417 = arith.muli %parallel_loop3A_413, %parallel_loop3A_416 : i32
        %parallel_loop3A_418 = vector.broadcast %parallel_loop3A_417 : i32 to vector<16xi32>
        %parallel_loop3A_419 = arith.addi %parallel_loop3A_418, %iota3A : vector<16xi32>
        %parallel_loop3A_420 = arith.index_cast %rem3A_334 : i32 to index
        %parallel_loop3A_421 = arith.index_cast %parallel_loop3A_415 : i32 to index
        %parallel_loop3A_422 = tpu.vector_load %arg8[%parallel_loop3A_420, %parallel_loop3A_421] {strides = array<i32>} : memref<3x640xi32, #tpu.memory_space<vmem>>, vector<16xi32>,
        %parallel_loop3A_423 = arith.constant 3 : i32
        %parallel_loop3A_424 = vector.broadcast %parallel_loop3A_423 : i32 to vector<16xi32>
        %parallel_loop3A_425 = arith.andi %parallel_loop3A_422, %parallel_loop3A_424 : vector<16xi32>
        %parallel_loop3A_426 = arith.constant 2 : i32
        %parallel_loop3A_427 = vector.broadcast %parallel_loop3A_426 : i32 to vector<16xi32>
        %parallel_loop3A_428 = arith.shli %parallel_loop3A_425, %parallel_loop3A_427 : vector<16xi32>
        %parallel_loop3A_429 = arith.index_cast %rem3A_334 : i32 to index
        %parallel_loop3A_430 = arith.index_cast %parallel_loop3A_415 : i32 to index
        %parallel_loop3A_431 = tpu.vector_load %arg9[%parallel_loop3A_429, %parallel_loop3A_430] {strides = array<i32>} : memref<3x640xi32, #tpu.memory_space<vmem>>, vector<16xi32>,
        %parallel_loop3A_432 = arith.constant 3 : i32
        %parallel_loop3A_433 = vector.broadcast %parallel_loop3A_432 : i32 to vector<16xi32>
        %parallel_loop3A_434 = arith.andi %parallel_loop3A_431, %parallel_loop3A_433 : vector<16xi32>
        %parallel_loop3A_435 = arith.constant 2 : i32
        %parallel_loop3A_436 = vector.broadcast %parallel_loop3A_435 : i32 to vector<16xi32>
        %parallel_loop3A_437 = arith.shli %parallel_loop3A_434, %parallel_loop3A_436 : vector<16xi32>
        %parallel_loop3A_438 = arith.constant 1 : i32
        %parallel_loop3A_439 = vector.broadcast %parallel_loop3A_438 : i32 to vector<16xi32>
        %parallel_loop3A_440 = arith.addi %parallel_loop3A_428, %parallel_loop3A_439 : vector<16xi32>
        %parallel_loop3A_441 = arith.constant 0 : i32
        %parallel_loop3A_442 = arith.constant 0 : i32
        %parallel_loop3A_443 = tpu.memref_slice %arg12[%rem3A_334, %parallel_loop3A_441, %parallel_loop3A_442] : memref<3x640x16xf32, #tpu.memory_space<vmem>> -> memref<1x640x16xf32, #tpu.memory_space<vmem>>
        %parallel_loop3A_444 = tpu.memref_squeeze %parallel_loop3A_443 : memref<1x640x16xf32, #tpu.memory_space<vmem>> -> memref<640x16xf32, #tpu.memory_space<vmem>>
        %parallel_loop3A_445 = tpu.vector_load_idx %parallel_loop3A_444[%parallel_loop3A_419, %parallel_loop3A_440] : memref<640x16xf32, #tpu.memory_space<vmem>>[vector<16xi32>, vector<16xi32>], vector<16xf32>,
        %parallel_loop3A_446 = arith.constant 1 : i32
        %parallel_loop3A_447 = vector.broadcast %parallel_loop3A_446 : i32 to vector<16xi32>
        %parallel_loop3A_448 = arith.addi %parallel_loop3A_437, %parallel_loop3A_447 : vector<16xi32>
        %parallel_loop3A_449 = arith.constant 0 : i32
        %parallel_loop3A_450 = arith.constant 0 : i32
        %parallel_loop3A_451 = tpu.memref_slice %arg13[%rem3A_334, %parallel_loop3A_449, %parallel_loop3A_450] : memref<3x640x16xf32, #tpu.memory_space<vmem>> -> memref<1x640x16xf32, #tpu.memory_space<vmem>>
        %parallel_loop3A_452 = tpu.memref_squeeze %parallel_loop3A_451 : memref<1x640x16xf32, #tpu.memory_space<vmem>> -> memref<640x16xf32, #tpu.memory_space<vmem>>
        %parallel_loop3A_453 = tpu.vector_load_idx %parallel_loop3A_452[%parallel_loop3A_419, %parallel_loop3A_448] : memref<640x16xf32, #tpu.memory_space<vmem>>[vector<16xi32>, vector<16xi32>], vector<16xf32>,
        %parallel_loop3A_454 = arith.subf %parallel_loop3A_445, %parallel_loop3A_453 : vector<16xf32>
        %parallel_loop3A_455 = arith.constant 2 : i32
        %parallel_loop3A_456 = vector.broadcast %parallel_loop3A_455 : i32 to vector<16xi32>
        %parallel_loop3A_457 = arith.addi %parallel_loop3A_428, %parallel_loop3A_456 : vector<16xi32>
        %parallel_loop3A_458 = arith.constant 0 : i32
        %parallel_loop3A_459 = arith.constant 0 : i32
        %parallel_loop3A_460 = tpu.memref_slice %arg12[%rem3A_334, %parallel_loop3A_458, %parallel_loop3A_459] : memref<3x640x16xf32, #tpu.memory_space<vmem>> -> memref<1x640x16xf32, #tpu.memory_space<vmem>>
        %parallel_loop3A_461 = tpu.memref_squeeze %parallel_loop3A_460 : memref<1x640x16xf32, #tpu.memory_space<vmem>> -> memref<640x16xf32, #tpu.memory_space<vmem>>
        %parallel_loop3A_462 = tpu.vector_load_idx %parallel_loop3A_461[%parallel_loop3A_419, %parallel_loop3A_457] : memref<640x16xf32, #tpu.memory_space<vmem>>[vector<16xi32>, vector<16xi32>], vector<16xf32>,
        %parallel_loop3A_463 = arith.constant 2 : i32
        %parallel_loop3A_464 = vector.broadcast %parallel_loop3A_463 : i32 to vector<16xi32>
        %parallel_loop3A_465 = arith.addi %parallel_loop3A_437, %parallel_loop3A_464 : vector<16xi32>
        %parallel_loop3A_466 = arith.constant 0 : i32
        %parallel_loop3A_467 = arith.constant 0 : i32
        %parallel_loop3A_468 = tpu.memref_slice %arg13[%rem3A_334, %parallel_loop3A_466, %parallel_loop3A_467] : memref<3x640x16xf32, #tpu.memory_space<vmem>> -> memref<1x640x16xf32, #tpu.memory_space<vmem>>
        %parallel_loop3A_469 = tpu.memref_squeeze %parallel_loop3A_468 : memref<1x640x16xf32, #tpu.memory_space<vmem>> -> memref<640x16xf32, #tpu.memory_space<vmem>>
        %parallel_loop3A_470 = tpu.vector_load_idx %parallel_loop3A_469[%parallel_loop3A_419, %parallel_loop3A_465] : memref<640x16xf32, #tpu.memory_space<vmem>>[vector<16xi32>, vector<16xi32>], vector<16xf32>,
        %parallel_loop3A_471 = arith.subf %parallel_loop3A_462, %parallel_loop3A_470 : vector<16xf32>
        %parallel_loop3A_472 = arith.constant 3 : i32
        %parallel_loop3A_473 = vector.broadcast %parallel_loop3A_472 : i32 to vector<16xi32>
        %parallel_loop3A_474 = arith.addi %parallel_loop3A_428, %parallel_loop3A_473 : vector<16xi32>
        %parallel_loop3A_475 = arith.constant 0 : i32
        %parallel_loop3A_476 = arith.constant 0 : i32
        %parallel_loop3A_477 = tpu.memref_slice %arg12[%rem3A_334, %parallel_loop3A_475, %parallel_loop3A_476] : memref<3x640x16xf32, #tpu.memory_space<vmem>> -> memref<1x640x16xf32, #tpu.memory_space<vmem>>
        %parallel_loop3A_478 = tpu.memref_squeeze %parallel_loop3A_477 : memref<1x640x16xf32, #tpu.memory_space<vmem>> -> memref<640x16xf32, #tpu.memory_space<vmem>>
        %parallel_loop3A_479 = tpu.vector_load_idx %parallel_loop3A_478[%parallel_loop3A_419, %parallel_loop3A_474] : memref<640x16xf32, #tpu.memory_space<vmem>>[vector<16xi32>, vector<16xi32>], vector<16xf32>,
        %parallel_loop3A_480 = arith.constant 3 : i32
        %parallel_loop3A_481 = vector.broadcast %parallel_loop3A_480 : i32 to vector<16xi32>
        %parallel_loop3A_482 = arith.addi %parallel_loop3A_437, %parallel_loop3A_481 : vector<16xi32>
        %parallel_loop3A_483 = arith.constant 0 : i32
        %parallel_loop3A_484 = arith.constant 0 : i32
        %parallel_loop3A_485 = tpu.memref_slice %arg13[%rem3A_334, %parallel_loop3A_483, %parallel_loop3A_484] : memref<3x640x16xf32, #tpu.memory_space<vmem>> -> memref<1x640x16xf32, #tpu.memory_space<vmem>>
        %parallel_loop3A_486 = tpu.memref_squeeze %parallel_loop3A_485 : memref<1x640x16xf32, #tpu.memory_space<vmem>> -> memref<640x16xf32, #tpu.memory_space<vmem>>
        %parallel_loop3A_487 = tpu.vector_load_idx %parallel_loop3A_486[%parallel_loop3A_419, %parallel_loop3A_482] : memref<640x16xf32, #tpu.memory_space<vmem>>[vector<16xi32>, vector<16xi32>], vector<16xf32>,
        %parallel_loop3A_488 = arith.subf %parallel_loop3A_479, %parallel_loop3A_487 : vector<16xf32>
        %parallel_loop3A_489 = arith.cmpf oge, %parallel_loop3A_454, %get3A_11 : vector<16xf32>
        %parallel_loop3A_490 = arith.extui %parallel_loop3A_489 : vector<16xi1> to vector<16xi32>
        %parallel_loop3A_491 = arith.constant 0.000000e+00 : f32
        %parallel_loop3A_492 = vector.broadcast %parallel_loop3A_491 : f32 to vector<16xf32>
        %parallel_loop3A_493 = arith.subf %parallel_loop3A_492, %get3A_11 : vector<16xf32>
        %parallel_loop3A_494 = arith.cmpf ogt, %parallel_loop3A_454, %parallel_loop3A_493 : vector<16xf32>
        %parallel_loop3A_495 = arith.extui %parallel_loop3A_494 : vector<16xi1> to vector<16xi32>
        %parallel_loop3A_496 = arith.addi %parallel_loop3A_490, %parallel_loop3A_495 : vector<16xi32>
        %parallel_loop3A_497 = arith.cmpf oge, %parallel_loop3A_471, %get3A_15 : vector<16xf32>
        %parallel_loop3A_498 = arith.extui %parallel_loop3A_497 : vector<16xi1> to vector<16xi32>
        %parallel_loop3A_499 = arith.constant 0.000000e+00 : f32
        %parallel_loop3A_500 = vector.broadcast %parallel_loop3A_499 : f32 to vector<16xf32>
        %parallel_loop3A_501 = arith.subf %parallel_loop3A_500, %get3A_15 : vector<16xf32>
        %parallel_loop3A_502 = arith.cmpf ogt, %parallel_loop3A_471, %parallel_loop3A_501 : vector<16xf32>
        %parallel_loop3A_503 = arith.extui %parallel_loop3A_502 : vector<16xi1> to vector<16xi32>
        %parallel_loop3A_504 = arith.addi %parallel_loop3A_498, %parallel_loop3A_503 : vector<16xi32>
        %parallel_loop3A_505 = arith.cmpf oge, %parallel_loop3A_488, %get3A_19 : vector<16xf32>
        %parallel_loop3A_506 = arith.extui %parallel_loop3A_505 : vector<16xi1> to vector<16xi32>
        %parallel_loop3A_507 = arith.constant 0.000000e+00 : f32
        %parallel_loop3A_508 = vector.broadcast %parallel_loop3A_507 : f32 to vector<16xf32>
        %parallel_loop3A_509 = arith.subf %parallel_loop3A_508, %get3A_19 : vector<16xf32>
        %parallel_loop3A_510 = arith.cmpf ogt, %parallel_loop3A_488, %parallel_loop3A_509 : vector<16xf32>
        %parallel_loop3A_511 = arith.extui %parallel_loop3A_510 : vector<16xi1> to vector<16xi32>
        %parallel_loop3A_512 = arith.addi %parallel_loop3A_506, %parallel_loop3A_511 : vector<16xi32>
        %parallel_loop3A_513 = arith.constant 3 : i32
        %parallel_loop3A_514 = vector.broadcast %parallel_loop3A_513 : i32 to vector<16xi32>
        %parallel_loop3A_515 = arith.muli %parallel_loop3A_512, %parallel_loop3A_514 : vector<16xi32>
        %parallel_loop3A_516 = arith.addi %parallel_loop3A_515, %parallel_loop3A_504 : vector<16xi32>
        %parallel_loop3A_517 = arith.constant 3 : i32
        %parallel_loop3A_518 = vector.broadcast %parallel_loop3A_517 : i32 to vector<16xi32>
        %parallel_loop3A_519 = arith.muli %parallel_loop3A_516, %parallel_loop3A_518 : vector<16xi32>
        %parallel_loop3A_520 = arith.addi %parallel_loop3A_519, %parallel_loop3A_496 : vector<16xi32>
        %parallel_loop3A_521 = arith.constant 0 : i32
        %parallel_loop3A_522 = tpu.memref_slice %arg14[%rem3A_336, %parallel_loop3A_521] : memref<2x640xi32, #tpu.memory_space<vmem>> -> memref<1x640xi32, #tpu.memory_space<vmem>>
        %parallel_loop3A_523 = tpu.memref_squeeze %parallel_loop3A_522 : memref<1x640xi32, #tpu.memory_space<vmem>> -> memref<640xi32, #tpu.memory_space<vmem>>
        %parallel_loop3A_524 = arith.index_cast %parallel_loop3A_415 : i32 to index
        %parallel_loop3A_525 = tpu.vector_load %parallel_loop3A_523[%parallel_loop3A_524] {strides = array<i32>} : memref<640xi32, #tpu.memory_space<vmem>>, vector<16xi32>,
        tpu.vector_store %parallel_loop3A_523[%parallel_loop3A_524], %parallel_loop3A_520 {strides = array<i32>} : memref<640xi32, #tpu.memory_space<vmem>>, vector<16xi32>,
      } {sc.loop_unroll_factor = 4 : i64, sc.parallel_access}
      %add3A_397 = arith.constant 3 : i32
      %add3A_398 = arith.addi %while3A_333, %add3A_397 : i32
      %lt3A_399 = arith.cmpi slt, %add3A_398, %add3A_4 : i32
      %convert_element_type3A_400 = arith.extui %lt3A_399 : i1 to i32
      %cond3A_401 = arith.constant 0 : i32
      %cond3A_402 = arith.cmpi ne, %convert_element_type3A_400, %cond3A_401 : i32
      scf.if %cond3A_402 {
        %add3A_413 = arith.addi %add3A_8, %while3A_333 : i32
        %add3A_414 = arith.constant 3 : i32
        %add3A_415 = arith.addi %add3A_413, %add3A_414 : i32
        %mul3A_416 = arith.constant 640 : i32
        %mul3A_417 = arith.muli %add3A_415, %mul3A_416 : i32
        %dma_start3A_418 = arith.constant 0 : i32
        %dma_start3A_419 = tpu.memref_slice %arg8[%rem3A_334, %dma_start3A_418] : memref<3x640xi32, #tpu.memory_space<vmem>> -> memref<1x640xi32, #tpu.memory_space<vmem>>
        %dma_start3A_420 = tpu.memref_squeeze %dma_start3A_419 : memref<1x640xi32, #tpu.memory_space<vmem>> -> memref<640xi32, #tpu.memory_space<vmem>>
        %dma_start3A_421 = tpu.memref_slice %arg4[%mul3A_417] : memref<1600000xi32, #tpu.memory_space<hbm>> -> memref<640xi32, #tpu.memory_space<hbm>>
        %dma_start3A_422 = arith.constant 0 : i32
        %dma_start3A_423 = tpu.memref_slice %arg8[%rem3A_334, %dma_start3A_422] : memref<3x640xi32, #tpu.memory_space<vmem>> -> memref<1x640xi32, #tpu.memory_space<vmem>>
        %dma_start3A_424 = tpu.memref_squeeze %dma_start3A_423 : memref<1x640xi32, #tpu.memory_space<vmem>> -> memref<640xi32, #tpu.memory_space<vmem>>
        %dma_start3A_425 = tpu.memref_slice %arg4[%mul3A_417] : memref<1600000xi32, #tpu.memory_space<hbm>> -> memref<640xi32, #tpu.memory_space<hbm>>
        tpu.enqueue_dma source(%dma_start3A_425 : memref<640xi32, #tpu.memory_space<hbm>>) target(%dma_start3A_424 : memref<640xi32, #tpu.memory_space<vmem>>) target_semaphore(%arg19 : memref<!tpu.dma_semaphore, #tpu.memory_space<semaphore_mem>>)
        %mul3A_426 = arith.constant 640 : i32
        %mul3A_427 = arith.muli %add3A_415, %mul3A_426 : i32
        %dma_start3A_428 = arith.constant 0 : i32
        %dma_start3A_429 = tpu.memref_slice %arg9[%rem3A_334, %dma_start3A_428] : memref<3x640xi32, #tpu.memory_space<vmem>> -> memref<1x640xi32, #tpu.memory_space<vmem>>
        %dma_start3A_430 = tpu.memref_squeeze %dma_start3A_429 : memref<1x640xi32, #tpu.memory_space<vmem>> -> memref<640xi32, #tpu.memory_space<vmem>>
        %dma_start3A_431 = tpu.memref_slice %arg5[%mul3A_427] : memref<1600000xi32, #tpu.memory_space<hbm>> -> memref<640xi32, #tpu.memory_space<hbm>>
        %dma_start3A_432 = arith.constant 0 : i32
        %dma_start3A_433 = tpu.memref_slice %arg9[%rem3A_334, %dma_start3A_432] : memref<3x640xi32, #tpu.memory_space<vmem>> -> memref<1x640xi32, #tpu.memory_space<vmem>>
        %dma_start3A_434 = tpu.memref_squeeze %dma_start3A_433 : memref<1x640xi32, #tpu.memory_space<vmem>> -> memref<640xi32, #tpu.memory_space<vmem>>
        %dma_start3A_435 = tpu.memref_slice %arg5[%mul3A_427] : memref<1600000xi32, #tpu.memory_space<hbm>> -> memref<640xi32, #tpu.memory_space<hbm>>
        tpu.enqueue_dma source(%dma_start3A_435 : memref<640xi32, #tpu.memory_space<hbm>>) target(%dma_start3A_434 : memref<640xi32, #tpu.memory_space<vmem>>) target_semaphore(%arg19 : memref<!tpu.dma_semaphore, #tpu.memory_space<semaphore_mem>>)
      } else {
      }
      %eq3A_403 = arith.constant 0 : i32
      %eq3A_404 = arith.cmpi eq, %rem3A_336, %eq3A_403 : i32
      %convert_element_type3A_405 = arith.extui %eq3A_404 : i1 to i32
      %cond3A_406 = arith.constant 0 : i32
      %cond3A_407 = arith.cmpi ne, %convert_element_type3A_405, %cond3A_406 : i32
      scf.if %cond3A_407 {
        %add3A_413 = arith.addi %add3A_8, %while3A_333 : i32
        %mul3A_414 = arith.constant 640 : i32
        %mul3A_415 = arith.muli %add3A_413, %mul3A_414 : i32
        %dma_start3A_416 = arith.constant 0 : i32
        %dma_start3A_417 = arith.constant 0 : i32
        %dma_start3A_418 = tpu.memref_slice %arg14[%dma_start3A_416, %dma_start3A_417] : memref<2x640xi32, #tpu.memory_space<vmem>> -> memref<1x640xi32, #tpu.memory_space<vmem>>
        %dma_start3A_419 = tpu.memref_squeeze %dma_start3A_418 : memref<1x640xi32, #tpu.memory_space<vmem>> -> memref<640xi32, #tpu.memory_space<vmem>>
        %dma_start3A_420 = tpu.memref_slice %arg7[%mul3A_415] : memref<1600000xi32, #tpu.memory_space<hbm>> -> memref<640xi32, #tpu.memory_space<hbm>>
        %dma_start3A_421 = tpu.memref_slice %arg7[%mul3A_415] : memref<1600000xi32, #tpu.memory_space<hbm>> -> memref<640xi32, #tpu.memory_space<hbm>>
        %dma_start3A_422 = arith.constant 0 : i32
        %dma_start3A_423 = tpu.memref_slice %arg14[%dma_start3A_416, %dma_start3A_422] : memref<2x640xi32, #tpu.memory_space<vmem>> -> memref<1x640xi32, #tpu.memory_space<vmem>>
        %dma_start3A_424 = tpu.memref_squeeze %dma_start3A_423 : memref<1x640xi32, #tpu.memory_space<vmem>> -> memref<640xi32, #tpu.memory_space<vmem>>
        tpu.enqueue_dma source(%dma_start3A_424 : memref<640xi32, #tpu.memory_space<vmem>>) target(%dma_start3A_421 : memref<640xi32, #tpu.memory_space<hbm>>) target_semaphore(%arg20 : memref<!tpu.dma_semaphore, #tpu.memory_space<semaphore_mem>>)
      } else {
      }
      %eq3A_408 = arith.constant 1 : i32
      %eq3A_409 = arith.cmpi eq, %rem3A_336, %eq3A_408 : i32
      %convert_element_type3A_410 = arith.extui %eq3A_409 : i1 to i32
      %cond3A_411 = arith.constant 0 : i32
      %cond3A_412 = arith.cmpi ne, %convert_element_type3A_410, %cond3A_411 : i32
      scf.if %cond3A_412 {
        %add3A_413 = arith.addi %add3A_8, %while3A_333 : i32
        %mul3A_414 = arith.constant 640 : i32
        %mul3A_415 = arith.muli %add3A_413, %mul3A_414 : i32
        %dma_start3A_416 = arith.constant 1 : i32
        %dma_start3A_417 = arith.constant 0 : i32
        %dma_start3A_418 = tpu.memref_slice %arg14[%dma_start3A_416, %dma_start3A_417] : memref<2x640xi32, #tpu.memory_space<vmem>> -> memref<1x640xi32, #tpu.memory_space<vmem>>
        %dma_start3A_419 = tpu.memref_squeeze %dma_start3A_418 : memref<1x640xi32, #tpu.memory_space<vmem>> -> memref<640xi32, #tpu.memory_space<vmem>>
        %dma_start3A_420 = tpu.memref_slice %arg7[%mul3A_415] : memref<1600000xi32, #tpu.memory_space<hbm>> -> memref<640xi32, #tpu.memory_space<hbm>>
        %dma_start3A_421 = tpu.memref_slice %arg7[%mul3A_415] : memref<1600000xi32, #tpu.memory_space<hbm>> -> memref<640xi32, #tpu.memory_space<hbm>>
        %dma_start3A_422 = arith.constant 0 : i32
        %dma_start3A_423 = tpu.memref_slice %arg14[%dma_start3A_416, %dma_start3A_422] : memref<2x640xi32, #tpu.memory_space<vmem>> -> memref<1x640xi32, #tpu.memory_space<vmem>>
        %dma_start3A_424 = tpu.memref_squeeze %dma_start3A_423 : memref<1x640xi32, #tpu.memory_space<vmem>> -> memref<640xi32, #tpu.memory_space<vmem>>
        tpu.enqueue_dma source(%dma_start3A_424 : memref<640xi32, #tpu.memory_space<vmem>>) target(%dma_start3A_421 : memref<640xi32, #tpu.memory_space<hbm>>) target_semaphore(%arg21 : memref<!tpu.dma_semaphore, #tpu.memory_space<semaphore_mem>>)
      } else {
      }
    }
    %dma_wait3A = arith.constant 0 : i32
    %dma_wait3A_312 = arith.constant 0 : i32
    %dma_wait3A_313 = tpu.memref_slice %arg14[%dma_wait3A, %dma_wait3A_312] : memref<2x640xi32, #tpu.memory_space<vmem>> -> memref<1x640xi32, #tpu.memory_space<vmem>>
    %dma_wait3A_314 = tpu.memref_squeeze %dma_wait3A_313 : memref<1x640xi32, #tpu.memory_space<vmem>> -> memref<640xi32, #tpu.memory_space<vmem>>
    %dma_wait3A_315 = arith.constant 0 : i32
    %dma_wait3A_316 = tpu.memref_slice %arg7[%dma_wait3A_315] : memref<1600000xi32, #tpu.memory_space<hbm>> -> memref<640xi32, #tpu.memory_space<hbm>>
    %dma_wait3A_317 = arith.constant 0 : i32
    %dma_wait3A_318 = tpu.memref_slice %arg7[%dma_wait3A_317] : memref<1600000xi32, #tpu.memory_space<hbm>> -> memref<640xi32, #tpu.memory_space<hbm>>
    %dma_wait3A_319 = arith.constant 0 : i32
    %dma_wait3A_320 = tpu.memref_slice %arg14[%dma_wait3A, %dma_wait3A_319] : memref<2x640xi32, #tpu.memory_space<vmem>> -> memref<1x640xi32, #tpu.memory_space<vmem>>
    %dma_wait3A_321 = tpu.memref_squeeze %dma_wait3A_320 : memref<1x640xi32, #tpu.memory_space<vmem>> -> memref<640xi32, #tpu.memory_space<vmem>>
    tpu.wait_dma2 semaphore(%arg20 : memref<!tpu.dma_semaphore, #tpu.memory_space<semaphore_mem>>) src(%dma_wait3A_321 : memref<640xi32, #tpu.memory_space<vmem>>) dst(%dma_wait3A_318 : memref<640xi32, #tpu.memory_space<hbm>>)
    %dma_wait3A_322 = arith.constant 1 : i32
    %dma_wait3A_323 = arith.constant 0 : i32
    %dma_wait3A_324 = tpu.memref_slice %arg14[%dma_wait3A_322, %dma_wait3A_323] : memref<2x640xi32, #tpu.memory_space<vmem>> -> memref<1x640xi32, #tpu.memory_space<vmem>>
    %dma_wait3A_325 = tpu.memref_squeeze %dma_wait3A_324 : memref<1x640xi32, #tpu.memory_space<vmem>> -> memref<640xi32, #tpu.memory_space<vmem>>
    %dma_wait3A_326 = arith.constant 0 : i32
    %dma_wait3A_327 = tpu.memref_slice %arg7[%dma_wait3A_326] : memref<1600000xi32, #tpu.memory_space<hbm>> -> memref<640xi32, #tpu.memory_space<hbm>>
    %dma_wait3A_328 = arith.constant 0 : i32
    %dma_wait3A_329 = tpu.memref_slice %arg7[%dma_wait3A_328] : memref<1600000xi32, #tpu.memory_space<hbm>> -> memref<640xi32, #tpu.memory_space<hbm>>
    %dma_wait3A_330 = arith.constant 0 : i32
    %dma_wait3A_331 = tpu.memref_slice %arg14[%dma_wait3A_322, %dma_wait3A_330] : memref<2x640xi32, #tpu.memory_space<vmem>> -> memref<1x640xi32, #tpu.memory_space<vmem>>
    %dma_wait3A_332 = tpu.memref_squeeze %dma_wait3A_331 : memref<1x640xi32, #tpu.memory_space<vmem>> -> memref<640xi32, #tpu.memory_space<vmem>>
    tpu.wait_dma2 semaphore(%arg21 : memref<!tpu.dma_semaphore, #tpu.memory_space<semaphore_mem>>) src(%dma_wait3A_332 : memref<640xi32, #tpu.memory_space<vmem>>) dst(%dma_wait3A_329 : memref<640xi32, #tpu.memory_space<hbm>>)
    return
  }
}

</mosaic_0001>

<sc_bundles>
// kernel: kernel.3.cloned.1.call-start
scs
__scs_entry_jumppad:
0x0: {  	(pc) =	sbr.rel $0x88, $3  }
0x1: {  	(tag) =	ssettag $0x0;
	lr =	simm.s32 $0x1  }
0x2: {  	[smem:$0x3F9C] =	sst lr;
	_ =	strace $0xD0000000  }
0x3: {  	_ = 	snop  }
0x4: {  	_ = 	snop  }
0x5: {  	_ = 	snop  }
0x6: {  	_ = 	snop  }
0x7: {  	_ = 	snop  }
__scs_overlays_trampoline_lowered:
0x8: {  	[smem:$0x3FAB] =	sst s0  }
0x9: {  	[smem:$0x3FAC] =	sst s1  }
0xa: {  	[smem:$0x3FAD] =	sst s2  }
0xb: {  	[smem:$0x3FAE] =	sst s3  }
0xc: {  	[smem:$0x3FAF] =	sst s4  }
0xd: {  	[smem:$0x3FB0] =	sst s5  }
0xe: {  	[smem:$0x3FB1] =	sst s6  }
0xf: {  	[smem:$0x3FB2] =	sst s7  }
0x10: {  	[smem:$0x3FB3] =	sst s8  }
0x11: {  	[smem:$0x3FB4] =	sst s9;
	s0 =	simm.s32 @!p0 $0x0  }
0x12: {  	s1 =	sld [smem:$0x3F9A];
	s0 =	simm.s32 @p0 $0x1  }
0x13: {  	[smem:$0x3FB5] =	sst s0;
	s0 =	simm.s32 @!p1 $0x0  }
0x14: {  	s2 =	sld [smem:$0x3F99];
	s0 =	simm.s32 @p1 $0x1  }
0x15: {  	[smem:$0x3FB6] =	sst s0;
	s0 =	simm.s32 @!p2 $0x0  }
0x16: {  	s3 =	sld [smem:$0x3FDB];
	s0 =	simm.s32 @p2 $0x1  }
0x17: {  	s4 =	simm.s32 $0x1BF5;
	[smem:$0x3FB8] =	sst s0  }
0x18: {  	s0 =	sld [smem:$0x3F9B];
	_ =	swait.ge [sflag:s4], $0x0  }
0x19: {  	s7 =	sld [smem:$0x3F9C]  }
0x1a: {  	s8 =	sadd.s32 $0xFFFFE003, lr  }
0x1b: {  	s9 =	sadd.s32 $0xFFFFFEF7, lr;
	s5 =	simm.s32 $0xFFFFFFFF;
	p2 =	slt.u32 s8, $0xFFFFF086  }
0x1c: {  	p1 =	slt.u32 s9, $0xF7A;
	s5 =	simm.s32 @!p2 $0x0  }
0x1d: {  	s5 =	simm.s32 @p1 $0x1;
	p0 =	seq.s32 s7, s2  }
0x1e: {  	s7 =	smul.u32 @!p0 $0xF7A, s2;
	p2 =	seq.s32 @!p0 s5, $0x0  }
0x1f: {  	s9 =	smul.u32 $0xF7A, s1;
	s8 =	simm.s32 @!p0 $0x1BF5;
	p2 =	por !p2, p0  }
0x20: {  	[sflag:s8] =	ssyncset.s32 @!p0 $0xFFFFF086;
	s6 =	sadd.s32 @!p0 s3, s7;
	s7 =	simm.s32 @!p0 $0x108  }
0x21: {  	s3 =	sadd.s32 s3, s9;
	s6 =	sadd.s32 @!p0 $0x88, s6;
	s7 =	simm.s32 @p2 $0x1082  }
0x22: {  	[simem:s7], [sflag:s8] =	dma.local @!p0 [hbm:s6], $0xF7A  }
0x23: {  	s9 =	sor.u32 $0xD0000000, s2;
	s6 =	simm.s32 $0x108;
	_ =	swait.ge @!p0 [sflag:s8], $0x0  }
0x24: {  	s3 =	sadd.s32 $0x88, s3;
	s6 =	simm.s32 @!p1 $0x1082;
	[sflag:s4] =	ssyncset.s32 $0xFFFFF086  }
0x25: {  	[simem:s6], [sflag:s4] =	dma.local [hbm:s3], $0xF7A  }
0x26: {  	[smem:$0x3F9C] =	sst s1;
	(tag) =	ssettag s2;
	_ =	strace s9  }
0x27: {  	s1 =	sld [smem:$0x3FAC]  }
0x28: {  	s2 =	sld [smem:$0x3FAD]  }
0x29: {  	s4 =	sld [smem:$0x3FAF]  }
0x2a: {  	p0 =	seq.s32 s5, $0x0;
	s5 =	sld [smem:$0x3FB0]  }
0x2b: {  	s6 =	sld [smem:$0x3FB1]  }
0x2c: {  	s7 =	sld [smem:$0x3FB2]  }
0x2d: {  	s3 =	simm.s32 $0x108;
	s8 =	sld [smem:$0x3FB3]  }
0x2e: {  	s3 =	simm.s32 @!p0 $0x1082;
	s9 =	sld [smem:$0x3FB4]  }
0x2f: {  	lr =	sadd.s32 s0, s3;
	s0 =	sld [smem:$0x3FAB]  }
0x30: {  	s3 =	sld [smem:$0x3FAE]  }
0x31: {  	[smem:$0x3FB7] =	sst s10  }
0x32: {  	s10 =	sld [smem:$0x3FB5];
	_ =	sdelay $0x3  }
0x33: {  	p0 =	seq.s32 s10, $0x1;
	s10 =	sld [smem:$0x3FB7];
	_ =	sdelay $0x3  }
0x34: {  	[smem:$0x3FB7] =	sst s10  }
0x35: {  	s10 =	sld [smem:$0x3FB6];
	_ =	sdelay $0x3  }
0x36: {  	p1 =	seq.s32 s10, $0x1;
	s10 =	sld [smem:$0x3FB7];
	_ =	sdelay $0x3  }
0x37: {  	[smem:$0x3FB7] =	sst s10  }
0x38: {  	s10 =	sld [smem:$0x3FB8]  }
0x39: {  	_ = 	snop;
	(pc) =	sbr.ind lr, $3  }
0x3a: {  	_ = 	snop  }
0x3b: {  	_ = 	snop  }
0x3c: {  	p2 =	seq.s32 s10, $0x1;
	s10 =	sld [smem:$0x3FB7]  }
0x3d: {  	_ =	shalt  }
0x3e: {  	_ =	shalt  }
0x3f: {  	_ =	shalt  }
0x40: {  	_ =	shalt  }
0x41: {  	_ =	shalt  }
0x42: {  	_ =	shalt  }
0x43: {  	_ =	shalt  }
0x44: {  	_ =	shalt  }
0x45: {  	_ =	shalt  }
0x46: {  	_ =	shalt  }
0x47: {  	_ =	shalt  }
0x48: {  	_ =	shalt  }
0x49: {  	_ =	shalt  }
0x4a: {  	_ =	shalt  }
0x4b: {  	_ =	shalt  }
0x4c: {  	_ =	shalt  }
0x4d: {  	_ =	shalt  }
0x4e: {  	_ =	shalt  }
0x4f: {  	_ =	shalt  }
0x50: {  	_ =	shalt  }
0x51: {  	_ =	shalt  }
0x52: {  	_ =	shalt  }
0x53: {  	_ =	shalt  }
0x54: {  	_ =	shalt  }
0x55: {  	_ =	shalt  }
0x56: {  	_ =	shalt  }
0x57: {  	_ =	shalt  }
0x58: {  	_ =	shalt  }
0x59: {  	_ =	shalt  }
0x5a: {  	_ =	shalt  }
0x5b: {  	_ =	shalt  }
0x5c: {  	_ =	shalt  }
0x5d: {  	_ =	shalt  }
0x5e: {  	_ =	shalt  }
0x5f: {  	_ =	shalt  }
0x60: {  	_ =	shalt  }
0x61: {  	_ =	shalt  }
0x62: {  	_ =	shalt  }
0x63: {  	_ =	shalt  }
0x64: {  	_ =	shalt  }
0x65: {  	_ =	shalt  }
0x66: {  	_ =	shalt  }
0x67: {  	_ =	shalt  }
0x68: {  	_ =	shalt  }
0x69: {  	_ =	shalt  }
0x6a: {  	_ =	shalt  }
0x6b: {  	_ =	shalt  }
0x6c: {  	_ =	shalt  }
0x6d: {  	_ =	shalt  }
0x6e: {  	_ =	shalt  }
0x6f: {  	_ =	shalt  }
0x70: {  	_ =	shalt  }
0x71: {  	_ =	shalt  }
0x72: {  	_ =	shalt  }
0x73: {  	_ =	shalt  }
0x74: {  	_ =	shalt  }
0x75: {  	_ =	shalt  }
0x76: {  	_ =	shalt  }
0x77: {  	_ =	shalt  }
0x78: {  	_ =	shalt  }
0x79: {  	_ =	shalt  }
0x7a: {  	_ =	shalt  }
0x7b: {  	_ =	shalt  }
0x7c: {  	_ =	shalt  }
0x7d: {  	_ =	shalt  }
0x7e: {  	_ =	shalt  }
0x7f: {  	_ =	shalt  }
0x80: {  	_ =	shalt  }
0x81: {  	_ =	shalt  }
0x82: {  	_ =	shalt  }
0x83: {  	_ =	shalt  }
0x84: {  	_ =	shalt  }
0x85: {  	_ =	shalt  }
0x86: {  	_ =	shalt  }
0x87: {  	_ =	shalt  }
.Lfunc_end0:
.L_simem_size_0:
called_computation_lowered:
.L_overlay_start_0:
0x88: {  	s2 =	sld [smem:$0x3FD9]  }
0x89: {  	s3 =	sld [smem:$0x3FFE];
	_ =	sdelay $0x1  }
0x8a: {  	s1 =	srdreg.scid  }
0x8b: {  	s0 =	sand.u32 $0x1, s1  }
0x8c: {  	s17 =	sshll.u32 s0, $0xA;
	s2 =	sadd.s32 s3, s2  }
0x8d: {  	s2 =	sadd.s32 s2, s17  }
0x8e: {  	[smem:$0x3FC3] =	sst s2  }
0x8f: {  	_ = 	snop  }
0x90: {  	s2 =	sld [smem:$0x3FC7]  }
0x91: {  	s18 =	sld [smem:$0x3FC6]  }
0x92: {  	s4 =	sld [smem:$0x3FD0];
	(tm) =	ssettm $0x1  }
0x93: {  	s5 =	sld [smem:$0x3FFB];
	_ =	sdelay $0x3  }
0x94: {  	_ =	strace s5  }
0x95: {  	s5 =	sld [smem:$0x3FFC];
	_ =	sdelay $0x3  }
0x96: {  	_ =	strace s5  }
0x97: {  	s5 =	sld [smem:$0x3FFD];
	_ =	sdelay $0x3  }
0x98: {  	_ =	strace s5  }
0x99: {  	_ =	strace $0x8FFFFFFF  }
0x9a: {  	s19 =	sld [smem:$0x3FDB];
	_ =	sdelay $0x1  }
0x9b: {  	s6 =	simm.s32 $_scs_section_size  }
0x9c: {  	s7 =	simm.s32 $_size__tile_overlayer_lowered;
	s8 =	simm.s32 $_tile_overlayer_lowered  }
0x9d: {  	s22 =	simm.s32 $0x1BFF;
	s21 =	sshll.u32 s8, $0x1;
	s5 =	sadd.s32 s6, s19  }
0x9e: {  	s9 =	simm.s32 $0x0;
	s20 =	sshll.u32 s7, $0x1;
	s7 =	sadd.s32 s21, s5  }
0x9f: {  	[timem:s9], [sflag:s22] =	dma.local [hbm:s7], s20  }
0xa0: {  	_ =	swait.ge [sflag:s22], s20  }
0xa1: {  	s6 =	ssub.s32 $0x0, s20;
	[sflag:s22] =	ssyncset.done $0x0  }
0xa2: {  	[sflag:s22] =	ssyncadd.s32 s6;
	_ =	sdelay $0x1  }
0xa3: {  	s23 =	simm.s32 $0x1B8B  }
0xa4: {  	_ =	swait.ge [sflag:s23], $0x1  }
0xa5: {  	[sflag:s23] =	ssyncset.done $0x0  }
0xa6: {  	s25 =	simm.s32 $0x1B8E;
	s24 =	sld [smem:$0x3FFE];
	[sflag:s23] =	ssyncadd.s32 $0xFFFFFFFF  }
0xa7: {  	s26 =	simm.s32 $execute0_lowered;
	[smem:$0x3FD2] =	sst s25  }
0xa8: {  	s7 =	sshll.u32 s26, $0x1;
	_ =	strace $0x80000046;
	[dreg:$0x1] =	wrdreg $0xFFFFFFFF  }
0xa9: {  	s28 =	simm.s32 $_size_execute0_lowered;
	s5 =	sadd.s32 s5, s7;
	[dreg:$0x0] =	wrdreg $0x0  }
0xaa: {  	s7 =	sshll.u32 s28, $0x1;
	[dreg:$0x2] =	wrdreg s5  }
0xab: {  	[dreg:$0x3] =	wrdreg s7  }
0xac: {  	[dreg:$0x4] =	wrdreg $0xC0  }
0xad: {  	_ =	task [dreg:s9], $0x5FFFF  }
0xae: {  	[dreg:$0x1] =	wrdreg $0xFFFFFFFF  }
0xaf: {  	[dreg:$0x0] =	wrdreg $0x60  }
0xb0: {  	[dreg:$0x2] =	wrdreg s24  }
0xb1: {  	[dreg:$0x3] =	wrdreg s2  }
0xb2: {  	[dreg:$0x4] =	wrdreg s18  }
0xb3: {  	[dreg:$0x5] =	wrdreg s4  }
0xb4: {  	[dreg:$0x6] =	wrdreg $0x9  }
0xb5: {  	_ =	task.clear_ibuf [dreg:s9], $0x7FFFF;
	_ =	strace $0x90000046  }
0xb6: {  	s29 =	simm.s32 $0x9;
	_ =	strace $0x80000048  }
0xb7: {  	_ =	swait.ge [sflag:s29], $0x1  }
0xb8: {  	[sflag:s29] =	ssyncadd.s32 $0xFFFFFFFF  }
0xb9: {  	_ =	strace $0x90000048  }
0xba: {  	_ =	sfence  }
0xbb: {  	s30 =	sld [smem:$0x0];
	_ =	sdelay $0x2  }
0xbc: {  	s31 =	sshll.u32 s1, $0xD;
	s1 =	sshrl.u32 s1, $0x2  }
0xbd: {  	s3 =	sand.u32 $0x4000, s31;
	s1 =	sadd.s32 s1, s30  }
0xbe: {  	s0 =	sor.u32 s3, s0;
	s1 =	sshll.u32 s1, $0x11  }
0xbf: {  	s0 =	sor.u32 s1, s0  }
0xc0: {  	s0 =	sadd.s32 $0x8F2B, s0  }
0xc1: {  	[sflag:s0] =	ssyncadd.remote.s32 $0x1  }
0xc2: {  	_ =	sfence.sel $0xFFFF  }
0xc3: {  	[dreg:$0x0] =	wrdreg $0xFFFFFFFF;
	(pc) =	sbr.abs _section_cstart, $3  }
0xc4: {  	[dreg:$0x1] =	wrdreg $0xFFFFFFFF  }
0xc5: {  	_ =	task.clear_ibuf [dreg:s9], $0x2FFFF;
	_ =	strace $0x9FFFFFFF  }
0xc6: {  	(tm) =	ssettm $0x7FFFFFFF  }
0xc7: {  	_ =	shalt  }
tec
execute0_lowered:
.L_overlay_start_1:
0x0: {  	(tag) =	ssettag $0x1  }
0x1: {  	s0 =	rddreg [dreg:$0x0]  }
0x2: {  	s1 =	rddreg [dreg:$0x1];
	s2 =	srdreg.scid  }
0x3: {  	s10 =	stileid.u32;
	s3 =	rddreg [dreg:$0x2]  }
0x4: {  	s4 =	rddreg [dreg:$0x3];
	s6 =	simm.s32 $0x0;
	s24 =	simm.s32 $0x80  }
0x5: {  	s13 =	simm.s32 $0xAE00;
	s2 =	sand.u32 $0x1, s2;
	s5 =	sshll.u32 s10, $0x1  }
0x6: {  	s14 =	simm.s32 $0x1100;
	s15 =	simm.s32 $0x3E00;
	s5 =	sor.u32 s2, s5  }
0x7: {  	s16 =	simm.s32 $0x1880;
	[smem:$0x7FF] =	sst s6;
	s7 =	smul.u32 $0x4E, s5  }
0x8: {  	s6 =	sadd.s32 $0x6A00, s0;
	s8 =	sadd.s32 $0x800, s0;
	s5 =	smin.u32 s5, $0x4  }
0x9: {  	s0 =	sadd.s32 $0xCC00, s0;
	s2 =	ssub.s32 $0x2, s2;
	s7 =	sadd.s32 s5, s7  }
0xa: {  	_ =	strace $0x80000047;
	s25 =	sshrl.u32 s2, $0x1;
	s5 =	smul.u32 $0x50, s7  }
0xb: {  	[dreg:$0x5] =	wrdreg s0;
	s0 =	ssub.s32 s2, s25;
	s9 =	smul.u32 $0x280, s7  }
0xc: {  	s18 =	simm.s32 $0xB600;
	p0 =	slt.u32 s10, $0x2;
	s0 =	smax.u32 s0, $0x1  }
0xd: {  	[dreg:$0xc] =	wrdreg s0;
	s26 =	sadd.s32 s1, s5;
	s28 =	sshrl.u32 s9, $0x3  }
0xe: {  	s5 =	sadd.s32 s3, s5;
	[dreg:$0x6] =	wrdreg s26;
	s29 =	sadd.s32 $0x50, s28  }
0xf: {  	s10 =	simm.s32 $0x4F;
	[dreg:$0x7] =	wrdreg s5;
	s30 =	sadd.s32 s1, s29  }
0x10: {  	s2 =	sadd.s32 $0xA0, s28;
	s5 =	sadd.s32 s3, s29;
	[dreg:$0x8] =	wrdreg s30  }
0x11: {  	s10 =	simm.s32 @!p0 $0x4E;
	s31 =	sadd.s32 s1, s2;
	[dreg:$0x9] =	wrdreg s5  }
0x12: {  	v0 =	vlaneseq.u32;
	s17 =	sadd.s32 $0xFFFFFFFD, s10;
	s2 =	sadd.s32 s3, s2;
	[dreg:$0xa] =	wrdreg s31  }
0x13: {  	v1 =	vimm.s32 $0x0;
	v0 =	vmul.u32 $0x10, v0;
	s9 =	simm.s32 $0x0;
	[dreg:$0xb] =	wrdreg s2;
	s5 =	simm.s32 $0x4  }
.LBB2_1:
0x14: {  	[dreg:$0xd] =	wrdreg s9;
	s0 =	simm.s32 $0x0  }
0x15: {  	s2 =	rddreg [dreg:$0x5];
	s22 =	simm.s32 $0x11300;
	s23 =	simm.s32 $0x7  }
0x16: {  	[tilespmem:s22], [sflag:$0x7] =	stream.linear.gather [hbm4b:s2+s0], $0x30, $0x38;
	[tilespmem:$0x11330] =	vst v63  }
0x17: {  	_ =	swait.ge [sflag:s23], $0x30  }
0x18: {  	[sflag:s23] =	ssyncset.done $0x0  }
0x19: {  	[sflag:s23] =	ssyncadd.s32 $0xFFFFFFD0  }
0x1a: {  	v2 =	vld [tilespmem:$0x11300]  }
0x1b: {  	s25 =	rddreg [dreg:$0x6];
	v3 =	vld [tilespmem:$0x11310]  }
0x1c: {  	v4 =	vld [tilespmem:$0x11320];
	[tilespmem:s0], [sflag:$0x7] =	stream.linear.gather [hbm4b:s25+s0], $0x280, $0x38  }
0x1d: {  	_ =	swait.ge [sflag:s23], $0x280  }
0x1e: {  	[sflag:s23] =	ssyncset.done $0x0  }
0x1f: {  	s11 =	simm.s32 $0x780;
	s26 =	rddreg [dreg:$0x7];
	[sflag:s23] =	ssyncadd.s32 $0xFFFFFD80  }
0x20: {  	[tilespmem:s11], [sflag:$0x7] =	stream.linear.gather [hbm4b:s26+s0], $0x280, $0x38;
	[tilespmem:$0x11330] =	vst v63  }
0x21: {  	_ =	swait.ge [sflag:s23], $0x280  }
0x22: {  	[sflag:s23] =	ssyncset.done $0x0  }
0x23: {  	s29 =	simm.s32 $0x280;
	s28 =	rddreg [dreg:$0x8];
	[sflag:s23] =	ssyncadd.s32 $0xFFFFFD80  }
0x24: {  	[tilespmem:s29], [sflag:$0x7] =	stream.linear.gather [hbm4b:s28+s0], $0x280, $0x38;
	[tilespmem:$0x11330] =	vst v63  }
0x25: {  	_ =	swait.ge [sflag:s23], $0x280  }
0x26: {  	[sflag:s23] =	ssyncset.done $0x0  }
0x27: {  	s31 =	simm.s32 $0xA00;
	s30 =	rddreg [dreg:$0x9];
	[sflag:s23] =	ssyncadd.s32 $0xFFFFFD80  }
0x28: {  	[tilespmem:s31], [sflag:$0x7] =	stream.linear.gather [hbm4b:s30+s0], $0x280, $0x38;
	[tilespmem:$0x11330] =	vst v63  }
0x29: {  	_ =	swait.ge [sflag:s23], $0x280  }
0x2a: {  	[sflag:s23] =	ssyncset.done $0x0  }
0x2b: {  	s19 =	simm.s32 $0x40;
	[sflag:s23] =	ssyncadd.s32 $0xFFFFFD80  }
0x2c: {  	v5 =	vld [tilespmem:s19+$0x30]  }
0x2d: {  	v6 =	vld [tilespmem:s19+$0xFFFFFFD0]  }
0x2e: {  	v7 =	vld [tilespmem:s19+$0xFFFFFFE0]  }
0x2f: {  	v10 =	vld [tilespmem:s19+$0x10]  }
0x30: {  	v8 =	vld [tilespmem:s19+$0xFFFFFFF0]  }
0x31: {  	s0 =	simm.s32 $0xF40;
	v9 =	vld [tilespmem:s19+$0x0];
	v5 =	vshrl.u32 v5, $0x2  }
0x32: {  	v12 =	vld [tilespmem:s19+$0xFFFFFFC0];
	v6 =	vshrl.u32 v6, $0x2;
	[tilespmem:s0+$0x30] =	vst v5  }
0x33: {  	s2 =	simm.s32 $0x7C0;
	v11 =	vld [tilespmem:s19+$0x20];
	[tilespmem:s0+$0xFFFFFFD0] =	vst v6;
	v5 =	vshrl.u32 v7, $0x2  }
0x34: {  	v6 =	vshrl.u32 v10, $0x2;
	v7 =	vld [tilespmem:s2+$0x30];
	[tilespmem:s0+$0xFFFFFFE0] =	vst v5  }
0x35: {  	v5 =	vshrl.u32 v8, $0x2;
	v8 =	vld [tilespmem:s2+$0xFFFFFFD0];
	[tilespmem:s0+$0x10] =	vst v6  }
0x36: {  	[tilespmem:s0+$0xFFFFFFF0] =	vst v5;
	v5 =	vshrl.u32 v9, $0x2;
	v13 =	vld [tilespmem:s2+$0xFFFFFFE0]  }
0x37: {  	v10 =	vshrl.u32 v12, $0x2;
	[tilespmem:s0+$0x0] =	vst v5;
	v5 =	vld [tilespmem:s2+$0xFFFFFFF0]  }
0x38: {  	[tilespmem:s0+$0xFFFFFFC0] =	vst v10;
	v9 =	vshrl.u32 v11, $0x2;
	v6 =	vld [tilespmem:s2+$0x0]  }
0x39: {  	s19 =	simm.s32 $0x16C0;
	[tilespmem:s0+$0x20] =	vst v9;
	v9 =	vshrl.u32 v7, $0x2;
	v7 =	vld [tilespmem:s2+$0x10]  }
0x3a: {  	v10 =	vshrl.u32 v8, $0x2;
	v8 =	vld [tilespmem:s2+$0x20];
	[tilespmem:s19+$0x30] =	vst v9  }
0x3b: {  	s20 =	simm.s32 $0x0;
	s21 =	simm.s32 $0xC0;
	v9 =	vld [tilespmem:s2+$0xFFFFFFC0];
	[tilespmem:s19+$0xFFFFFFD0] =	vst v10;
	v10 =	vshrl.u32 v13, $0x2  }
.LBB2_2:
0x3c: {  	v11 =	vld [tilespmem:s21+$0x30];
	s20 =	sadd.s32 $0x8, s20;
	[tilespmem:s19+$0xFFFFFFE0] =	vst v10;
	v5 =	vshrl.u32 v5, $0x2  }
0x3d: {  	v10 =	vld [tilespmem:s21+$0xFFFFFFD0];
	p0 =	slt.u32 s20, $0x20;
	[tilespmem:s19+$0xFFFFFFF0] =	vst v5;
	v5 =	vshrl.u32 v6, $0x2  }
0x3e: {  	v6 =	vld [tilespmem:s21+$0xFFFFFFE0];
	[tilespmem:s19+$0x0] =	vst v5;
	v5 =	vshrl.u32 v7, $0x2  }
0x3f: {  	v7 =	vld [tilespmem:s21+$0xFFFFFFF0];
	[tilespmem:s19+$0x10] =	vst v5;
	v5 =	vshrl.u32 v8, $0x2  }
0x40: {  	v8 =	vld [tilespmem:s21+$0x0];
	v9 =	vshrl.u32 v9, $0x2;
	[tilespmem:s19+$0x20] =	vst v5  }
0x41: {  	s0 =	sadd.s32 $0x80, s0;
	v5 =	vld [tilespmem:s21+$0x10];
	v11 =	vshrl.u32 v11, $0x2;
	[tilespmem:s19+$0xFFFFFFC0] =	vst v9  }
0x42: {  	s2 =	sadd.s32 $0x80, s2;
	v9 =	vshrl.u32 v10, $0x2;
	v10 =	vld [tilespmem:s21+$0x20];
	[tilespmem:s0+$0x30] =	vst v11  }
0x43: {  	[tilespmem:s0+$0xFFFFFFD0] =	vst v9;
	v6 =	vshrl.u32 v6, $0x2;
	v9 =	vld [tilespmem:s2+$0x30]  }
0x44: {  	v11 =	vld [tilespmem:s21+$0xFFFFFFC0];
	[tilespmem:s0+$0xFFFFFFE0] =	vst v6;
	v6 =	vshrl.u32 v7, $0x2  }
0x45: {  	v12 =	vld [tilespmem:s2+$0xFFFFFFD0];
	[tilespmem:s0+$0xFFFFFFF0] =	vst v6;
	v6 =	vshrl.u32 v8, $0x2  }
0x46: {  	v13 =	vld [tilespmem:s2+$0xFFFFFFE0];
	[tilespmem:s0+$0x0] =	vst v6;
	v6 =	vshrl.u32 v5, $0x2  }
.Ltmp0:
0x47: {  	v5 =	vld [tilespmem:s2+$0xFFFFFFF0];
	[tilespmem:s0+$0x10] =	vst v6;
	v7 =	vshrl.u32 v10, $0x2;
	(pc) =	sbr.rel @p0 .LBB2_2-.Ltmp0, $4  }
0x48: {  	s19 =	sadd.s32 $0x80, s19;
	v6 =	vld [tilespmem:s2+$0x0];
	[tilespmem:s0+$0x20] =	vst v7;
	v8 =	vshrl.u32 v9, $0x2  }
0x49: {  	v9 =	vshrl.u32 v11, $0x2;
	v7 =	vld [tilespmem:s2+$0x10];
	[tilespmem:s19+$0x30] =	vst v8  }
0x4a: {  	[tilespmem:s0+$0xFFFFFFC0] =	vst v9;
	v10 =	vshrl.u32 v12, $0x2;
	v8 =	vld [tilespmem:s2+$0x20]  }
0x4b: {  	s21 =	sadd.s32 $0x80, s21;
	v9 =	vld [tilespmem:s2+$0xFFFFFFC0];
	[tilespmem:s19+$0xFFFFFFD0] =	vst v10;
	v10 =	vshrl.u32 v13, $0x2  }
0x4c: {  	[tilespmem:s19+$0xFFFFFFE0] =	vst v10;
	v5 =	vshrl.u32 v5, $0x2  }
0x4d: {  	[tilespmem:s19+$0xFFFFFFF0] =	vst v5;
	v5 =	vshrl.u32 v6, $0x2  }
0x4e: {  	[tilespmem:s19+$0x0] =	vst v5;
	v5 =	vshrl.u32 v7, $0x2  }
0x4f: {  	[tilespmem:s19+$0x10] =	vst v5;
	v5 =	vshrl.u32 v8, $0x2  }
0x50: {  	v6 =	vshrl.u32 v9, $0x2;
	[tilespmem:s19+$0x20] =	vst v5  }
0x51: {  	s0 =	simm.s32 $0xF00;
	s2 =	simm.s32 $0x1E00;
	[tilespmem:s19+$0xFFFFFFC0] =	vst v6  }
0x52: {  	[tilespmem:s2], [sflag:$0x1] =	stream.indirect.gather [hbm4b:s6+s24], $0x10, s0, s24, $0xb8;
	[tilespmem:$0x11330] =	vst v63  }
0x53: {  	s9 =	simm.s32 $0x1680;
	s11 =	simm.s32 $0x9600  }
0x54: {  	[tilespmem:s11], [sflag:$0x1] =	stream.indirect.gather [hbm4b:s8+s24], $0x10, s9, s24, $0xb8;
	[tilespmem:$0x11330] =	vst v63  }
0x55: {  	s12 =	simm.s32 $0xF80;
	s19 =	simm.s32 $0x2600  }
0x56: {  	[tilespmem:s19], [sflag:$0x1] =	stream.indirect.gather [hbm4b:s6+s24], $0x10, s12, s24, $0xb8;
	[tilespmem:$0x11330] =	vst v63  }
0x57: {  	s20 =	simm.s32 $0x1700;
	s21 =	simm.s32 $0x9E00  }
0x58: {  	[tilespmem:s21], [sflag:$0x1] =	stream.indirect.gather [hbm4b:s8+s24], $0x10, s20, s24, $0xb8;
	[tilespmem:$0x11330] =	vst v63  }
0x59: {  	s22 =	simm.s32 $0x1000;
	s23 =	simm.s32 $0x2E00  }
0x5a: {  	[tilespmem:s23], [sflag:$0x1] =	stream.indirect.gather [hbm4b:s6+s24], $0x10, s22, s24, $0xb8;
	[tilespmem:$0x11330] =	vst v63  }
0x5b: {  	s25 =	simm.s32 $0x1780;
	s26 =	simm.s32 $0xA600  }
0x5c: {  	[tilespmem:s26], [sflag:$0x1] =	stream.indirect.gather [hbm4b:s8+s24], $0x10, s25, s24, $0xb8;
	[tilespmem:$0x11330] =	vst v63  }
0x5d: {  	s28 =	simm.s32 $0x1080;
	s29 =	simm.s32 $0x3600  }
0x5e: {  	[tilespmem:s29], [sflag:$0x1] =	stream.indirect.gather [hbm4b:s6+s24], $0x10, s28, s24, $0xb8;
	[tilespmem:$0x11330] =	vst v63  }
0x5f: {  	s30 =	simm.s32 $0x1800  }
0x60: {  	[tilespmem:s13], [sflag:$0x1] =	stream.indirect.gather [hbm4b:s8+s24], $0x10, s30, s24, $0xb8;
	[tilespmem:$0x11330] =	vst v63  }
0x61: {  	_ = 	snop  }
0x62: {  	[tilespmem:s15], [sflag:$0x1] =	stream.indirect.gather [hbm4b:s6+s24], $0x10, s14, s24, $0xb8;
	[tilespmem:$0x11330] =	vst v63  }
0x63: {  	s31 =	simm.s32 $0x2F0  }
0x64: {  	[tilespmem:s18], [sflag:$0x1] =	stream.indirect.gather [hbm4b:s8+s24], $0x10, s16, s24, $0xb8;
	[tilespmem:$0x11330] =	vst v63  }
0x65: {  	v5 =	vld [tilespmem:s31+$0x0]  }
0x66: {  	v6 =	vld [tilespmem:s31+$0xFFFFFFA0]  }
0x67: {  	v7 =	vld [tilespmem:s31+$0xFFFFFFB0]  }
0x68: {  	v10 =	vld [tilespmem:s31+$0xFFFFFFE0]  }
0x69: {  	v8 =	vld [tilespmem:s31+$0xFFFFFFC0]  }
0x6a: {  	s0 =	simm.s32 $0x11F0;
	v9 =	vld [tilespmem:s31+$0xFFFFFFD0];
	v5 =	vshrl.u32 v5, $0x2  }
0x6b: {  	v12 =	vld [tilespmem:s31+$0xFFFFFF90];
	v6 =	vshrl.u32 v6, $0x2;
	[tilespmem:s0+$0x0] =	vst v5  }
0x6c: {  	s2 =	simm.s32 $0xA70;
	v11 =	vld [tilespmem:s31+$0xFFFFFFF0];
	[tilespmem:s0+$0xFFFFFFA0] =	vst v6;
	v5 =	vshrl.u32 v7, $0x2  }
0x6d: {  	v6 =	vshrl.u32 v10, $0x2;
	v7 =	vld [tilespmem:s2+$0x0];
	[tilespmem:s0+$0xFFFFFFB0] =	vst v5  }
0x6e: {  	v5 =	vshrl.u32 v8, $0x2;
	v8 =	vld [tilespmem:s2+$0xFFFFFFA0];
	[tilespmem:s0+$0xFFFFFFE0] =	vst v6  }
0x6f: {  	[tilespmem:s0+$0xFFFFFFC0] =	vst v5;
	v5 =	vshrl.u32 v9, $0x2;
	v13 =	vld [tilespmem:s2+$0xFFFFFFB0]  }
0x70: {  	v10 =	vshrl.u32 v12, $0x2;
	[tilespmem:s0+$0xFFFFFFD0] =	vst v5;
	v5 =	vld [tilespmem:s2+$0xFFFFFFC0]  }
0x71: {  	[tilespmem:s0+$0xFFFFFF90] =	vst v10;
	v9 =	vshrl.u32 v11, $0x2;
	v6 =	vld [tilespmem:s2+$0xFFFFFFD0]  }
0x72: {  	s19 =	simm.s32 $0x1970;
	[tilespmem:s0+$0xFFFFFFF0] =	vst v9;
	v9 =	vshrl.u32 v7, $0x2;
	v7 =	vld [tilespmem:s2+$0xFFFFFFE0]  }
0x73: {  	v10 =	vshrl.u32 v8, $0x2;
	v8 =	vld [tilespmem:s2+$0xFFFFFFF0];
	[tilespmem:s19+$0x0] =	vst v9  }
0x74: {  	s20 =	simm.s32 $0x0;
	s21 =	simm.s32 $0x370;
	v9 =	vld [tilespmem:s2+$0xFFFFFF90];
	[tilespmem:s19+$0xFFFFFFA0] =	vst v10;
	v10 =	vshrl.u32 v13, $0x2  }
.LBB2_4:
0x75: {  	v11 =	vld [tilespmem:s21+$0x0];
	s20 =	sadd.s32 $0x8, s20;
	[tilespmem:s19+$0xFFFFFFB0] =	vst v10;
	v5 =	vshrl.u32 v5, $0x2  }
0x76: {  	v10 =	vld [tilespmem:s21+$0xFFFFFFA0];
	p0 =	slt.u32 s20, $0x20;
	[tilespmem:s19+$0xFFFFFFC0] =	vst v5;
	v5 =	vshrl.u32 v6, $0x2  }
0x77: {  	v6 =	vld [tilespmem:s21+$0xFFFFFFB0];
	[tilespmem:s19+$0xFFFFFFD0] =	vst v5;
	v5 =	vshrl.u32 v7, $0x2  }
0x78: {  	v7 =	vld [tilespmem:s21+$0xFFFFFFC0];
	[tilespmem:s19+$0xFFFFFFE0] =	vst v5;
	v5 =	vshrl.u32 v8, $0x2  }
0x79: {  	v8 =	vld [tilespmem:s21+$0xFFFFFFD0];
	v9 =	vshrl.u32 v9, $0x2;
	[tilespmem:s19+$0xFFFFFFF0] =	vst v5  }
0x7a: {  	s0 =	sadd.s32 $0x80, s0;
	v5 =	vld [tilespmem:s21+$0xFFFFFFE0];
	v11 =	vshrl.u32 v11, $0x2;
	[tilespmem:s19+$0xFFFFFF90] =	vst v9  }
0x7b: {  	s2 =	sadd.s32 $0x80, s2;
	v9 =	vshrl.u32 v10, $0x2;
	v10 =	vld [tilespmem:s21+$0xFFFFFFF0];
	[tilespmem:s0+$0x0] =	vst v11  }
0x7c: {  	[tilespmem:s0+$0xFFFFFFA0] =	vst v9;
	v6 =	vshrl.u32 v6, $0x2;
	v9 =	vld [tilespmem:s2+$0x0]  }
0x7d: {  	v11 =	vld [tilespmem:s21+$0xFFFFFF90];
	[tilespmem:s0+$0xFFFFFFB0] =	vst v6;
	v6 =	vshrl.u32 v7, $0x2  }
0x7e: {  	v12 =	vld [tilespmem:s2+$0xFFFFFFA0];
	[tilespmem:s0+$0xFFFFFFC0] =	vst v6;
	v6 =	vshrl.u32 v8, $0x2  }
0x7f: {  	v13 =	vld [tilespmem:s2+$0xFFFFFFB0];
	[tilespmem:s0+$0xFFFFFFD0] =	vst v6;
	v6 =	vshrl.u32 v5, $0x2  }
.Ltmp1:
0x80: {  	v5 =	vld [tilespmem:s2+$0xFFFFFFC0];
	[tilespmem:s0+$0xFFFFFFE0] =	vst v6;
	v7 =	vshrl.u32 v10, $0x2;
	(pc) =	sbr.rel @p0 .LBB2_4-.Ltmp1, $4  }
0x81: {  	s19 =	sadd.s32 $0x80, s19;
	v6 =	vld [tilespmem:s2+$0xFFFFFFD0];
	[tilespmem:s0+$0xFFFFFFF0] =	vst v7;
	v8 =	vshrl.u32 v9, $0x2  }
0x82: {  	v9 =	vshrl.u32 v11, $0x2;
	v7 =	vld [tilespmem:s2+$0xFFFFFFE0];
	[tilespmem:s19+$0x0] =	vst v8  }
0x83: {  	[tilespmem:s0+$0xFFFFFF90] =	vst v9;
	v10 =	vshrl.u32 v12, $0x2;
	v8 =	vld [tilespmem:s2+$0xFFFFFFF0]  }
0x84: {  	s21 =	sadd.s32 $0x80, s21;
	v9 =	vld [tilespmem:s2+$0xFFFFFF90];
	[tilespmem:s19+$0xFFFFFFA0] =	vst v10;
	v10 =	vshrl.u32 v13, $0x2  }
0x85: {  	[tilespmem:s19+$0xFFFFFFB0] =	vst v10;
	v5 =	vshrl.u32 v5, $0x2  }
0x86: {  	[tilespmem:s19+$0xFFFFFFC0] =	vst v5;
	v5 =	vshrl.u32 v6, $0x2  }
0x87: {  	[tilespmem:s19+$0xFFFFFFD0] =	vst v5;
	v5 =	vshrl.u32 v7, $0x2  }
0x88: {  	[tilespmem:s19+$0xFFFFFFE0] =	vst v5;
	v5 =	vshrl.u32 v8, $0x2  }
0x89: {  	v6 =	vshrl.u32 v9, $0x2;
	[tilespmem:s19+$0xFFFFFFF0] =	vst v5  }
0x8a: {  	s0 =	simm.s32 $0x1180;
	s2 =	simm.s32 $0x4600;
	[tilespmem:s19+$0xFFFFFF90] =	vst v6  }
0x8b: {  	[tilespmem:s2], [sflag:$0x2] =	stream.indirect.gather [hbm4b:s6+s24], $0x10, s0, s24, $0xb8;
	[tilespmem:$0x11330] =	vst v63  }
0x8c: {  	s22 =	simm.s32 $0x1900;
	s23 =	simm.s32 $0xBE00  }
0x8d: {  	[tilespmem:s23], [sflag:$0x2] =	stream.indirect.gather [hbm4b:s8+s24], $0x10, s22, s24, $0xb8;
	[tilespmem:$0x11330] =	vst v63  }
0x8e: {  	s25 =	simm.s32 $0x1200;
	s26 =	simm.s32 $0x4E00  }
0x8f: {  	[tilespmem:s26], [sflag:$0x2] =	stream.indirect.gather [hbm4b:s6+s24], $0x10, s25, s24, $0xb8;
	[tilespmem:$0x11330] =	vst v63  }
0x90: {  	s28 =	simm.s32 $0x1980;
	s29 =	simm.s32 $0xC600  }
0x91: {  	[tilespmem:s29], [sflag:$0x2] =	stream.indirect.gather [hbm4b:s8+s24], $0x10, s28, s24, $0xb8;
	[tilespmem:$0x11330] =	vst v63  }
0x92: {  	s30 =	simm.s32 $0x1280;
	s31 =	simm.s32 $0x5600  }
0x93: {  	[tilespmem:s31], [sflag:$0x2] =	stream.indirect.gather [hbm4b:s6+s24], $0x10, s30, s24, $0xb8;
	[tilespmem:$0x11330] =	vst v63  }
0x94: {  	s9 =	simm.s32 $0x1A00;
	s11 =	simm.s32 $0xCE00  }
0x95: {  	[tilespmem:s11], [sflag:$0x2] =	stream.indirect.gather [hbm4b:s8+s24], $0x10, s9, s24, $0xb8;
	[tilespmem:$0x11330] =	vst v63  }
0x96: {  	s12 =	simm.s32 $0x1300;
	s19 =	simm.s32 $0x5E00  }
0x97: {  	[tilespmem:s19], [sflag:$0x2] =	stream.indirect.gather [hbm4b:s6+s24], $0x10, s12, s24, $0xb8;
	[tilespmem:$0x11330] =	vst v63  }
0x98: {  	s20 =	simm.s32 $0x1A80;
	s21 =	simm.s32 $0xD600  }
0x99: {  	[tilespmem:s21], [sflag:$0x2] =	stream.indirect.gather [hbm4b:s8+s24], $0x10, s20, s24, $0xb8;
	[tilespmem:$0x11330] =	vst v63  }
0x9a: {  	p0 =	por $0x0, $0x0;
	s22 =	simm.s32 $0x1380;
	s23 =	simm.s32 $0x6600  }
0x9b: {  	[tilespmem:s23], [sflag:$0x2] =	stream.indirect.gather [hbm4b:s6+s24], $0x10, s22, s24, $0xb8;
	[tilespmem:$0x11330] =	vst v63  }
0x9c: {  	s25 =	simm.s32 $0x1B00;
	s26 =	simm.s32 $0xDE00;
	s28 =	rddreg [dreg:$0xa]  }
0x9d: {  	[tilespmem:s26], [sflag:$0x2] =	stream.indirect.gather [hbm4b:s8+s24], $0x10, s25, s24, $0xb8;
	[tilespmem:$0x11330] =	vst v63  }
0x9e: {  	s29 =	simm.s32 $0x500;
	s30 =	rddreg [dreg:$0xb];
	s20 =	simm.s32 $0x0  }
0x9f: {  	[tilespmem:s29], [sflag:$0x4] =	stream.linear.gather [hbm4b:s28+s20], $0x280, $0x38;
	[tilespmem:$0x11330] =	vst v63  }
0xa0: {  	v5 =	vsub.f32 $0.0e+00, v2;
	s31 =	simm.s32 $0xC80;
	s25 =	simm.s32 $0x20;
	s26 =	simm.s32 $0x7A0  }
0xa1: {  	v7 =	vsub.f32 $0.0e+00, v4;
	v6 =	vsub.f32 $0.0e+00, v3;
	[tilespmem:s31], [sflag:$0x4] =	stream.linear.gather [hbm4b:s30+s20], $0x280, $0x38;
	[tilespmem:$0x11330] =	vst v63  }
.LBB2_6:
0xa2: {  	s2 =	sadd.s32 $0x2, s20  }
0xa3: {  	s0 =	smulhi.u32 $0xAAAAAAAB, s2;
	_ =	sdelay $0x1  }
0xa4: {  	s0 =	sshrl.u32 s0, $0x1  }
0xa5: {  	s0 =	smul.u32 $0x3, s0;
	_ =	sdelay $0x1  }
0xa6: {  	p1 =	sge.u32 s2, s10;
	s0 =	ssub.s32 s2, s0  }
0xa7: {  	p2 =	sne.s32 @!p1 s0, $0x0  }
0xa8: {  	p2 =	por p1, p2  }
.Ltmp2:
0xa9: {  	_ = 	snop;
	(pc) =	sbr.rel @p2 .LBB2_10-.Ltmp2, $1  }
0xaa: {  	_ =	sdelay $0x3  }
0xab: {  	_ =	swait.ge [sflag:s5], $0x280  }
0xac: {  	[sflag:s5] =	ssyncset.done $0x0  }
0xad: {  	[sflag:s5] =	ssyncadd.s32 $0xFFFFFD80  }
0xae: {  	_ =	swait.ge [sflag:s5], $0x280  }
0xaf: {  	[sflag:s5] =	ssyncset.done $0x0  }
0xb0: {  	s19 =	simm.s32 $0x40;
	[sflag:s5] =	ssyncadd.s32 $0xFFFFFD80  }
0xb1: {  	v8 =	vld [tilespmem:s19+$0x30]  }
0xb2: {  	v9 =	vld [tilespmem:s19+$0xFFFFFFD0]  }
0xb3: {  	v10 =	vld [tilespmem:s19+$0xFFFFFFE0]  }
0xb4: {  	v13 =	vld [tilespmem:s19+$0x10]  }
0xb5: {  	v11 =	vld [tilespmem:s19+$0xFFFFFFF0]  }
0xb6: {  	s0 =	simm.s32 $0xF40;
	v12 =	vld [tilespmem:s19+$0x0];
	v8 =	vshrl.u32 v8, $0x2  }
0xb7: {  	v15 =	vld [tilespmem:s19+$0xFFFFFFC0];
	v9 =	vshrl.u32 v9, $0x2;
	[tilespmem:s0+$0x30] =	vst v8  }
0xb8: {  	s2 =	simm.s32 $0x7C0;
	v14 =	vld [tilespmem:s19+$0x20];
	[tilespmem:s0+$0xFFFFFFD0] =	vst v9;
	v8 =	vshrl.u32 v10, $0x2  }
0xb9: {  	v9 =	vshrl.u32 v13, $0x2;
	v10 =	vld [tilespmem:s2+$0x30];
	[tilespmem:s0+$0xFFFFFFE0] =	vst v8  }
0xba: {  	v8 =	vshrl.u32 v11, $0x2;
	v11 =	vld [tilespmem:s2+$0xFFFFFFD0];
	[tilespmem:s0+$0x10] =	vst v9  }
0xbb: {  	[tilespmem:s0+$0xFFFFFFF0] =	vst v8;
	v8 =	vshrl.u32 v12, $0x2;
	v16 =	vld [tilespmem:s2+$0xFFFFFFE0]  }
0xbc: {  	v13 =	vshrl.u32 v15, $0x2;
	[tilespmem:s0+$0x0] =	vst v8;
	v8 =	vld [tilespmem:s2+$0xFFFFFFF0]  }
0xbd: {  	[tilespmem:s0+$0xFFFFFFC0] =	vst v13;
	v12 =	vshrl.u32 v14, $0x2;
	v9 =	vld [tilespmem:s2+$0x0]  }
0xbe: {  	s19 =	simm.s32 $0x16C0;
	[tilespmem:s0+$0x20] =	vst v12;
	v12 =	vshrl.u32 v10, $0x2;
	v10 =	vld [tilespmem:s2+$0x10]  }
0xbf: {  	v13 =	vshrl.u32 v11, $0x2;
	v11 =	vld [tilespmem:s2+$0x20];
	[tilespmem:s19+$0x30] =	vst v12  }
0xc0: {  	s21 =	simm.s32 $0x0;
	s22 =	simm.s32 $0xC0;
	v12 =	vld [tilespmem:s2+$0xFFFFFFC0];
	[tilespmem:s19+$0xFFFFFFD0] =	vst v13;
	v13 =	vshrl.u32 v16, $0x2  }
.LBB2_8:
0xc1: {  	v14 =	vld [tilespmem:s22+$0x30];
	s21 =	sadd.s32 $0x8, s21;
	[tilespmem:s19+$0xFFFFFFE0] =	vst v13;
	v8 =	vshrl.u32 v8, $0x2  }
0xc2: {  	v13 =	vld [tilespmem:s22+$0xFFFFFFD0];
	p1 =	slt.u32 s21, $0x20;
	[tilespmem:s19+$0xFFFFFFF0] =	vst v8;
	v8 =	vshrl.u32 v9, $0x2  }
0xc3: {  	v9 =	vld [tilespmem:s22+$0xFFFFFFE0];
	[tilespmem:s19+$0x0] =	vst v8;
	v8 =	vshrl.u32 v10, $0x2  }
0xc4: {  	v10 =	vld [tilespmem:s22+$0xFFFFFFF0];
	[tilespmem:s19+$0x10] =	vst v8;
	v8 =	vshrl.u32 v11, $0x2  }
0xc5: {  	v11 =	vld [tilespmem:s22+$0x0];
	v12 =	vshrl.u32 v12, $0x2;
	[tilespmem:s19+$0x20] =	vst v8  }
0xc6: {  	s0 =	sadd.s32 $0x80, s0;
	v8 =	vld [tilespmem:s22+$0x10];
	v14 =	vshrl.u32 v14, $0x2;
	[tilespmem:s19+$0xFFFFFFC0] =	vst v12  }
0xc7: {  	s2 =	sadd.s32 $0x80, s2;
	v12 =	vshrl.u32 v13, $0x2;
	v13 =	vld [tilespmem:s22+$0x20];
	[tilespmem:s0+$0x30] =	vst v14  }
0xc8: {  	[tilespmem:s0+$0xFFFFFFD0] =	vst v12;
	v9 =	vshrl.u32 v9, $0x2;
	v12 =	vld [tilespmem:s2+$0x30]  }
0xc9: {  	v14 =	vld [tilespmem:s22+$0xFFFFFFC0];
	[tilespmem:s0+$0xFFFFFFE0] =	vst v9;
	v9 =	vshrl.u32 v10, $0x2  }
0xca: {  	v15 =	vld [tilespmem:s2+$0xFFFFFFD0];
	[tilespmem:s0+$0xFFFFFFF0] =	vst v9;
	v9 =	vshrl.u32 v11, $0x2  }
0xcb: {  	v16 =	vld [tilespmem:s2+$0xFFFFFFE0];
	[tilespmem:s0+$0x0] =	vst v9;
	v9 =	vshrl.u32 v8, $0x2  }
.Ltmp3:
0xcc: {  	v8 =	vld [tilespmem:s2+$0xFFFFFFF0];
	[tilespmem:s0+$0x10] =	vst v9;
	v10 =	vshrl.u32 v13, $0x2;
	(pc) =	sbr.rel @p1 .LBB2_8-.Ltmp3, $4  }
0xcd: {  	s19 =	sadd.s32 $0x80, s19;
	v9 =	vld [tilespmem:s2+$0x0];
	[tilespmem:s0+$0x20] =	vst v10;
	v11 =	vshrl.u32 v12, $0x2  }
0xce: {  	v12 =	vshrl.u32 v14, $0x2;
	v10 =	vld [tilespmem:s2+$0x10];
	[tilespmem:s19+$0x30] =	vst v11  }
0xcf: {  	[tilespmem:s0+$0xFFFFFFC0] =	vst v12;
	v13 =	vshrl.u32 v15, $0x2;
	v11 =	vld [tilespmem:s2+$0x20]  }
0xd0: {  	s22 =	sadd.s32 $0x80, s22;
	v12 =	vld [tilespmem:s2+$0xFFFFFFC0];
	[tilespmem:s19+$0xFFFFFFD0] =	vst v13;
	v13 =	vshrl.u32 v16, $0x2  }
0xd1: {  	[tilespmem:s19+$0xFFFFFFE0] =	vst v13;
	v8 =	vshrl.u32 v8, $0x2  }
0xd2: {  	[tilespmem:s19+$0xFFFFFFF0] =	vst v8;
	v8 =	vshrl.u32 v9, $0x2  }
0xd3: {  	[tilespmem:s19+$0x0] =	vst v8;
	v8 =	vshrl.u32 v10, $0x2  }
0xd4: {  	[tilespmem:s19+$0x10] =	vst v8;
	v8 =	vshrl.u32 v11, $0x2  }
0xd5: {  	v63 =	vshrl.u32 v12, $0x2;
	[tilespmem:s19+$0x20] =	vst v8  }
0xd6: {  	s0 =	simm.s32 $0xF00;
	s2 =	simm.s32 $0x1E00;
	[tilespmem:s19+$0xFFFFFFC0] =	vst v63  }
0xd7: {  	[tilespmem:s2], [sflag:$0x1] =	stream.indirect.gather [hbm4b:s6+s24], $0x10, s0, s24, $0xb8;
	[tilespmem:$0x11330] =	vst v63  }
0xd8: {  	s30 =	simm.s32 $0x1680;
	s31 =	simm.s32 $0x9600  }
0xd9: {  	[tilespmem:s31], [sflag:$0x1] =	stream.indirect.gather [hbm4b:s8+s24], $0x10, s30, s24, $0xb8;
	[tilespmem:$0x11330] =	vst v63  }
0xda: {  	s9 =	simm.s32 $0xF80;
	s11 =	simm.s32 $0x2600  }
0xdb: {  	[tilespmem:s11], [sflag:$0x1] =	stream.indirect.gather [hbm4b:s6+s24], $0x10, s9, s24, $0xb8;
	[tilespmem:$0x11330] =	vst v63  }
0xdc: {  	s12 =	simm.s32 $0x1700;
	s19 =	simm.s32 $0x9E00  }
0xdd: {  	[tilespmem:s19], [sflag:$0x1] =	stream.indirect.gather [hbm4b:s8+s24], $0x10, s12, s24, $0xb8;
	[tilespmem:$0x11330] =	vst v63  }
0xde: {  	s21 =	simm.s32 $0x1000;
	s22 =	simm.s32 $0x2E00  }
0xdf: {  	[tilespmem:s22], [sflag:$0x1] =	stream.indirect.gather [hbm4b:s6+s24], $0x10, s21, s24, $0xb8;
	[tilespmem:$0x11330] =	vst v63  }
0xe0: {  	s23 =	simm.s32 $0x1780;
	s28 =	simm.s32 $0xA600  }
0xe1: {  	[tilespmem:s28], [sflag:$0x1] =	stream.indirect.gather [hbm4b:s8+s24], $0x10, s23, s24, $0xb8;
	[tilespmem:$0x11330] =	vst v63  }
0xe2: {  	s29 =	simm.s32 $0x1080;
	s30 =	simm.s32 $0x3600  }
0xe3: {  	[tilespmem:s30], [sflag:$0x1] =	stream.indirect.gather [hbm4b:s6+s24], $0x10, s29, s24, $0xb8;
	[tilespmem:$0x11330] =	vst v63  }
0xe4: {  	s31 =	simm.s32 $0x1800  }
0xe5: {  	[tilespmem:s13], [sflag:$0x1] =	stream.indirect.gather [hbm4b:s8+s24], $0x10, s31, s24, $0xb8;
	[tilespmem:$0x11330] =	vst v63  }
.Ltmp4:
0xe6: {  	_ = 	snop;
	(pc) =	sbr.rel .LBB2_18-.Ltmp4, $4  }
0xe7: {  	_ = 	snop  }
0xe8: {  	[tilespmem:s15], [sflag:$0x1] =	stream.indirect.gather [hbm4b:s6+s24], $0x10, s14, s24, $0xb8;
	[tilespmem:$0x11330] =	vst v63  }
0xe9: {  	_ = 	snop  }
0xea: {  	[tilespmem:s18], [sflag:$0x1] =	stream.indirect.gather [hbm4b:s8+s24], $0x10, s16, s24, $0xb8;
	[tilespmem:$0x11330] =	vst v63  }
.LBB2_10:
0xeb: {  	p2 =	sne.s32 @!p1 s0, $0x1  }
0xec: {  	p2 =	por p1, p2  }
.Ltmp5:
0xed: {  	_ = 	snop;
	(pc) =	sbr.rel @p2 .LBB2_14-.Ltmp5, $1  }
0xee: {  	_ =	sdelay $0x3  }
0xef: {  	_ =	swait.ge [sflag:s5], $0x280  }
0xf0: {  	[sflag:s5] =	ssyncset.done $0x0  }
0xf1: {  	[sflag:s5] =	ssyncadd.s32 $0xFFFFFD80  }
0xf2: {  	_ =	swait.ge [sflag:s5], $0x280  }
0xf3: {  	[sflag:s5] =	ssyncset.done $0x0  }
0xf4: {  	s19 =	simm.s32 $0x2F0;
	[sflag:s5] =	ssyncadd.s32 $0xFFFFFD80  }
0xf5: {  	v8 =	vld [tilespmem:s19+$0x0]  }
0xf6: {  	v9 =	vld [tilespmem:s19+$0xFFFFFFA0]  }
0xf7: {  	v10 =	vld [tilespmem:s19+$0xFFFFFFB0]  }
0xf8: {  	v13 =	vld [tilespmem:s19+$0xFFFFFFE0]  }
0xf9: {  	v11 =	vld [tilespmem:s19+$0xFFFFFFC0]  }
0xfa: {  	s0 =	simm.s32 $0x11F0;
	v12 =	vld [tilespmem:s19+$0xFFFFFFD0];
	v8 =	vshrl.u32 v8, $0x2  }
0xfb: {  	v15 =	vld [tilespmem:s19+$0xFFFFFF90];
	v9 =	vshrl.u32 v9, $0x2;
	[tilespmem:s0+$0x0] =	vst v8  }
0xfc: {  	s2 =	simm.s32 $0xA70;
	v14 =	vld [tilespmem:s19+$0xFFFFFFF0];
	[tilespmem:s0+$0xFFFFFFA0] =	vst v9;
	v8 =	vshrl.u32 v10, $0x2  }
0xfd: {  	v9 =	vshrl.u32 v13, $0x2;
	v10 =	vld [tilespmem:s2+$0x0];
	[tilespmem:s0+$0xFFFFFFB0] =	vst v8  }
0xfe: {  	v8 =	vshrl.u32 v11, $0x2;
	v11 =	vld [tilespmem:s2+$0xFFFFFFA0];
	[tilespmem:s0+$0xFFFFFFE0] =	vst v9  }
0xff: {  	[tilespmem:s0+$0xFFFFFFC0] =	vst v8;
	v8 =	vshrl.u32 v12, $0x2;
	v16 =	vld [tilespmem:s2+$0xFFFFFFB0]  }
0x100: {  	v13 =	vshrl.u32 v15, $0x2;
	[tilespmem:s0+$0xFFFFFFD0] =	vst v8;
	v8 =	vld [tilespmem:s2+$0xFFFFFFC0]  }
0x101: {  	[tilespmem:s0+$0xFFFFFF90] =	vst v13;
	v12 =	vshrl.u32 v14, $0x2;
	v9 =	vld [tilespmem:s2+$0xFFFFFFD0]  }
0x102: {  	s19 =	simm.s32 $0x1970;
	[tilespmem:s0+$0xFFFFFFF0] =	vst v12;
	v12 =	vshrl.u32 v10, $0x2;
	v10 =	vld [tilespmem:s2+$0xFFFFFFE0]  }
0x103: {  	v13 =	vshrl.u32 v11, $0x2;
	v11 =	vld [tilespmem:s2+$0xFFFFFFF0];
	[tilespmem:s19+$0x0] =	vst v12  }
0x104: {  	s21 =	simm.s32 $0x0;
	s22 =	simm.s32 $0x370;
	v12 =	vld [tilespmem:s2+$0xFFFFFF90];
	[tilespmem:s19+$0xFFFFFFA0] =	vst v13;
	v13 =	vshrl.u32 v16, $0x2  }
.LBB2_12:
0x105: {  	v14 =	vld [tilespmem:s22+$0x0];
	s21 =	sadd.s32 $0x8, s21;
	[tilespmem:s19+$0xFFFFFFB0] =	vst v13;
	v8 =	vshrl.u32 v8, $0x2  }
0x106: {  	v13 =	vld [tilespmem:s22+$0xFFFFFFA0];
	p1 =	slt.u32 s21, $0x20;
	[tilespmem:s19+$0xFFFFFFC0] =	vst v8;
	v8 =	vshrl.u32 v9, $0x2  }
0x107: {  	v9 =	vld [tilespmem:s22+$0xFFFFFFB0];
	[tilespmem:s19+$0xFFFFFFD0] =	vst v8;
	v8 =	vshrl.u32 v10, $0x2  }
0x108: {  	v10 =	vld [tilespmem:s22+$0xFFFFFFC0];
	[tilespmem:s19+$0xFFFFFFE0] =	vst v8;
	v8 =	vshrl.u32 v11, $0x2  }
0x109: {  	v11 =	vld [tilespmem:s22+$0xFFFFFFD0];
	v12 =	vshrl.u32 v12, $0x2;
	[tilespmem:s19+$0xFFFFFFF0] =	vst v8  }
0x10a: {  	s0 =	sadd.s32 $0x80, s0;
	v8 =	vld [tilespmem:s22+$0xFFFFFFE0];
	v14 =	vshrl.u32 v14, $0x2;
	[tilespmem:s19+$0xFFFFFF90] =	vst v12  }
0x10b: {  	s2 =	sadd.s32 $0x80, s2;
	v12 =	vshrl.u32 v13, $0x2;
	v13 =	vld [tilespmem:s22+$0xFFFFFFF0];
	[tilespmem:s0+$0x0] =	vst v14  }
0x10c: {  	[tilespmem:s0+$0xFFFFFFA0] =	vst v12;
	v9 =	vshrl.u32 v9, $0x2;
	v12 =	vld [tilespmem:s2+$0x0]  }
0x10d: {  	v14 =	vld [tilespmem:s22+$0xFFFFFF90];
	[tilespmem:s0+$0xFFFFFFB0] =	vst v9;
	v9 =	vshrl.u32 v10, $0x2  }
0x10e: {  	v15 =	vld [tilespmem:s2+$0xFFFFFFA0];
	[tilespmem:s0+$0xFFFFFFC0] =	vst v9;
	v9 =	vshrl.u32 v11, $0x2  }
0x10f: {  	v16 =	vld [tilespmem:s2+$0xFFFFFFB0];
	[tilespmem:s0+$0xFFFFFFD0] =	vst v9;
	v9 =	vshrl.u32 v8, $0x2  }
.Ltmp6:
0x110: {  	v8 =	vld [tilespmem:s2+$0xFFFFFFC0];
	[tilespmem:s0+$0xFFFFFFE0] =	vst v9;
	v10 =	vshrl.u32 v13, $0x2;
	(pc) =	sbr.rel @p1 .LBB2_12-.Ltmp6, $4  }
0x111: {  	s19 =	sadd.s32 $0x80, s19;
	v9 =	vld [tilespmem:s2+$0xFFFFFFD0];
	[tilespmem:s0+$0xFFFFFFF0] =	vst v10;
	v11 =	vshrl.u32 v12, $0x2  }
0x112: {  	v12 =	vshrl.u32 v14, $0x2;
	v10 =	vld [tilespmem:s2+$0xFFFFFFE0];
	[tilespmem:s19+$0x0] =	vst v11  }
0x113: {  	[tilespmem:s0+$0xFFFFFF90] =	vst v12;
	v13 =	vshrl.u32 v15, $0x2;
	v11 =	vld [tilespmem:s2+$0xFFFFFFF0]  }
0x114: {  	s22 =	sadd.s32 $0x80, s22;
	v12 =	vld [tilespmem:s2+$0xFFFFFF90];
	[tilespmem:s19+$0xFFFFFFA0] =	vst v13;
	v13 =	vshrl.u32 v16, $0x2  }
0x115: {  	[tilespmem:s19+$0xFFFFFFB0] =	vst v13;
	v8 =	vshrl.u32 v8, $0x2  }
0x116: {  	[tilespmem:s19+$0xFFFFFFC0] =	vst v8;
	v8 =	vshrl.u32 v9, $0x2  }
0x117: {  	[tilespmem:s19+$0xFFFFFFD0] =	vst v8;
	v8 =	vshrl.u32 v10, $0x2  }
0x118: {  	[tilespmem:s19+$0xFFFFFFE0] =	vst v8;
	v8 =	vshrl.u32 v11, $0x2  }
0x119: {  	v63 =	vshrl.u32 v12, $0x2;
	[tilespmem:s19+$0xFFFFFFF0] =	vst v8  }
0x11a: {  	s0 =	simm.s32 $0x1180;
	s2 =	simm.s32 $0x4600;
	[tilespmem:s19+$0xFFFFFF90] =	vst v63  }
0x11b: {  	[tilespmem:s2], [sflag:$0x2] =	stream.indirect.gather [hbm4b:s6+s24], $0x10, s0, s24, $0xb8;
	[tilespmem:$0x11330] =	vst v63  }
0x11c: {  	s22 =	simm.s32 $0x1900;
	s23 =	simm.s32 $0xBE00  }
0x11d: {  	[tilespmem:s23], [sflag:$0x2] =	stream.indirect.gather [hbm4b:s8+s24], $0x10, s22, s24, $0xb8;
	[tilespmem:$0x11330] =	vst v63  }
0x11e: {  	s28 =	simm.s32 $0x1200;
	s29 =	simm.s32 $0x4E00  }
0x11f: {  	[tilespmem:s29], [sflag:$0x2] =	stream.indirect.gather [hbm4b:s6+s24], $0x10, s28, s24, $0xb8;
	[tilespmem:$0x11330] =	vst v63  }
0x120: {  	s30 =	simm.s32 $0x1980;
	s31 =	simm.s32 $0xC600  }
0x121: {  	[tilespmem:s31], [sflag:$0x2] =	stream.indirect.gather [hbm4b:s8+s24], $0x10, s30, s24, $0xb8;
	[tilespmem:$0x11330] =	vst v63  }
0x122: {  	s9 =	simm.s32 $0x5600;
	s2 =	simm.s32 $0x1280  }
0x123: {  	[tilespmem:s9], [sflag:$0x2] =	stream.indirect.gather [hbm4b:s6+s24], $0x10, s2, s24, $0xb8;
	[tilespmem:$0x11330] =	vst v63  }
0x124: {  	s11 =	simm.s32 $0x1A00;
	s12 =	simm.s32 $0xCE00  }
0x125: {  	[tilespmem:s12], [sflag:$0x2] =	stream.indirect.gather [hbm4b:s8+s24], $0x10, s11, s24, $0xb8;
	[tilespmem:$0x11330] =	vst v63  }
0x126: {  	s21 =	simm.s32 $0x5E00;
	s19 =	simm.s32 $0x1300  }
0x127: {  	[tilespmem:s21], [sflag:$0x2] =	stream.indirect.gather [hbm4b:s6+s24], $0x10, s19, s24, $0xb8;
	[tilespmem:$0x11330] =	vst v63  }
0x128: {  	s22 =	simm.s32 $0x1A80;
	s23 =	simm.s32 $0xD600  }
0x129: {  	[tilespmem:s23], [sflag:$0x2] =	stream.indirect.gather [hbm4b:s8+s24], $0x10, s22, s24, $0xb8;
	[tilespmem:$0x11330] =	vst v63  }
.Ltmp7:
0x12a: {  	_ = 	snop;
	(pc) =	sbr.rel .LBB2_18-.Ltmp7, $4  }
0x12b: {  	s28 =	simm.s32 $0x1380;
	s29 =	simm.s32 $0x6600  }
0x12c: {  	[tilespmem:s29], [sflag:$0x2] =	stream.indirect.gather [hbm4b:s6+s24], $0x10, s28, s24, $0xb8;
	[tilespmem:$0x11330] =	vst v63  }
0x12d: {  	s30 =	simm.s32 $0x1B00;
	s31 =	simm.s32 $0xDE00  }
0x12e: {  	[tilespmem:s31], [sflag:$0x2] =	stream.indirect.gather [hbm4b:s8+s24], $0x10, s30, s24, $0xb8;
	[tilespmem:$0x11330] =	vst v63  }
.LBB2_14:
0x12f: {  	p2 =	sne.s32 @!p1 s0, $0x2  }
0x130: {  	p1 =	por p1, p2  }
.Ltmp8:
0x131: {  	_ = 	snop;
	(pc) =	sbr.rel @p1 .LBB2_18-.Ltmp8, $1  }
0x132: {  	_ =	sdelay $0x3  }
0x133: {  	_ =	swait.ge [sflag:s5], $0x280  }
0x134: {  	[sflag:s5] =	ssyncset.done $0x0  }
0x135: {  	[sflag:s5] =	ssyncadd.s32 $0xFFFFFD80  }
0x136: {  	_ =	swait.ge [sflag:s5], $0x280  }
0x137: {  	[sflag:s5] =	ssyncset.done $0x0  }
0x138: {  	s19 =	simm.s32 $0x570;
	[sflag:s5] =	ssyncadd.s32 $0xFFFFFD80  }
0x139: {  	v8 =	vld [tilespmem:s19+$0x0]  }
0x13a: {  	v9 =	vld [tilespmem:s19+$0xFFFFFFA0]  }
0x13b: {  	v10 =	vld [tilespmem:s19+$0xFFFFFFB0]  }
0x13c: {  	v13 =	vld [tilespmem:s19+$0xFFFFFFE0]  }
0x13d: {  	v11 =	vld [tilespmem:s19+$0xFFFFFFC0]  }
0x13e: {  	s0 =	simm.s32 $0x1470;
	v12 =	vld [tilespmem:s19+$0xFFFFFFD0];
	v8 =	vshrl.u32 v8, $0x2  }
0x13f: {  	v15 =	vld [tilespmem:s19+$0xFFFFFF90];
	v9 =	vshrl.u32 v9, $0x2;
	[tilespmem:s0+$0x0] =	vst v8  }
0x140: {  	s2 =	simm.s32 $0xCF0;
	v14 =	vld [tilespmem:s19+$0xFFFFFFF0];
	[tilespmem:s0+$0xFFFFFFA0] =	vst v9;
	v8 =	vshrl.u32 v10, $0x2  }
0x141: {  	v9 =	vshrl.u32 v13, $0x2;
	v10 =	vld [tilespmem:s2+$0x0];
	[tilespmem:s0+$0xFFFFFFB0] =	vst v8  }
0x142: {  	v8 =	vshrl.u32 v11, $0x2;
	v11 =	vld [tilespmem:s2+$0xFFFFFFA0];
	[tilespmem:s0+$0xFFFFFFE0] =	vst v9  }
0x143: {  	[tilespmem:s0+$0xFFFFFFC0] =	vst v8;
	v8 =	vshrl.u32 v12, $0x2;
	v16 =	vld [tilespmem:s2+$0xFFFFFFB0]  }
0x144: {  	v13 =	vshrl.u32 v15, $0x2;
	[tilespmem:s0+$0xFFFFFFD0] =	vst v8;
	v8 =	vld [tilespmem:s2+$0xFFFFFFC0]  }
0x145: {  	[tilespmem:s0+$0xFFFFFF90] =	vst v13;
	v12 =	vshrl.u32 v14, $0x2;
	v9 =	vld [tilespmem:s2+$0xFFFFFFD0]  }
0x146: {  	s19 =	simm.s32 $0x1BF0;
	[tilespmem:s0+$0xFFFFFFF0] =	vst v12;
	v12 =	vshrl.u32 v10, $0x2;
	v10 =	vld [tilespmem:s2+$0xFFFFFFE0]  }
0x147: {  	v13 =	vshrl.u32 v11, $0x2;
	v11 =	vld [tilespmem:s2+$0xFFFFFFF0];
	[tilespmem:s19+$0x0] =	vst v12  }
0x148: {  	s21 =	simm.s32 $0x0;
	s22 =	simm.s32 $0x5F0;
	v12 =	vld [tilespmem:s2+$0xFFFFFF90];
	[tilespmem:s19+$0xFFFFFFA0] =	vst v13;
	v13 =	vshrl.u32 v16, $0x2  }
.LBB2_16:
0x149: {  	v14 =	vld [tilespmem:s22+$0x0];
	s21 =	sadd.s32 $0x8, s21;
	[tilespmem:s19+$0xFFFFFFB0] =	vst v13;
	v8 =	vshrl.u32 v8, $0x2  }
0x14a: {  	v13 =	vld [tilespmem:s22+$0xFFFFFFA0];
	p1 =	slt.u32 s21, $0x20;
	[tilespmem:s19+$0xFFFFFFC0] =	vst v8;
	v8 =	vshrl.u32 v9, $0x2  }
0x14b: {  	v9 =	vld [tilespmem:s22+$0xFFFFFFB0];
	[tilespmem:s19+$0xFFFFFFD0] =	vst v8;
	v8 =	vshrl.u32 v10, $0x2  }
0x14c: {  	v10 =	vld [tilespmem:s22+$0xFFFFFFC0];
	[tilespmem:s19+$0xFFFFFFE0] =	vst v8;
	v8 =	vshrl.u32 v11, $0x2  }
0x14d: {  	v11 =	vld [tilespmem:s22+$0xFFFFFFD0];
	v12 =	vshrl.u32 v12, $0x2;
	[tilespmem:s19+$0xFFFFFFF0] =	vst v8  }
0x14e: {  	s0 =	sadd.s32 $0x80, s0;
	v8 =	vld [tilespmem:s22+$0xFFFFFFE0];
	v14 =	vshrl.u32 v14, $0x2;
	[tilespmem:s19+$0xFFFFFF90] =	vst v12  }
0x14f: {  	s2 =	sadd.s32 $0x80, s2;
	v12 =	vshrl.u32 v13, $0x2;
	v13 =	vld [tilespmem:s22+$0xFFFFFFF0];
	[tilespmem:s0+$0x0] =	vst v14  }
0x150: {  	[tilespmem:s0+$0xFFFFFFA0] =	vst v12;
	v9 =	vshrl.u32 v9, $0x2;
	v12 =	vld [tilespmem:s2+$0x0]  }
0x151: {  	v14 =	vld [tilespmem:s22+$0xFFFFFF90];
	[tilespmem:s0+$0xFFFFFFB0] =	vst v9;
	v9 =	vshrl.u32 v10, $0x2  }
0x152: {  	v15 =	vld [tilespmem:s2+$0xFFFFFFA0];
	[tilespmem:s0+$0xFFFFFFC0] =	vst v9;
	v9 =	vshrl.u32 v11, $0x2  }
0x153: {  	v16 =	vld [tilespmem:s2+$0xFFFFFFB0];
	[tilespmem:s0+$0xFFFFFFD0] =	vst v9;
	v9 =	vshrl.u32 v8, $0x2  }
.Ltmp9:
0x154: {  	v8 =	vld [tilespmem:s2+$0xFFFFFFC0];
	[tilespmem:s0+$0xFFFFFFE0] =	vst v9;
	v10 =	vshrl.u32 v13, $0x2;
	(pc) =	sbr.rel @p1 .LBB2_16-.Ltmp9, $4  }
0x155: {  	s19 =	sadd.s32 $0x80, s19;
	v9 =	vld [tilespmem:s2+$0xFFFFFFD0];
	[tilespmem:s0+$0xFFFFFFF0] =	vst v10;
	v11 =	vshrl.u32 v12, $0x2  }
0x156: {  	v12 =	vshrl.u32 v14, $0x2;
	v10 =	vld [tilespmem:s2+$0xFFFFFFE0];
	[tilespmem:s19+$0x0] =	vst v11  }
0x157: {  	[tilespmem:s0+$0xFFFFFF90] =	vst v12;
	v13 =	vshrl.u32 v15, $0x2;
	v11 =	vld [tilespmem:s2+$0xFFFFFFF0]  }
0x158: {  	s22 =	sadd.s32 $0x80, s22;
	v12 =	vld [tilespmem:s2+$0xFFFFFF90];
	[tilespmem:s19+$0xFFFFFFA0] =	vst v13;
	v13 =	vshrl.u32 v16, $0x2  }
0x159: {  	[tilespmem:s19+$0xFFFFFFB0] =	vst v13;
	v8 =	vshrl.u32 v8, $0x2  }
0x15a: {  	[tilespmem:s19+$0xFFFFFFC0] =	vst v8;
	v8 =	vshrl.u32 v9, $0x2  }
0x15b: {  	[tilespmem:s19+$0xFFFFFFD0] =	vst v8;
	v8 =	vshrl.u32 v10, $0x2  }
0x15c: {  	[tilespmem:s19+$0xFFFFFFE0] =	vst v8;
	v8 =	vshrl.u32 v11, $0x2  }
0x15d: {  	v63 =	vshrl.u32 v12, $0x2;
	[tilespmem:s19+$0xFFFFFFF0] =	vst v8  }
0x15e: {  	s0 =	simm.s32 $0x1400;
	s2 =	simm.s32 $0x6E00;
	[tilespmem:s19+$0xFFFFFF90] =	vst v63  }
0x15f: {  	[tilespmem:s2], [sflag:$0x3] =	stream.indirect.gather [hbm4b:s6+s24], $0x10, s0, s24, $0xb8;
	[tilespmem:$0x11330] =	vst v63  }
0x160: {  	s22 =	simm.s32 $0x1B80;
	s23 =	simm.s32 $0xE600  }
0x161: {  	[tilespmem:s23], [sflag:$0x3] =	stream.indirect.gather [hbm4b:s8+s24], $0x10, s22, s24, $0xb8;
	[tilespmem:$0x11330] =	vst v63  }
0x162: {  	s28 =	simm.s32 $0x1480;
	s29 =	simm.s32 $0x7600  }
0x163: {  	[tilespmem:s29], [sflag:$0x3] =	stream.indirect.gather [hbm4b:s6+s24], $0x10, s28, s24, $0xb8;
	[tilespmem:$0x11330] =	vst v63  }
0x164: {  	s30 =	simm.s32 $0x1C00;
	s31 =	simm.s32 $0xEE00  }
0x165: {  	[tilespmem:s31], [sflag:$0x3] =	stream.indirect.gather [hbm4b:s8+s24], $0x10, s30, s24, $0xb8;
	[tilespmem:$0x11330] =	vst v63  }
0x166: {  	s9 =	simm.s32 $0x7E00;
	s2 =	simm.s32 $0x1500  }
0x167: {  	[tilespmem:s9], [sflag:$0x3] =	stream.indirect.gather [hbm4b:s6+s24], $0x10, s2, s24, $0xb8;
	[tilespmem:$0x11330] =	vst v63  }
0x168: {  	s11 =	simm.s32 $0x1C80;
	s12 =	simm.s32 $0xF600  }
0x169: {  	[tilespmem:s12], [sflag:$0x3] =	stream.indirect.gather [hbm4b:s8+s24], $0x10, s11, s24, $0xb8;
	[tilespmem:$0x11330] =	vst v63  }
0x16a: {  	s21 =	simm.s32 $0x8600;
	s19 =	simm.s32 $0x1580  }
0x16b: {  	[tilespmem:s21], [sflag:$0x3] =	stream.indirect.gather [hbm4b:s6+s24], $0x10, s19, s24, $0xb8;
	[tilespmem:$0x11330] =	vst v63  }
0x16c: {  	s22 =	simm.s32 $0x1D00;
	s23 =	simm.s32 $0xFE00  }
0x16d: {  	[tilespmem:s23], [sflag:$0x3] =	stream.indirect.gather [hbm4b:s8+s24], $0x10, s22, s24, $0xb8;
	[tilespmem:$0x11330] =	vst v63  }
0x16e: {  	s28 =	simm.s32 $0x1600;
	s29 =	simm.s32 $0x8E00  }
0x16f: {  	[tilespmem:s29], [sflag:$0x3] =	stream.indirect.gather [hbm4b:s6+s24], $0x10, s28, s24, $0xb8;
	[tilespmem:$0x11330] =	vst v63  }
0x170: {  	s30 =	simm.s32 $0x1D80;
	s31 =	simm.s32 $0x10600  }
0x171: {  	[tilespmem:s31], [sflag:$0x3] =	stream.indirect.gather [hbm4b:s8+s24], $0x10, s30, s24, $0xb8;
	[tilespmem:$0x11330] =	vst v63  }
.LBB2_18:
0x172: {  	s0 =	smulhi.u32 $0xAAAAAAAB, s20;
	_ =	sdelay $0x1  }
0x173: {  	s0 =	sshrl.u32 s0, $0x1  }
0x174: {  	s2 =	smul.u32 $0x3, s0;
	_ =	sdelay $0x1  }
0x175: {  	s19 =	ssub.s32 s20, s2  }
0x176: {  	p1 =	seq.s32 s19, $0x0  }
0x177: {  	s0 =	smul.u32 $0xFFFFE200, s0;
	p2 =	seq.s32 @!p1 s19, $0x2  }
0x178: {  	p2 =	por !p2, p1  }
0x179: {  	s22 =	sshra.s32 s0, $0x2;
	s0 =	simm.s32 @!p2 $0x3  }
0x17a: {  	s0 =	simm.s32 @p2 $0x2  }
0x17b: {  	s0 =	simm.s32 @p1 $0x1  }
0x17c: {  	_ =	swait.ge [sflag:s0], $0x2800  }
0x17d: {  	[sflag:s0] =	ssyncset.done $0x0  }
0x17e: {  	s28 =	sand.u32 $0x1, s20;
	p2 =	slt.u32 s20, $0x2;
	[sflag:s0] =	ssyncadd.s32 $0xFFFFD800  }
0x17f: {  	p1 =	sne.s32 @!p2 s28, $0x0;
	_ =	swait.ge [sflag:s0], $0x2800  }
0x180: {  	p3 =	por p1, p2;
	[sflag:s0] =	ssyncset.done $0x0  }
0x181: {  	[sflag:s0] =	ssyncadd.s32 $0xFFFFD800;
	s0 =	simm.s32 @!p3 $0x5  }
0x182: {  	p1 =	seq.s32 s28, $0x1;
	_ =	swait.ge @!p3 [sflag:s0], $0x280  }
0x183: {  	p2 =	por !p1, p2;
	[sflag:s0] =	ssyncset.done @!p3 $0x0  }
0x184: {  	[sflag:s0] =	ssyncadd.s32 @!p3 $0xFFFFFD80;
	s0 =	simm.s32 @!p2 $0x6  }
0x185: {  	_ =	swait.ge @!p2 [sflag:s0], $0x280  }
0x186: {  	[sflag:s0] =	ssyncset.done @!p2 $0x0  }
0x187: {  	s9 =	sadd.s32 s22, s25;
	[sflag:s0] =	ssyncadd.s32 @!p2 $0xFFFFFD80  }
0x188: {  	v8 =	vld [tilespmem:s9+$0x10]  }
0x189: {  	s30 =	sadd.s32 s22, s26  }
0x18a: {  	s31 =	simm.s32 $0x30;
	s11 =	simm.s32 $0x0;
	v10 =	vld [tilespmem:s30+$0x10]  }
0x18b: {  	s12 =	simm.s32 $0x10;
	v13 =	vmov s31;
	v14 =	vmov s11;
	v9 =	vld [tilespmem:s9+$0xFFFFFFE0]  }
0x18c: {  	v16 =	vmov s12;
	v13 =	vshll.u32 v13, $0x4;
	v14 =	vshll.u32 v14, $0x4;
	v12 =	vld [tilespmem:s9+$0xFFFFFFF0]  }
0x18d: {  	v16 =	vshll.u32 v16, $0x4;
	v13 =	vor.u32 v0, v13;
	v15 =	vld [tilespmem:s30+$0xFFFFFFF0];
	v8 =	vshll.u32 v8, $0x2  }
0x18e: {  	s21 =	simm.s32 $0x1;
	v14 =	vor.u32 v0, v14;
	v16 =	vor.u32 v0, v16;
	s22 =	simm.s32 $0x20;
	v17 =	vld [tilespmem:s9+$0x0];
	v8 =	vand.u32 $0xC, v8  }
0x18f: {  	s21 =	simm.s32 @!p0 $0x0;
	v18 =	vmov s22;
	v19 =	vld [tilespmem:s30+$0x0];
	v10 =	vshll.u32 v10, $0x2;
	v8 =	vor.u32 v13, v8  }
0x190: {  	s23 =	smul.u32 $0xA00, s21;
	v18 =	vshll.u32 v18, $0x4;
	v10 =	vand.u32 $0xC, v10;
	v20 =	vor.u32 $0x1, v8  }
0x191: {  	v18 =	vor.u32 v0, v18;
	v10 =	vor.u32 v13, v10;
	v59 =	vor.u32 $0x3, v8  }
0x192: {  	s2 =	sshrl.u32 s23, $0x2;
	s23 =	smul.u32 $0x2800, s19;
	v9 =	vshll.u32 v9, $0x2;
	v12 =	vshll.u32 v12, $0x2;
	v21 =	vor.u32 $0x3, v10  }
0x193: {  	v15 =	vshll.u32 v15, $0x2;
	v17 =	vshll.u32 v17, $0x2;
	v8 =	vor.u32 $0x2, v8  }
0x194: {  	s29 =	sadd.s32 $0x10E20, s2;
	s2 =	sadd.s32 $0x1E00, s23;
	v11 =	vld [tilespmem:s30+$0xFFFFFFE0];
	v19 =	vshll.u32 v19, $0x2;
	v9 =	vand.u32 $0xC, v9;
	v22 =	vor.u32 $0x2, v10  }
0x195: {  	v12 =	vand.u32 $0xC, v12;
	v9 =	vor.u32 v14, v9;
	v10 =	vor.u32 $0x1, v10;
	v20 =	vld.idx.msk [tilespmem:v20+s2+$0x0], $0xffff  }
0x196: {  	s0 =	sadd.s32 $0x9600, s23;
	v15 =	vand.u32 $0xC, v15;
	v12 =	vor.u32 v16, v12;
	v62 =	vor.u32 $0x3, v9;
	v13 =	vld.idx.msk [tilespmem:v59+s2+$0x0], $0xffff  }
0x197: {  	v17 =	vand.u32 $0xC, v17;
	v60 =	vor.u32 v16, v15;
	v33 =	vor.u32 $0x3, v12;
	v21 =	vld.idx.msk [tilespmem:v21+s0+$0x0], $0xffff  }
0x198: {  	v19 =	vand.u32 $0xC, v19;
	v17 =	vor.u32 v18, v17;
	v23 =	vor.u32 $0x3, v60;
	v8 =	vld.idx.msk [tilespmem:v8+s2+$0x0], $0xffff  }
0x199: {  	v11 =	vshll.u32 v11, $0x2;
	v18 =	vor.u32 v18, v19;
	v25 =	vor.u32 $0x3, v17;
	v61 =	vld.idx.msk [tilespmem:v22+s0+$0x0], $0xffff  }
0x19a: {  	v11 =	vand.u32 $0xC, v11;
	v26 =	vor.u32 $0x3, v18;
	v10 =	vld.idx.msk [tilespmem:v10+s0+$0x0], $0xffff  }
0x19b: {  	v11 =	vor.u32 v14, v11;
	v24 =	vor.u32 $0x2, v9;
	v9 =	vor.u32 $0x1, v9;
	v16 =	vld.idx.msk [tilespmem:v62+s2+$0x0], $0xffff  }
0x19c: {  	v63 =	vor.u32 $0x3, v11;
	v27 =	vor.u32 $0x2, v11;
	v11 =	vor.u32 $0x1, v11;
	v38 =	vld.idx.msk [tilespmem:v33+s2+$0x0], $0xffff  }
0x19d: {  	v34 =	vor.u32 $0x2, v12;
	v12 =	vor.u32 $0x1, v12;
	v39 =	vld.idx.msk [tilespmem:v23+s0+$0x0], $0xffff  }
0x19e: {  	v14 =	vor.u32 $0x1, v60;
	v42 =	vld.idx.msk [tilespmem:v25+s2+$0x0], $0xffff  }
0x19f: {  	v43 =	vld.idx.msk [tilespmem:v26+s0+$0x0], $0xffff  }
0x1a0: {  	v9 =	vld.idx.msk [tilespmem:v9+s2+$0x0], $0xffff  }
0x1a1: {  	v11 =	vld.idx.msk [tilespmem:v11+s0+$0x0], $0xffff  }
0x1a2: {  	v12 =	vld.idx.msk [tilespmem:v12+s2+$0x0], $0xffff  }
0x1a3: {  	v14 =	vld.idx.msk [tilespmem:v14+s0+$0x0], $0xffff  }
0x1a4: {  	v28 =	vor.u32 $0x2, v60;
	v29 =	vor.u32 $0x2, v17;
	v35 =	vld.idx.msk [tilespmem:v63+s0+$0x0], $0xffff  }
0x1a5: {  	v30 =	vor.u32 $0x2, v18;
	v13 =	vsub.f32 v13, v21;
	v8 =	vsub.f32 v8, v61  }
0x1a6: {  	v17 =	vor.u32 $0x1, v17;
	v10 =	vsub.f32 v20, v10;
	v15 =	vsub.f32 v38, v39  }
0x1a7: {  	v47 =	vor.u32 $0x1, v18;
	v50 =	vsub.f32 v42, v43;
	v62 =	vsub.f32 v9, v11  }
0x1a8: {  	v12 =	vsub.f32 v12, v14;
	vm0 =	vge.f32 v13, v4;
	vm1 =	vgt.f32 v13, v7  }
0x1a9: {  	v13 =	vsub.f32 v16, v35;
	vm2 =	vgt.f32 v15, v7;
	vm3 =	vge.f32 v50, v4  }
0x1aa: {  	vm4 =	vgt.f32 v50, v7;
	v36 =	vsel vm0, $0x1, v1;
	v37 =	vsel vm1, $0x1, v1  }
0x1ab: {  	v46 =	vld.idx.msk [tilespmem:v27+s0+$0x0], $0xffff;
	vm0 =	vge.f32 v8, v3;
	vm1 =	vgt.f32 v8, v6;
	v55 =	vsel vm2, $0x1, v1  }
0x1ac: {  	v49 =	vld.idx.msk [tilespmem:v29+s2+$0x0], $0xffff;
	v8 =	vadd.s32 v37, v36;
	v40 =	vsel vm0, $0x1, v1;
	v41 =	vsel vm1, $0x1, v1  }
0x1ad: {  	vm0 =	vge.f32 v10, v2;
	vm1 =	vgt.f32 v10, v5;
	v10 =	vld.idx.msk [tilespmem:v24+s2+$0x0], $0xffff;
	v8 =	vmul.u32 $0x3, v8  }
0x1ae: {  	v51 =	vld.idx.msk [tilespmem:v30+s0+$0x0], $0xffff;
	v56 =	vsel vm3, $0x1, v1;
	v19 =	vadd.s32 v41, v40;
	v44 =	vsel vm0, $0x1, v1  }
0x1af: {  	v17 =	vld.idx.msk [tilespmem:v17+s2+$0x0], $0xffff;
	v45 =	vsel vm1, $0x1, v1;
	vm0 =	vge.f32 v13, v4;
	v8 =	vadd.s32 v8, v19  }
0x1b0: {  	v16 =	vld.idx.msk [tilespmem:v47+s0+$0x0], $0xffff;
	vm1 =	vgt.f32 v13, v7;
	v52 =	vsel vm0, $0x1, v1;
	v8 =	vmul.u32 $0x3, v8  }
0x1b1: {  	v21 =	vld.idx.msk [tilespmem:v34+s2+$0x0], $0xffff;
	vm0 =	vge.f32 v15, v4;
	v53 =	vsel vm1, $0x1, v1;
	v19 =	vadd.s32 v45, v44  }
0x1b2: {  	v54 =	vsel vm0, $0x1, v1;
	v10 =	vsub.f32 v10, v46;
	v48 =	vadd.s32 v8, v19;
	v8 =	vld.idx.msk [tilespmem:v28+s0+$0x0], $0xffff  }
0x1b3: {  	v57 =	vsel vm4, $0x1, v1;
	v13 =	vadd.s32 v53, v52;
	v15 =	vadd.s32 v55, v54  }
0x1b4: {  	vm0 =	vge.f32 v10, v3;
	vm1 =	vgt.f32 v10, v6;
	v10 =	vsub.f32 v49, v51  }
0x1b5: {  	v9 =	vsub.f32 v17, v16;
	v13 =	vmul.u32 $0x3, v13;
	v15 =	vmul.u32 $0x3, v15  }
0x1b6: {  	vm4 =	vge.f32 v10, v3;
	vm5 =	vgt.f32 v10, v6;
	v10 =	vsel vm1, $0x1, v1  }
0x1b7: {  	vm1 =	vge.f32 v9, v2;
	v61 =	vsel vm4, $0x1, v1;
	v8 =	vsub.f32 v21, v8  }
0x1b8: {  	v63 =	vsel vm5, $0x1, v1;
	vm4 =	vge.f32 v62, v2;
	v21 =	vadd.s32 v57, v56  }
0x1b9: {  	v58 =	vmul.u32 $0x3, v21;
	vm2 =	vge.f32 v8, v3;
	vm3 =	vgt.f32 v8, v6  }
0x1ba: {  	v8 =	vsel vm0, $0x1, v1;
	v59 =	vsel vm2, $0x1, v1;
	v60 =	vsel vm3, $0x1, v1  }
0x1bb: {  	vm0 =	vgt.f32 v12, v5;
	v8 =	vadd.s32 v10, v8;
	v10 =	vadd.s32 v60, v59  }
0x1bc: {  	s19 =	smul.u32 $0x280, s19;
	vm2 =	vgt.f32 v62, v5;
	v11 =	vadd.s32 v15, v10;
	v10 =	vadd.s32 v63, v61  }
0x1bd: {  	s22 =	simm.s32 $0x0;
	s21 =	smov.u32 s29;
	s23 =	sadd.s32 $0x40, s9;
	[tilespmem:s29+$0x10] =	vst v48;
	vm3 =	vge.f32 v12, v2;
	v8 =	vadd.s32 v13, v8;
	v10 =	vadd.s32 v58, v10  }
.LBB2_19:
0x1be: {  	v12 =	vld [tilespmem:s23+$0x10];
	v13 =	vmul.u32 $0x3, v8;
	v8 =	vmul.u32 $0x3, v11;
	vm5 =	vgt.f32 v9, v5  }
0x1bf: {  	v11 =	vsel vm4, $0x1, v1;
	v15 =	vsel vm2, $0x1, v1;
	v9 =	vmul.u32 $0x3, v10;
	s30 =	sadd.s32 $0x40, s30;
	v14 =	vld [tilespmem:s23+$0xFFFFFFE0]  }
0x1c0: {  	s22 =	sadd.s32 $0x4, s22;
	v10 =	vsel vm3, $0x1, v1;
	v17 =	vsel vm0, $0x1, v1;
	v18 =	vsel vm1, $0x1, v1;
	v16 =	vld [tilespmem:s30+$0x10]  }
0x1c1: {  	s31 =	sadd.s32 $0x40, s31;
	p2 =	slt.u32 s22, $0x24;
	v11 =	vadd.s32 v15, v11;
	v10 =	vadd.s32 v17, v10;
	v15 =	vsel vm5, $0x1, v1;
	v19 =	vld [tilespmem:s30+$0xFFFFFFE0]  }
0x1c2: {  	s9 =	sadd.s32 $0xFFFFFFD0, s31;
	s11 =	sadd.s32 $0xFFFFFFE0, s31;
	s12 =	sadd.s32 $0xFFFFFFF0, s31;
	v20 =	vmov s31;
	v13 =	vadd.s32 v13, v11;
	v11 =	vadd.s32 v15, v18;
	v17 =	vld [tilespmem:s23+$0xFFFFFFF0]  }
0x1c3: {  	v15 =	vmov s9;
	v20 =	vshll.u32 v20, $0x4;
	v18 =	vld [tilespmem:s30+$0xFFFFFFF0];
	v12 =	vshll.u32 v12, $0x2;
	[tilespmem:s29+$0xFFFFFFE0] =	vst v13  }
0x1c4: {  	v20 =	vor.u32 v0, v20;
	v13 =	vmov s11;
	v21 =	vld [tilespmem:s23+$0x0];
	v12 =	vand.u32 $0xC, v12  }
0x1c5: {  	v22 =	vmov s12;
	v23 =	vld [tilespmem:s30+$0x0];
	v16 =	vshll.u32 v16, $0x2;
	v12 =	vor.u32 v20, v12  }
0x1c6: {  	v14 =	vshll.u32 v14, $0x2;
	v24 =	vor.u32 $0x1, v12;
	v16 =	vand.u32 $0xC, v16  }
0x1c7: {  	v19 =	vshll.u32 v19, $0x2;
	v16 =	vor.u32 v20, v16;
	v20 =	vor.u32 $0x3, v12  }
0x1c8: {  	v17 =	vshll.u32 v17, $0x2;
	v18 =	vshll.u32 v18, $0x2;
	v25 =	vor.u32 $0x3, v16  }
0x1c9: {  	v15 =	vshll.u32 v15, $0x4;
	v12 =	vor.u32 $0x2, v12;
	v21 =	vshll.u32 v21, $0x2  }
0x1ca: {  	v13 =	vshll.u32 v13, $0x4;
	v26 =	vor.u32 $0x2, v16;
	v23 =	vshll.u32 v23, $0x2  }
0x1cb: {  	v22 =	vshll.u32 v22, $0x4;
	v14 =	vand.u32 $0xC, v14;
	v16 =	vor.u32 $0x1, v16;
	v24 =	vld.idx.msk [tilespmem:v24+s2+$0x0], $0xffff  }
0x1cc: {  	v19 =	vand.u32 $0xC, v19;
	v17 =	vand.u32 $0xC, v17;
	v18 =	vand.u32 $0xC, v18;
	v20 =	vld.idx.msk [tilespmem:v20+s2+$0x0], $0xffff  }
0x1cd: {  	v15 =	vor.u32 v0, v15;
	v21 =	vand.u32 $0xC, v21;
	v23 =	vand.u32 $0xC, v23;
	v25 =	vld.idx.msk [tilespmem:v25+s0+$0x0], $0xffff  }
0x1ce: {  	v22 =	vor.u32 v0, v22;
	v13 =	vor.u32 v0, v13;
	v14 =	vor.u32 v15, v14;
	v12 =	vld.idx.msk [tilespmem:v12+s2+$0x0], $0xffff  }
0x1cf: {  	v15 =	vor.u32 v15, v19;
	v17 =	vor.u32 v13, v17;
	v13 =	vor.u32 v13, v18;
	v18 =	vld.idx.msk [tilespmem:v26+s0+$0x0], $0xffff  }
0x1d0: {  	v19 =	vor.u32 $0x3, v14;
	v21 =	vor.u32 v22, v21;
	v22 =	vor.u32 v22, v23;
	v16 =	vld.idx.msk [tilespmem:v16+s0+$0x0], $0xffff  }
0x1d1: {  	v27 =	vor.u32 $0x3, v13;
	v23 =	vor.u32 $0x3, v15;
	v26 =	vor.u32 $0x3, v17  }
0x1d2: {  	v28 =	vor.u32 $0x2, v14;
	v29 =	vor.u32 $0x3, v21;
	v30 =	vor.u32 $0x3, v22  }
0x1d3: {  	v31 =	vor.u32 $0x2, v15;
	v32 =	vor.u32 $0x2, v17;
	v20 =	vsub.f32 v20, v25  }
0x1d4: {  	v33 =	vor.u32 $0x2, v21;
	v34 =	vor.u32 $0x2, v22;
	v25 =	vor.u32 $0x2, v13  }
0x1d5: {  	v12 =	vsub.f32 v12, v18;
	vm0 =	vge.f32 v20, v4;
	vm1 =	vgt.f32 v20, v7;
	v19 =	vld.idx.msk [tilespmem:v19+s2+$0x0], $0xffff  }
0x1d6: {  	v16 =	vsub.f32 v24, v16;
	v20 =	vsel vm0, $0x1, v1;
	v18 =	vld.idx.msk [tilespmem:v23+s0+$0x0], $0xffff;
	v23 =	vsel vm1, $0x1, v1  }
0x1d7: {  	vm0 =	vge.f32 v12, v3;
	vm1 =	vgt.f32 v12, v6;
	v24 =	vld.idx.msk [tilespmem:v26+s2+$0x0], $0xffff;
	v12 =	vadd.s32 v23, v20  }
0x1d8: {  	v23 =	vsel vm0, $0x1, v1;
	v26 =	vsel vm1, $0x1, v1;
	v20 =	vld.idx.msk [tilespmem:v27+s0+$0x0], $0xffff;
	v12 =	vmul.u32 $0x3, v12  }
0x1d9: {  	v14 =	vor.u32 $0x1, v14;
	v15 =	vor.u32 $0x1, v15;
	v23 =	vadd.s32 v26, v23;
	v27 =	vld.idx.msk [tilespmem:v29+s2+$0x0], $0xffff  }
0x1da: {  	vm0 =	vge.f32 v16, v2;
	vm1 =	vgt.f32 v16, v5;
	v26 =	vld.idx.msk [tilespmem:v30+s0+$0x0], $0xffff;
	v12 =	vadd.s32 v12, v23  }
0x1db: {  	v23 =	vsel vm0, $0x1, v1;
	v16 =	vld.idx.msk [tilespmem:v28+s2+$0x0], $0xffff;
	v28 =	vsel vm1, $0x1, v1;
	v12 =	vmul.u32 $0x3, v12  }
0x1dc: {  	v17 =	vor.u32 $0x1, v17;
	v13 =	vor.u32 $0x1, v13;
	v29 =	vld.idx.msk [tilespmem:v31+s0+$0x0], $0xffff;
	v23 =	vadd.s32 v28, v23  }
0x1dd: {  	s29 =	sadd.s32 $0x40, s29;
	v21 =	vor.u32 $0x1, v21;
	v22 =	vor.u32 $0x1, v22;
	v28 =	vld.idx.msk [tilespmem:v32+s2+$0x0], $0xffff;
	v12 =	vadd.s32 v12, v23  }
0x1de: {  	v18 =	vsub.f32 v19, v18;
	v20 =	vsub.f32 v24, v20;
	v19 =	vld.idx.msk [tilespmem:v25+s0+$0x0], $0xffff;
	[tilespmem:s29+$0x10] =	vst v12  }
0x1df: {  	v8 =	vadd.s32 v8, v10;
	v9 =	vadd.s32 v9, v11;
	v12 =	vld.idx.msk [tilespmem:v33+s2+$0x0], $0xffff  }
0x1e0: {  	vm0 =	vge.f32 v18, v4;
	vm1 =	vgt.f32 v18, v7;
	v11 =	vsub.f32 v27, v26;
	v10 =	vld.idx.msk [tilespmem:v34+s0+$0x0], $0xffff  }
0x1e1: {  	v18 =	vsel vm0, $0x1, v1;
	vm0 =	vge.f32 v20, v4;
	vm2 =	vgt.f32 v20, v7;
	v14 =	vld.idx.msk [tilespmem:v14+s2+$0x0], $0xffff;
	[tilespmem:s21+$0xFFFFFFF0] =	vst v8  }
0x1e2: {  	vm3 =	vge.f32 v11, v4;
	vm4 =	vgt.f32 v11, v7;
	v8 =	vld.idx.msk [tilespmem:v15+s0+$0x0], $0xffff;
	v15 =	vsub.f32 v16, v29  }
0x1e3: {  	v20 =	vsel vm2, $0x1, v1;
	v11 =	vsel vm1, $0x1, v1;
	v16 =	vld.idx.msk [tilespmem:v17+s2+$0x0], $0xffff;
	v17 =	vsel vm0, $0x1, v1;
	[tilespmem:s21+$0x0] =	vst v9;
	s21 =	smov.u32 s29  }
0x1e4: {  	v23 =	vsel vm4, $0x1, v1;
	v9 =	vld.idx.msk [tilespmem:v13+s0+$0x0], $0xffff;
	v13 =	vsub.f32 v28, v19;
	v19 =	vsel vm3, $0x1, v1  }
0x1e5: {  	v11 =	vadd.s32 v11, v18;
	v17 =	vadd.s32 v20, v17;
	v18 =	vld.idx.msk [tilespmem:v21+s2+$0x0], $0xffff;
	v19 =	vadd.s32 v23, v19  }
0x1e6: {  	vm0 =	vge.f32 v15, v3;
	vm1 =	vgt.f32 v15, v6;
	v10 =	vsub.f32 v12, v10;
	v15 =	vld.idx.msk [tilespmem:v22+s0+$0x0], $0xffff  }
0x1e7: {  	v11 =	vmul.u32 $0x3, v11;
	vm2 =	vge.f32 v13, v3;
	vm3 =	vgt.f32 v13, v6  }
0x1e8: {  	v12 =	vmul.u32 $0x3, v17;
	vm4 =	vge.f32 v10, v3;
	vm5 =	vgt.f32 v10, v6  }
0x1e9: {  	v13 =	vsel vm1, $0x1, v1;
	v17 =	vmul.u32 $0x3, v19;
	v10 =	vsel vm0, $0x1, v1  }
0x1ea: {  	v19 =	vsel vm2, $0x1, v1;
	v20 =	vsel vm3, $0x1, v1;
	v21 =	vsel vm4, $0x1, v1  }
.Ltmp10:
0x1eb: {  	v14 =	vsub.f32 v14, v8;
	v22 =	vsel vm5, $0x1, v1;
	v16 =	vsub.f32 v16, v9;
	(pc) =	sbr.rel @p2 .LBB2_19-.Ltmp10, $4  }
0x1ec: {  	v8 =	vadd.s32 v13, v10;
	v10 =	vadd.s32 v20, v19;
	v9 =	vsub.f32 v18, v15  }
0x1ed: {  	v8 =	vadd.s32 v11, v8;
	v11 =	vadd.s32 v12, v10;
	v10 =	vadd.s32 v22, v21  }
0x1ee: {  	vm4 =	vge.f32 v14, v2;
	vm2 =	vgt.f32 v14, v5;
	v10 =	vadd.s32 v17, v10  }
0x1ef: {  	s23 =	sadd.s32 $0x40, s23;
	vm3 =	vge.f32 v16, v2;
	vm0 =	vgt.f32 v16, v5;
	vm1 =	vge.f32 v9, v2  }
0x1f0: {  	v8 =	vmul.u32 $0x3, v8  }
0x1f1: {  	v11 =	vmul.u32 $0x3, v11;
	vm5 =	vgt.f32 v9, v5;
	v60 =	vsel vm4, $0x1, v1;
	p2 =	sge.u32 s20, s17  }
0x1f2: {  	v12 =	vsel vm2, $0x1, v1;
	v10 =	vmul.u32 $0x3, v10;
	v13 =	vsel vm3, $0x1, v1;
	s0 =	sadd.s32 @!p2 s7, s20  }
0x1f3: {  	v14 =	vsel vm0, $0x1, v1;
	v15 =	vsel vm1, $0x1, v1;
	v9 =	vadd.s32 v12, v60;
	s0 =	smul.u32 @!p2 $0x280, s0  }
0x1f4: {  	v61 =	vadd.s32 v14, v13;
	v62 =	vsel vm5, $0x1, v1;
	v8 =	vadd.s32 v8, v9  }
0x1f5: {  	v63 =	vadd.s32 v62, v15;
	[tilespmem:s29+$0xFFFFFFE0] =	vst v8;
	v8 =	vadd.s32 v11, v61;
	s0 =	sshrl.u32 @!p2 s0, $0x3  }
0x1f6: {  	v9 =	vadd.s32 v10, v63;
	[tilespmem:s21+$0xFFFFFFF0] =	vst v8;
	s0 =	sadd.s32 @!p2 $0xF0, s0  }
0x1f7: {  	p3 =	sne.s32 s28, $0x0;
	s9 =	simm.s32 @!p2 $0x0;
	[tilespmem:s21+$0x0] =	vst v9;
	s2 =	sadd.s32 @!p2 s1, s0  }
0x1f8: {  	[tilespmem:s19], [sflag:$0x4] =	stream.linear.gather @!p2 [hbm4b:s2+s9], $0x280, $0x38;
	[tilespmem:$0x11330] =	vst v63  }
0x1f9: {  	s2 =	sadd.s32 @!p3 s7, s20  }
0x1fa: {  	s11 =	sadd.s32 @!p2 $0x780, s19;
	s0 =	sadd.s32 @!p2 s3, s0;
	s2 =	smul.u32 @!p3 $0x50, s2  }
0x1fb: {  	[tilespmem:s11], [sflag:$0x4] =	stream.linear.gather @!p2 [hbm4b:s0+s9], $0x280, $0x38;
	[tilespmem:$0x11330] =	vst v63  }
0x1fc: {  	s9 =	simm.s32 @!p3 $0x0;
	s0 =	sadd.s32 @!p3 s4, s2;
	s2 =	sadd.s32 @p1 s7, s20  }
0x1fd: {  	s11 =	simm.s32 @!p3 $0x10E00;
	s20 =	sadd.s32 $0x1, s20;
	s2 =	smul.u32 @p1 $0x50, s2  }
0x1fe: {  	[hbm4b:s0+s9] =	stream.linear.scatter @!p3 [tilespmem:s11], [sflag:$0x5], $0x280, $0x38;
	[tilespmem:$0x11330] =	vst v63  }
0x1ff: {  	s9 =	simm.s32 @p1 $0x11080;
	s0 =	sadd.s32 @p1 s4, s2;
	s2 =	simm.s32 @p1 $0x0  }
0x200: {  	[hbm4b:s0+s2] =	stream.linear.scatter @p1 [tilespmem:s9], [sflag:$0x6], $0x280, $0x38;
	[tilespmem:$0x11330] =	vst v63  }
0x201: {  	p1 =	sne.s32 s20, s10  }
.Ltmp11:
0x202: {  	_ = 	snop;
	(pc) =	sbr.rel @p1 .LBB2_6-.Ltmp11, $2  }
0x203: {  	_ =	sdelay $0x2  }
0x204: {  	p0 =	por !p0, !p0;
	s25 =	sadd.s32 $0x280, s25;
	s26 =	sadd.s32 $0x280, s26  }
0x205: {  	s0 =	simm.s32 $0x5  }
0x206: {  	_ =	swait.ge [sflag:s0], $0x280  }
0x207: {  	[sflag:s0] =	ssyncset.done $0x0  }
0x208: {  	s2 =	simm.s32 $0x6;
	[sflag:s0] =	ssyncadd.s32 $0xFFFFFD80  }
0x209: {  	_ =	swait.ge [sflag:s2], $0x280  }
0x20a: {  	s9 =	rddreg [dreg:$0xd]  }
0x20b: {  	s31 =	rddreg [dreg:$0xc];
	s9 =	sadd.s32 $0x1, s9  }
0x20c: {  	p0 =	sne.s32 s9, s31  }
.Ltmp12:
0x20d: {  	_ = 	snop;
	(pc) =	sbr.rel @p0 .LBB2_1-.Ltmp12, $3  }
0x20e: {  	_ =	sdelay $0x1  }
0x20f: {  	[sflag:s2] =	ssyncset.done $0x0  }
0x210: {  	[sflag:s2] =	ssyncadd.s32 $0xFFFFFD80  }
0x211: {  	_ =	sfence.sel $0x180000  }
0x212: {  	[bflag:$0x0] =	sbarrier.arrive $0xFFFF  }
0x213: {  	_ =	strace $0x90000047  }
0x214: {  	s0 =	stileid.u32;
	[bflag:$0x2] =	sbarrier.arrive $0xFFFF  }
0x215: {  	p0 =	sne.s32 s0, $0x0;
	s0 =	rddreg [dreg:$0x4]  }
0x216: {  	s0 =	sadd.s32 @!p0 $0x100000, s0  }
0x217: {  	[sflag:s0] =	ssyncadd.tile.s32 @!p0 $0x1;
	_ =	shalt  }
.Lfunc_end2:
_tile_overlayer_lowered:
.L_overlay_start_2:
0x218: {  	(tag) =	ssettag $0x2  }
0x219: {  	s0 =	rddreg [dreg:$0x0];
	s2 =	stileid.u32  }
0x21a: {  	s1 =	rddreg [dreg:$0x1];
	p0 =	sne.s32 s2, $0x0  }
0x21b: {  	s3 =	rddreg [dreg:$0x2];
	[bflag:$0x3] =	sbarrier.arrive $0xFFFF;
	s2 =	simm.s32 @!p0 $0x1C07  }
0x21c: {  	[timem:s3], [sflag:s2] =	dma.local @!p0 [hbm:s0], s1  }
0x21d: {  	s0 =	simm.s32 @!p0 $0x7  }
0x21e: {  	_ =	swait.ge @!p0 [sflag:s0], s1  }
0x21f: {  	s1 =	ssub.s32 @!p0 $0x0, s1;
	[sflag:s0] =	ssyncset.done @!p0 $0x0  }
0x220: {  	[sflag:s0] =	ssyncadd.s32 @!p0 s1  }
0x221: {  	[bflag:$0x3] =	sbarrier.arrive $0xFFFF  }
0x222: {  	_ =	shalt  }

</sc_bundles>
